<compile_context>
chip_gen: v7x
topology: tpu7x:2x2x1
jax: 0.10.2.dev20260603
libtpu: 0.0.44.dev20260713+nightly
codegen_flags: <defaults>
</compile_context>

<pallas_src>
import functools

import jax
import jax.numpy as jnp
from jax import lax
from jax.experimental import pallas as pl
from jax.experimental.pallas import tpu as pltpu
from jax.experimental.pallas import tpu_sc as plsc

_P = 0.15
_B, _F = 16384, 100
_N = _B * _F
_NC, _NS = 2, 16
_NW = _NC * _NS
_RPW = _B // _NW
_CH_R = 128
_NCHUNK = _RPW // _CH_R
_CHUNK = _CH_R * _F
_G = 128
_NG = _CHUNK // _G
_VPR = 7


@functools.partial(
    pl.kernel,
    out_type=jax.ShapeDtypeStruct((_B, _F), jnp.float32),
    mesh=plsc.VectorSubcoreMesh(core_axis_name="c", subcore_axis_name="s"),
    compiler_params=pltpu.CompilerParams(
        needs_layout_passes=False, use_tc_tiling_on_sc=True),
    scratch_types=[
        pltpu.VMEM((_CH_R, _F), jnp.float32),
        pltpu.VMEM((_CH_R, _F), jnp.float32),
        pltpu.VMEM((_CH_R + 8, _F), jnp.float32),
        pltpu.VMEM((_NG + 1, _G), jnp.int32),
        pltpu.VMEM((_CHUNK + _G,), jnp.int32),
        pltpu.VMEM((_NG, _G), jnp.float32),
        pltpu.SemaphoreType.DMA,
        pltpu.SemaphoreType.DMA,
    ],
)
def _swap_noise(xf_hbm, x_hbm, rm_hbm, rr_hbm, out_hbm,
                rm_v, rr_v, out_v, gidx_v, pos_v, gath_v, sem, sem2):
    wid = lax.axis_index("s") * _NC + lax.axis_index("c")
    rbase = wid * _RPW
    iota = lax.iota(jnp.int32, 16)
    thresh = jnp.float32(1.0 - _P)
    bf = jnp.float32(_B)
    zeros_i = jnp.zeros((16,), jnp.int32)
    valid6 = iota >= (6 * 16 - (_F - 16))

    def chunk_body(c, carry):
        row0 = pl.multiple_of(rbase + c * _CH_R, _CH_R)
        idcp = pltpu.async_copy(
            x_hbm.at[pl.ds(row0, _CH_R)], out_v.at[pl.ds(0, _CH_R)], sem2)
        pltpu.sync_copy(rm_hbm.at[pl.ds(row0, _CH_R)], rm_v)
        pltpu.sync_copy(rr_hbm.at[pl.ds(row0, _CH_R)], rr_v)

        def quad_body(rq, acc):
            rows = [rq * 8 + d for d in range(8)]
            for u in range(_VPR):
                c0 = u * 16 if u < _VPR - 1 else _F - 16
                cols = c0 + iota
                rms = [rm_v[r, pl.ds(c0, 16)] for r in rows]
                rrs = [rr_v[r, pl.ds(c0, 16)] for r in rows]
                ms = [rm > thresh for rm in rms]
                if u == _VPR - 1:
                    ms = [jnp.logical_and(m, valid6) for m in ms]
                mis = [jnp.where(m, 1, 0) for m in ms]
                pcs = [plsc.all_reduce_population_count(m) for m in ms]
                pfxs = [plsc.cumsum(mi) - mi for mi in mis]
                ss = [(rr * bf).astype(jnp.int32) for rr in rrs]
                idxs = [((row0 + r + s) & (_B - 1)) * _F + cols
                        for r, s in zip(rows, ss)]
                dsts = []
                for d in range(8):
                    dsts.append(acc + pfxs[d])
                    acc = acc + pcs[d]
                for d in range(8):
                    plsc.store_scatter(
                        gidx_v, [dsts[d] >> 7, dsts[d] & 127], idxs[d],
                        mask=ms[d])
                    plsc.store_scatter(
                        pos_v, [dsts[d]], rows[d] * 128 + cols, mask=ms[d])
            return acc

        acc = lax.fori_loop(0, _CH_R // 8, quad_body, zeros_i)
        cnt = acc[0]

        gbase = (cnt >> 7) << 7
        for u in range(8):
            lp = (gbase + u * 16) + iota
            tm = lp >= cnt
            plsc.store_scatter(gidx_v, [lp >> 7, lp & 127], zeros_i, mask=tm)
            plsc.store_scatter(pos_v, [lp], (_CH_R << 7) + iota, mask=tm)

        ng = (cnt + 127) >> 7

        def fire(g, carry2):
            pltpu.async_copy(xf_hbm.at[gidx_v.at[g]], gath_v.at[g], sem)
            return carry2

        lax.fori_loop(0, ng, fire, 0)
        idcp.wait()

        def drain(g, carry2):
            pltpu.make_async_copy(
                xf_hbm.at[gidx_v.at[g]], gath_v.at[g], sem).wait()
            return carry2

        lax.fori_loop(0, ng, drain, 0)

        def scatter_back(g, carry2):
            for u in range(8):
                val = gath_v[g, pl.ds(u * 16, 16)]
                pvec = pos_v[pl.ds(g * _G + u * 16, 16)]
                plsc.store_scatter(out_v, [pvec >> 7, pvec & 127], val)
            return carry2

        lax.fori_loop(0, ng, scatter_back, 0)
        pltpu.sync_copy(out_v.at[pl.ds(0, _CH_R)], out_hbm.at[pl.ds(row0, _CH_R)])
        return carry

    lax.fori_loop(0, _NCHUNK, chunk_body, 0)


def kernel(x, rand_mask, rand_rows):
    return _swap_noise(x.reshape(-1), x, rand_mask, rand_rows)

# --- scband reference (transcript-rebuilt; emitter-appended) ---
"""Pipeline reference for scband-batch-swap-noise-16484084482086 (READ-ONLY COPY).

The authoritative reference and input builder live on the scoring server;
editing this copy changes nothing except your own understanding.
"""

import jax, jax.numpy as jnp
import numpy as np

P = 0.15
B, F = 16384, 100


def setup_inputs(seed: int = 0) -> dict:
    key = jax.random.key(seed)
    k1, k2, k3 = jax.random.split(key, 3)
    x = jax.random.normal(k1, (B, F), dtype=jnp.float32)
    # randomness of the torch module is materialized as explicit inputs so the
    # reference is deterministic: torch.rand(x.size()) twice
    rand_mask = jax.random.uniform(k2, (B, F), dtype=jnp.float32)
    rand_rows = jax.random.uniform(k3, (B, F), dtype=jnp.float32)
    return {"x": x, "rand_mask": rand_mask, "rand_rows": rand_rows}


def reference(x, rand_mask, rand_rows):
    # Faithful translation of BatchSwapNoise.forward (training mode):
    #   mask = rand > 1 - p
    #   idx = arange(nelement) + (floor(rand * B).long() * (mask.long() * F)).view(-1)
    #   idx[idx >= nelement] -= nelement
    #   out = x.view(-1)[idx].view(x.size())
    b, f = x.shape
    n = b * f
    mask = (rand_mask > (1.0 - P)).astype(jnp.int64)
    offset = (jnp.floor(rand_rows * b).astype(jnp.int64) * (mask * f)).reshape(-1)
    idx = jnp.arange(n, dtype=jnp.int64) + offset
    idx = jnp.where(idx >= n, idx - n, idx)
    out = jnp.take(x.reshape(-1), idx, axis=0).reshape(x.shape)
    return out

if __name__ == "__main__":
    import jax
    _d = setup_inputs()
    print(jax.jit(kernel)(*tuple(_d.values())))

</pallas_src>

<mosaic_0001>
#map = affine_map<(d0, d1) -> (0)>
#map1 = affine_map<(d0, d1) -> (0, 0)>
module attributes {stable_mosaic.version = 14 : i64} {
  func.func @_swap_noise(%arg0: i32, %arg1: i32, %arg2: memref<1638400xf32, #tpu.memory_space<hbm>>, %arg3: memref<16384x100xf32, #tpu.memory_space<hbm>>, %arg4: memref<16384x100xf32, #tpu.memory_space<hbm>>, %arg5: memref<16384x100xf32, #tpu.memory_space<hbm>>, %arg6: memref<16384x100xf32, #tpu.memory_space<hbm>>, %arg7: memref<128x100xf32, #tpu.memory_space<vmem>>, %arg8: memref<128x100xf32, #tpu.memory_space<vmem>>, %arg9: memref<136x100xf32, #tpu.memory_space<vmem>>, %arg10: memref<101x128xi32, #tpu.memory_space<vmem>>, %arg11: memref<12928xi32, #tpu.memory_space<vmem>>, %arg12: memref<100x128xf32, #tpu.memory_space<vmem>>, %arg13: memref<!tpu.dma_semaphore, #tpu.memory_space<semaphore_mem>>, %arg14: memref<!tpu.dma_semaphore, #tpu.memory_space<semaphore_mem>>) attributes {dimension_semantics = [#tpu.dimension_semantics<core_parallel>, #tpu.dimension_semantics<subcore_parallel>], iteration_bounds = array<i64: 2, 16>, scalar_prefetch = 0 : i64, scratch_operands = 8 : i64, tpu.core_type = #tpu.core_type<sc_vector_subcore>, window_params = [{transform_indices = #map}, {transform_indices = #map1}, {transform_indices = #map1}, {transform_indices = #map1}, {transform_indices = #map1}]} {
    %mul3A = arith.constant 2 : i32
    %mul3A_0 = arith.muli %arg1, %mul3A : i32
    %add3A = arith.addi %mul3A_0, %arg0 : i32
    %mul3A_1 = arith.constant 512 : i32
    %mul3A_2 = arith.muli %add3A, %mul3A_1 : i32
    %iota3A = tpu.iota {dimensions = array<i32: 0>} : vector<16xi32>
    %broadcast_in_dim3A = arith.constant 0 : i32
    %broadcast_in_dim3A_3 = vector.broadcast %broadcast_in_dim3A : i32 to vector<16xi32>
    %ge3A = arith.constant 12 : i32
    %ge3A_4 = vector.broadcast %ge3A : i32 to vector<16xi32>
    %ge3A_5 = arith.cmpi sge, %iota3A, %ge3A_4 : vector<16xi32>
    %scan3A = arith.constant 0 : i32
    %scan3A_6 = arith.constant 8.500000e-01 : f32
    %scan3A_7 = arith.constant 1.638400e+04 : f32
    %scan3A_8 = arith.constant 0 : i32
    %scan3A_9 = arith.constant 4 : i32
    %scan3A_10 = arith.addi %scan3A_8, %scan3A_9 : i32
    %scan3A_11 = arith.constant 1 : i32
    scf.for %scan3A_13 = %scan3A_8 to %scan3A_10 step %scan3A_11  : i32 {
      %mul3A_14 = arith.constant 128 : i32
      %mul3A_15 = arith.muli %scan3A_13, %mul3A_14 : i32
      %add3A_16 = arith.addi %mul3A_2, %mul3A_15 : i32
      %multiple_of3A = tpu.assume_multiple %add3A_16, 128 : i32
      %dma_start3A = arith.constant 0 : i32
      %dma_start3A_17 = arith.constant 0 : i32
      %dma_start3A_18 = tpu.memref_slice %arg9[%dma_start3A, %dma_start3A_17] : memref<136x100xf32, #tpu.memory_space<vmem>> -> memref<128x100xf32, #tpu.memory_space<vmem>>
      %dma_start3A_19 = arith.constant 0 : i32
      %dma_start3A_20 = tpu.memref_slice %arg3[%multiple_of3A, %dma_start3A_19] : memref<16384x100xf32, #tpu.memory_space<hbm>> -> memref<128x100xf32, #tpu.memory_space<hbm>>
      %dma_start3A_21 = arith.constant 0 : i32
      %dma_start3A_22 = arith.constant 0 : i32
      %dma_start3A_23 = tpu.memref_slice %arg9[%dma_start3A_21, %dma_start3A_22] : memref<136x100xf32, #tpu.memory_space<vmem>> -> memref<128x100xf32, #tpu.memory_space<vmem>>
      %dma_start3A_24 = arith.constant 0 : i32
      %dma_start3A_25 = tpu.memref_slice %arg3[%multiple_of3A, %dma_start3A_24] : memref<16384x100xf32, #tpu.memory_space<hbm>> -> memref<128x100xf32, #tpu.memory_space<hbm>>
      tpu.enqueue_dma source(%dma_start3A_25 : memref<128x100xf32, #tpu.memory_space<hbm>>) target(%dma_start3A_23 : memref<128x100xf32, #tpu.memory_space<vmem>>) target_semaphore(%arg14 : memref<!tpu.dma_semaphore, #tpu.memory_space<semaphore_mem>>)
      "tpu.region"() ({
        %run_scoped3A = tpu.sem_alloc : memref<!tpu.dma_semaphore, #tpu.memory_space<semaphore_mem>>
        %dma_start3A_195 = arith.constant 0 : i32
        %dma_start3A_196 = tpu.memref_slice %arg4[%multiple_of3A, %dma_start3A_195] : memref<16384x100xf32, #tpu.memory_space<hbm>> -> memref<128x100xf32, #tpu.memory_space<hbm>>
        %dma_start3A_197 = arith.constant 0 : i32
        %dma_start3A_198 = tpu.memref_slice %arg4[%multiple_of3A, %dma_start3A_197] : memref<16384x100xf32, #tpu.memory_space<hbm>> -> memref<128x100xf32, #tpu.memory_space<hbm>>
        tpu.enqueue_dma source(%dma_start3A_198 : memref<128x100xf32, #tpu.memory_space<hbm>>) target(%arg7 : memref<128x100xf32, #tpu.memory_space<vmem>>) target_semaphore(%run_scoped3A : memref<!tpu.dma_semaphore, #tpu.memory_space<semaphore_mem>>)
        %dma_wait3A_199 = arith.constant 0 : i32
        %dma_wait3A_200 = tpu.memref_slice %arg4[%multiple_of3A, %dma_wait3A_199] : memref<16384x100xf32, #tpu.memory_space<hbm>> -> memref<128x100xf32, #tpu.memory_space<hbm>>
        %dma_wait3A_201 = arith.constant 0 : i32
        %dma_wait3A_202 = tpu.memref_slice %arg4[%multiple_of3A, %dma_wait3A_201] : memref<16384x100xf32, #tpu.memory_space<hbm>> -> memref<128x100xf32, #tpu.memory_space<hbm>>
        tpu.wait_dma2 semaphore(%run_scoped3A : memref<!tpu.dma_semaphore, #tpu.memory_space<semaphore_mem>>) src(%dma_wait3A_202 : memref<128x100xf32, #tpu.memory_space<hbm>>) dst(%arg7 : memref<128x100xf32, #tpu.memory_space<vmem>>)
        tpu.yield
      }) : () -> ()
      "tpu.region"() ({
        %run_scoped3A = tpu.sem_alloc : memref<!tpu.dma_semaphore, #tpu.memory_space<semaphore_mem>>
        %dma_start3A_195 = arith.constant 0 : i32
        %dma_start3A_196 = tpu.memref_slice %arg5[%multiple_of3A, %dma_start3A_195] : memref<16384x100xf32, #tpu.memory_space<hbm>> -> memref<128x100xf32, #tpu.memory_space<hbm>>
        %dma_start3A_197 = arith.constant 0 : i32
        %dma_start3A_198 = tpu.memref_slice %arg5[%multiple_of3A, %dma_start3A_197] : memref<16384x100xf32, #tpu.memory_space<hbm>> -> memref<128x100xf32, #tpu.memory_space<hbm>>
        tpu.enqueue_dma source(%dma_start3A_198 : memref<128x100xf32, #tpu.memory_space<hbm>>) target(%arg8 : memref<128x100xf32, #tpu.memory_space<vmem>>) target_semaphore(%run_scoped3A : memref<!tpu.dma_semaphore, #tpu.memory_space<semaphore_mem>>)
        %dma_wait3A_199 = arith.constant 0 : i32
        %dma_wait3A_200 = tpu.memref_slice %arg5[%multiple_of3A, %dma_wait3A_199] : memref<16384x100xf32, #tpu.memory_space<hbm>> -> memref<128x100xf32, #tpu.memory_space<hbm>>
        %dma_wait3A_201 = arith.constant 0 : i32
        %dma_wait3A_202 = tpu.memref_slice %arg5[%multiple_of3A, %dma_wait3A_201] : memref<16384x100xf32, #tpu.memory_space<hbm>> -> memref<128x100xf32, #tpu.memory_space<hbm>>
        tpu.wait_dma2 semaphore(%run_scoped3A : memref<!tpu.dma_semaphore, #tpu.memory_space<semaphore_mem>>) src(%dma_wait3A_202 : memref<128x100xf32, #tpu.memory_space<hbm>>) dst(%arg8 : memref<128x100xf32, #tpu.memory_space<vmem>>)
        tpu.yield
      }) : () -> ()
      %scan3A_26 = arith.constant 0 : i32
      %scan3A_27 = arith.constant 16 : i32
      %scan3A_28 = arith.addi %scan3A_26, %scan3A_27 : i32
      %scan3A_29 = arith.constant 1 : i32
      %scan3A_30 = scf.for %scan3A_195 = %scan3A_26 to %scan3A_28 step %scan3A_29 iter_args(%scan3A_196 = %broadcast_in_dim3A_3) -> (vector<16xi32>)  : i32 {
        %mul3A_197 = arith.constant 8 : i32
        %mul3A_198 = arith.muli %scan3A_195, %mul3A_197 : i32
        %add3A_199 = arith.constant 0 : i32
        %add3A_200 = arith.addi %mul3A_198, %add3A_199 : i32
        %mul3A_201 = arith.constant 8 : i32
        %mul3A_202 = arith.muli %scan3A_195, %mul3A_201 : i32
        %add3A_203 = arith.constant 1 : i32
        %add3A_204 = arith.addi %mul3A_202, %add3A_203 : i32
        %mul3A_205 = arith.constant 8 : i32
        %mul3A_206 = arith.muli %scan3A_195, %mul3A_205 : i32
        %add3A_207 = arith.constant 2 : i32
        %add3A_208 = arith.addi %mul3A_206, %add3A_207 : i32
        %mul3A_209 = arith.constant 8 : i32
        %mul3A_210 = arith.muli %scan3A_195, %mul3A_209 : i32
        %add3A_211 = arith.constant 3 : i32
        %add3A_212 = arith.addi %mul3A_210, %add3A_211 : i32
        %mul3A_213 = arith.constant 8 : i32
        %mul3A_214 = arith.muli %scan3A_195, %mul3A_213 : i32
        %add3A_215 = arith.constant 4 : i32
        %add3A_216 = arith.addi %mul3A_214, %add3A_215 : i32
        %mul3A_217 = arith.constant 8 : i32
        %mul3A_218 = arith.muli %scan3A_195, %mul3A_217 : i32
        %add3A_219 = arith.constant 5 : i32
        %add3A_220 = arith.addi %mul3A_218, %add3A_219 : i32
        %mul3A_221 = arith.constant 8 : i32
        %mul3A_222 = arith.muli %scan3A_195, %mul3A_221 : i32
        %add3A_223 = arith.constant 6 : i32
        %add3A_224 = arith.addi %mul3A_222, %add3A_223 : i32
        %mul3A_225 = arith.constant 8 : i32
        %mul3A_226 = arith.muli %scan3A_195, %mul3A_225 : i32
        %add3A_227 = arith.constant 7 : i32
        %add3A_228 = arith.addi %mul3A_226, %add3A_227 : i32
        %add3A_229 = arith.constant 0 : i32
        %add3A_230 = vector.broadcast %add3A_229 : i32 to vector<16xi32>
        %add3A_231 = arith.addi %add3A_230, %iota3A : vector<16xi32>
        %get3A = arith.index_cast %add3A_200 : i32 to index
        %get3A_232 = arith.constant 0 : index
        %get3A_233 = tpu.vector_load %arg7[%get3A, %get3A_232] {strides = array<i32>} : memref<128x100xf32, #tpu.memory_space<vmem>>, vector<16xf32>,
        %get3A_234 = arith.index_cast %add3A_204 : i32 to index
        %get3A_235 = arith.constant 0 : index
        %get3A_236 = tpu.vector_load %arg7[%get3A_234, %get3A_235] {strides = array<i32>} : memref<128x100xf32, #tpu.memory_space<vmem>>, vector<16xf32>,
        %get3A_237 = arith.index_cast %add3A_208 : i32 to index
        %get3A_238 = arith.constant 0 : index
        %get3A_239 = tpu.vector_load %arg7[%get3A_237, %get3A_238] {strides = array<i32>} : memref<128x100xf32, #tpu.memory_space<vmem>>, vector<16xf32>,
        %get3A_240 = arith.index_cast %add3A_212 : i32 to index
        %get3A_241 = arith.constant 0 : index
        %get3A_242 = tpu.vector_load %arg7[%get3A_240, %get3A_241] {strides = array<i32>} : memref<128x100xf32, #tpu.memory_space<vmem>>, vector<16xf32>,
        %get3A_243 = arith.index_cast %add3A_216 : i32 to index
        %get3A_244 = arith.constant 0 : index
        %get3A_245 = tpu.vector_load %arg7[%get3A_243, %get3A_244] {strides = array<i32>} : memref<128x100xf32, #tpu.memory_space<vmem>>, vector<16xf32>,
        %get3A_246 = arith.index_cast %add3A_220 : i32 to index
        %get3A_247 = arith.constant 0 : index
        %get3A_248 = tpu.vector_load %arg7[%get3A_246, %get3A_247] {strides = array<i32>} : memref<128x100xf32, #tpu.memory_space<vmem>>, vector<16xf32>,
        %get3A_249 = arith.index_cast %add3A_224 : i32 to index
        %get3A_250 = arith.constant 0 : index
        %get3A_251 = tpu.vector_load %arg7[%get3A_249, %get3A_250] {strides = array<i32>} : memref<128x100xf32, #tpu.memory_space<vmem>>, vector<16xf32>,
        %get3A_252 = arith.index_cast %add3A_228 : i32 to index
        %get3A_253 = arith.constant 0 : index
        %get3A_254 = tpu.vector_load %arg7[%get3A_252, %get3A_253] {strides = array<i32>} : memref<128x100xf32, #tpu.memory_space<vmem>>, vector<16xf32>,
        %get3A_255 = arith.index_cast %add3A_200 : i32 to index
        %get3A_256 = arith.constant 0 : index
        %get3A_257 = tpu.vector_load %arg8[%get3A_255, %get3A_256] {strides = array<i32>} : memref<128x100xf32, #tpu.memory_space<vmem>>, vector<16xf32>,
        %get3A_258 = arith.index_cast %add3A_204 : i32 to index
        %get3A_259 = arith.constant 0 : index
        %get3A_260 = tpu.vector_load %arg8[%get3A_258, %get3A_259] {strides = array<i32>} : memref<128x100xf32, #tpu.memory_space<vmem>>, vector<16xf32>,
        %get3A_261 = arith.index_cast %add3A_208 : i32 to index
        %get3A_262 = arith.constant 0 : index
        %get3A_263 = tpu.vector_load %arg8[%get3A_261, %get3A_262] {strides = array<i32>} : memref<128x100xf32, #tpu.memory_space<vmem>>, vector<16xf32>,
        %get3A_264 = arith.index_cast %add3A_212 : i32 to index
        %get3A_265 = arith.constant 0 : index
        %get3A_266 = tpu.vector_load %arg8[%get3A_264, %get3A_265] {strides = array<i32>} : memref<128x100xf32, #tpu.memory_space<vmem>>, vector<16xf32>,
        %get3A_267 = arith.index_cast %add3A_216 : i32 to index
        %get3A_268 = arith.constant 0 : index
        %get3A_269 = tpu.vector_load %arg8[%get3A_267, %get3A_268] {strides = array<i32>} : memref<128x100xf32, #tpu.memory_space<vmem>>, vector<16xf32>,
        %get3A_270 = arith.index_cast %add3A_220 : i32 to index
        %get3A_271 = arith.constant 0 : index
        %get3A_272 = tpu.vector_load %arg8[%get3A_270, %get3A_271] {strides = array<i32>} : memref<128x100xf32, #tpu.memory_space<vmem>>, vector<16xf32>,
        %get3A_273 = arith.index_cast %add3A_224 : i32 to index
        %get3A_274 = arith.constant 0 : index
        %get3A_275 = tpu.vector_load %arg8[%get3A_273, %get3A_274] {strides = array<i32>} : memref<128x100xf32, #tpu.memory_space<vmem>>, vector<16xf32>,
        %get3A_276 = arith.index_cast %add3A_228 : i32 to index
        %get3A_277 = arith.constant 0 : index
        %get3A_278 = tpu.vector_load %arg8[%get3A_276, %get3A_277] {strides = array<i32>} : memref<128x100xf32, #tpu.memory_space<vmem>>, vector<16xf32>,
        %gt3A = vector.broadcast %scan3A_6 : f32 to vector<16xf32>
        %gt3A_279 = arith.cmpf ogt, %get3A_233, %gt3A : vector<16xf32>
        %gt3A_280 = vector.broadcast %scan3A_6 : f32 to vector<16xf32>
        %gt3A_281 = arith.cmpf ogt, %get3A_236, %gt3A_280 : vector<16xf32>
        %gt3A_282 = vector.broadcast %scan3A_6 : f32 to vector<16xf32>
        %gt3A_283 = arith.cmpf ogt, %get3A_239, %gt3A_282 : vector<16xf32>
        %gt3A_284 = vector.broadcast %scan3A_6 : f32 to vector<16xf32>
        %gt3A_285 = arith.cmpf ogt, %get3A_242, %gt3A_284 : vector<16xf32>
        %gt3A_286 = vector.broadcast %scan3A_6 : f32 to vector<16xf32>
        %gt3A_287 = arith.cmpf ogt, %get3A_245, %gt3A_286 : vector<16xf32>
        %gt3A_288 = vector.broadcast %scan3A_6 : f32 to vector<16xf32>
        %gt3A_289 = arith.cmpf ogt, %get3A_248, %gt3A_288 : vector<16xf32>
        %gt3A_290 = vector.broadcast %scan3A_6 : f32 to vector<16xf32>
        %gt3A_291 = arith.cmpf ogt, %get3A_251, %gt3A_290 : vector<16xf32>
        %gt3A_292 = vector.broadcast %scan3A_6 : f32 to vector<16xf32>
        %gt3A_293 = arith.cmpf ogt, %get3A_254, %gt3A_292 : vector<16xf32>
        %jit3A = arith.constant 1 : i32
        %jit3A_294 = arith.constant 0 : i32
        %broadcast_in_dim3A_295 = vector.broadcast %jit3A : i32 to vector<16xi32>
        %broadcast_in_dim3A_296 = vector.broadcast %jit3A_294 : i32 to vector<16xi32>
        %select_n3A = arith.select %gt3A_279, %broadcast_in_dim3A_295, %broadcast_in_dim3A_296 : vector<16xi1>, vector<16xi32>
        %jit3A_297 = arith.constant 1 : i32
        %jit3A_298 = arith.constant 0 : i32
        %broadcast_in_dim3A_299 = vector.broadcast %jit3A_297 : i32 to vector<16xi32>
        %broadcast_in_dim3A_300 = vector.broadcast %jit3A_298 : i32 to vector<16xi32>
        %select_n3A_301 = arith.select %gt3A_281, %broadcast_in_dim3A_299, %broadcast_in_dim3A_300 : vector<16xi1>, vector<16xi32>
        %jit3A_302 = arith.constant 1 : i32
        %jit3A_303 = arith.constant 0 : i32
        %broadcast_in_dim3A_304 = vector.broadcast %jit3A_302 : i32 to vector<16xi32>
        %broadcast_in_dim3A_305 = vector.broadcast %jit3A_303 : i32 to vector<16xi32>
        %select_n3A_306 = arith.select %gt3A_283, %broadcast_in_dim3A_304, %broadcast_in_dim3A_305 : vector<16xi1>, vector<16xi32>
        %jit3A_307 = arith.constant 1 : i32
        %jit3A_308 = arith.constant 0 : i32
        %broadcast_in_dim3A_309 = vector.broadcast %jit3A_307 : i32 to vector<16xi32>
        %broadcast_in_dim3A_310 = vector.broadcast %jit3A_308 : i32 to vector<16xi32>
        %select_n3A_311 = arith.select %gt3A_285, %broadcast_in_dim3A_309, %broadcast_in_dim3A_310 : vector<16xi1>, vector<16xi32>
        %jit3A_312 = arith.constant 1 : i32
        %jit3A_313 = arith.constant 0 : i32
        %broadcast_in_dim3A_314 = vector.broadcast %jit3A_312 : i32 to vector<16xi32>
        %broadcast_in_dim3A_315 = vector.broadcast %jit3A_313 : i32 to vector<16xi32>
        %select_n3A_316 = arith.select %gt3A_287, %broadcast_in_dim3A_314, %broadcast_in_dim3A_315 : vector<16xi1>, vector<16xi32>
        %jit3A_317 = arith.constant 1 : i32
        %jit3A_318 = arith.constant 0 : i32
        %broadcast_in_dim3A_319 = vector.broadcast %jit3A_317 : i32 to vector<16xi32>
        %broadcast_in_dim3A_320 = vector.broadcast %jit3A_318 : i32 to vector<16xi32>
        %select_n3A_321 = arith.select %gt3A_289, %broadcast_in_dim3A_319, %broadcast_in_dim3A_320 : vector<16xi1>, vector<16xi32>
        %jit3A_322 = arith.constant 1 : i32
        %jit3A_323 = arith.constant 0 : i32
        %broadcast_in_dim3A_324 = vector.broadcast %jit3A_322 : i32 to vector<16xi32>
        %broadcast_in_dim3A_325 = vector.broadcast %jit3A_323 : i32 to vector<16xi32>
        %select_n3A_326 = arith.select %gt3A_291, %broadcast_in_dim3A_324, %broadcast_in_dim3A_325 : vector<16xi1>, vector<16xi32>
        %jit3A_327 = arith.constant 1 : i32
        %jit3A_328 = arith.constant 0 : i32
        %broadcast_in_dim3A_329 = vector.broadcast %jit3A_327 : i32 to vector<16xi32>
        %broadcast_in_dim3A_330 = vector.broadcast %jit3A_328 : i32 to vector<16xi32>
        %select_n3A_331 = arith.select %gt3A_293, %broadcast_in_dim3A_329, %broadcast_in_dim3A_330 : vector<16xi1>, vector<16xi32>
        %all_reduce_population_count3A = tpu.all_reduce %gt3A_279 {dim = 0 : i64, kind = #tpu.reduction_kind<sum>} : vector<16xi1> -> vector<16xi32>
        %all_reduce_population_count3A_332 = tpu.all_reduce %gt3A_281 {dim = 0 : i64, kind = #tpu.reduction_kind<sum>} : vector<16xi1> -> vector<16xi32>
        %all_reduce_population_count3A_333 = tpu.all_reduce %gt3A_283 {dim = 0 : i64, kind = #tpu.reduction_kind<sum>} : vector<16xi1> -> vector<16xi32>
        %all_reduce_population_count3A_334 = tpu.all_reduce %gt3A_285 {dim = 0 : i64, kind = #tpu.reduction_kind<sum>} : vector<16xi1> -> vector<16xi32>
        %all_reduce_population_count3A_335 = tpu.all_reduce %gt3A_287 {dim = 0 : i64, kind = #tpu.reduction_kind<sum>} : vector<16xi1> -> vector<16xi32>
        %all_reduce_population_count3A_336 = tpu.all_reduce %gt3A_289 {dim = 0 : i64, kind = #tpu.reduction_kind<sum>} : vector<16xi1> -> vector<16xi32>
        %all_reduce_population_count3A_337 = tpu.all_reduce %gt3A_291 {dim = 0 : i64, kind = #tpu.reduction_kind<sum>} : vector<16xi1> -> vector<16xi32>
        %all_reduce_population_count3A_338 = tpu.all_reduce %gt3A_293 {dim = 0 : i64, kind = #tpu.reduction_kind<sum>} : vector<16xi1> -> vector<16xi32>
        %broadcast_in_dim3A_339 = arith.constant true
        %broadcast_in_dim3A_340 = vector.broadcast %broadcast_in_dim3A_339 : i1 to vector<16xi1>
        %masked_cumsum3A = tpu.scan <sum>, %select_n3A masked %broadcast_in_dim3A_340 : vector<16xi32>, vector<16xi1> -> vector<16xi32>
        %sub3A = arith.subi %masked_cumsum3A, %select_n3A : vector<16xi32>
        %broadcast_in_dim3A_341 = arith.constant true
        %broadcast_in_dim3A_342 = vector.broadcast %broadcast_in_dim3A_341 : i1 to vector<16xi1>
        %masked_cumsum3A_343 = tpu.scan <sum>, %select_n3A_301 masked %broadcast_in_dim3A_342 : vector<16xi32>, vector<16xi1> -> vector<16xi32>
        %sub3A_344 = arith.subi %masked_cumsum3A_343, %select_n3A_301 : vector<16xi32>
        %broadcast_in_dim3A_345 = arith.constant true
        %broadcast_in_dim3A_346 = vector.broadcast %broadcast_in_dim3A_345 : i1 to vector<16xi1>
        %masked_cumsum3A_347 = tpu.scan <sum>, %select_n3A_306 masked %broadcast_in_dim3A_346 : vector<16xi32>, vector<16xi1> -> vector<16xi32>
        %sub3A_348 = arith.subi %masked_cumsum3A_347, %select_n3A_306 : vector<16xi32>
        %broadcast_in_dim3A_349 = arith.constant true
        %broadcast_in_dim3A_350 = vector.broadcast %broadcast_in_dim3A_349 : i1 to vector<16xi1>
        %masked_cumsum3A_351 = tpu.scan <sum>, %select_n3A_311 masked %broadcast_in_dim3A_350 : vector<16xi32>, vector<16xi1> -> vector<16xi32>
        %sub3A_352 = arith.subi %masked_cumsum3A_351, %select_n3A_311 : vector<16xi32>
        %broadcast_in_dim3A_353 = arith.constant true
        %broadcast_in_dim3A_354 = vector.broadcast %broadcast_in_dim3A_353 : i1 to vector<16xi1>
        %masked_cumsum3A_355 = tpu.scan <sum>, %select_n3A_316 masked %broadcast_in_dim3A_354 : vector<16xi32>, vector<16xi1> -> vector<16xi32>
        %sub3A_356 = arith.subi %masked_cumsum3A_355, %select_n3A_316 : vector<16xi32>
        %broadcast_in_dim3A_357 = arith.constant true
        %broadcast_in_dim3A_358 = vector.broadcast %broadcast_in_dim3A_357 : i1 to vector<16xi1>
        %masked_cumsum3A_359 = tpu.scan <sum>, %select_n3A_321 masked %broadcast_in_dim3A_358 : vector<16xi32>, vector<16xi1> -> vector<16xi32>
        %sub3A_360 = arith.subi %masked_cumsum3A_359, %select_n3A_321 : vector<16xi32>
        %broadcast_in_dim3A_361 = arith.constant true
        %broadcast_in_dim3A_362 = vector.broadcast %broadcast_in_dim3A_361 : i1 to vector<16xi1>
        %masked_cumsum3A_363 = tpu.scan <sum>, %select_n3A_326 masked %broadcast_in_dim3A_362 : vector<16xi32>, vector<16xi1> -> vector<16xi32>
        %sub3A_364 = arith.subi %masked_cumsum3A_363, %select_n3A_326 : vector<16xi32>
        %broadcast_in_dim3A_365 = arith.constant true
        %broadcast_in_dim3A_366 = vector.broadcast %broadcast_in_dim3A_365 : i1 to vector<16xi1>
        %masked_cumsum3A_367 = tpu.scan <sum>, %select_n3A_331 masked %broadcast_in_dim3A_366 : vector<16xi32>, vector<16xi1> -> vector<16xi32>
        %sub3A_368 = arith.subi %masked_cumsum3A_367, %select_n3A_331 : vector<16xi32>
        %mul3A_369 = vector.broadcast %scan3A_7 : f32 to vector<16xf32>
        %mul3A_370 = arith.mulf %get3A_257, %mul3A_369 : vector<16xf32>
        %convert_element_type3A = arith.fptosi %mul3A_370 : vector<16xf32> to vector<16xi32>
        %mul3A_371 = vector.broadcast %scan3A_7 : f32 to vector<16xf32>
        %mul3A_372 = arith.mulf %get3A_260, %mul3A_371 : vector<16xf32>
        %convert_element_type3A_373 = arith.fptosi %mul3A_372 : vector<16xf32> to vector<16xi32>
        %mul3A_374 = vector.broadcast %scan3A_7 : f32 to vector<16xf32>
        %mul3A_375 = arith.mulf %get3A_263, %mul3A_374 : vector<16xf32>
        %convert_element_type3A_376 = arith.fptosi %mul3A_375 : vector<16xf32> to vector<16xi32>
        %mul3A_377 = vector.broadcast %scan3A_7 : f32 to vector<16xf32>
        %mul3A_378 = arith.mulf %get3A_266, %mul3A_377 : vector<16xf32>
        %convert_element_type3A_379 = arith.fptosi %mul3A_378 : vector<16xf32> to vector<16xi32>
        %mul3A_380 = vector.broadcast %scan3A_7 : f32 to vector<16xf32>
        %mul3A_381 = arith.mulf %get3A_269, %mul3A_380 : vector<16xf32>
        %convert_element_type3A_382 = arith.fptosi %mul3A_381 : vector<16xf32> to vector<16xi32>
        %mul3A_383 = vector.broadcast %scan3A_7 : f32 to vector<16xf32>
        %mul3A_384 = arith.mulf %get3A_272, %mul3A_383 : vector<16xf32>
        %convert_element_type3A_385 = arith.fptosi %mul3A_384 : vector<16xf32> to vector<16xi32>
        %mul3A_386 = vector.broadcast %scan3A_7 : f32 to vector<16xf32>
        %mul3A_387 = arith.mulf %get3A_275, %mul3A_386 : vector<16xf32>
        %convert_element_type3A_388 = arith.fptosi %mul3A_387 : vector<16xf32> to vector<16xi32>
        %mul3A_389 = vector.broadcast %scan3A_7 : f32 to vector<16xf32>
        %mul3A_390 = arith.mulf %get3A_278, %mul3A_389 : vector<16xf32>
        %convert_element_type3A_391 = arith.fptosi %mul3A_390 : vector<16xf32> to vector<16xi32>
        %add3A_392 = arith.addi %multiple_of3A, %add3A_200 : i32
        %add3A_393 = vector.broadcast %add3A_392 : i32 to vector<16xi32>
        %add3A_394 = arith.addi %add3A_393, %convert_element_type3A : vector<16xi32>
        %and3A_395 = arith.constant 16383 : i32
        %and3A_396 = vector.broadcast %and3A_395 : i32 to vector<16xi32>
        %and3A_397 = arith.andi %add3A_394, %and3A_396 : vector<16xi32>
        %mul3A_398 = arith.constant 100 : i32
        %mul3A_399 = vector.broadcast %mul3A_398 : i32 to vector<16xi32>
        %mul3A_400 = arith.muli %and3A_397, %mul3A_399 : vector<16xi32>
        %add3A_401 = arith.addi %mul3A_400, %add3A_231 : vector<16xi32>
        %add3A_402 = arith.addi %multiple_of3A, %add3A_204 : i32
        %add3A_403 = vector.broadcast %add3A_402 : i32 to vector<16xi32>
        %add3A_404 = arith.addi %add3A_403, %convert_element_type3A_373 : vector<16xi32>
        %and3A_405 = arith.constant 16383 : i32
        %and3A_406 = vector.broadcast %and3A_405 : i32 to vector<16xi32>
        %and3A_407 = arith.andi %add3A_404, %and3A_406 : vector<16xi32>
        %mul3A_408 = arith.constant 100 : i32
        %mul3A_409 = vector.broadcast %mul3A_408 : i32 to vector<16xi32>
        %mul3A_410 = arith.muli %and3A_407, %mul3A_409 : vector<16xi32>
        %add3A_411 = arith.addi %mul3A_410, %add3A_231 : vector<16xi32>
        %add3A_412 = arith.addi %multiple_of3A, %add3A_208 : i32
        %add3A_413 = vector.broadcast %add3A_412 : i32 to vector<16xi32>
        %add3A_414 = arith.addi %add3A_413, %convert_element_type3A_376 : vector<16xi32>
        %and3A_415 = arith.constant 16383 : i32
        %and3A_416 = vector.broadcast %and3A_415 : i32 to vector<16xi32>
        %and3A_417 = arith.andi %add3A_414, %and3A_416 : vector<16xi32>
        %mul3A_418 = arith.constant 100 : i32
        %mul3A_419 = vector.broadcast %mul3A_418 : i32 to vector<16xi32>
        %mul3A_420 = arith.muli %and3A_417, %mul3A_419 : vector<16xi32>
        %add3A_421 = arith.addi %mul3A_420, %add3A_231 : vector<16xi32>
        %add3A_422 = arith.addi %multiple_of3A, %add3A_212 : i32
        %add3A_423 = vector.broadcast %add3A_422 : i32 to vector<16xi32>
        %add3A_424 = arith.addi %add3A_423, %convert_element_type3A_379 : vector<16xi32>
        %and3A_425 = arith.constant 16383 : i32
        %and3A_426 = vector.broadcast %and3A_425 : i32 to vector<16xi32>
        %and3A_427 = arith.andi %add3A_424, %and3A_426 : vector<16xi32>
        %mul3A_428 = arith.constant 100 : i32
        %mul3A_429 = vector.broadcast %mul3A_428 : i32 to vector<16xi32>
        %mul3A_430 = arith.muli %and3A_427, %mul3A_429 : vector<16xi32>
        %add3A_431 = arith.addi %mul3A_430, %add3A_231 : vector<16xi32>
        %add3A_432 = arith.addi %multiple_of3A, %add3A_216 : i32
        %add3A_433 = vector.broadcast %add3A_432 : i32 to vector<16xi32>
        %add3A_434 = arith.addi %add3A_433, %convert_element_type3A_382 : vector<16xi32>
        %and3A_435 = arith.constant 16383 : i32
        %and3A_436 = vector.broadcast %and3A_435 : i32 to vector<16xi32>
        %and3A_437 = arith.andi %add3A_434, %and3A_436 : vector<16xi32>
        %mul3A_438 = arith.constant 100 : i32
        %mul3A_439 = vector.broadcast %mul3A_438 : i32 to vector<16xi32>
        %mul3A_440 = arith.muli %and3A_437, %mul3A_439 : vector<16xi32>
        %add3A_441 = arith.addi %mul3A_440, %add3A_231 : vector<16xi32>
        %add3A_442 = arith.addi %multiple_of3A, %add3A_220 : i32
        %add3A_443 = vector.broadcast %add3A_442 : i32 to vector<16xi32>
        %add3A_444 = arith.addi %add3A_443, %convert_element_type3A_385 : vector<16xi32>
        %and3A_445 = arith.constant 16383 : i32
        %and3A_446 = vector.broadcast %and3A_445 : i32 to vector<16xi32>
        %and3A_447 = arith.andi %add3A_444, %and3A_446 : vector<16xi32>
        %mul3A_448 = arith.constant 100 : i32
        %mul3A_449 = vector.broadcast %mul3A_448 : i32 to vector<16xi32>
        %mul3A_450 = arith.muli %and3A_447, %mul3A_449 : vector<16xi32>
        %add3A_451 = arith.addi %mul3A_450, %add3A_231 : vector<16xi32>
        %add3A_452 = arith.addi %multiple_of3A, %add3A_224 : i32
        %add3A_453 = vector.broadcast %add3A_452 : i32 to vector<16xi32>
        %add3A_454 = arith.addi %add3A_453, %convert_element_type3A_388 : vector<16xi32>
        %and3A_455 = arith.constant 16383 : i32
        %and3A_456 = vector.broadcast %and3A_455 : i32 to vector<16xi32>
        %and3A_457 = arith.andi %add3A_454, %and3A_456 : vector<16xi32>
        %mul3A_458 = arith.constant 100 : i32
        %mul3A_459 = vector.broadcast %mul3A_458 : i32 to vector<16xi32>
        %mul3A_460 = arith.muli %and3A_457, %mul3A_459 : vector<16xi32>
        %add3A_461 = arith.addi %mul3A_460, %add3A_231 : vector<16xi32>
        %add3A_462 = arith.addi %multiple_of3A, %add3A_228 : i32
        %add3A_463 = vector.broadcast %add3A_462 : i32 to vector<16xi32>
        %add3A_464 = arith.addi %add3A_463, %convert_element_type3A_391 : vector<16xi32>
        %and3A_465 = arith.constant 16383 : i32
        %and3A_466 = vector.broadcast %and3A_465 : i32 to vector<16xi32>
        %and3A_467 = arith.andi %add3A_464, %and3A_466 : vector<16xi32>
        %mul3A_468 = arith.constant 100 : i32
        %mul3A_469 = vector.broadcast %mul3A_468 : i32 to vector<16xi32>
        %mul3A_470 = arith.muli %and3A_467, %mul3A_469 : vector<16xi32>
        %add3A_471 = arith.addi %mul3A_470, %add3A_231 : vector<16xi32>
        %add3A_472 = arith.addi %scan3A_196, %sub3A : vector<16xi32>
        %add3A_473 = arith.addi %scan3A_196, %all_reduce_population_count3A : vector<16xi32>
        %add3A_474 = arith.addi %add3A_473, %sub3A_344 : vector<16xi32>
        %add3A_475 = arith.addi %add3A_473, %all_reduce_population_count3A_332 : vector<16xi32>
        %add3A_476 = arith.addi %add3A_475, %sub3A_348 : vector<16xi32>
        %add3A_477 = arith.addi %add3A_475, %all_reduce_population_count3A_333 : vector<16xi32>
        %add3A_478 = arith.addi %add3A_477, %sub3A_352 : vector<16xi32>
        %add3A_479 = arith.addi %add3A_477, %all_reduce_population_count3A_334 : vector<16xi32>
        %add3A_480 = arith.addi %add3A_479, %sub3A_356 : vector<16xi32>
        %add3A_481 = arith.addi %add3A_479, %all_reduce_population_count3A_335 : vector<16xi32>
        %add3A_482 = arith.addi %add3A_481, %sub3A_360 : vector<16xi32>
        %add3A_483 = arith.addi %add3A_481, %all_reduce_population_count3A_336 : vector<16xi32>
        %add3A_484 = arith.addi %add3A_483, %sub3A_364 : vector<16xi32>
        %add3A_485 = arith.addi %add3A_483, %all_reduce_population_count3A_337 : vector<16xi32>
        %add3A_486 = arith.addi %add3A_485, %sub3A_368 : vector<16xi32>
        %add3A_487 = arith.addi %add3A_485, %all_reduce_population_count3A_338 : vector<16xi32>
        %shift_right_arithmetic3A_488 = arith.constant 7 : i32
        %shift_right_arithmetic3A_489 = vector.broadcast %shift_right_arithmetic3A_488 : i32 to vector<16xi32>
        %shift_right_arithmetic3A_490 = arith.shrsi %add3A_472, %shift_right_arithmetic3A_489 : vector<16xi32>
        %and3A_491 = arith.constant 127 : i32
        %and3A_492 = vector.broadcast %and3A_491 : i32 to vector<16xi32>
        %and3A_493 = arith.andi %add3A_472, %and3A_492 : vector<16xi32>
        tpu.vector_store_idx %arg10[%shift_right_arithmetic3A_490, %and3A_493], %add3A_401 masked %gt3A_279 : memref<101x128xi32, #tpu.memory_space<vmem>>[vector<16xi32>, vector<16xi32>], vector<16xi32>, vector<16xi1>
        %mul3A_494 = arith.constant 128 : i32
        %mul3A_495 = arith.muli %add3A_200, %mul3A_494 : i32
        %add3A_496 = vector.broadcast %mul3A_495 : i32 to vector<16xi32>
        %add3A_497 = arith.addi %add3A_496, %add3A_231 : vector<16xi32>
        tpu.vector_store_idx %arg11[%add3A_472], %add3A_497 masked %gt3A_279 : memref<12928xi32, #tpu.memory_space<vmem>>[vector<16xi32>], vector<16xi32>, vector<16xi1>
        %shift_right_arithmetic3A_498 = arith.constant 7 : i32
        %shift_right_arithmetic3A_499 = vector.broadcast %shift_right_arithmetic3A_498 : i32 to vector<16xi32>
        %shift_right_arithmetic3A_500 = arith.shrsi %add3A_474, %shift_right_arithmetic3A_499 : vector<16xi32>
        %and3A_501 = arith.constant 127 : i32
        %and3A_502 = vector.broadcast %and3A_501 : i32 to vector<16xi32>
        %and3A_503 = arith.andi %add3A_474, %and3A_502 : vector<16xi32>
        tpu.vector_store_idx %arg10[%shift_right_arithmetic3A_500, %and3A_503], %add3A_411 masked %gt3A_281 : memref<101x128xi32, #tpu.memory_space<vmem>>[vector<16xi32>, vector<16xi32>], vector<16xi32>, vector<16xi1>
        %mul3A_504 = arith.constant 128 : i32
        %mul3A_505 = arith.muli %add3A_204, %mul3A_504 : i32
        %add3A_506 = vector.broadcast %mul3A_505 : i32 to vector<16xi32>
        %add3A_507 = arith.addi %add3A_506, %add3A_231 : vector<16xi32>
        tpu.vector_store_idx %arg11[%add3A_474], %add3A_507 masked %gt3A_281 : memref<12928xi32, #tpu.memory_space<vmem>>[vector<16xi32>], vector<16xi32>, vector<16xi1>
        %shift_right_arithmetic3A_508 = arith.constant 7 : i32
        %shift_right_arithmetic3A_509 = vector.broadcast %shift_right_arithmetic3A_508 : i32 to vector<16xi32>
        %shift_right_arithmetic3A_510 = arith.shrsi %add3A_476, %shift_right_arithmetic3A_509 : vector<16xi32>
        %and3A_511 = arith.constant 127 : i32
        %and3A_512 = vector.broadcast %and3A_511 : i32 to vector<16xi32>
        %and3A_513 = arith.andi %add3A_476, %and3A_512 : vector<16xi32>
        tpu.vector_store_idx %arg10[%shift_right_arithmetic3A_510, %and3A_513], %add3A_421 masked %gt3A_283 : memref<101x128xi32, #tpu.memory_space<vmem>>[vector<16xi32>, vector<16xi32>], vector<16xi32>, vector<16xi1>
        %mul3A_514 = arith.constant 128 : i32
        %mul3A_515 = arith.muli %add3A_208, %mul3A_514 : i32
        %add3A_516 = vector.broadcast %mul3A_515 : i32 to vector<16xi32>
        %add3A_517 = arith.addi %add3A_516, %add3A_231 : vector<16xi32>
        tpu.vector_store_idx %arg11[%add3A_476], %add3A_517 masked %gt3A_283 : memref<12928xi32, #tpu.memory_space<vmem>>[vector<16xi32>], vector<16xi32>, vector<16xi1>
        %shift_right_arithmetic3A_518 = arith.constant 7 : i32
        %shift_right_arithmetic3A_519 = vector.broadcast %shift_right_arithmetic3A_518 : i32 to vector<16xi32>
        %shift_right_arithmetic3A_520 = arith.shrsi %add3A_478, %shift_right_arithmetic3A_519 : vector<16xi32>
        %and3A_521 = arith.constant 127 : i32
        %and3A_522 = vector.broadcast %and3A_521 : i32 to vector<16xi32>
        %and3A_523 = arith.andi %add3A_478, %and3A_522 : vector<16xi32>
        tpu.vector_store_idx %arg10[%shift_right_arithmetic3A_520, %and3A_523], %add3A_431 masked %gt3A_285 : memref<101x128xi32, #tpu.memory_space<vmem>>[vector<16xi32>, vector<16xi32>], vector<16xi32>, vector<16xi1>
        %mul3A_524 = arith.constant 128 : i32
        %mul3A_525 = arith.muli %add3A_212, %mul3A_524 : i32
        %add3A_526 = vector.broadcast %mul3A_525 : i32 to vector<16xi32>
        %add3A_527 = arith.addi %add3A_526, %add3A_231 : vector<16xi32>
        tpu.vector_store_idx %arg11[%add3A_478], %add3A_527 masked %gt3A_285 : memref<12928xi32, #tpu.memory_space<vmem>>[vector<16xi32>], vector<16xi32>, vector<16xi1>
        %shift_right_arithmetic3A_528 = arith.constant 7 : i32
        %shift_right_arithmetic3A_529 = vector.broadcast %shift_right_arithmetic3A_528 : i32 to vector<16xi32>
        %shift_right_arithmetic3A_530 = arith.shrsi %add3A_480, %shift_right_arithmetic3A_529 : vector<16xi32>
        %and3A_531 = arith.constant 127 : i32
        %and3A_532 = vector.broadcast %and3A_531 : i32 to vector<16xi32>
        %and3A_533 = arith.andi %add3A_480, %and3A_532 : vector<16xi32>
        tpu.vector_store_idx %arg10[%shift_right_arithmetic3A_530, %and3A_533], %add3A_441 masked %gt3A_287 : memref<101x128xi32, #tpu.memory_space<vmem>>[vector<16xi32>, vector<16xi32>], vector<16xi32>, vector<16xi1>
        %mul3A_534 = arith.constant 128 : i32
        %mul3A_535 = arith.muli %add3A_216, %mul3A_534 : i32
        %add3A_536 = vector.broadcast %mul3A_535 : i32 to vector<16xi32>
        %add3A_537 = arith.addi %add3A_536, %add3A_231 : vector<16xi32>
        tpu.vector_store_idx %arg11[%add3A_480], %add3A_537 masked %gt3A_287 : memref<12928xi32, #tpu.memory_space<vmem>>[vector<16xi32>], vector<16xi32>, vector<16xi1>
        %shift_right_arithmetic3A_538 = arith.constant 7 : i32
        %shift_right_arithmetic3A_539 = vector.broadcast %shift_right_arithmetic3A_538 : i32 to vector<16xi32>
        %shift_right_arithmetic3A_540 = arith.shrsi %add3A_482, %shift_right_arithmetic3A_539 : vector<16xi32>
        %and3A_541 = arith.constant 127 : i32
        %and3A_542 = vector.broadcast %and3A_541 : i32 to vector<16xi32>
        %and3A_543 = arith.andi %add3A_482, %and3A_542 : vector<16xi32>
        tpu.vector_store_idx %arg10[%shift_right_arithmetic3A_540, %and3A_543], %add3A_451 masked %gt3A_289 : memref<101x128xi32, #tpu.memory_space<vmem>>[vector<16xi32>, vector<16xi32>], vector<16xi32>, vector<16xi1>
        %mul3A_544 = arith.constant 128 : i32
        %mul3A_545 = arith.muli %add3A_220, %mul3A_544 : i32
        %add3A_546 = vector.broadcast %mul3A_545 : i32 to vector<16xi32>
        %add3A_547 = arith.addi %add3A_546, %add3A_231 : vector<16xi32>
        tpu.vector_store_idx %arg11[%add3A_482], %add3A_547 masked %gt3A_289 : memref<12928xi32, #tpu.memory_space<vmem>>[vector<16xi32>], vector<16xi32>, vector<16xi1>
        %shift_right_arithmetic3A_548 = arith.constant 7 : i32
        %shift_right_arithmetic3A_549 = vector.broadcast %shift_right_arithmetic3A_548 : i32 to vector<16xi32>
        %shift_right_arithmetic3A_550 = arith.shrsi %add3A_484, %shift_right_arithmetic3A_549 : vector<16xi32>
        %and3A_551 = arith.constant 127 : i32
        %and3A_552 = vector.broadcast %and3A_551 : i32 to vector<16xi32>
        %and3A_553 = arith.andi %add3A_484, %and3A_552 : vector<16xi32>
        tpu.vector_store_idx %arg10[%shift_right_arithmetic3A_550, %and3A_553], %add3A_461 masked %gt3A_291 : memref<101x128xi32, #tpu.memory_space<vmem>>[vector<16xi32>, vector<16xi32>], vector<16xi32>, vector<16xi1>
        %mul3A_554 = arith.constant 128 : i32
        %mul3A_555 = arith.muli %add3A_224, %mul3A_554 : i32
        %add3A_556 = vector.broadcast %mul3A_555 : i32 to vector<16xi32>
        %add3A_557 = arith.addi %add3A_556, %add3A_231 : vector<16xi32>
        tpu.vector_store_idx %arg11[%add3A_484], %add3A_557 masked %gt3A_291 : memref<12928xi32, #tpu.memory_space<vmem>>[vector<16xi32>], vector<16xi32>, vector<16xi1>
        %shift_right_arithmetic3A_558 = arith.constant 7 : i32
        %shift_right_arithmetic3A_559 = vector.broadcast %shift_right_arithmetic3A_558 : i32 to vector<16xi32>
        %shift_right_arithmetic3A_560 = arith.shrsi %add3A_486, %shift_right_arithmetic3A_559 : vector<16xi32>
        %and3A_561 = arith.constant 127 : i32
        %and3A_562 = vector.broadcast %and3A_561 : i32 to vector<16xi32>
        %and3A_563 = arith.andi %add3A_486, %and3A_562 : vector<16xi32>
        tpu.vector_store_idx %arg10[%shift_right_arithmetic3A_560, %and3A_563], %add3A_471 masked %gt3A_293 : memref<101x128xi32, #tpu.memory_space<vmem>>[vector<16xi32>, vector<16xi32>], vector<16xi32>, vector<16xi1>
        %mul3A_564 = arith.constant 128 : i32
        %mul3A_565 = arith.muli %add3A_228, %mul3A_564 : i32
        %add3A_566 = vector.broadcast %mul3A_565 : i32 to vector<16xi32>
        %add3A_567 = arith.addi %add3A_566, %add3A_231 : vector<16xi32>
        tpu.vector_store_idx %arg11[%add3A_486], %add3A_567 masked %gt3A_293 : memref<12928xi32, #tpu.memory_space<vmem>>[vector<16xi32>], vector<16xi32>, vector<16xi1>
        %add3A_568 = arith.constant 16 : i32
        %add3A_569 = vector.broadcast %add3A_568 : i32 to vector<16xi32>
        %add3A_570 = arith.addi %add3A_569, %iota3A : vector<16xi32>
        %get3A_571 = arith.index_cast %add3A_200 : i32 to index
        %get3A_572 = arith.constant 16 : index
        %get3A_573 = tpu.vector_load %arg7[%get3A_571, %get3A_572] {strides = array<i32>} : memref<128x100xf32, #tpu.memory_space<vmem>>, vector<16xf32>,
        %get3A_574 = arith.index_cast %add3A_204 : i32 to index
        %get3A_575 = arith.constant 16 : index
        %get3A_576 = tpu.vector_load %arg7[%get3A_574, %get3A_575] {strides = array<i32>} : memref<128x100xf32, #tpu.memory_space<vmem>>, vector<16xf32>,
        %get3A_577 = arith.index_cast %add3A_208 : i32 to index
        %get3A_578 = arith.constant 16 : index
        %get3A_579 = tpu.vector_load %arg7[%get3A_577, %get3A_578] {strides = array<i32>} : memref<128x100xf32, #tpu.memory_space<vmem>>, vector<16xf32>,
        %get3A_580 = arith.index_cast %add3A_212 : i32 to index
        %get3A_581 = arith.constant 16 : index
        %get3A_582 = tpu.vector_load %arg7[%get3A_580, %get3A_581] {strides = array<i32>} : memref<128x100xf32, #tpu.memory_space<vmem>>, vector<16xf32>,
        %get3A_583 = arith.index_cast %add3A_216 : i32 to index
        %get3A_584 = arith.constant 16 : index
        %get3A_585 = tpu.vector_load %arg7[%get3A_583, %get3A_584] {strides = array<i32>} : memref<128x100xf32, #tpu.memory_space<vmem>>, vector<16xf32>,
        %get3A_586 = arith.index_cast %add3A_220 : i32 to index
        %get3A_587 = arith.constant 16 : index
        %get3A_588 = tpu.vector_load %arg7[%get3A_586, %get3A_587] {strides = array<i32>} : memref<128x100xf32, #tpu.memory_space<vmem>>, vector<16xf32>,
        %get3A_589 = arith.index_cast %add3A_224 : i32 to index
        %get3A_590 = arith.constant 16 : index
        %get3A_591 = tpu.vector_load %arg7[%get3A_589, %get3A_590] {strides = array<i32>} : memref<128x100xf32, #tpu.memory_space<vmem>>, vector<16xf32>,
        %get3A_592 = arith.index_cast %add3A_228 : i32 to index
        %get3A_593 = arith.constant 16 : index
        %get3A_594 = tpu.vector_load %arg7[%get3A_592, %get3A_593] {strides = array<i32>} : memref<128x100xf32, #tpu.memory_space<vmem>>, vector<16xf32>,
        %get3A_595 = arith.index_cast %add3A_200 : i32 to index
        %get3A_596 = arith.constant 16 : index
        %get3A_597 = tpu.vector_load %arg8[%get3A_595, %get3A_596] {strides = array<i32>} : memref<128x100xf32, #tpu.memory_space<vmem>>, vector<16xf32>,
        %get3A_598 = arith.index_cast %add3A_204 : i32 to index
        %get3A_599 = arith.constant 16 : index
        %get3A_600 = tpu.vector_load %arg8[%get3A_598, %get3A_599] {strides = array<i32>} : memref<128x100xf32, #tpu.memory_space<vmem>>, vector<16xf32>,
        %get3A_601 = arith.index_cast %add3A_208 : i32 to index
        %get3A_602 = arith.constant 16 : index
        %get3A_603 = tpu.vector_load %arg8[%get3A_601, %get3A_602] {strides = array<i32>} : memref<128x100xf32, #tpu.memory_space<vmem>>, vector<16xf32>,
        %get3A_604 = arith.index_cast %add3A_212 : i32 to index
        %get3A_605 = arith.constant 16 : index
        %get3A_606 = tpu.vector_load %arg8[%get3A_604, %get3A_605] {strides = array<i32>} : memref<128x100xf32, #tpu.memory_space<vmem>>, vector<16xf32>,
        %get3A_607 = arith.index_cast %add3A_216 : i32 to index
        %get3A_608 = arith.constant 16 : index
        %get3A_609 = tpu.vector_load %arg8[%get3A_607, %get3A_608] {strides = array<i32>} : memref<128x100xf32, #tpu.memory_space<vmem>>, vector<16xf32>,
        %get3A_610 = arith.index_cast %add3A_220 : i32 to index
        %get3A_611 = arith.constant 16 : index
        %get3A_612 = tpu.vector_load %arg8[%get3A_610, %get3A_611] {strides = array<i32>} : memref<128x100xf32, #tpu.memory_space<vmem>>, vector<16xf32>,
        %get3A_613 = arith.index_cast %add3A_224 : i32 to index
        %get3A_614 = arith.constant 16 : index
        %get3A_615 = tpu.vector_load %arg8[%get3A_613, %get3A_614] {strides = array<i32>} : memref<128x100xf32, #tpu.memory_space<vmem>>, vector<16xf32>,
        %get3A_616 = arith.index_cast %add3A_228 : i32 to index
        %get3A_617 = arith.constant 16 : index
        %get3A_618 = tpu.vector_load %arg8[%get3A_616, %get3A_617] {strides = array<i32>} : memref<128x100xf32, #tpu.memory_space<vmem>>, vector<16xf32>,
        %gt3A_619 = vector.broadcast %scan3A_6 : f32 to vector<16xf32>
        %gt3A_620 = arith.cmpf ogt, %get3A_573, %gt3A_619 : vector<16xf32>
        %gt3A_621 = vector.broadcast %scan3A_6 : f32 to vector<16xf32>
        %gt3A_622 = arith.cmpf ogt, %get3A_576, %gt3A_621 : vector<16xf32>
        %gt3A_623 = vector.broadcast %scan3A_6 : f32 to vector<16xf32>
        %gt3A_624 = arith.cmpf ogt, %get3A_579, %gt3A_623 : vector<16xf32>
        %gt3A_625 = vector.broadcast %scan3A_6 : f32 to vector<16xf32>
        %gt3A_626 = arith.cmpf ogt, %get3A_582, %gt3A_625 : vector<16xf32>
        %gt3A_627 = vector.broadcast %scan3A_6 : f32 to vector<16xf32>
        %gt3A_628 = arith.cmpf ogt, %get3A_585, %gt3A_627 : vector<16xf32>
        %gt3A_629 = vector.broadcast %scan3A_6 : f32 to vector<16xf32>
        %gt3A_630 = arith.cmpf ogt, %get3A_588, %gt3A_629 : vector<16xf32>
        %gt3A_631 = vector.broadcast %scan3A_6 : f32 to vector<16xf32>
        %gt3A_632 = arith.cmpf ogt, %get3A_591, %gt3A_631 : vector<16xf32>
        %gt3A_633 = vector.broadcast %scan3A_6 : f32 to vector<16xf32>
        %gt3A_634 = arith.cmpf ogt, %get3A_594, %gt3A_633 : vector<16xf32>
        %jit3A_635 = arith.constant 1 : i32
        %jit3A_636 = arith.constant 0 : i32
        %broadcast_in_dim3A_637 = vector.broadcast %jit3A_635 : i32 to vector<16xi32>
        %broadcast_in_dim3A_638 = vector.broadcast %jit3A_636 : i32 to vector<16xi32>
        %select_n3A_639 = arith.select %gt3A_620, %broadcast_in_dim3A_637, %broadcast_in_dim3A_638 : vector<16xi1>, vector<16xi32>
        %jit3A_640 = arith.constant 1 : i32
        %jit3A_641 = arith.constant 0 : i32
        %broadcast_in_dim3A_642 = vector.broadcast %jit3A_640 : i32 to vector<16xi32>
        %broadcast_in_dim3A_643 = vector.broadcast %jit3A_641 : i32 to vector<16xi32>
        %select_n3A_644 = arith.select %gt3A_622, %broadcast_in_dim3A_642, %broadcast_in_dim3A_643 : vector<16xi1>, vector<16xi32>
        %jit3A_645 = arith.constant 1 : i32
        %jit3A_646 = arith.constant 0 : i32
        %broadcast_in_dim3A_647 = vector.broadcast %jit3A_645 : i32 to vector<16xi32>
        %broadcast_in_dim3A_648 = vector.broadcast %jit3A_646 : i32 to vector<16xi32>
        %select_n3A_649 = arith.select %gt3A_624, %broadcast_in_dim3A_647, %broadcast_in_dim3A_648 : vector<16xi1>, vector<16xi32>
        %jit3A_650 = arith.constant 1 : i32
        %jit3A_651 = arith.constant 0 : i32
        %broadcast_in_dim3A_652 = vector.broadcast %jit3A_650 : i32 to vector<16xi32>
        %broadcast_in_dim3A_653 = vector.broadcast %jit3A_651 : i32 to vector<16xi32>
        %select_n3A_654 = arith.select %gt3A_626, %broadcast_in_dim3A_652, %broadcast_in_dim3A_653 : vector<16xi1>, vector<16xi32>
        %jit3A_655 = arith.constant 1 : i32
        %jit3A_656 = arith.constant 0 : i32
        %broadcast_in_dim3A_657 = vector.broadcast %jit3A_655 : i32 to vector<16xi32>
        %broadcast_in_dim3A_658 = vector.broadcast %jit3A_656 : i32 to vector<16xi32>
        %select_n3A_659 = arith.select %gt3A_628, %broadcast_in_dim3A_657, %broadcast_in_dim3A_658 : vector<16xi1>, vector<16xi32>
        %jit3A_660 = arith.constant 1 : i32
        %jit3A_661 = arith.constant 0 : i32
        %broadcast_in_dim3A_662 = vector.broadcast %jit3A_660 : i32 to vector<16xi32>
        %broadcast_in_dim3A_663 = vector.broadcast %jit3A_661 : i32 to vector<16xi32>
        %select_n3A_664 = arith.select %gt3A_630, %broadcast_in_dim3A_662, %broadcast_in_dim3A_663 : vector<16xi1>, vector<16xi32>
        %jit3A_665 = arith.constant 1 : i32
        %jit3A_666 = arith.constant 0 : i32
        %broadcast_in_dim3A_667 = vector.broadcast %jit3A_665 : i32 to vector<16xi32>
        %broadcast_in_dim3A_668 = vector.broadcast %jit3A_666 : i32 to vector<16xi32>
        %select_n3A_669 = arith.select %gt3A_632, %broadcast_in_dim3A_667, %broadcast_in_dim3A_668 : vector<16xi1>, vector<16xi32>
        %jit3A_670 = arith.constant 1 : i32
        %jit3A_671 = arith.constant 0 : i32
        %broadcast_in_dim3A_672 = vector.broadcast %jit3A_670 : i32 to vector<16xi32>
        %broadcast_in_dim3A_673 = vector.broadcast %jit3A_671 : i32 to vector<16xi32>
        %select_n3A_674 = arith.select %gt3A_634, %broadcast_in_dim3A_672, %broadcast_in_dim3A_673 : vector<16xi1>, vector<16xi32>
        %all_reduce_population_count3A_675 = tpu.all_reduce %gt3A_620 {dim = 0 : i64, kind = #tpu.reduction_kind<sum>} : vector<16xi1> -> vector<16xi32>
        %all_reduce_population_count3A_676 = tpu.all_reduce %gt3A_622 {dim = 0 : i64, kind = #tpu.reduction_kind<sum>} : vector<16xi1> -> vector<16xi32>
        %all_reduce_population_count3A_677 = tpu.all_reduce %gt3A_624 {dim = 0 : i64, kind = #tpu.reduction_kind<sum>} : vector<16xi1> -> vector<16xi32>
        %all_reduce_population_count3A_678 = tpu.all_reduce %gt3A_626 {dim = 0 : i64, kind = #tpu.reduction_kind<sum>} : vector<16xi1> -> vector<16xi32>
        %all_reduce_population_count3A_679 = tpu.all_reduce %gt3A_628 {dim = 0 : i64, kind = #tpu.reduction_kind<sum>} : vector<16xi1> -> vector<16xi32>
        %all_reduce_population_count3A_680 = tpu.all_reduce %gt3A_630 {dim = 0 : i64, kind = #tpu.reduction_kind<sum>} : vector<16xi1> -> vector<16xi32>
        %all_reduce_population_count3A_681 = tpu.all_reduce %gt3A_632 {dim = 0 : i64, kind = #tpu.reduction_kind<sum>} : vector<16xi1> -> vector<16xi32>
        %all_reduce_population_count3A_682 = tpu.all_reduce %gt3A_634 {dim = 0 : i64, kind = #tpu.reduction_kind<sum>} : vector<16xi1> -> vector<16xi32>
        %broadcast_in_dim3A_683 = arith.constant true
        %broadcast_in_dim3A_684 = vector.broadcast %broadcast_in_dim3A_683 : i1 to vector<16xi1>
        %masked_cumsum3A_685 = tpu.scan <sum>, %select_n3A_639 masked %broadcast_in_dim3A_684 : vector<16xi32>, vector<16xi1> -> vector<16xi32>
        %sub3A_686 = arith.subi %masked_cumsum3A_685, %select_n3A_639 : vector<16xi32>
        %broadcast_in_dim3A_687 = arith.constant true
        %broadcast_in_dim3A_688 = vector.broadcast %broadcast_in_dim3A_687 : i1 to vector<16xi1>
        %masked_cumsum3A_689 = tpu.scan <sum>, %select_n3A_644 masked %broadcast_in_dim3A_688 : vector<16xi32>, vector<16xi1> -> vector<16xi32>
        %sub3A_690 = arith.subi %masked_cumsum3A_689, %select_n3A_644 : vector<16xi32>
        %broadcast_in_dim3A_691 = arith.constant true
        %broadcast_in_dim3A_692 = vector.broadcast %broadcast_in_dim3A_691 : i1 to vector<16xi1>
        %masked_cumsum3A_693 = tpu.scan <sum>, %select_n3A_649 masked %broadcast_in_dim3A_692 : vector<16xi32>, vector<16xi1> -> vector<16xi32>
        %sub3A_694 = arith.subi %masked_cumsum3A_693, %select_n3A_649 : vector<16xi32>
        %broadcast_in_dim3A_695 = arith.constant true
        %broadcast_in_dim3A_696 = vector.broadcast %broadcast_in_dim3A_695 : i1 to vector<16xi1>
        %masked_cumsum3A_697 = tpu.scan <sum>, %select_n3A_654 masked %broadcast_in_dim3A_696 : vector<16xi32>, vector<16xi1> -> vector<16xi32>
        %sub3A_698 = arith.subi %masked_cumsum3A_697, %select_n3A_654 : vector<16xi32>
        %broadcast_in_dim3A_699 = arith.constant true
        %broadcast_in_dim3A_700 = vector.broadcast %broadcast_in_dim3A_699 : i1 to vector<16xi1>
        %masked_cumsum3A_701 = tpu.scan <sum>, %select_n3A_659 masked %broadcast_in_dim3A_700 : vector<16xi32>, vector<16xi1> -> vector<16xi32>
        %sub3A_702 = arith.subi %masked_cumsum3A_701, %select_n3A_659 : vector<16xi32>
        %broadcast_in_dim3A_703 = arith.constant true
        %broadcast_in_dim3A_704 = vector.broadcast %broadcast_in_dim3A_703 : i1 to vector<16xi1>
        %masked_cumsum3A_705 = tpu.scan <sum>, %select_n3A_664 masked %broadcast_in_dim3A_704 : vector<16xi32>, vector<16xi1> -> vector<16xi32>
        %sub3A_706 = arith.subi %masked_cumsum3A_705, %select_n3A_664 : vector<16xi32>
        %broadcast_in_dim3A_707 = arith.constant true
        %broadcast_in_dim3A_708 = vector.broadcast %broadcast_in_dim3A_707 : i1 to vector<16xi1>
        %masked_cumsum3A_709 = tpu.scan <sum>, %select_n3A_669 masked %broadcast_in_dim3A_708 : vector<16xi32>, vector<16xi1> -> vector<16xi32>
        %sub3A_710 = arith.subi %masked_cumsum3A_709, %select_n3A_669 : vector<16xi32>
        %broadcast_in_dim3A_711 = arith.constant true
        %broadcast_in_dim3A_712 = vector.broadcast %broadcast_in_dim3A_711 : i1 to vector<16xi1>
        %masked_cumsum3A_713 = tpu.scan <sum>, %select_n3A_674 masked %broadcast_in_dim3A_712 : vector<16xi32>, vector<16xi1> -> vector<16xi32>
        %sub3A_714 = arith.subi %masked_cumsum3A_713, %select_n3A_674 : vector<16xi32>
        %mul3A_715 = vector.broadcast %scan3A_7 : f32 to vector<16xf32>
        %mul3A_716 = arith.mulf %get3A_597, %mul3A_715 : vector<16xf32>
        %convert_element_type3A_717 = arith.fptosi %mul3A_716 : vector<16xf32> to vector<16xi32>
        %mul3A_718 = vector.broadcast %scan3A_7 : f32 to vector<16xf32>
        %mul3A_719 = arith.mulf %get3A_600, %mul3A_718 : vector<16xf32>
        %convert_element_type3A_720 = arith.fptosi %mul3A_719 : vector<16xf32> to vector<16xi32>
        %mul3A_721 = vector.broadcast %scan3A_7 : f32 to vector<16xf32>
        %mul3A_722 = arith.mulf %get3A_603, %mul3A_721 : vector<16xf32>
        %convert_element_type3A_723 = arith.fptosi %mul3A_722 : vector<16xf32> to vector<16xi32>
        %mul3A_724 = vector.broadcast %scan3A_7 : f32 to vector<16xf32>
        %mul3A_725 = arith.mulf %get3A_606, %mul3A_724 : vector<16xf32>
        %convert_element_type3A_726 = arith.fptosi %mul3A_725 : vector<16xf32> to vector<16xi32>
        %mul3A_727 = vector.broadcast %scan3A_7 : f32 to vector<16xf32>
        %mul3A_728 = arith.mulf %get3A_609, %mul3A_727 : vector<16xf32>
        %convert_element_type3A_729 = arith.fptosi %mul3A_728 : vector<16xf32> to vector<16xi32>
        %mul3A_730 = vector.broadcast %scan3A_7 : f32 to vector<16xf32>
        %mul3A_731 = arith.mulf %get3A_612, %mul3A_730 : vector<16xf32>
        %convert_element_type3A_732 = arith.fptosi %mul3A_731 : vector<16xf32> to vector<16xi32>
        %mul3A_733 = vector.broadcast %scan3A_7 : f32 to vector<16xf32>
        %mul3A_734 = arith.mulf %get3A_615, %mul3A_733 : vector<16xf32>
        %convert_element_type3A_735 = arith.fptosi %mul3A_734 : vector<16xf32> to vector<16xi32>
        %mul3A_736 = vector.broadcast %scan3A_7 : f32 to vector<16xf32>
        %mul3A_737 = arith.mulf %get3A_618, %mul3A_736 : vector<16xf32>
        %convert_element_type3A_738 = arith.fptosi %mul3A_737 : vector<16xf32> to vector<16xi32>
        %add3A_739 = arith.addi %multiple_of3A, %add3A_200 : i32
        %add3A_740 = vector.broadcast %add3A_739 : i32 to vector<16xi32>
        %add3A_741 = arith.addi %add3A_740, %convert_element_type3A_717 : vector<16xi32>
        %and3A_742 = arith.constant 16383 : i32
        %and3A_743 = vector.broadcast %and3A_742 : i32 to vector<16xi32>
        %and3A_744 = arith.andi %add3A_741, %and3A_743 : vector<16xi32>
        %mul3A_745 = arith.constant 100 : i32
        %mul3A_746 = vector.broadcast %mul3A_745 : i32 to vector<16xi32>
        %mul3A_747 = arith.muli %and3A_744, %mul3A_746 : vector<16xi32>
        %add3A_748 = arith.addi %mul3A_747, %add3A_570 : vector<16xi32>
        %add3A_749 = arith.addi %multiple_of3A, %add3A_204 : i32
        %add3A_750 = vector.broadcast %add3A_749 : i32 to vector<16xi32>
        %add3A_751 = arith.addi %add3A_750, %convert_element_type3A_720 : vector<16xi32>
        %and3A_752 = arith.constant 16383 : i32
        %and3A_753 = vector.broadcast %and3A_752 : i32 to vector<16xi32>
        %and3A_754 = arith.andi %add3A_751, %and3A_753 : vector<16xi32>
        %mul3A_755 = arith.constant 100 : i32
        %mul3A_756 = vector.broadcast %mul3A_755 : i32 to vector<16xi32>
        %mul3A_757 = arith.muli %and3A_754, %mul3A_756 : vector<16xi32>
        %add3A_758 = arith.addi %mul3A_757, %add3A_570 : vector<16xi32>
        %add3A_759 = arith.addi %multiple_of3A, %add3A_208 : i32
        %add3A_760 = vector.broadcast %add3A_759 : i32 to vector<16xi32>
        %add3A_761 = arith.addi %add3A_760, %convert_element_type3A_723 : vector<16xi32>
        %and3A_762 = arith.constant 16383 : i32
        %and3A_763 = vector.broadcast %and3A_762 : i32 to vector<16xi32>
        %and3A_764 = arith.andi %add3A_761, %and3A_763 : vector<16xi32>
        %mul3A_765 = arith.constant 100 : i32
        %mul3A_766 = vector.broadcast %mul3A_765 : i32 to vector<16xi32>
        %mul3A_767 = arith.muli %and3A_764, %mul3A_766 : vector<16xi32>
        %add3A_768 = arith.addi %mul3A_767, %add3A_570 : vector<16xi32>
        %add3A_769 = arith.addi %multiple_of3A, %add3A_212 : i32
        %add3A_770 = vector.broadcast %add3A_769 : i32 to vector<16xi32>
        %add3A_771 = arith.addi %add3A_770, %convert_element_type3A_726 : vector<16xi32>
        %and3A_772 = arith.constant 16383 : i32
        %and3A_773 = vector.broadcast %and3A_772 : i32 to vector<16xi32>
        %and3A_774 = arith.andi %add3A_771, %and3A_773 : vector<16xi32>
        %mul3A_775 = arith.constant 100 : i32
        %mul3A_776 = vector.broadcast %mul3A_775 : i32 to vector<16xi32>
        %mul3A_777 = arith.muli %and3A_774, %mul3A_776 : vector<16xi32>
        %add3A_778 = arith.addi %mul3A_777, %add3A_570 : vector<16xi32>
        %add3A_779 = arith.addi %multiple_of3A, %add3A_216 : i32
        %add3A_780 = vector.broadcast %add3A_779 : i32 to vector<16xi32>
        %add3A_781 = arith.addi %add3A_780, %convert_element_type3A_729 : vector<16xi32>
        %and3A_782 = arith.constant 16383 : i32
        %and3A_783 = vector.broadcast %and3A_782 : i32 to vector<16xi32>
        %and3A_784 = arith.andi %add3A_781, %and3A_783 : vector<16xi32>
        %mul3A_785 = arith.constant 100 : i32
        %mul3A_786 = vector.broadcast %mul3A_785 : i32 to vector<16xi32>
        %mul3A_787 = arith.muli %and3A_784, %mul3A_786 : vector<16xi32>
        %add3A_788 = arith.addi %mul3A_787, %add3A_570 : vector<16xi32>
        %add3A_789 = arith.addi %multiple_of3A, %add3A_220 : i32
        %add3A_790 = vector.broadcast %add3A_789 : i32 to vector<16xi32>
        %add3A_791 = arith.addi %add3A_790, %convert_element_type3A_732 : vector<16xi32>
        %and3A_792 = arith.constant 16383 : i32
        %and3A_793 = vector.broadcast %and3A_792 : i32 to vector<16xi32>
        %and3A_794 = arith.andi %add3A_791, %and3A_793 : vector<16xi32>
        %mul3A_795 = arith.constant 100 : i32
        %mul3A_796 = vector.broadcast %mul3A_795 : i32 to vector<16xi32>
        %mul3A_797 = arith.muli %and3A_794, %mul3A_796 : vector<16xi32>
        %add3A_798 = arith.addi %mul3A_797, %add3A_570 : vector<16xi32>
        %add3A_799 = arith.addi %multiple_of3A, %add3A_224 : i32
        %add3A_800 = vector.broadcast %add3A_799 : i32 to vector<16xi32>
        %add3A_801 = arith.addi %add3A_800, %convert_element_type3A_735 : vector<16xi32>
        %and3A_802 = arith.constant 16383 : i32
        %and3A_803 = vector.broadcast %and3A_802 : i32 to vector<16xi32>
        %and3A_804 = arith.andi %add3A_801, %and3A_803 : vector<16xi32>
        %mul3A_805 = arith.constant 100 : i32
        %mul3A_806 = vector.broadcast %mul3A_805 : i32 to vector<16xi32>
        %mul3A_807 = arith.muli %and3A_804, %mul3A_806 : vector<16xi32>
        %add3A_808 = arith.addi %mul3A_807, %add3A_570 : vector<16xi32>
        %add3A_809 = arith.addi %multiple_of3A, %add3A_228 : i32
        %add3A_810 = vector.broadcast %add3A_809 : i32 to vector<16xi32>
        %add3A_811 = arith.addi %add3A_810, %convert_element_type3A_738 : vector<16xi32>
        %and3A_812 = arith.constant 16383 : i32
        %and3A_813 = vector.broadcast %and3A_812 : i32 to vector<16xi32>
        %and3A_814 = arith.andi %add3A_811, %and3A_813 : vector<16xi32>
        %mul3A_815 = arith.constant 100 : i32
        %mul3A_816 = vector.broadcast %mul3A_815 : i32 to vector<16xi32>
        %mul3A_817 = arith.muli %and3A_814, %mul3A_816 : vector<16xi32>
        %add3A_818 = arith.addi %mul3A_817, %add3A_570 : vector<16xi32>
        %add3A_819 = arith.addi %add3A_487, %sub3A_686 : vector<16xi32>
        %add3A_820 = arith.addi %add3A_487, %all_reduce_population_count3A_675 : vector<16xi32>
        %add3A_821 = arith.addi %add3A_820, %sub3A_690 : vector<16xi32>
        %add3A_822 = arith.addi %add3A_820, %all_reduce_population_count3A_676 : vector<16xi32>
        %add3A_823 = arith.addi %add3A_822, %sub3A_694 : vector<16xi32>
        %add3A_824 = arith.addi %add3A_822, %all_reduce_population_count3A_677 : vector<16xi32>
        %add3A_825 = arith.addi %add3A_824, %sub3A_698 : vector<16xi32>
        %add3A_826 = arith.addi %add3A_824, %all_reduce_population_count3A_678 : vector<16xi32>
        %add3A_827 = arith.addi %add3A_826, %sub3A_702 : vector<16xi32>
        %add3A_828 = arith.addi %add3A_826, %all_reduce_population_count3A_679 : vector<16xi32>
        %add3A_829 = arith.addi %add3A_828, %sub3A_706 : vector<16xi32>
        %add3A_830 = arith.addi %add3A_828, %all_reduce_population_count3A_680 : vector<16xi32>
        %add3A_831 = arith.addi %add3A_830, %sub3A_710 : vector<16xi32>
        %add3A_832 = arith.addi %add3A_830, %all_reduce_population_count3A_681 : vector<16xi32>
        %add3A_833 = arith.addi %add3A_832, %sub3A_714 : vector<16xi32>
        %add3A_834 = arith.addi %add3A_832, %all_reduce_population_count3A_682 : vector<16xi32>
        %shift_right_arithmetic3A_835 = arith.constant 7 : i32
        %shift_right_arithmetic3A_836 = vector.broadcast %shift_right_arithmetic3A_835 : i32 to vector<16xi32>
        %shift_right_arithmetic3A_837 = arith.shrsi %add3A_819, %shift_right_arithmetic3A_836 : vector<16xi32>
        %and3A_838 = arith.constant 127 : i32
        %and3A_839 = vector.broadcast %and3A_838 : i32 to vector<16xi32>
        %and3A_840 = arith.andi %add3A_819, %and3A_839 : vector<16xi32>
        tpu.vector_store_idx %arg10[%shift_right_arithmetic3A_837, %and3A_840], %add3A_748 masked %gt3A_620 : memref<101x128xi32, #tpu.memory_space<vmem>>[vector<16xi32>, vector<16xi32>], vector<16xi32>, vector<16xi1>
        %mul3A_841 = arith.constant 128 : i32
        %mul3A_842 = arith.muli %add3A_200, %mul3A_841 : i32
        %add3A_843 = vector.broadcast %mul3A_842 : i32 to vector<16xi32>
        %add3A_844 = arith.addi %add3A_843, %add3A_570 : vector<16xi32>
        tpu.vector_store_idx %arg11[%add3A_819], %add3A_844 masked %gt3A_620 : memref<12928xi32, #tpu.memory_space<vmem>>[vector<16xi32>], vector<16xi32>, vector<16xi1>
        %shift_right_arithmetic3A_845 = arith.constant 7 : i32
        %shift_right_arithmetic3A_846 = vector.broadcast %shift_right_arithmetic3A_845 : i32 to vector<16xi32>
        %shift_right_arithmetic3A_847 = arith.shrsi %add3A_821, %shift_right_arithmetic3A_846 : vector<16xi32>
        %and3A_848 = arith.constant 127 : i32
        %and3A_849 = vector.broadcast %and3A_848 : i32 to vector<16xi32>
        %and3A_850 = arith.andi %add3A_821, %and3A_849 : vector<16xi32>
        tpu.vector_store_idx %arg10[%shift_right_arithmetic3A_847, %and3A_850], %add3A_758 masked %gt3A_622 : memref<101x128xi32, #tpu.memory_space<vmem>>[vector<16xi32>, vector<16xi32>], vector<16xi32>, vector<16xi1>
        %mul3A_851 = arith.constant 128 : i32
        %mul3A_852 = arith.muli %add3A_204, %mul3A_851 : i32
        %add3A_853 = vector.broadcast %mul3A_852 : i32 to vector<16xi32>
        %add3A_854 = arith.addi %add3A_853, %add3A_570 : vector<16xi32>
        tpu.vector_store_idx %arg11[%add3A_821], %add3A_854 masked %gt3A_622 : memref<12928xi32, #tpu.memory_space<vmem>>[vector<16xi32>], vector<16xi32>, vector<16xi1>
        %shift_right_arithmetic3A_855 = arith.constant 7 : i32
        %shift_right_arithmetic3A_856 = vector.broadcast %shift_right_arithmetic3A_855 : i32 to vector<16xi32>
        %shift_right_arithmetic3A_857 = arith.shrsi %add3A_823, %shift_right_arithmetic3A_856 : vector<16xi32>
        %and3A_858 = arith.constant 127 : i32
        %and3A_859 = vector.broadcast %and3A_858 : i32 to vector<16xi32>
        %and3A_860 = arith.andi %add3A_823, %and3A_859 : vector<16xi32>
        tpu.vector_store_idx %arg10[%shift_right_arithmetic3A_857, %and3A_860], %add3A_768 masked %gt3A_624 : memref<101x128xi32, #tpu.memory_space<vmem>>[vector<16xi32>, vector<16xi32>], vector<16xi32>, vector<16xi1>
        %mul3A_861 = arith.constant 128 : i32
        %mul3A_862 = arith.muli %add3A_208, %mul3A_861 : i32
        %add3A_863 = vector.broadcast %mul3A_862 : i32 to vector<16xi32>
        %add3A_864 = arith.addi %add3A_863, %add3A_570 : vector<16xi32>
        tpu.vector_store_idx %arg11[%add3A_823], %add3A_864 masked %gt3A_624 : memref<12928xi32, #tpu.memory_space<vmem>>[vector<16xi32>], vector<16xi32>, vector<16xi1>
        %shift_right_arithmetic3A_865 = arith.constant 7 : i32
        %shift_right_arithmetic3A_866 = vector.broadcast %shift_right_arithmetic3A_865 : i32 to vector<16xi32>
        %shift_right_arithmetic3A_867 = arith.shrsi %add3A_825, %shift_right_arithmetic3A_866 : vector<16xi32>
        %and3A_868 = arith.constant 127 : i32
        %and3A_869 = vector.broadcast %and3A_868 : i32 to vector<16xi32>
        %and3A_870 = arith.andi %add3A_825, %and3A_869 : vector<16xi32>
        tpu.vector_store_idx %arg10[%shift_right_arithmetic3A_867, %and3A_870], %add3A_778 masked %gt3A_626 : memref<101x128xi32, #tpu.memory_space<vmem>>[vector<16xi32>, vector<16xi32>], vector<16xi32>, vector<16xi1>
        %mul3A_871 = arith.constant 128 : i32
        %mul3A_872 = arith.muli %add3A_212, %mul3A_871 : i32
        %add3A_873 = vector.broadcast %mul3A_872 : i32 to vector<16xi32>
        %add3A_874 = arith.addi %add3A_873, %add3A_570 : vector<16xi32>
        tpu.vector_store_idx %arg11[%add3A_825], %add3A_874 masked %gt3A_626 : memref<12928xi32, #tpu.memory_space<vmem>>[vector<16xi32>], vector<16xi32>, vector<16xi1>
        %shift_right_arithmetic3A_875 = arith.constant 7 : i32
        %shift_right_arithmetic3A_876 = vector.broadcast %shift_right_arithmetic3A_875 : i32 to vector<16xi32>
        %shift_right_arithmetic3A_877 = arith.shrsi %add3A_827, %shift_right_arithmetic3A_876 : vector<16xi32>
        %and3A_878 = arith.constant 127 : i32
        %and3A_879 = vector.broadcast %and3A_878 : i32 to vector<16xi32>
        %and3A_880 = arith.andi %add3A_827, %and3A_879 : vector<16xi32>
        tpu.vector_store_idx %arg10[%shift_right_arithmetic3A_877, %and3A_880], %add3A_788 masked %gt3A_628 : memref<101x128xi32, #tpu.memory_space<vmem>>[vector<16xi32>, vector<16xi32>], vector<16xi32>, vector<16xi1>
        %mul3A_881 = arith.constant 128 : i32
        %mul3A_882 = arith.muli %add3A_216, %mul3A_881 : i32
        %add3A_883 = vector.broadcast %mul3A_882 : i32 to vector<16xi32>
        %add3A_884 = arith.addi %add3A_883, %add3A_570 : vector<16xi32>
        tpu.vector_store_idx %arg11[%add3A_827], %add3A_884 masked %gt3A_628 : memref<12928xi32, #tpu.memory_space<vmem>>[vector<16xi32>], vector<16xi32>, vector<16xi1>
        %shift_right_arithmetic3A_885 = arith.constant 7 : i32
        %shift_right_arithmetic3A_886 = vector.broadcast %shift_right_arithmetic3A_885 : i32 to vector<16xi32>
        %shift_right_arithmetic3A_887 = arith.shrsi %add3A_829, %shift_right_arithmetic3A_886 : vector<16xi32>
        %and3A_888 = arith.constant 127 : i32
        %and3A_889 = vector.broadcast %and3A_888 : i32 to vector<16xi32>
        %and3A_890 = arith.andi %add3A_829, %and3A_889 : vector<16xi32>
        tpu.vector_store_idx %arg10[%shift_right_arithmetic3A_887, %and3A_890], %add3A_798 masked %gt3A_630 : memref<101x128xi32, #tpu.memory_space<vmem>>[vector<16xi32>, vector<16xi32>], vector<16xi32>, vector<16xi1>
        %mul3A_891 = arith.constant 128 : i32
        %mul3A_892 = arith.muli %add3A_220, %mul3A_891 : i32
        %add3A_893 = vector.broadcast %mul3A_892 : i32 to vector<16xi32>
        %add3A_894 = arith.addi %add3A_893, %add3A_570 : vector<16xi32>
        tpu.vector_store_idx %arg11[%add3A_829], %add3A_894 masked %gt3A_630 : memref<12928xi32, #tpu.memory_space<vmem>>[vector<16xi32>], vector<16xi32>, vector<16xi1>
        %shift_right_arithmetic3A_895 = arith.constant 7 : i32
        %shift_right_arithmetic3A_896 = vector.broadcast %shift_right_arithmetic3A_895 : i32 to vector<16xi32>
        %shift_right_arithmetic3A_897 = arith.shrsi %add3A_831, %shift_right_arithmetic3A_896 : vector<16xi32>
        %and3A_898 = arith.constant 127 : i32
        %and3A_899 = vector.broadcast %and3A_898 : i32 to vector<16xi32>
        %and3A_900 = arith.andi %add3A_831, %and3A_899 : vector<16xi32>
        tpu.vector_store_idx %arg10[%shift_right_arithmetic3A_897, %and3A_900], %add3A_808 masked %gt3A_632 : memref<101x128xi32, #tpu.memory_space<vmem>>[vector<16xi32>, vector<16xi32>], vector<16xi32>, vector<16xi1>
        %mul3A_901 = arith.constant 128 : i32
        %mul3A_902 = arith.muli %add3A_224, %mul3A_901 : i32
        %add3A_903 = vector.broadcast %mul3A_902 : i32 to vector<16xi32>
        %add3A_904 = arith.addi %add3A_903, %add3A_570 : vector<16xi32>
        tpu.vector_store_idx %arg11[%add3A_831], %add3A_904 masked %gt3A_632 : memref<12928xi32, #tpu.memory_space<vmem>>[vector<16xi32>], vector<16xi32>, vector<16xi1>
        %shift_right_arithmetic3A_905 = arith.constant 7 : i32
        %shift_right_arithmetic3A_906 = vector.broadcast %shift_right_arithmetic3A_905 : i32 to vector<16xi32>
        %shift_right_arithmetic3A_907 = arith.shrsi %add3A_833, %shift_right_arithmetic3A_906 : vector<16xi32>
        %and3A_908 = arith.constant 127 : i32
        %and3A_909 = vector.broadcast %and3A_908 : i32 to vector<16xi32>
        %and3A_910 = arith.andi %add3A_833, %and3A_909 : vector<16xi32>
        tpu.vector_store_idx %arg10[%shift_right_arithmetic3A_907, %and3A_910], %add3A_818 masked %gt3A_634 : memref<101x128xi32, #tpu.memory_space<vmem>>[vector<16xi32>, vector<16xi32>], vector<16xi32>, vector<16xi1>
        %mul3A_911 = arith.constant 128 : i32
        %mul3A_912 = arith.muli %add3A_228, %mul3A_911 : i32
        %add3A_913 = vector.broadcast %mul3A_912 : i32 to vector<16xi32>
        %add3A_914 = arith.addi %add3A_913, %add3A_570 : vector<16xi32>
        tpu.vector_store_idx %arg11[%add3A_833], %add3A_914 masked %gt3A_634 : memref<12928xi32, #tpu.memory_space<vmem>>[vector<16xi32>], vector<16xi32>, vector<16xi1>
        %add3A_915 = arith.constant 32 : i32
        %add3A_916 = vector.broadcast %add3A_915 : i32 to vector<16xi32>
        %add3A_917 = arith.addi %add3A_916, %iota3A : vector<16xi32>
        %get3A_918 = arith.index_cast %add3A_200 : i32 to index
        %get3A_919 = arith.constant 32 : index
        %get3A_920 = tpu.vector_load %arg7[%get3A_918, %get3A_919] {strides = array<i32>} : memref<128x100xf32, #tpu.memory_space<vmem>>, vector<16xf32>,
        %get3A_921 = arith.index_cast %add3A_204 : i32 to index
        %get3A_922 = arith.constant 32 : index
        %get3A_923 = tpu.vector_load %arg7[%get3A_921, %get3A_922] {strides = array<i32>} : memref<128x100xf32, #tpu.memory_space<vmem>>, vector<16xf32>,
        %get3A_924 = arith.index_cast %add3A_208 : i32 to index
        %get3A_925 = arith.constant 32 : index
        %get3A_926 = tpu.vector_load %arg7[%get3A_924, %get3A_925] {strides = array<i32>} : memref<128x100xf32, #tpu.memory_space<vmem>>, vector<16xf32>,
        %get3A_927 = arith.index_cast %add3A_212 : i32 to index
        %get3A_928 = arith.constant 32 : index
        %get3A_929 = tpu.vector_load %arg7[%get3A_927, %get3A_928] {strides = array<i32>} : memref<128x100xf32, #tpu.memory_space<vmem>>, vector<16xf32>,
        %get3A_930 = arith.index_cast %add3A_216 : i32 to index
        %get3A_931 = arith.constant 32 : index
        %get3A_932 = tpu.vector_load %arg7[%get3A_930, %get3A_931] {strides = array<i32>} : memref<128x100xf32, #tpu.memory_space<vmem>>, vector<16xf32>,
        %get3A_933 = arith.index_cast %add3A_220 : i32 to index
        %get3A_934 = arith.constant 32 : index
        %get3A_935 = tpu.vector_load %arg7[%get3A_933, %get3A_934] {strides = array<i32>} : memref<128x100xf32, #tpu.memory_space<vmem>>, vector<16xf32>,
        %get3A_936 = arith.index_cast %add3A_224 : i32 to index
        %get3A_937 = arith.constant 32 : index
        %get3A_938 = tpu.vector_load %arg7[%get3A_936, %get3A_937] {strides = array<i32>} : memref<128x100xf32, #tpu.memory_space<vmem>>, vector<16xf32>,
        %get3A_939 = arith.index_cast %add3A_228 : i32 to index
        %get3A_940 = arith.constant 32 : index
        %get3A_941 = tpu.vector_load %arg7[%get3A_939, %get3A_940] {strides = array<i32>} : memref<128x100xf32, #tpu.memory_space<vmem>>, vector<16xf32>,
        %get3A_942 = arith.index_cast %add3A_200 : i32 to index
        %get3A_943 = arith.constant 32 : index
        %get3A_944 = tpu.vector_load %arg8[%get3A_942, %get3A_943] {strides = array<i32>} : memref<128x100xf32, #tpu.memory_space<vmem>>, vector<16xf32>,
        %get3A_945 = arith.index_cast %add3A_204 : i32 to index
        %get3A_946 = arith.constant 32 : index
        %get3A_947 = tpu.vector_load %arg8[%get3A_945, %get3A_946] {strides = array<i32>} : memref<128x100xf32, #tpu.memory_space<vmem>>, vector<16xf32>,
        %get3A_948 = arith.index_cast %add3A_208 : i32 to index
        %get3A_949 = arith.constant 32 : index
        %get3A_950 = tpu.vector_load %arg8[%get3A_948, %get3A_949] {strides = array<i32>} : memref<128x100xf32, #tpu.memory_space<vmem>>, vector<16xf32>,
        %get3A_951 = arith.index_cast %add3A_212 : i32 to index
        %get3A_952 = arith.constant 32 : index
        %get3A_953 = tpu.vector_load %arg8[%get3A_951, %get3A_952] {strides = array<i32>} : memref<128x100xf32, #tpu.memory_space<vmem>>, vector<16xf32>,
        %get3A_954 = arith.index_cast %add3A_216 : i32 to index
        %get3A_955 = arith.constant 32 : index
        %get3A_956 = tpu.vector_load %arg8[%get3A_954, %get3A_955] {strides = array<i32>} : memref<128x100xf32, #tpu.memory_space<vmem>>, vector<16xf32>,
        %get3A_957 = arith.index_cast %add3A_220 : i32 to index
        %get3A_958 = arith.constant 32 : index
        %get3A_959 = tpu.vector_load %arg8[%get3A_957, %get3A_958] {strides = array<i32>} : memref<128x100xf32, #tpu.memory_space<vmem>>, vector<16xf32>,
        %get3A_960 = arith.index_cast %add3A_224 : i32 to index
        %get3A_961 = arith.constant 32 : index
        %get3A_962 = tpu.vector_load %arg8[%get3A_960, %get3A_961] {strides = array<i32>} : memref<128x100xf32, #tpu.memory_space<vmem>>, vector<16xf32>,
        %get3A_963 = arith.index_cast %add3A_228 : i32 to index
        %get3A_964 = arith.constant 32 : index
        %get3A_965 = tpu.vector_load %arg8[%get3A_963, %get3A_964] {strides = array<i32>} : memref<128x100xf32, #tpu.memory_space<vmem>>, vector<16xf32>,
        %gt3A_966 = vector.broadcast %scan3A_6 : f32 to vector<16xf32>
        %gt3A_967 = arith.cmpf ogt, %get3A_920, %gt3A_966 : vector<16xf32>
        %gt3A_968 = vector.broadcast %scan3A_6 : f32 to vector<16xf32>
        %gt3A_969 = arith.cmpf ogt, %get3A_923, %gt3A_968 : vector<16xf32>
        %gt3A_970 = vector.broadcast %scan3A_6 : f32 to vector<16xf32>
        %gt3A_971 = arith.cmpf ogt, %get3A_926, %gt3A_970 : vector<16xf32>
        %gt3A_972 = vector.broadcast %scan3A_6 : f32 to vector<16xf32>
        %gt3A_973 = arith.cmpf ogt, %get3A_929, %gt3A_972 : vector<16xf32>
        %gt3A_974 = vector.broadcast %scan3A_6 : f32 to vector<16xf32>
        %gt3A_975 = arith.cmpf ogt, %get3A_932, %gt3A_974 : vector<16xf32>
        %gt3A_976 = vector.broadcast %scan3A_6 : f32 to vector<16xf32>
        %gt3A_977 = arith.cmpf ogt, %get3A_935, %gt3A_976 : vector<16xf32>
        %gt3A_978 = vector.broadcast %scan3A_6 : f32 to vector<16xf32>
        %gt3A_979 = arith.cmpf ogt, %get3A_938, %gt3A_978 : vector<16xf32>
        %gt3A_980 = vector.broadcast %scan3A_6 : f32 to vector<16xf32>
        %gt3A_981 = arith.cmpf ogt, %get3A_941, %gt3A_980 : vector<16xf32>
        %jit3A_982 = arith.constant 1 : i32
        %jit3A_983 = arith.constant 0 : i32
        %broadcast_in_dim3A_984 = vector.broadcast %jit3A_982 : i32 to vector<16xi32>
        %broadcast_in_dim3A_985 = vector.broadcast %jit3A_983 : i32 to vector<16xi32>
        %select_n3A_986 = arith.select %gt3A_967, %broadcast_in_dim3A_984, %broadcast_in_dim3A_985 : vector<16xi1>, vector<16xi32>
        %jit3A_987 = arith.constant 1 : i32
        %jit3A_988 = arith.constant 0 : i32
        %broadcast_in_dim3A_989 = vector.broadcast %jit3A_987 : i32 to vector<16xi32>
        %broadcast_in_dim3A_990 = vector.broadcast %jit3A_988 : i32 to vector<16xi32>
        %select_n3A_991 = arith.select %gt3A_969, %broadcast_in_dim3A_989, %broadcast_in_dim3A_990 : vector<16xi1>, vector<16xi32>
        %jit3A_992 = arith.constant 1 : i32
        %jit3A_993 = arith.constant 0 : i32
        %broadcast_in_dim3A_994 = vector.broadcast %jit3A_992 : i32 to vector<16xi32>
        %broadcast_in_dim3A_995 = vector.broadcast %jit3A_993 : i32 to vector<16xi32>
        %select_n3A_996 = arith.select %gt3A_971, %broadcast_in_dim3A_994, %broadcast_in_dim3A_995 : vector<16xi1>, vector<16xi32>
        %jit3A_997 = arith.constant 1 : i32
        %jit3A_998 = arith.constant 0 : i32
        %broadcast_in_dim3A_999 = vector.broadcast %jit3A_997 : i32 to vector<16xi32>
        %broadcast_in_dim3A_1000 = vector.broadcast %jit3A_998 : i32 to vector<16xi32>
        %select_n3A_1001 = arith.select %gt3A_973, %broadcast_in_dim3A_999, %broadcast_in_dim3A_1000 : vector<16xi1>, vector<16xi32>
        %jit3A_1002 = arith.constant 1 : i32
        %jit3A_1003 = arith.constant 0 : i32
        %broadcast_in_dim3A_1004 = vector.broadcast %jit3A_1002 : i32 to vector<16xi32>
        %broadcast_in_dim3A_1005 = vector.broadcast %jit3A_1003 : i32 to vector<16xi32>
        %select_n3A_1006 = arith.select %gt3A_975, %broadcast_in_dim3A_1004, %broadcast_in_dim3A_1005 : vector<16xi1>, vector<16xi32>
        %jit3A_1007 = arith.constant 1 : i32
        %jit3A_1008 = arith.constant 0 : i32
        %broadcast_in_dim3A_1009 = vector.broadcast %jit3A_1007 : i32 to vector<16xi32>
        %broadcast_in_dim3A_1010 = vector.broadcast %jit3A_1008 : i32 to vector<16xi32>
        %select_n3A_1011 = arith.select %gt3A_977, %broadcast_in_dim3A_1009, %broadcast_in_dim3A_1010 : vector<16xi1>, vector<16xi32>
        %jit3A_1012 = arith.constant 1 : i32
        %jit3A_1013 = arith.constant 0 : i32
        %broadcast_in_dim3A_1014 = vector.broadcast %jit3A_1012 : i32 to vector<16xi32>
        %broadcast_in_dim3A_1015 = vector.broadcast %jit3A_1013 : i32 to vector<16xi32>
        %select_n3A_1016 = arith.select %gt3A_979, %broadcast_in_dim3A_1014, %broadcast_in_dim3A_1015 : vector<16xi1>, vector<16xi32>
        %jit3A_1017 = arith.constant 1 : i32
        %jit3A_1018 = arith.constant 0 : i32
        %broadcast_in_dim3A_1019 = vector.broadcast %jit3A_1017 : i32 to vector<16xi32>
        %broadcast_in_dim3A_1020 = vector.broadcast %jit3A_1018 : i32 to vector<16xi32>
        %select_n3A_1021 = arith.select %gt3A_981, %broadcast_in_dim3A_1019, %broadcast_in_dim3A_1020 : vector<16xi1>, vector<16xi32>
        %all_reduce_population_count3A_1022 = tpu.all_reduce %gt3A_967 {dim = 0 : i64, kind = #tpu.reduction_kind<sum>} : vector<16xi1> -> vector<16xi32>
        %all_reduce_population_count3A_1023 = tpu.all_reduce %gt3A_969 {dim = 0 : i64, kind = #tpu.reduction_kind<sum>} : vector<16xi1> -> vector<16xi32>
        %all_reduce_population_count3A_1024 = tpu.all_reduce %gt3A_971 {dim = 0 : i64, kind = #tpu.reduction_kind<sum>} : vector<16xi1> -> vector<16xi32>
        %all_reduce_population_count3A_1025 = tpu.all_reduce %gt3A_973 {dim = 0 : i64, kind = #tpu.reduction_kind<sum>} : vector<16xi1> -> vector<16xi32>
        %all_reduce_population_count3A_1026 = tpu.all_reduce %gt3A_975 {dim = 0 : i64, kind = #tpu.reduction_kind<sum>} : vector<16xi1> -> vector<16xi32>
        %all_reduce_population_count3A_1027 = tpu.all_reduce %gt3A_977 {dim = 0 : i64, kind = #tpu.reduction_kind<sum>} : vector<16xi1> -> vector<16xi32>
        %all_reduce_population_count3A_1028 = tpu.all_reduce %gt3A_979 {dim = 0 : i64, kind = #tpu.reduction_kind<sum>} : vector<16xi1> -> vector<16xi32>
        %all_reduce_population_count3A_1029 = tpu.all_reduce %gt3A_981 {dim = 0 : i64, kind = #tpu.reduction_kind<sum>} : vector<16xi1> -> vector<16xi32>
        %broadcast_in_dim3A_1030 = arith.constant true
        %broadcast_in_dim3A_1031 = vector.broadcast %broadcast_in_dim3A_1030 : i1 to vector<16xi1>
        %masked_cumsum3A_1032 = tpu.scan <sum>, %select_n3A_986 masked %broadcast_in_dim3A_1031 : vector<16xi32>, vector<16xi1> -> vector<16xi32>
        %sub3A_1033 = arith.subi %masked_cumsum3A_1032, %select_n3A_986 : vector<16xi32>
        %broadcast_in_dim3A_1034 = arith.constant true
        %broadcast_in_dim3A_1035 = vector.broadcast %broadcast_in_dim3A_1034 : i1 to vector<16xi1>
        %masked_cumsum3A_1036 = tpu.scan <sum>, %select_n3A_991 masked %broadcast_in_dim3A_1035 : vector<16xi32>, vector<16xi1> -> vector<16xi32>
        %sub3A_1037 = arith.subi %masked_cumsum3A_1036, %select_n3A_991 : vector<16xi32>
        %broadcast_in_dim3A_1038 = arith.constant true
        %broadcast_in_dim3A_1039 = vector.broadcast %broadcast_in_dim3A_1038 : i1 to vector<16xi1>
        %masked_cumsum3A_1040 = tpu.scan <sum>, %select_n3A_996 masked %broadcast_in_dim3A_1039 : vector<16xi32>, vector<16xi1> -> vector<16xi32>
        %sub3A_1041 = arith.subi %masked_cumsum3A_1040, %select_n3A_996 : vector<16xi32>
        %broadcast_in_dim3A_1042 = arith.constant true
        %broadcast_in_dim3A_1043 = vector.broadcast %broadcast_in_dim3A_1042 : i1 to vector<16xi1>
        %masked_cumsum3A_1044 = tpu.scan <sum>, %select_n3A_1001 masked %broadcast_in_dim3A_1043 : vector<16xi32>, vector<16xi1> -> vector<16xi32>
        %sub3A_1045 = arith.subi %masked_cumsum3A_1044, %select_n3A_1001 : vector<16xi32>
        %broadcast_in_dim3A_1046 = arith.constant true
        %broadcast_in_dim3A_1047 = vector.broadcast %broadcast_in_dim3A_1046 : i1 to vector<16xi1>
        %masked_cumsum3A_1048 = tpu.scan <sum>, %select_n3A_1006 masked %broadcast_in_dim3A_1047 : vector<16xi32>, vector<16xi1> -> vector<16xi32>
        %sub3A_1049 = arith.subi %masked_cumsum3A_1048, %select_n3A_1006 : vector<16xi32>
        %broadcast_in_dim3A_1050 = arith.constant true
        %broadcast_in_dim3A_1051 = vector.broadcast %broadcast_in_dim3A_1050 : i1 to vector<16xi1>
        %masked_cumsum3A_1052 = tpu.scan <sum>, %select_n3A_1011 masked %broadcast_in_dim3A_1051 : vector<16xi32>, vector<16xi1> -> vector<16xi32>
        %sub3A_1053 = arith.subi %masked_cumsum3A_1052, %select_n3A_1011 : vector<16xi32>
        %broadcast_in_dim3A_1054 = arith.constant true
        %broadcast_in_dim3A_1055 = vector.broadcast %broadcast_in_dim3A_1054 : i1 to vector<16xi1>
        %masked_cumsum3A_1056 = tpu.scan <sum>, %select_n3A_1016 masked %broadcast_in_dim3A_1055 : vector<16xi32>, vector<16xi1> -> vector<16xi32>
        %sub3A_1057 = arith.subi %masked_cumsum3A_1056, %select_n3A_1016 : vector<16xi32>
        %broadcast_in_dim3A_1058 = arith.constant true
        %broadcast_in_dim3A_1059 = vector.broadcast %broadcast_in_dim3A_1058 : i1 to vector<16xi1>
        %masked_cumsum3A_1060 = tpu.scan <sum>, %select_n3A_1021 masked %broadcast_in_dim3A_1059 : vector<16xi32>, vector<16xi1> -> vector<16xi32>
        %sub3A_1061 = arith.subi %masked_cumsum3A_1060, %select_n3A_1021 : vector<16xi32>
        %mul3A_1062 = vector.broadcast %scan3A_7 : f32 to vector<16xf32>
        %mul3A_1063 = arith.mulf %get3A_944, %mul3A_1062 : vector<16xf32>
        %convert_element_type3A_1064 = arith.fptosi %mul3A_1063 : vector<16xf32> to vector<16xi32>
        %mul3A_1065 = vector.broadcast %scan3A_7 : f32 to vector<16xf32>
        %mul3A_1066 = arith.mulf %get3A_947, %mul3A_1065 : vector<16xf32>
        %convert_element_type3A_1067 = arith.fptosi %mul3A_1066 : vector<16xf32> to vector<16xi32>
        %mul3A_1068 = vector.broadcast %scan3A_7 : f32 to vector<16xf32>
        %mul3A_1069 = arith.mulf %get3A_950, %mul3A_1068 : vector<16xf32>
        %convert_element_type3A_1070 = arith.fptosi %mul3A_1069 : vector<16xf32> to vector<16xi32>
        %mul3A_1071 = vector.broadcast %scan3A_7 : f32 to vector<16xf32>
        %mul3A_1072 = arith.mulf %get3A_953, %mul3A_1071 : vector<16xf32>
        %convert_element_type3A_1073 = arith.fptosi %mul3A_1072 : vector<16xf32> to vector<16xi32>
        %mul3A_1074 = vector.broadcast %scan3A_7 : f32 to vector<16xf32>
        %mul3A_1075 = arith.mulf %get3A_956, %mul3A_1074 : vector<16xf32>
        %convert_element_type3A_1076 = arith.fptosi %mul3A_1075 : vector<16xf32> to vector<16xi32>
        %mul3A_1077 = vector.broadcast %scan3A_7 : f32 to vector<16xf32>
        %mul3A_1078 = arith.mulf %get3A_959, %mul3A_1077 : vector<16xf32>
        %convert_element_type3A_1079 = arith.fptosi %mul3A_1078 : vector<16xf32> to vector<16xi32>
        %mul3A_1080 = vector.broadcast %scan3A_7 : f32 to vector<16xf32>
        %mul3A_1081 = arith.mulf %get3A_962, %mul3A_1080 : vector<16xf32>
        %convert_element_type3A_1082 = arith.fptosi %mul3A_1081 : vector<16xf32> to vector<16xi32>
        %mul3A_1083 = vector.broadcast %scan3A_7 : f32 to vector<16xf32>
        %mul3A_1084 = arith.mulf %get3A_965, %mul3A_1083 : vector<16xf32>
        %convert_element_type3A_1085 = arith.fptosi %mul3A_1084 : vector<16xf32> to vector<16xi32>
        %add3A_1086 = arith.addi %multiple_of3A, %add3A_200 : i32
        %add3A_1087 = vector.broadcast %add3A_1086 : i32 to vector<16xi32>
        %add3A_1088 = arith.addi %add3A_1087, %convert_element_type3A_1064 : vector<16xi32>
        %and3A_1089 = arith.constant 16383 : i32
        %and3A_1090 = vector.broadcast %and3A_1089 : i32 to vector<16xi32>
        %and3A_1091 = arith.andi %add3A_1088, %and3A_1090 : vector<16xi32>
        %mul3A_1092 = arith.constant 100 : i32
        %mul3A_1093 = vector.broadcast %mul3A_1092 : i32 to vector<16xi32>
        %mul3A_1094 = arith.muli %and3A_1091, %mul3A_1093 : vector<16xi32>
        %add3A_1095 = arith.addi %mul3A_1094, %add3A_917 : vector<16xi32>
        %add3A_1096 = arith.addi %multiple_of3A, %add3A_204 : i32
        %add3A_1097 = vector.broadcast %add3A_1096 : i32 to vector<16xi32>
        %add3A_1098 = arith.addi %add3A_1097, %convert_element_type3A_1067 : vector<16xi32>
        %and3A_1099 = arith.constant 16383 : i32
        %and3A_1100 = vector.broadcast %and3A_1099 : i32 to vector<16xi32>
        %and3A_1101 = arith.andi %add3A_1098, %and3A_1100 : vector<16xi32>
        %mul3A_1102 = arith.constant 100 : i32
        %mul3A_1103 = vector.broadcast %mul3A_1102 : i32 to vector<16xi32>
        %mul3A_1104 = arith.muli %and3A_1101, %mul3A_1103 : vector<16xi32>
        %add3A_1105 = arith.addi %mul3A_1104, %add3A_917 : vector<16xi32>
        %add3A_1106 = arith.addi %multiple_of3A, %add3A_208 : i32
        %add3A_1107 = vector.broadcast %add3A_1106 : i32 to vector<16xi32>
        %add3A_1108 = arith.addi %add3A_1107, %convert_element_type3A_1070 : vector<16xi32>
        %and3A_1109 = arith.constant 16383 : i32
        %and3A_1110 = vector.broadcast %and3A_1109 : i32 to vector<16xi32>
        %and3A_1111 = arith.andi %add3A_1108, %and3A_1110 : vector<16xi32>
        %mul3A_1112 = arith.constant 100 : i32
        %mul3A_1113 = vector.broadcast %mul3A_1112 : i32 to vector<16xi32>
        %mul3A_1114 = arith.muli %and3A_1111, %mul3A_1113 : vector<16xi32>
        %add3A_1115 = arith.addi %mul3A_1114, %add3A_917 : vector<16xi32>
        %add3A_1116 = arith.addi %multiple_of3A, %add3A_212 : i32
        %add3A_1117 = vector.broadcast %add3A_1116 : i32 to vector<16xi32>
        %add3A_1118 = arith.addi %add3A_1117, %convert_element_type3A_1073 : vector<16xi32>
        %and3A_1119 = arith.constant 16383 : i32
        %and3A_1120 = vector.broadcast %and3A_1119 : i32 to vector<16xi32>
        %and3A_1121 = arith.andi %add3A_1118, %and3A_1120 : vector<16xi32>
        %mul3A_1122 = arith.constant 100 : i32
        %mul3A_1123 = vector.broadcast %mul3A_1122 : i32 to vector<16xi32>
        %mul3A_1124 = arith.muli %and3A_1121, %mul3A_1123 : vector<16xi32>
        %add3A_1125 = arith.addi %mul3A_1124, %add3A_917 : vector<16xi32>
        %add3A_1126 = arith.addi %multiple_of3A, %add3A_216 : i32
        %add3A_1127 = vector.broadcast %add3A_1126 : i32 to vector<16xi32>
        %add3A_1128 = arith.addi %add3A_1127, %convert_element_type3A_1076 : vector<16xi32>
        %and3A_1129 = arith.constant 16383 : i32
        %and3A_1130 = vector.broadcast %and3A_1129 : i32 to vector<16xi32>
        %and3A_1131 = arith.andi %add3A_1128, %and3A_1130 : vector<16xi32>
        %mul3A_1132 = arith.constant 100 : i32
        %mul3A_1133 = vector.broadcast %mul3A_1132 : i32 to vector<16xi32>
        %mul3A_1134 = arith.muli %and3A_1131, %mul3A_1133 : vector<16xi32>
        %add3A_1135 = arith.addi %mul3A_1134, %add3A_917 : vector<16xi32>
        %add3A_1136 = arith.addi %multiple_of3A, %add3A_220 : i32
        %add3A_1137 = vector.broadcast %add3A_1136 : i32 to vector<16xi32>
        %add3A_1138 = arith.addi %add3A_1137, %convert_element_type3A_1079 : vector<16xi32>
        %and3A_1139 = arith.constant 16383 : i32
        %and3A_1140 = vector.broadcast %and3A_1139 : i32 to vector<16xi32>
        %and3A_1141 = arith.andi %add3A_1138, %and3A_1140 : vector<16xi32>
        %mul3A_1142 = arith.constant 100 : i32
        %mul3A_1143 = vector.broadcast %mul3A_1142 : i32 to vector<16xi32>
        %mul3A_1144 = arith.muli %and3A_1141, %mul3A_1143 : vector<16xi32>
        %add3A_1145 = arith.addi %mul3A_1144, %add3A_917 : vector<16xi32>
        %add3A_1146 = arith.addi %multiple_of3A, %add3A_224 : i32
        %add3A_1147 = vector.broadcast %add3A_1146 : i32 to vector<16xi32>
        %add3A_1148 = arith.addi %add3A_1147, %convert_element_type3A_1082 : vector<16xi32>
        %and3A_1149 = arith.constant 16383 : i32
        %and3A_1150 = vector.broadcast %and3A_1149 : i32 to vector<16xi32>
        %and3A_1151 = arith.andi %add3A_1148, %and3A_1150 : vector<16xi32>
        %mul3A_1152 = arith.constant 100 : i32
        %mul3A_1153 = vector.broadcast %mul3A_1152 : i32 to vector<16xi32>
        %mul3A_1154 = arith.muli %and3A_1151, %mul3A_1153 : vector<16xi32>
        %add3A_1155 = arith.addi %mul3A_1154, %add3A_917 : vector<16xi32>
        %add3A_1156 = arith.addi %multiple_of3A, %add3A_228 : i32
        %add3A_1157 = vector.broadcast %add3A_1156 : i32 to vector<16xi32>
        %add3A_1158 = arith.addi %add3A_1157, %convert_element_type3A_1085 : vector<16xi32>
        %and3A_1159 = arith.constant 16383 : i32
        %and3A_1160 = vector.broadcast %and3A_1159 : i32 to vector<16xi32>
        %and3A_1161 = arith.andi %add3A_1158, %and3A_1160 : vector<16xi32>
        %mul3A_1162 = arith.constant 100 : i32
        %mul3A_1163 = vector.broadcast %mul3A_1162 : i32 to vector<16xi32>
        %mul3A_1164 = arith.muli %and3A_1161, %mul3A_1163 : vector<16xi32>
        %add3A_1165 = arith.addi %mul3A_1164, %add3A_917 : vector<16xi32>
        %add3A_1166 = arith.addi %add3A_834, %sub3A_1033 : vector<16xi32>
        %add3A_1167 = arith.addi %add3A_834, %all_reduce_population_count3A_1022 : vector<16xi32>
        %add3A_1168 = arith.addi %add3A_1167, %sub3A_1037 : vector<16xi32>
        %add3A_1169 = arith.addi %add3A_1167, %all_reduce_population_count3A_1023 : vector<16xi32>
        %add3A_1170 = arith.addi %add3A_1169, %sub3A_1041 : vector<16xi32>
        %add3A_1171 = arith.addi %add3A_1169, %all_reduce_population_count3A_1024 : vector<16xi32>
        %add3A_1172 = arith.addi %add3A_1171, %sub3A_1045 : vector<16xi32>
        %add3A_1173 = arith.addi %add3A_1171, %all_reduce_population_count3A_1025 : vector<16xi32>
        %add3A_1174 = arith.addi %add3A_1173, %sub3A_1049 : vector<16xi32>
        %add3A_1175 = arith.addi %add3A_1173, %all_reduce_population_count3A_1026 : vector<16xi32>
        %add3A_1176 = arith.addi %add3A_1175, %sub3A_1053 : vector<16xi32>
        %add3A_1177 = arith.addi %add3A_1175, %all_reduce_population_count3A_1027 : vector<16xi32>
        %add3A_1178 = arith.addi %add3A_1177, %sub3A_1057 : vector<16xi32>
        %add3A_1179 = arith.addi %add3A_1177, %all_reduce_population_count3A_1028 : vector<16xi32>
        %add3A_1180 = arith.addi %add3A_1179, %sub3A_1061 : vector<16xi32>
        %add3A_1181 = arith.addi %add3A_1179, %all_reduce_population_count3A_1029 : vector<16xi32>
        %shift_right_arithmetic3A_1182 = arith.constant 7 : i32
        %shift_right_arithmetic3A_1183 = vector.broadcast %shift_right_arithmetic3A_1182 : i32 to vector<16xi32>
        %shift_right_arithmetic3A_1184 = arith.shrsi %add3A_1166, %shift_right_arithmetic3A_1183 : vector<16xi32>
        %and3A_1185 = arith.constant 127 : i32
        %and3A_1186 = vector.broadcast %and3A_1185 : i32 to vector<16xi32>
        %and3A_1187 = arith.andi %add3A_1166, %and3A_1186 : vector<16xi32>
        tpu.vector_store_idx %arg10[%shift_right_arithmetic3A_1184, %and3A_1187], %add3A_1095 masked %gt3A_967 : memref<101x128xi32, #tpu.memory_space<vmem>>[vector<16xi32>, vector<16xi32>], vector<16xi32>, vector<16xi1>
        %mul3A_1188 = arith.constant 128 : i32
        %mul3A_1189 = arith.muli %add3A_200, %mul3A_1188 : i32
        %add3A_1190 = vector.broadcast %mul3A_1189 : i32 to vector<16xi32>
        %add3A_1191 = arith.addi %add3A_1190, %add3A_917 : vector<16xi32>
        tpu.vector_store_idx %arg11[%add3A_1166], %add3A_1191 masked %gt3A_967 : memref<12928xi32, #tpu.memory_space<vmem>>[vector<16xi32>], vector<16xi32>, vector<16xi1>
        %shift_right_arithmetic3A_1192 = arith.constant 7 : i32
        %shift_right_arithmetic3A_1193 = vector.broadcast %shift_right_arithmetic3A_1192 : i32 to vector<16xi32>
        %shift_right_arithmetic3A_1194 = arith.shrsi %add3A_1168, %shift_right_arithmetic3A_1193 : vector<16xi32>
        %and3A_1195 = arith.constant 127 : i32
        %and3A_1196 = vector.broadcast %and3A_1195 : i32 to vector<16xi32>
        %and3A_1197 = arith.andi %add3A_1168, %and3A_1196 : vector<16xi32>
        tpu.vector_store_idx %arg10[%shift_right_arithmetic3A_1194, %and3A_1197], %add3A_1105 masked %gt3A_969 : memref<101x128xi32, #tpu.memory_space<vmem>>[vector<16xi32>, vector<16xi32>], vector<16xi32>, vector<16xi1>
        %mul3A_1198 = arith.constant 128 : i32
        %mul3A_1199 = arith.muli %add3A_204, %mul3A_1198 : i32
        %add3A_1200 = vector.broadcast %mul3A_1199 : i32 to vector<16xi32>
        %add3A_1201 = arith.addi %add3A_1200, %add3A_917 : vector<16xi32>
        tpu.vector_store_idx %arg11[%add3A_1168], %add3A_1201 masked %gt3A_969 : memref<12928xi32, #tpu.memory_space<vmem>>[vector<16xi32>], vector<16xi32>, vector<16xi1>
        %shift_right_arithmetic3A_1202 = arith.constant 7 : i32
        %shift_right_arithmetic3A_1203 = vector.broadcast %shift_right_arithmetic3A_1202 : i32 to vector<16xi32>
        %shift_right_arithmetic3A_1204 = arith.shrsi %add3A_1170, %shift_right_arithmetic3A_1203 : vector<16xi32>
        %and3A_1205 = arith.constant 127 : i32
        %and3A_1206 = vector.broadcast %and3A_1205 : i32 to vector<16xi32>
        %and3A_1207 = arith.andi %add3A_1170, %and3A_1206 : vector<16xi32>
        tpu.vector_store_idx %arg10[%shift_right_arithmetic3A_1204, %and3A_1207], %add3A_1115 masked %gt3A_971 : memref<101x128xi32, #tpu.memory_space<vmem>>[vector<16xi32>, vector<16xi32>], vector<16xi32>, vector<16xi1>
        %mul3A_1208 = arith.constant 128 : i32
        %mul3A_1209 = arith.muli %add3A_208, %mul3A_1208 : i32
        %add3A_1210 = vector.broadcast %mul3A_1209 : i32 to vector<16xi32>
        %add3A_1211 = arith.addi %add3A_1210, %add3A_917 : vector<16xi32>
        tpu.vector_store_idx %arg11[%add3A_1170], %add3A_1211 masked %gt3A_971 : memref<12928xi32, #tpu.memory_space<vmem>>[vector<16xi32>], vector<16xi32>, vector<16xi1>
        %shift_right_arithmetic3A_1212 = arith.constant 7 : i32
        %shift_right_arithmetic3A_1213 = vector.broadcast %shift_right_arithmetic3A_1212 : i32 to vector<16xi32>
        %shift_right_arithmetic3A_1214 = arith.shrsi %add3A_1172, %shift_right_arithmetic3A_1213 : vector<16xi32>
        %and3A_1215 = arith.constant 127 : i32
        %and3A_1216 = vector.broadcast %and3A_1215 : i32 to vector<16xi32>
        %and3A_1217 = arith.andi %add3A_1172, %and3A_1216 : vector<16xi32>
        tpu.vector_store_idx %arg10[%shift_right_arithmetic3A_1214, %and3A_1217], %add3A_1125 masked %gt3A_973 : memref<101x128xi32, #tpu.memory_space<vmem>>[vector<16xi32>, vector<16xi32>], vector<16xi32>, vector<16xi1>
        %mul3A_1218 = arith.constant 128 : i32
        %mul3A_1219 = arith.muli %add3A_212, %mul3A_1218 : i32
        %add3A_1220 = vector.broadcast %mul3A_1219 : i32 to vector<16xi32>
        %add3A_1221 = arith.addi %add3A_1220, %add3A_917 : vector<16xi32>
        tpu.vector_store_idx %arg11[%add3A_1172], %add3A_1221 masked %gt3A_973 : memref<12928xi32, #tpu.memory_space<vmem>>[vector<16xi32>], vector<16xi32>, vector<16xi1>
        %shift_right_arithmetic3A_1222 = arith.constant 7 : i32
        %shift_right_arithmetic3A_1223 = vector.broadcast %shift_right_arithmetic3A_1222 : i32 to vector<16xi32>
        %shift_right_arithmetic3A_1224 = arith.shrsi %add3A_1174, %shift_right_arithmetic3A_1223 : vector<16xi32>
        %and3A_1225 = arith.constant 127 : i32
        %and3A_1226 = vector.broadcast %and3A_1225 : i32 to vector<16xi32>
        %and3A_1227 = arith.andi %add3A_1174, %and3A_1226 : vector<16xi32>
        tpu.vector_store_idx %arg10[%shift_right_arithmetic3A_1224, %and3A_1227], %add3A_1135 masked %gt3A_975 : memref<101x128xi32, #tpu.memory_space<vmem>>[vector<16xi32>, vector<16xi32>], vector<16xi32>, vector<16xi1>
        %mul3A_1228 = arith.constant 128 : i32
        %mul3A_1229 = arith.muli %add3A_216, %mul3A_1228 : i32
        %add3A_1230 = vector.broadcast %mul3A_1229 : i32 to vector<16xi32>
        %add3A_1231 = arith.addi %add3A_1230, %add3A_917 : vector<16xi32>
        tpu.vector_store_idx %arg11[%add3A_1174], %add3A_1231 masked %gt3A_975 : memref<12928xi32, #tpu.memory_space<vmem>>[vector<16xi32>], vector<16xi32>, vector<16xi1>
        %shift_right_arithmetic3A_1232 = arith.constant 7 : i32
        %shift_right_arithmetic3A_1233 = vector.broadcast %shift_right_arithmetic3A_1232 : i32 to vector<16xi32>
        %shift_right_arithmetic3A_1234 = arith.shrsi %add3A_1176, %shift_right_arithmetic3A_1233 : vector<16xi32>
        %and3A_1235 = arith.constant 127 : i32
        %and3A_1236 = vector.broadcast %and3A_1235 : i32 to vector<16xi32>
        %and3A_1237 = arith.andi %add3A_1176, %and3A_1236 : vector<16xi32>
        tpu.vector_store_idx %arg10[%shift_right_arithmetic3A_1234, %and3A_1237], %add3A_1145 masked %gt3A_977 : memref<101x128xi32, #tpu.memory_space<vmem>>[vector<16xi32>, vector<16xi32>], vector<16xi32>, vector<16xi1>
        %mul3A_1238 = arith.constant 128 : i32
        %mul3A_1239 = arith.muli %add3A_220, %mul3A_1238 : i32
        %add3A_1240 = vector.broadcast %mul3A_1239 : i32 to vector<16xi32>
        %add3A_1241 = arith.addi %add3A_1240, %add3A_917 : vector<16xi32>
        tpu.vector_store_idx %arg11[%add3A_1176], %add3A_1241 masked %gt3A_977 : memref<12928xi32, #tpu.memory_space<vmem>>[vector<16xi32>], vector<16xi32>, vector<16xi1>
        %shift_right_arithmetic3A_1242 = arith.constant 7 : i32
        %shift_right_arithmetic3A_1243 = vector.broadcast %shift_right_arithmetic3A_1242 : i32 to vector<16xi32>
        %shift_right_arithmetic3A_1244 = arith.shrsi %add3A_1178, %shift_right_arithmetic3A_1243 : vector<16xi32>
        %and3A_1245 = arith.constant 127 : i32
        %and3A_1246 = vector.broadcast %and3A_1245 : i32 to vector<16xi32>
        %and3A_1247 = arith.andi %add3A_1178, %and3A_1246 : vector<16xi32>
        tpu.vector_store_idx %arg10[%shift_right_arithmetic3A_1244, %and3A_1247], %add3A_1155 masked %gt3A_979 : memref<101x128xi32, #tpu.memory_space<vmem>>[vector<16xi32>, vector<16xi32>], vector<16xi32>, vector<16xi1>
        %mul3A_1248 = arith.constant 128 : i32
        %mul3A_1249 = arith.muli %add3A_224, %mul3A_1248 : i32
        %add3A_1250 = vector.broadcast %mul3A_1249 : i32 to vector<16xi32>
        %add3A_1251 = arith.addi %add3A_1250, %add3A_917 : vector<16xi32>
        tpu.vector_store_idx %arg11[%add3A_1178], %add3A_1251 masked %gt3A_979 : memref<12928xi32, #tpu.memory_space<vmem>>[vector<16xi32>], vector<16xi32>, vector<16xi1>
        %shift_right_arithmetic3A_1252 = arith.constant 7 : i32
        %shift_right_arithmetic3A_1253 = vector.broadcast %shift_right_arithmetic3A_1252 : i32 to vector<16xi32>
        %shift_right_arithmetic3A_1254 = arith.shrsi %add3A_1180, %shift_right_arithmetic3A_1253 : vector<16xi32>
        %and3A_1255 = arith.constant 127 : i32
        %and3A_1256 = vector.broadcast %and3A_1255 : i32 to vector<16xi32>
        %and3A_1257 = arith.andi %add3A_1180, %and3A_1256 : vector<16xi32>
        tpu.vector_store_idx %arg10[%shift_right_arithmetic3A_1254, %and3A_1257], %add3A_1165 masked %gt3A_981 : memref<101x128xi32, #tpu.memory_space<vmem>>[vector<16xi32>, vector<16xi32>], vector<16xi32>, vector<16xi1>
        %mul3A_1258 = arith.constant 128 : i32
        %mul3A_1259 = arith.muli %add3A_228, %mul3A_1258 : i32
        %add3A_1260 = vector.broadcast %mul3A_1259 : i32 to vector<16xi32>
        %add3A_1261 = arith.addi %add3A_1260, %add3A_917 : vector<16xi32>
        tpu.vector_store_idx %arg11[%add3A_1180], %add3A_1261 masked %gt3A_981 : memref<12928xi32, #tpu.memory_space<vmem>>[vector<16xi32>], vector<16xi32>, vector<16xi1>
        %add3A_1262 = arith.constant 48 : i32
        %add3A_1263 = vector.broadcast %add3A_1262 : i32 to vector<16xi32>
        %add3A_1264 = arith.addi %add3A_1263, %iota3A : vector<16xi32>
        %get3A_1265 = arith.index_cast %add3A_200 : i32 to index
        %get3A_1266 = arith.constant 48 : index
        %get3A_1267 = tpu.vector_load %arg7[%get3A_1265, %get3A_1266] {strides = array<i32>} : memref<128x100xf32, #tpu.memory_space<vmem>>, vector<16xf32>,
        %get3A_1268 = arith.index_cast %add3A_204 : i32 to index
        %get3A_1269 = arith.constant 48 : index
        %get3A_1270 = tpu.vector_load %arg7[%get3A_1268, %get3A_1269] {strides = array<i32>} : memref<128x100xf32, #tpu.memory_space<vmem>>, vector<16xf32>,
        %get3A_1271 = arith.index_cast %add3A_208 : i32 to index
        %get3A_1272 = arith.constant 48 : index
        %get3A_1273 = tpu.vector_load %arg7[%get3A_1271, %get3A_1272] {strides = array<i32>} : memref<128x100xf32, #tpu.memory_space<vmem>>, vector<16xf32>,
        %get3A_1274 = arith.index_cast %add3A_212 : i32 to index
        %get3A_1275 = arith.constant 48 : index
        %get3A_1276 = tpu.vector_load %arg7[%get3A_1274, %get3A_1275] {strides = array<i32>} : memref<128x100xf32, #tpu.memory_space<vmem>>, vector<16xf32>,
        %get3A_1277 = arith.index_cast %add3A_216 : i32 to index
        %get3A_1278 = arith.constant 48 : index
        %get3A_1279 = tpu.vector_load %arg7[%get3A_1277, %get3A_1278] {strides = array<i32>} : memref<128x100xf32, #tpu.memory_space<vmem>>, vector<16xf32>,
        %get3A_1280 = arith.index_cast %add3A_220 : i32 to index
        %get3A_1281 = arith.constant 48 : index
        %get3A_1282 = tpu.vector_load %arg7[%get3A_1280, %get3A_1281] {strides = array<i32>} : memref<128x100xf32, #tpu.memory_space<vmem>>, vector<16xf32>,
        %get3A_1283 = arith.index_cast %add3A_224 : i32 to index
        %get3A_1284 = arith.constant 48 : index
        %get3A_1285 = tpu.vector_load %arg7[%get3A_1283, %get3A_1284] {strides = array<i32>} : memref<128x100xf32, #tpu.memory_space<vmem>>, vector<16xf32>,
        %get3A_1286 = arith.index_cast %add3A_228 : i32 to index
        %get3A_1287 = arith.constant 48 : index
        %get3A_1288 = tpu.vector_load %arg7[%get3A_1286, %get3A_1287] {strides = array<i32>} : memref<128x100xf32, #tpu.memory_space<vmem>>, vector<16xf32>,
        %get3A_1289 = arith.index_cast %add3A_200 : i32 to index
        %get3A_1290 = arith.constant 48 : index
        %get3A_1291 = tpu.vector_load %arg8[%get3A_1289, %get3A_1290] {strides = array<i32>} : memref<128x100xf32, #tpu.memory_space<vmem>>, vector<16xf32>,
        %get3A_1292 = arith.index_cast %add3A_204 : i32 to index
        %get3A_1293 = arith.constant 48 : index
        %get3A_1294 = tpu.vector_load %arg8[%get3A_1292, %get3A_1293] {strides = array<i32>} : memref<128x100xf32, #tpu.memory_space<vmem>>, vector<16xf32>,
        %get3A_1295 = arith.index_cast %add3A_208 : i32 to index
        %get3A_1296 = arith.constant 48 : index
        %get3A_1297 = tpu.vector_load %arg8[%get3A_1295, %get3A_1296] {strides = array<i32>} : memref<128x100xf32, #tpu.memory_space<vmem>>, vector<16xf32>,
        %get3A_1298 = arith.index_cast %add3A_212 : i32 to index
        %get3A_1299 = arith.constant 48 : index
        %get3A_1300 = tpu.vector_load %arg8[%get3A_1298, %get3A_1299] {strides = array<i32>} : memref<128x100xf32, #tpu.memory_space<vmem>>, vector<16xf32>,
        %get3A_1301 = arith.index_cast %add3A_216 : i32 to index
        %get3A_1302 = arith.constant 48 : index
        %get3A_1303 = tpu.vector_load %arg8[%get3A_1301, %get3A_1302] {strides = array<i32>} : memref<128x100xf32, #tpu.memory_space<vmem>>, vector<16xf32>,
        %get3A_1304 = arith.index_cast %add3A_220 : i32 to index
        %get3A_1305 = arith.constant 48 : index
        %get3A_1306 = tpu.vector_load %arg8[%get3A_1304, %get3A_1305] {strides = array<i32>} : memref<128x100xf32, #tpu.memory_space<vmem>>, vector<16xf32>,
        %get3A_1307 = arith.index_cast %add3A_224 : i32 to index
        %get3A_1308 = arith.constant 48 : index
        %get3A_1309 = tpu.vector_load %arg8[%get3A_1307, %get3A_1308] {strides = array<i32>} : memref<128x100xf32, #tpu.memory_space<vmem>>, vector<16xf32>,
        %get3A_1310 = arith.index_cast %add3A_228 : i32 to index
        %get3A_1311 = arith.constant 48 : index
        %get3A_1312 = tpu.vector_load %arg8[%get3A_1310, %get3A_1311] {strides = array<i32>} : memref<128x100xf32, #tpu.memory_space<vmem>>, vector<16xf32>,
        %gt3A_1313 = vector.broadcast %scan3A_6 : f32 to vector<16xf32>
        %gt3A_1314 = arith.cmpf ogt, %get3A_1267, %gt3A_1313 : vector<16xf32>
        %gt3A_1315 = vector.broadcast %scan3A_6 : f32 to vector<16xf32>
        %gt3A_1316 = arith.cmpf ogt, %get3A_1270, %gt3A_1315 : vector<16xf32>
        %gt3A_1317 = vector.broadcast %scan3A_6 : f32 to vector<16xf32>
        %gt3A_1318 = arith.cmpf ogt, %get3A_1273, %gt3A_1317 : vector<16xf32>
        %gt3A_1319 = vector.broadcast %scan3A_6 : f32 to vector<16xf32>
        %gt3A_1320 = arith.cmpf ogt, %get3A_1276, %gt3A_1319 : vector<16xf32>
        %gt3A_1321 = vector.broadcast %scan3A_6 : f32 to vector<16xf32>
        %gt3A_1322 = arith.cmpf ogt, %get3A_1279, %gt3A_1321 : vector<16xf32>
        %gt3A_1323 = vector.broadcast %scan3A_6 : f32 to vector<16xf32>
        %gt3A_1324 = arith.cmpf ogt, %get3A_1282, %gt3A_1323 : vector<16xf32>
        %gt3A_1325 = vector.broadcast %scan3A_6 : f32 to vector<16xf32>
        %gt3A_1326 = arith.cmpf ogt, %get3A_1285, %gt3A_1325 : vector<16xf32>
        %gt3A_1327 = vector.broadcast %scan3A_6 : f32 to vector<16xf32>
        %gt3A_1328 = arith.cmpf ogt, %get3A_1288, %gt3A_1327 : vector<16xf32>
        %jit3A_1329 = arith.constant 1 : i32
        %jit3A_1330 = arith.constant 0 : i32
        %broadcast_in_dim3A_1331 = vector.broadcast %jit3A_1329 : i32 to vector<16xi32>
        %broadcast_in_dim3A_1332 = vector.broadcast %jit3A_1330 : i32 to vector<16xi32>
        %select_n3A_1333 = arith.select %gt3A_1314, %broadcast_in_dim3A_1331, %broadcast_in_dim3A_1332 : vector<16xi1>, vector<16xi32>
        %jit3A_1334 = arith.constant 1 : i32
        %jit3A_1335 = arith.constant 0 : i32
        %broadcast_in_dim3A_1336 = vector.broadcast %jit3A_1334 : i32 to vector<16xi32>
        %broadcast_in_dim3A_1337 = vector.broadcast %jit3A_1335 : i32 to vector<16xi32>
        %select_n3A_1338 = arith.select %gt3A_1316, %broadcast_in_dim3A_1336, %broadcast_in_dim3A_1337 : vector<16xi1>, vector<16xi32>
        %jit3A_1339 = arith.constant 1 : i32
        %jit3A_1340 = arith.constant 0 : i32
        %broadcast_in_dim3A_1341 = vector.broadcast %jit3A_1339 : i32 to vector<16xi32>
        %broadcast_in_dim3A_1342 = vector.broadcast %jit3A_1340 : i32 to vector<16xi32>
        %select_n3A_1343 = arith.select %gt3A_1318, %broadcast_in_dim3A_1341, %broadcast_in_dim3A_1342 : vector<16xi1>, vector<16xi32>
        %jit3A_1344 = arith.constant 1 : i32
        %jit3A_1345 = arith.constant 0 : i32
        %broadcast_in_dim3A_1346 = vector.broadcast %jit3A_1344 : i32 to vector<16xi32>
        %broadcast_in_dim3A_1347 = vector.broadcast %jit3A_1345 : i32 to vector<16xi32>
        %select_n3A_1348 = arith.select %gt3A_1320, %broadcast_in_dim3A_1346, %broadcast_in_dim3A_1347 : vector<16xi1>, vector<16xi32>
        %jit3A_1349 = arith.constant 1 : i32
        %jit3A_1350 = arith.constant 0 : i32
        %broadcast_in_dim3A_1351 = vector.broadcast %jit3A_1349 : i32 to vector<16xi32>
        %broadcast_in_dim3A_1352 = vector.broadcast %jit3A_1350 : i32 to vector<16xi32>
        %select_n3A_1353 = arith.select %gt3A_1322, %broadcast_in_dim3A_1351, %broadcast_in_dim3A_1352 : vector<16xi1>, vector<16xi32>
        %jit3A_1354 = arith.constant 1 : i32
        %jit3A_1355 = arith.constant 0 : i32
        %broadcast_in_dim3A_1356 = vector.broadcast %jit3A_1354 : i32 to vector<16xi32>
        %broadcast_in_dim3A_1357 = vector.broadcast %jit3A_1355 : i32 to vector<16xi32>
        %select_n3A_1358 = arith.select %gt3A_1324, %broadcast_in_dim3A_1356, %broadcast_in_dim3A_1357 : vector<16xi1>, vector<16xi32>
        %jit3A_1359 = arith.constant 1 : i32
        %jit3A_1360 = arith.constant 0 : i32
        %broadcast_in_dim3A_1361 = vector.broadcast %jit3A_1359 : i32 to vector<16xi32>
        %broadcast_in_dim3A_1362 = vector.broadcast %jit3A_1360 : i32 to vector<16xi32>
        %select_n3A_1363 = arith.select %gt3A_1326, %broadcast_in_dim3A_1361, %broadcast_in_dim3A_1362 : vector<16xi1>, vector<16xi32>
        %jit3A_1364 = arith.constant 1 : i32
        %jit3A_1365 = arith.constant 0 : i32
        %broadcast_in_dim3A_1366 = vector.broadcast %jit3A_1364 : i32 to vector<16xi32>
        %broadcast_in_dim3A_1367 = vector.broadcast %jit3A_1365 : i32 to vector<16xi32>
        %select_n3A_1368 = arith.select %gt3A_1328, %broadcast_in_dim3A_1366, %broadcast_in_dim3A_1367 : vector<16xi1>, vector<16xi32>
        %all_reduce_population_count3A_1369 = tpu.all_reduce %gt3A_1314 {dim = 0 : i64, kind = #tpu.reduction_kind<sum>} : vector<16xi1> -> vector<16xi32>
        %all_reduce_population_count3A_1370 = tpu.all_reduce %gt3A_1316 {dim = 0 : i64, kind = #tpu.reduction_kind<sum>} : vector<16xi1> -> vector<16xi32>
        %all_reduce_population_count3A_1371 = tpu.all_reduce %gt3A_1318 {dim = 0 : i64, kind = #tpu.reduction_kind<sum>} : vector<16xi1> -> vector<16xi32>
        %all_reduce_population_count3A_1372 = tpu.all_reduce %gt3A_1320 {dim = 0 : i64, kind = #tpu.reduction_kind<sum>} : vector<16xi1> -> vector<16xi32>
        %all_reduce_population_count3A_1373 = tpu.all_reduce %gt3A_1322 {dim = 0 : i64, kind = #tpu.reduction_kind<sum>} : vector<16xi1> -> vector<16xi32>
        %all_reduce_population_count3A_1374 = tpu.all_reduce %gt3A_1324 {dim = 0 : i64, kind = #tpu.reduction_kind<sum>} : vector<16xi1> -> vector<16xi32>
        %all_reduce_population_count3A_1375 = tpu.all_reduce %gt3A_1326 {dim = 0 : i64, kind = #tpu.reduction_kind<sum>} : vector<16xi1> -> vector<16xi32>
        %all_reduce_population_count3A_1376 = tpu.all_reduce %gt3A_1328 {dim = 0 : i64, kind = #tpu.reduction_kind<sum>} : vector<16xi1> -> vector<16xi32>
        %broadcast_in_dim3A_1377 = arith.constant true
        %broadcast_in_dim3A_1378 = vector.broadcast %broadcast_in_dim3A_1377 : i1 to vector<16xi1>
        %masked_cumsum3A_1379 = tpu.scan <sum>, %select_n3A_1333 masked %broadcast_in_dim3A_1378 : vector<16xi32>, vector<16xi1> -> vector<16xi32>
        %sub3A_1380 = arith.subi %masked_cumsum3A_1379, %select_n3A_1333 : vector<16xi32>
        %broadcast_in_dim3A_1381 = arith.constant true
        %broadcast_in_dim3A_1382 = vector.broadcast %broadcast_in_dim3A_1381 : i1 to vector<16xi1>
        %masked_cumsum3A_1383 = tpu.scan <sum>, %select_n3A_1338 masked %broadcast_in_dim3A_1382 : vector<16xi32>, vector<16xi1> -> vector<16xi32>
        %sub3A_1384 = arith.subi %masked_cumsum3A_1383, %select_n3A_1338 : vector<16xi32>
        %broadcast_in_dim3A_1385 = arith.constant true
        %broadcast_in_dim3A_1386 = vector.broadcast %broadcast_in_dim3A_1385 : i1 to vector<16xi1>
        %masked_cumsum3A_1387 = tpu.scan <sum>, %select_n3A_1343 masked %broadcast_in_dim3A_1386 : vector<16xi32>, vector<16xi1> -> vector<16xi32>
        %sub3A_1388 = arith.subi %masked_cumsum3A_1387, %select_n3A_1343 : vector<16xi32>
        %broadcast_in_dim3A_1389 = arith.constant true
        %broadcast_in_dim3A_1390 = vector.broadcast %broadcast_in_dim3A_1389 : i1 to vector<16xi1>
        %masked_cumsum3A_1391 = tpu.scan <sum>, %select_n3A_1348 masked %broadcast_in_dim3A_1390 : vector<16xi32>, vector<16xi1> -> vector<16xi32>
        %sub3A_1392 = arith.subi %masked_cumsum3A_1391, %select_n3A_1348 : vector<16xi32>
        %broadcast_in_dim3A_1393 = arith.constant true
        %broadcast_in_dim3A_1394 = vector.broadcast %broadcast_in_dim3A_1393 : i1 to vector<16xi1>
        %masked_cumsum3A_1395 = tpu.scan <sum>, %select_n3A_1353 masked %broadcast_in_dim3A_1394 : vector<16xi32>, vector<16xi1> -> vector<16xi32>
        %sub3A_1396 = arith.subi %masked_cumsum3A_1395, %select_n3A_1353 : vector<16xi32>
        %broadcast_in_dim3A_1397 = arith.constant true
        %broadcast_in_dim3A_1398 = vector.broadcast %broadcast_in_dim3A_1397 : i1 to vector<16xi1>
        %masked_cumsum3A_1399 = tpu.scan <sum>, %select_n3A_1358 masked %broadcast_in_dim3A_1398 : vector<16xi32>, vector<16xi1> -> vector<16xi32>
        %sub3A_1400 = arith.subi %masked_cumsum3A_1399, %select_n3A_1358 : vector<16xi32>
        %broadcast_in_dim3A_1401 = arith.constant true
        %broadcast_in_dim3A_1402 = vector.broadcast %broadcast_in_dim3A_1401 : i1 to vector<16xi1>
        %masked_cumsum3A_1403 = tpu.scan <sum>, %select_n3A_1363 masked %broadcast_in_dim3A_1402 : vector<16xi32>, vector<16xi1> -> vector<16xi32>
        %sub3A_1404 = arith.subi %masked_cumsum3A_1403, %select_n3A_1363 : vector<16xi32>
        %broadcast_in_dim3A_1405 = arith.constant true
        %broadcast_in_dim3A_1406 = vector.broadcast %broadcast_in_dim3A_1405 : i1 to vector<16xi1>
        %masked_cumsum3A_1407 = tpu.scan <sum>, %select_n3A_1368 masked %broadcast_in_dim3A_1406 : vector<16xi32>, vector<16xi1> -> vector<16xi32>
        %sub3A_1408 = arith.subi %masked_cumsum3A_1407, %select_n3A_1368 : vector<16xi32>
        %mul3A_1409 = vector.broadcast %scan3A_7 : f32 to vector<16xf32>
        %mul3A_1410 = arith.mulf %get3A_1291, %mul3A_1409 : vector<16xf32>
        %convert_element_type3A_1411 = arith.fptosi %mul3A_1410 : vector<16xf32> to vector<16xi32>
        %mul3A_1412 = vector.broadcast %scan3A_7 : f32 to vector<16xf32>
        %mul3A_1413 = arith.mulf %get3A_1294, %mul3A_1412 : vector<16xf32>
        %convert_element_type3A_1414 = arith.fptosi %mul3A_1413 : vector<16xf32> to vector<16xi32>
        %mul3A_1415 = vector.broadcast %scan3A_7 : f32 to vector<16xf32>
        %mul3A_1416 = arith.mulf %get3A_1297, %mul3A_1415 : vector<16xf32>
        %convert_element_type3A_1417 = arith.fptosi %mul3A_1416 : vector<16xf32> to vector<16xi32>
        %mul3A_1418 = vector.broadcast %scan3A_7 : f32 to vector<16xf32>
        %mul3A_1419 = arith.mulf %get3A_1300, %mul3A_1418 : vector<16xf32>
        %convert_element_type3A_1420 = arith.fptosi %mul3A_1419 : vector<16xf32> to vector<16xi32>
        %mul3A_1421 = vector.broadcast %scan3A_7 : f32 to vector<16xf32>
        %mul3A_1422 = arith.mulf %get3A_1303, %mul3A_1421 : vector<16xf32>
        %convert_element_type3A_1423 = arith.fptosi %mul3A_1422 : vector<16xf32> to vector<16xi32>
        %mul3A_1424 = vector.broadcast %scan3A_7 : f32 to vector<16xf32>
        %mul3A_1425 = arith.mulf %get3A_1306, %mul3A_1424 : vector<16xf32>
        %convert_element_type3A_1426 = arith.fptosi %mul3A_1425 : vector<16xf32> to vector<16xi32>
        %mul3A_1427 = vector.broadcast %scan3A_7 : f32 to vector<16xf32>
        %mul3A_1428 = arith.mulf %get3A_1309, %mul3A_1427 : vector<16xf32>
        %convert_element_type3A_1429 = arith.fptosi %mul3A_1428 : vector<16xf32> to vector<16xi32>
        %mul3A_1430 = vector.broadcast %scan3A_7 : f32 to vector<16xf32>
        %mul3A_1431 = arith.mulf %get3A_1312, %mul3A_1430 : vector<16xf32>
        %convert_element_type3A_1432 = arith.fptosi %mul3A_1431 : vector<16xf32> to vector<16xi32>
        %add3A_1433 = arith.addi %multiple_of3A, %add3A_200 : i32
        %add3A_1434 = vector.broadcast %add3A_1433 : i32 to vector<16xi32>
        %add3A_1435 = arith.addi %add3A_1434, %convert_element_type3A_1411 : vector<16xi32>
        %and3A_1436 = arith.constant 16383 : i32
        %and3A_1437 = vector.broadcast %and3A_1436 : i32 to vector<16xi32>
        %and3A_1438 = arith.andi %add3A_1435, %and3A_1437 : vector<16xi32>
        %mul3A_1439 = arith.constant 100 : i32
        %mul3A_1440 = vector.broadcast %mul3A_1439 : i32 to vector<16xi32>
        %mul3A_1441 = arith.muli %and3A_1438, %mul3A_1440 : vector<16xi32>
        %add3A_1442 = arith.addi %mul3A_1441, %add3A_1264 : vector<16xi32>
        %add3A_1443 = arith.addi %multiple_of3A, %add3A_204 : i32
        %add3A_1444 = vector.broadcast %add3A_1443 : i32 to vector<16xi32>
        %add3A_1445 = arith.addi %add3A_1444, %convert_element_type3A_1414 : vector<16xi32>
        %and3A_1446 = arith.constant 16383 : i32
        %and3A_1447 = vector.broadcast %and3A_1446 : i32 to vector<16xi32>
        %and3A_1448 = arith.andi %add3A_1445, %and3A_1447 : vector<16xi32>
        %mul3A_1449 = arith.constant 100 : i32
        %mul3A_1450 = vector.broadcast %mul3A_1449 : i32 to vector<16xi32>
        %mul3A_1451 = arith.muli %and3A_1448, %mul3A_1450 : vector<16xi32>
        %add3A_1452 = arith.addi %mul3A_1451, %add3A_1264 : vector<16xi32>
        %add3A_1453 = arith.addi %multiple_of3A, %add3A_208 : i32
        %add3A_1454 = vector.broadcast %add3A_1453 : i32 to vector<16xi32>
        %add3A_1455 = arith.addi %add3A_1454, %convert_element_type3A_1417 : vector<16xi32>
        %and3A_1456 = arith.constant 16383 : i32
        %and3A_1457 = vector.broadcast %and3A_1456 : i32 to vector<16xi32>
        %and3A_1458 = arith.andi %add3A_1455, %and3A_1457 : vector<16xi32>
        %mul3A_1459 = arith.constant 100 : i32
        %mul3A_1460 = vector.broadcast %mul3A_1459 : i32 to vector<16xi32>
        %mul3A_1461 = arith.muli %and3A_1458, %mul3A_1460 : vector<16xi32>
        %add3A_1462 = arith.addi %mul3A_1461, %add3A_1264 : vector<16xi32>
        %add3A_1463 = arith.addi %multiple_of3A, %add3A_212 : i32
        %add3A_1464 = vector.broadcast %add3A_1463 : i32 to vector<16xi32>
        %add3A_1465 = arith.addi %add3A_1464, %convert_element_type3A_1420 : vector<16xi32>
        %and3A_1466 = arith.constant 16383 : i32
        %and3A_1467 = vector.broadcast %and3A_1466 : i32 to vector<16xi32>
        %and3A_1468 = arith.andi %add3A_1465, %and3A_1467 : vector<16xi32>
        %mul3A_1469 = arith.constant 100 : i32
        %mul3A_1470 = vector.broadcast %mul3A_1469 : i32 to vector<16xi32>
        %mul3A_1471 = arith.muli %and3A_1468, %mul3A_1470 : vector<16xi32>
        %add3A_1472 = arith.addi %mul3A_1471, %add3A_1264 : vector<16xi32>
        %add3A_1473 = arith.addi %multiple_of3A, %add3A_216 : i32
        %add3A_1474 = vector.broadcast %add3A_1473 : i32 to vector<16xi32>
        %add3A_1475 = arith.addi %add3A_1474, %convert_element_type3A_1423 : vector<16xi32>
        %and3A_1476 = arith.constant 16383 : i32
        %and3A_1477 = vector.broadcast %and3A_1476 : i32 to vector<16xi32>
        %and3A_1478 = arith.andi %add3A_1475, %and3A_1477 : vector<16xi32>
        %mul3A_1479 = arith.constant 100 : i32
        %mul3A_1480 = vector.broadcast %mul3A_1479 : i32 to vector<16xi32>
        %mul3A_1481 = arith.muli %and3A_1478, %mul3A_1480 : vector<16xi32>
        %add3A_1482 = arith.addi %mul3A_1481, %add3A_1264 : vector<16xi32>
        %add3A_1483 = arith.addi %multiple_of3A, %add3A_220 : i32
        %add3A_1484 = vector.broadcast %add3A_1483 : i32 to vector<16xi32>
        %add3A_1485 = arith.addi %add3A_1484, %convert_element_type3A_1426 : vector<16xi32>
        %and3A_1486 = arith.constant 16383 : i32
        %and3A_1487 = vector.broadcast %and3A_1486 : i32 to vector<16xi32>
        %and3A_1488 = arith.andi %add3A_1485, %and3A_1487 : vector<16xi32>
        %mul3A_1489 = arith.constant 100 : i32
        %mul3A_1490 = vector.broadcast %mul3A_1489 : i32 to vector<16xi32>
        %mul3A_1491 = arith.muli %and3A_1488, %mul3A_1490 : vector<16xi32>
        %add3A_1492 = arith.addi %mul3A_1491, %add3A_1264 : vector<16xi32>
        %add3A_1493 = arith.addi %multiple_of3A, %add3A_224 : i32
        %add3A_1494 = vector.broadcast %add3A_1493 : i32 to vector<16xi32>
        %add3A_1495 = arith.addi %add3A_1494, %convert_element_type3A_1429 : vector<16xi32>
        %and3A_1496 = arith.constant 16383 : i32
        %and3A_1497 = vector.broadcast %and3A_1496 : i32 to vector<16xi32>
        %and3A_1498 = arith.andi %add3A_1495, %and3A_1497 : vector<16xi32>
        %mul3A_1499 = arith.constant 100 : i32
        %mul3A_1500 = vector.broadcast %mul3A_1499 : i32 to vector<16xi32>
        %mul3A_1501 = arith.muli %and3A_1498, %mul3A_1500 : vector<16xi32>
        %add3A_1502 = arith.addi %mul3A_1501, %add3A_1264 : vector<16xi32>
        %add3A_1503 = arith.addi %multiple_of3A, %add3A_228 : i32
        %add3A_1504 = vector.broadcast %add3A_1503 : i32 to vector<16xi32>
        %add3A_1505 = arith.addi %add3A_1504, %convert_element_type3A_1432 : vector<16xi32>
        %and3A_1506 = arith.constant 16383 : i32
        %and3A_1507 = vector.broadcast %and3A_1506 : i32 to vector<16xi32>
        %and3A_1508 = arith.andi %add3A_1505, %and3A_1507 : vector<16xi32>
        %mul3A_1509 = arith.constant 100 : i32
        %mul3A_1510 = vector.broadcast %mul3A_1509 : i32 to vector<16xi32>
        %mul3A_1511 = arith.muli %and3A_1508, %mul3A_1510 : vector<16xi32>
        %add3A_1512 = arith.addi %mul3A_1511, %add3A_1264 : vector<16xi32>
        %add3A_1513 = arith.addi %add3A_1181, %sub3A_1380 : vector<16xi32>
        %add3A_1514 = arith.addi %add3A_1181, %all_reduce_population_count3A_1369 : vector<16xi32>
        %add3A_1515 = arith.addi %add3A_1514, %sub3A_1384 : vector<16xi32>
        %add3A_1516 = arith.addi %add3A_1514, %all_reduce_population_count3A_1370 : vector<16xi32>
        %add3A_1517 = arith.addi %add3A_1516, %sub3A_1388 : vector<16xi32>
        %add3A_1518 = arith.addi %add3A_1516, %all_reduce_population_count3A_1371 : vector<16xi32>
        %add3A_1519 = arith.addi %add3A_1518, %sub3A_1392 : vector<16xi32>
        %add3A_1520 = arith.addi %add3A_1518, %all_reduce_population_count3A_1372 : vector<16xi32>
        %add3A_1521 = arith.addi %add3A_1520, %sub3A_1396 : vector<16xi32>
        %add3A_1522 = arith.addi %add3A_1520, %all_reduce_population_count3A_1373 : vector<16xi32>
        %add3A_1523 = arith.addi %add3A_1522, %sub3A_1400 : vector<16xi32>
        %add3A_1524 = arith.addi %add3A_1522, %all_reduce_population_count3A_1374 : vector<16xi32>
        %add3A_1525 = arith.addi %add3A_1524, %sub3A_1404 : vector<16xi32>
        %add3A_1526 = arith.addi %add3A_1524, %all_reduce_population_count3A_1375 : vector<16xi32>
        %add3A_1527 = arith.addi %add3A_1526, %sub3A_1408 : vector<16xi32>
        %add3A_1528 = arith.addi %add3A_1526, %all_reduce_population_count3A_1376 : vector<16xi32>
        %shift_right_arithmetic3A_1529 = arith.constant 7 : i32
        %shift_right_arithmetic3A_1530 = vector.broadcast %shift_right_arithmetic3A_1529 : i32 to vector<16xi32>
        %shift_right_arithmetic3A_1531 = arith.shrsi %add3A_1513, %shift_right_arithmetic3A_1530 : vector<16xi32>
        %and3A_1532 = arith.constant 127 : i32
        %and3A_1533 = vector.broadcast %and3A_1532 : i32 to vector<16xi32>
        %and3A_1534 = arith.andi %add3A_1513, %and3A_1533 : vector<16xi32>
        tpu.vector_store_idx %arg10[%shift_right_arithmetic3A_1531, %and3A_1534], %add3A_1442 masked %gt3A_1314 : memref<101x128xi32, #tpu.memory_space<vmem>>[vector<16xi32>, vector<16xi32>], vector<16xi32>, vector<16xi1>
        %mul3A_1535 = arith.constant 128 : i32
        %mul3A_1536 = arith.muli %add3A_200, %mul3A_1535 : i32
        %add3A_1537 = vector.broadcast %mul3A_1536 : i32 to vector<16xi32>
        %add3A_1538 = arith.addi %add3A_1537, %add3A_1264 : vector<16xi32>
        tpu.vector_store_idx %arg11[%add3A_1513], %add3A_1538 masked %gt3A_1314 : memref<12928xi32, #tpu.memory_space<vmem>>[vector<16xi32>], vector<16xi32>, vector<16xi1>
        %shift_right_arithmetic3A_1539 = arith.constant 7 : i32
        %shift_right_arithmetic3A_1540 = vector.broadcast %shift_right_arithmetic3A_1539 : i32 to vector<16xi32>
        %shift_right_arithmetic3A_1541 = arith.shrsi %add3A_1515, %shift_right_arithmetic3A_1540 : vector<16xi32>
        %and3A_1542 = arith.constant 127 : i32
        %and3A_1543 = vector.broadcast %and3A_1542 : i32 to vector<16xi32>
        %and3A_1544 = arith.andi %add3A_1515, %and3A_1543 : vector<16xi32>
        tpu.vector_store_idx %arg10[%shift_right_arithmetic3A_1541, %and3A_1544], %add3A_1452 masked %gt3A_1316 : memref<101x128xi32, #tpu.memory_space<vmem>>[vector<16xi32>, vector<16xi32>], vector<16xi32>, vector<16xi1>
        %mul3A_1545 = arith.constant 128 : i32
        %mul3A_1546 = arith.muli %add3A_204, %mul3A_1545 : i32
        %add3A_1547 = vector.broadcast %mul3A_1546 : i32 to vector<16xi32>
        %add3A_1548 = arith.addi %add3A_1547, %add3A_1264 : vector<16xi32>
        tpu.vector_store_idx %arg11[%add3A_1515], %add3A_1548 masked %gt3A_1316 : memref<12928xi32, #tpu.memory_space<vmem>>[vector<16xi32>], vector<16xi32>, vector<16xi1>
        %shift_right_arithmetic3A_1549 = arith.constant 7 : i32
        %shift_right_arithmetic3A_1550 = vector.broadcast %shift_right_arithmetic3A_1549 : i32 to vector<16xi32>
        %shift_right_arithmetic3A_1551 = arith.shrsi %add3A_1517, %shift_right_arithmetic3A_1550 : vector<16xi32>
        %and3A_1552 = arith.constant 127 : i32
        %and3A_1553 = vector.broadcast %and3A_1552 : i32 to vector<16xi32>
        %and3A_1554 = arith.andi %add3A_1517, %and3A_1553 : vector<16xi32>
        tpu.vector_store_idx %arg10[%shift_right_arithmetic3A_1551, %and3A_1554], %add3A_1462 masked %gt3A_1318 : memref<101x128xi32, #tpu.memory_space<vmem>>[vector<16xi32>, vector<16xi32>], vector<16xi32>, vector<16xi1>
        %mul3A_1555 = arith.constant 128 : i32
        %mul3A_1556 = arith.muli %add3A_208, %mul3A_1555 : i32
        %add3A_1557 = vector.broadcast %mul3A_1556 : i32 to vector<16xi32>
        %add3A_1558 = arith.addi %add3A_1557, %add3A_1264 : vector<16xi32>
        tpu.vector_store_idx %arg11[%add3A_1517], %add3A_1558 masked %gt3A_1318 : memref<12928xi32, #tpu.memory_space<vmem>>[vector<16xi32>], vector<16xi32>, vector<16xi1>
        %shift_right_arithmetic3A_1559 = arith.constant 7 : i32
        %shift_right_arithmetic3A_1560 = vector.broadcast %shift_right_arithmetic3A_1559 : i32 to vector<16xi32>
        %shift_right_arithmetic3A_1561 = arith.shrsi %add3A_1519, %shift_right_arithmetic3A_1560 : vector<16xi32>
        %and3A_1562 = arith.constant 127 : i32
        %and3A_1563 = vector.broadcast %and3A_1562 : i32 to vector<16xi32>
        %and3A_1564 = arith.andi %add3A_1519, %and3A_1563 : vector<16xi32>
        tpu.vector_store_idx %arg10[%shift_right_arithmetic3A_1561, %and3A_1564], %add3A_1472 masked %gt3A_1320 : memref<101x128xi32, #tpu.memory_space<vmem>>[vector<16xi32>, vector<16xi32>], vector<16xi32>, vector<16xi1>
        %mul3A_1565 = arith.constant 128 : i32
        %mul3A_1566 = arith.muli %add3A_212, %mul3A_1565 : i32
        %add3A_1567 = vector.broadcast %mul3A_1566 : i32 to vector<16xi32>
        %add3A_1568 = arith.addi %add3A_1567, %add3A_1264 : vector<16xi32>
        tpu.vector_store_idx %arg11[%add3A_1519], %add3A_1568 masked %gt3A_1320 : memref<12928xi32, #tpu.memory_space<vmem>>[vector<16xi32>], vector<16xi32>, vector<16xi1>
        %shift_right_arithmetic3A_1569 = arith.constant 7 : i32
        %shift_right_arithmetic3A_1570 = vector.broadcast %shift_right_arithmetic3A_1569 : i32 to vector<16xi32>
        %shift_right_arithmetic3A_1571 = arith.shrsi %add3A_1521, %shift_right_arithmetic3A_1570 : vector<16xi32>
        %and3A_1572 = arith.constant 127 : i32
        %and3A_1573 = vector.broadcast %and3A_1572 : i32 to vector<16xi32>
        %and3A_1574 = arith.andi %add3A_1521, %and3A_1573 : vector<16xi32>
        tpu.vector_store_idx %arg10[%shift_right_arithmetic3A_1571, %and3A_1574], %add3A_1482 masked %gt3A_1322 : memref<101x128xi32, #tpu.memory_space<vmem>>[vector<16xi32>, vector<16xi32>], vector<16xi32>, vector<16xi1>
        %mul3A_1575 = arith.constant 128 : i32
        %mul3A_1576 = arith.muli %add3A_216, %mul3A_1575 : i32
        %add3A_1577 = vector.broadcast %mul3A_1576 : i32 to vector<16xi32>
        %add3A_1578 = arith.addi %add3A_1577, %add3A_1264 : vector<16xi32>
        tpu.vector_store_idx %arg11[%add3A_1521], %add3A_1578 masked %gt3A_1322 : memref<12928xi32, #tpu.memory_space<vmem>>[vector<16xi32>], vector<16xi32>, vector<16xi1>
        %shift_right_arithmetic3A_1579 = arith.constant 7 : i32
        %shift_right_arithmetic3A_1580 = vector.broadcast %shift_right_arithmetic3A_1579 : i32 to vector<16xi32>
        %shift_right_arithmetic3A_1581 = arith.shrsi %add3A_1523, %shift_right_arithmetic3A_1580 : vector<16xi32>
        %and3A_1582 = arith.constant 127 : i32
        %and3A_1583 = vector.broadcast %and3A_1582 : i32 to vector<16xi32>
        %and3A_1584 = arith.andi %add3A_1523, %and3A_1583 : vector<16xi32>
        tpu.vector_store_idx %arg10[%shift_right_arithmetic3A_1581, %and3A_1584], %add3A_1492 masked %gt3A_1324 : memref<101x128xi32, #tpu.memory_space<vmem>>[vector<16xi32>, vector<16xi32>], vector<16xi32>, vector<16xi1>
        %mul3A_1585 = arith.constant 128 : i32
        %mul3A_1586 = arith.muli %add3A_220, %mul3A_1585 : i32
        %add3A_1587 = vector.broadcast %mul3A_1586 : i32 to vector<16xi32>
        %add3A_1588 = arith.addi %add3A_1587, %add3A_1264 : vector<16xi32>
        tpu.vector_store_idx %arg11[%add3A_1523], %add3A_1588 masked %gt3A_1324 : memref<12928xi32, #tpu.memory_space<vmem>>[vector<16xi32>], vector<16xi32>, vector<16xi1>
        %shift_right_arithmetic3A_1589 = arith.constant 7 : i32
        %shift_right_arithmetic3A_1590 = vector.broadcast %shift_right_arithmetic3A_1589 : i32 to vector<16xi32>
        %shift_right_arithmetic3A_1591 = arith.shrsi %add3A_1525, %shift_right_arithmetic3A_1590 : vector<16xi32>
        %and3A_1592 = arith.constant 127 : i32
        %and3A_1593 = vector.broadcast %and3A_1592 : i32 to vector<16xi32>
        %and3A_1594 = arith.andi %add3A_1525, %and3A_1593 : vector<16xi32>
        tpu.vector_store_idx %arg10[%shift_right_arithmetic3A_1591, %and3A_1594], %add3A_1502 masked %gt3A_1326 : memref<101x128xi32, #tpu.memory_space<vmem>>[vector<16xi32>, vector<16xi32>], vector<16xi32>, vector<16xi1>
        %mul3A_1595 = arith.constant 128 : i32
        %mul3A_1596 = arith.muli %add3A_224, %mul3A_1595 : i32
        %add3A_1597 = vector.broadcast %mul3A_1596 : i32 to vector<16xi32>
        %add3A_1598 = arith.addi %add3A_1597, %add3A_1264 : vector<16xi32>
        tpu.vector_store_idx %arg11[%add3A_1525], %add3A_1598 masked %gt3A_1326 : memref<12928xi32, #tpu.memory_space<vmem>>[vector<16xi32>], vector<16xi32>, vector<16xi1>
        %shift_right_arithmetic3A_1599 = arith.constant 7 : i32
        %shift_right_arithmetic3A_1600 = vector.broadcast %shift_right_arithmetic3A_1599 : i32 to vector<16xi32>
        %shift_right_arithmetic3A_1601 = arith.shrsi %add3A_1527, %shift_right_arithmetic3A_1600 : vector<16xi32>
        %and3A_1602 = arith.constant 127 : i32
        %and3A_1603 = vector.broadcast %and3A_1602 : i32 to vector<16xi32>
        %and3A_1604 = arith.andi %add3A_1527, %and3A_1603 : vector<16xi32>
        tpu.vector_store_idx %arg10[%shift_right_arithmetic3A_1601, %and3A_1604], %add3A_1512 masked %gt3A_1328 : memref<101x128xi32, #tpu.memory_space<vmem>>[vector<16xi32>, vector<16xi32>], vector<16xi32>, vector<16xi1>
        %mul3A_1605 = arith.constant 128 : i32
        %mul3A_1606 = arith.muli %add3A_228, %mul3A_1605 : i32
        %add3A_1607 = vector.broadcast %mul3A_1606 : i32 to vector<16xi32>
        %add3A_1608 = arith.addi %add3A_1607, %add3A_1264 : vector<16xi32>
        tpu.vector_store_idx %arg11[%add3A_1527], %add3A_1608 masked %gt3A_1328 : memref<12928xi32, #tpu.memory_space<vmem>>[vector<16xi32>], vector<16xi32>, vector<16xi1>
        %add3A_1609 = arith.constant 64 : i32
        %add3A_1610 = vector.broadcast %add3A_1609 : i32 to vector<16xi32>
        %add3A_1611 = arith.addi %add3A_1610, %iota3A : vector<16xi32>
        %get3A_1612 = arith.index_cast %add3A_200 : i32 to index
        %get3A_1613 = arith.constant 64 : index
        %get3A_1614 = tpu.vector_load %arg7[%get3A_1612, %get3A_1613] {strides = array<i32>} : memref<128x100xf32, #tpu.memory_space<vmem>>, vector<16xf32>,
        %get3A_1615 = arith.index_cast %add3A_204 : i32 to index
        %get3A_1616 = arith.constant 64 : index
        %get3A_1617 = tpu.vector_load %arg7[%get3A_1615, %get3A_1616] {strides = array<i32>} : memref<128x100xf32, #tpu.memory_space<vmem>>, vector<16xf32>,
        %get3A_1618 = arith.index_cast %add3A_208 : i32 to index
        %get3A_1619 = arith.constant 64 : index
        %get3A_1620 = tpu.vector_load %arg7[%get3A_1618, %get3A_1619] {strides = array<i32>} : memref<128x100xf32, #tpu.memory_space<vmem>>, vector<16xf32>,
        %get3A_1621 = arith.index_cast %add3A_212 : i32 to index
        %get3A_1622 = arith.constant 64 : index
        %get3A_1623 = tpu.vector_load %arg7[%get3A_1621, %get3A_1622] {strides = array<i32>} : memref<128x100xf32, #tpu.memory_space<vmem>>, vector<16xf32>,
        %get3A_1624 = arith.index_cast %add3A_216 : i32 to index
        %get3A_1625 = arith.constant 64 : index
        %get3A_1626 = tpu.vector_load %arg7[%get3A_1624, %get3A_1625] {strides = array<i32>} : memref<128x100xf32, #tpu.memory_space<vmem>>, vector<16xf32>,
        %get3A_1627 = arith.index_cast %add3A_220 : i32 to index
        %get3A_1628 = arith.constant 64 : index
        %get3A_1629 = tpu.vector_load %arg7[%get3A_1627, %get3A_1628] {strides = array<i32>} : memref<128x100xf32, #tpu.memory_space<vmem>>, vector<16xf32>,
        %get3A_1630 = arith.index_cast %add3A_224 : i32 to index
        %get3A_1631 = arith.constant 64 : index
        %get3A_1632 = tpu.vector_load %arg7[%get3A_1630, %get3A_1631] {strides = array<i32>} : memref<128x100xf32, #tpu.memory_space<vmem>>, vector<16xf32>,
        %get3A_1633 = arith.index_cast %add3A_228 : i32 to index
        %get3A_1634 = arith.constant 64 : index
        %get3A_1635 = tpu.vector_load %arg7[%get3A_1633, %get3A_1634] {strides = array<i32>} : memref<128x100xf32, #tpu.memory_space<vmem>>, vector<16xf32>,
        %get3A_1636 = arith.index_cast %add3A_200 : i32 to index
        %get3A_1637 = arith.constant 64 : index
        %get3A_1638 = tpu.vector_load %arg8[%get3A_1636, %get3A_1637] {strides = array<i32>} : memref<128x100xf32, #tpu.memory_space<vmem>>, vector<16xf32>,
        %get3A_1639 = arith.index_cast %add3A_204 : i32 to index
        %get3A_1640 = arith.constant 64 : index
        %get3A_1641 = tpu.vector_load %arg8[%get3A_1639, %get3A_1640] {strides = array<i32>} : memref<128x100xf32, #tpu.memory_space<vmem>>, vector<16xf32>,
        %get3A_1642 = arith.index_cast %add3A_208 : i32 to index
        %get3A_1643 = arith.constant 64 : index
        %get3A_1644 = tpu.vector_load %arg8[%get3A_1642, %get3A_1643] {strides = array<i32>} : memref<128x100xf32, #tpu.memory_space<vmem>>, vector<16xf32>,
        %get3A_1645 = arith.index_cast %add3A_212 : i32 to index
        %get3A_1646 = arith.constant 64 : index
        %get3A_1647 = tpu.vector_load %arg8[%get3A_1645, %get3A_1646] {strides = array<i32>} : memref<128x100xf32, #tpu.memory_space<vmem>>, vector<16xf32>,
        %get3A_1648 = arith.index_cast %add3A_216 : i32 to index
        %get3A_1649 = arith.constant 64 : index
        %get3A_1650 = tpu.vector_load %arg8[%get3A_1648, %get3A_1649] {strides = array<i32>} : memref<128x100xf32, #tpu.memory_space<vmem>>, vector<16xf32>,
        %get3A_1651 = arith.index_cast %add3A_220 : i32 to index
        %get3A_1652 = arith.constant 64 : index
        %get3A_1653 = tpu.vector_load %arg8[%get3A_1651, %get3A_1652] {strides = array<i32>} : memref<128x100xf32, #tpu.memory_space<vmem>>, vector<16xf32>,
        %get3A_1654 = arith.index_cast %add3A_224 : i32 to index
        %get3A_1655 = arith.constant 64 : index
        %get3A_1656 = tpu.vector_load %arg8[%get3A_1654, %get3A_1655] {strides = array<i32>} : memref<128x100xf32, #tpu.memory_space<vmem>>, vector<16xf32>,
        %get3A_1657 = arith.index_cast %add3A_228 : i32 to index
        %get3A_1658 = arith.constant 64 : index
        %get3A_1659 = tpu.vector_load %arg8[%get3A_1657, %get3A_1658] {strides = array<i32>} : memref<128x100xf32, #tpu.memory_space<vmem>>, vector<16xf32>,
        %gt3A_1660 = vector.broadcast %scan3A_6 : f32 to vector<16xf32>
        %gt3A_1661 = arith.cmpf ogt, %get3A_1614, %gt3A_1660 : vector<16xf32>
        %gt3A_1662 = vector.broadcast %scan3A_6 : f32 to vector<16xf32>
        %gt3A_1663 = arith.cmpf ogt, %get3A_1617, %gt3A_1662 : vector<16xf32>
        %gt3A_1664 = vector.broadcast %scan3A_6 : f32 to vector<16xf32>
        %gt3A_1665 = arith.cmpf ogt, %get3A_1620, %gt3A_1664 : vector<16xf32>
        %gt3A_1666 = vector.broadcast %scan3A_6 : f32 to vector<16xf32>
        %gt3A_1667 = arith.cmpf ogt, %get3A_1623, %gt3A_1666 : vector<16xf32>
        %gt3A_1668 = vector.broadcast %scan3A_6 : f32 to vector<16xf32>
        %gt3A_1669 = arith.cmpf ogt, %get3A_1626, %gt3A_1668 : vector<16xf32>
        %gt3A_1670 = vector.broadcast %scan3A_6 : f32 to vector<16xf32>
        %gt3A_1671 = arith.cmpf ogt, %get3A_1629, %gt3A_1670 : vector<16xf32>
        %gt3A_1672 = vector.broadcast %scan3A_6 : f32 to vector<16xf32>
        %gt3A_1673 = arith.cmpf ogt, %get3A_1632, %gt3A_1672 : vector<16xf32>
        %gt3A_1674 = vector.broadcast %scan3A_6 : f32 to vector<16xf32>
        %gt3A_1675 = arith.cmpf ogt, %get3A_1635, %gt3A_1674 : vector<16xf32>
        %jit3A_1676 = arith.constant 1 : i32
        %jit3A_1677 = arith.constant 0 : i32
        %broadcast_in_dim3A_1678 = vector.broadcast %jit3A_1676 : i32 to vector<16xi32>
        %broadcast_in_dim3A_1679 = vector.broadcast %jit3A_1677 : i32 to vector<16xi32>
        %select_n3A_1680 = arith.select %gt3A_1661, %broadcast_in_dim3A_1678, %broadcast_in_dim3A_1679 : vector<16xi1>, vector<16xi32>
        %jit3A_1681 = arith.constant 1 : i32
        %jit3A_1682 = arith.constant 0 : i32
        %broadcast_in_dim3A_1683 = vector.broadcast %jit3A_1681 : i32 to vector<16xi32>
        %broadcast_in_dim3A_1684 = vector.broadcast %jit3A_1682 : i32 to vector<16xi32>
        %select_n3A_1685 = arith.select %gt3A_1663, %broadcast_in_dim3A_1683, %broadcast_in_dim3A_1684 : vector<16xi1>, vector<16xi32>
        %jit3A_1686 = arith.constant 1 : i32
        %jit3A_1687 = arith.constant 0 : i32
        %broadcast_in_dim3A_1688 = vector.broadcast %jit3A_1686 : i32 to vector<16xi32>
        %broadcast_in_dim3A_1689 = vector.broadcast %jit3A_1687 : i32 to vector<16xi32>
        %select_n3A_1690 = arith.select %gt3A_1665, %broadcast_in_dim3A_1688, %broadcast_in_dim3A_1689 : vector<16xi1>, vector<16xi32>
        %jit3A_1691 = arith.constant 1 : i32
        %jit3A_1692 = arith.constant 0 : i32
        %broadcast_in_dim3A_1693 = vector.broadcast %jit3A_1691 : i32 to vector<16xi32>
        %broadcast_in_dim3A_1694 = vector.broadcast %jit3A_1692 : i32 to vector<16xi32>
        %select_n3A_1695 = arith.select %gt3A_1667, %broadcast_in_dim3A_1693, %broadcast_in_dim3A_1694 : vector<16xi1>, vector<16xi32>
        %jit3A_1696 = arith.constant 1 : i32
        %jit3A_1697 = arith.constant 0 : i32
        %broadcast_in_dim3A_1698 = vector.broadcast %jit3A_1696 : i32 to vector<16xi32>
        %broadcast_in_dim3A_1699 = vector.broadcast %jit3A_1697 : i32 to vector<16xi32>
        %select_n3A_1700 = arith.select %gt3A_1669, %broadcast_in_dim3A_1698, %broadcast_in_dim3A_1699 : vector<16xi1>, vector<16xi32>
        %jit3A_1701 = arith.constant 1 : i32
        %jit3A_1702 = arith.constant 0 : i32
        %broadcast_in_dim3A_1703 = vector.broadcast %jit3A_1701 : i32 to vector<16xi32>
        %broadcast_in_dim3A_1704 = vector.broadcast %jit3A_1702 : i32 to vector<16xi32>
        %select_n3A_1705 = arith.select %gt3A_1671, %broadcast_in_dim3A_1703, %broadcast_in_dim3A_1704 : vector<16xi1>, vector<16xi32>
        %jit3A_1706 = arith.constant 1 : i32
        %jit3A_1707 = arith.constant 0 : i32
        %broadcast_in_dim3A_1708 = vector.broadcast %jit3A_1706 : i32 to vector<16xi32>
        %broadcast_in_dim3A_1709 = vector.broadcast %jit3A_1707 : i32 to vector<16xi32>
        %select_n3A_1710 = arith.select %gt3A_1673, %broadcast_in_dim3A_1708, %broadcast_in_dim3A_1709 : vector<16xi1>, vector<16xi32>
        %jit3A_1711 = arith.constant 1 : i32
        %jit3A_1712 = arith.constant 0 : i32
        %broadcast_in_dim3A_1713 = vector.broadcast %jit3A_1711 : i32 to vector<16xi32>
        %broadcast_in_dim3A_1714 = vector.broadcast %jit3A_1712 : i32 to vector<16xi32>
        %select_n3A_1715 = arith.select %gt3A_1675, %broadcast_in_dim3A_1713, %broadcast_in_dim3A_1714 : vector<16xi1>, vector<16xi32>
        %all_reduce_population_count3A_1716 = tpu.all_reduce %gt3A_1661 {dim = 0 : i64, kind = #tpu.reduction_kind<sum>} : vector<16xi1> -> vector<16xi32>
        %all_reduce_population_count3A_1717 = tpu.all_reduce %gt3A_1663 {dim = 0 : i64, kind = #tpu.reduction_kind<sum>} : vector<16xi1> -> vector<16xi32>
        %all_reduce_population_count3A_1718 = tpu.all_reduce %gt3A_1665 {dim = 0 : i64, kind = #tpu.reduction_kind<sum>} : vector<16xi1> -> vector<16xi32>
        %all_reduce_population_count3A_1719 = tpu.all_reduce %gt3A_1667 {dim = 0 : i64, kind = #tpu.reduction_kind<sum>} : vector<16xi1> -> vector<16xi32>
        %all_reduce_population_count3A_1720 = tpu.all_reduce %gt3A_1669 {dim = 0 : i64, kind = #tpu.reduction_kind<sum>} : vector<16xi1> -> vector<16xi32>
        %all_reduce_population_count3A_1721 = tpu.all_reduce %gt3A_1671 {dim = 0 : i64, kind = #tpu.reduction_kind<sum>} : vector<16xi1> -> vector<16xi32>
        %all_reduce_population_count3A_1722 = tpu.all_reduce %gt3A_1673 {dim = 0 : i64, kind = #tpu.reduction_kind<sum>} : vector<16xi1> -> vector<16xi32>
        %all_reduce_population_count3A_1723 = tpu.all_reduce %gt3A_1675 {dim = 0 : i64, kind = #tpu.reduction_kind<sum>} : vector<16xi1> -> vector<16xi32>
        %broadcast_in_dim3A_1724 = arith.constant true
        %broadcast_in_dim3A_1725 = vector.broadcast %broadcast_in_dim3A_1724 : i1 to vector<16xi1>
        %masked_cumsum3A_1726 = tpu.scan <sum>, %select_n3A_1680 masked %broadcast_in_dim3A_1725 : vector<16xi32>, vector<16xi1> -> vector<16xi32>
        %sub3A_1727 = arith.subi %masked_cumsum3A_1726, %select_n3A_1680 : vector<16xi32>
        %broadcast_in_dim3A_1728 = arith.constant true
        %broadcast_in_dim3A_1729 = vector.broadcast %broadcast_in_dim3A_1728 : i1 to vector<16xi1>
        %masked_cumsum3A_1730 = tpu.scan <sum>, %select_n3A_1685 masked %broadcast_in_dim3A_1729 : vector<16xi32>, vector<16xi1> -> vector<16xi32>
        %sub3A_1731 = arith.subi %masked_cumsum3A_1730, %select_n3A_1685 : vector<16xi32>
        %broadcast_in_dim3A_1732 = arith.constant true
        %broadcast_in_dim3A_1733 = vector.broadcast %broadcast_in_dim3A_1732 : i1 to vector<16xi1>
        %masked_cumsum3A_1734 = tpu.scan <sum>, %select_n3A_1690 masked %broadcast_in_dim3A_1733 : vector<16xi32>, vector<16xi1> -> vector<16xi32>
        %sub3A_1735 = arith.subi %masked_cumsum3A_1734, %select_n3A_1690 : vector<16xi32>
        %broadcast_in_dim3A_1736 = arith.constant true
        %broadcast_in_dim3A_1737 = vector.broadcast %broadcast_in_dim3A_1736 : i1 to vector<16xi1>
        %masked_cumsum3A_1738 = tpu.scan <sum>, %select_n3A_1695 masked %broadcast_in_dim3A_1737 : vector<16xi32>, vector<16xi1> -> vector<16xi32>
        %sub3A_1739 = arith.subi %masked_cumsum3A_1738, %select_n3A_1695 : vector<16xi32>
        %broadcast_in_dim3A_1740 = arith.constant true
        %broadcast_in_dim3A_1741 = vector.broadcast %broadcast_in_dim3A_1740 : i1 to vector<16xi1>
        %masked_cumsum3A_1742 = tpu.scan <sum>, %select_n3A_1700 masked %broadcast_in_dim3A_1741 : vector<16xi32>, vector<16xi1> -> vector<16xi32>
        %sub3A_1743 = arith.subi %masked_cumsum3A_1742, %select_n3A_1700 : vector<16xi32>
        %broadcast_in_dim3A_1744 = arith.constant true
        %broadcast_in_dim3A_1745 = vector.broadcast %broadcast_in_dim3A_1744 : i1 to vector<16xi1>
        %masked_cumsum3A_1746 = tpu.scan <sum>, %select_n3A_1705 masked %broadcast_in_dim3A_1745 : vector<16xi32>, vector<16xi1> -> vector<16xi32>
        %sub3A_1747 = arith.subi %masked_cumsum3A_1746, %select_n3A_1705 : vector<16xi32>
        %broadcast_in_dim3A_1748 = arith.constant true
        %broadcast_in_dim3A_1749 = vector.broadcast %broadcast_in_dim3A_1748 : i1 to vector<16xi1>
        %masked_cumsum3A_1750 = tpu.scan <sum>, %select_n3A_1710 masked %broadcast_in_dim3A_1749 : vector<16xi32>, vector<16xi1> -> vector<16xi32>
        %sub3A_1751 = arith.subi %masked_cumsum3A_1750, %select_n3A_1710 : vector<16xi32>
        %broadcast_in_dim3A_1752 = arith.constant true
        %broadcast_in_dim3A_1753 = vector.broadcast %broadcast_in_dim3A_1752 : i1 to vector<16xi1>
        %masked_cumsum3A_1754 = tpu.scan <sum>, %select_n3A_1715 masked %broadcast_in_dim3A_1753 : vector<16xi32>, vector<16xi1> -> vector<16xi32>
        %sub3A_1755 = arith.subi %masked_cumsum3A_1754, %select_n3A_1715 : vector<16xi32>
        %mul3A_1756 = vector.broadcast %scan3A_7 : f32 to vector<16xf32>
        %mul3A_1757 = arith.mulf %get3A_1638, %mul3A_1756 : vector<16xf32>
        %convert_element_type3A_1758 = arith.fptosi %mul3A_1757 : vector<16xf32> to vector<16xi32>
        %mul3A_1759 = vector.broadcast %scan3A_7 : f32 to vector<16xf32>
        %mul3A_1760 = arith.mulf %get3A_1641, %mul3A_1759 : vector<16xf32>
        %convert_element_type3A_1761 = arith.fptosi %mul3A_1760 : vector<16xf32> to vector<16xi32>
        %mul3A_1762 = vector.broadcast %scan3A_7 : f32 to vector<16xf32>
        %mul3A_1763 = arith.mulf %get3A_1644, %mul3A_1762 : vector<16xf32>
        %convert_element_type3A_1764 = arith.fptosi %mul3A_1763 : vector<16xf32> to vector<16xi32>
        %mul3A_1765 = vector.broadcast %scan3A_7 : f32 to vector<16xf32>
        %mul3A_1766 = arith.mulf %get3A_1647, %mul3A_1765 : vector<16xf32>
        %convert_element_type3A_1767 = arith.fptosi %mul3A_1766 : vector<16xf32> to vector<16xi32>
        %mul3A_1768 = vector.broadcast %scan3A_7 : f32 to vector<16xf32>
        %mul3A_1769 = arith.mulf %get3A_1650, %mul3A_1768 : vector<16xf32>
        %convert_element_type3A_1770 = arith.fptosi %mul3A_1769 : vector<16xf32> to vector<16xi32>
        %mul3A_1771 = vector.broadcast %scan3A_7 : f32 to vector<16xf32>
        %mul3A_1772 = arith.mulf %get3A_1653, %mul3A_1771 : vector<16xf32>
        %convert_element_type3A_1773 = arith.fptosi %mul3A_1772 : vector<16xf32> to vector<16xi32>
        %mul3A_1774 = vector.broadcast %scan3A_7 : f32 to vector<16xf32>
        %mul3A_1775 = arith.mulf %get3A_1656, %mul3A_1774 : vector<16xf32>
        %convert_element_type3A_1776 = arith.fptosi %mul3A_1775 : vector<16xf32> to vector<16xi32>
        %mul3A_1777 = vector.broadcast %scan3A_7 : f32 to vector<16xf32>
        %mul3A_1778 = arith.mulf %get3A_1659, %mul3A_1777 : vector<16xf32>
        %convert_element_type3A_1779 = arith.fptosi %mul3A_1778 : vector<16xf32> to vector<16xi32>
        %add3A_1780 = arith.addi %multiple_of3A, %add3A_200 : i32
        %add3A_1781 = vector.broadcast %add3A_1780 : i32 to vector<16xi32>
        %add3A_1782 = arith.addi %add3A_1781, %convert_element_type3A_1758 : vector<16xi32>
        %and3A_1783 = arith.constant 16383 : i32
        %and3A_1784 = vector.broadcast %and3A_1783 : i32 to vector<16xi32>
        %and3A_1785 = arith.andi %add3A_1782, %and3A_1784 : vector<16xi32>
        %mul3A_1786 = arith.constant 100 : i32
        %mul3A_1787 = vector.broadcast %mul3A_1786 : i32 to vector<16xi32>
        %mul3A_1788 = arith.muli %and3A_1785, %mul3A_1787 : vector<16xi32>
        %add3A_1789 = arith.addi %mul3A_1788, %add3A_1611 : vector<16xi32>
        %add3A_1790 = arith.addi %multiple_of3A, %add3A_204 : i32
        %add3A_1791 = vector.broadcast %add3A_1790 : i32 to vector<16xi32>
        %add3A_1792 = arith.addi %add3A_1791, %convert_element_type3A_1761 : vector<16xi32>
        %and3A_1793 = arith.constant 16383 : i32
        %and3A_1794 = vector.broadcast %and3A_1793 : i32 to vector<16xi32>
        %and3A_1795 = arith.andi %add3A_1792, %and3A_1794 : vector<16xi32>
        %mul3A_1796 = arith.constant 100 : i32
        %mul3A_1797 = vector.broadcast %mul3A_1796 : i32 to vector<16xi32>
        %mul3A_1798 = arith.muli %and3A_1795, %mul3A_1797 : vector<16xi32>
        %add3A_1799 = arith.addi %mul3A_1798, %add3A_1611 : vector<16xi32>
        %add3A_1800 = arith.addi %multiple_of3A, %add3A_208 : i32
        %add3A_1801 = vector.broadcast %add3A_1800 : i32 to vector<16xi32>
        %add3A_1802 = arith.addi %add3A_1801, %convert_element_type3A_1764 : vector<16xi32>
        %and3A_1803 = arith.constant 16383 : i32
        %and3A_1804 = vector.broadcast %and3A_1803 : i32 to vector<16xi32>
        %and3A_1805 = arith.andi %add3A_1802, %and3A_1804 : vector<16xi32>
        %mul3A_1806 = arith.constant 100 : i32
        %mul3A_1807 = vector.broadcast %mul3A_1806 : i32 to vector<16xi32>
        %mul3A_1808 = arith.muli %and3A_1805, %mul3A_1807 : vector<16xi32>
        %add3A_1809 = arith.addi %mul3A_1808, %add3A_1611 : vector<16xi32>
        %add3A_1810 = arith.addi %multiple_of3A, %add3A_212 : i32
        %add3A_1811 = vector.broadcast %add3A_1810 : i32 to vector<16xi32>
        %add3A_1812 = arith.addi %add3A_1811, %convert_element_type3A_1767 : vector<16xi32>
        %and3A_1813 = arith.constant 16383 : i32
        %and3A_1814 = vector.broadcast %and3A_1813 : i32 to vector<16xi32>
        %and3A_1815 = arith.andi %add3A_1812, %and3A_1814 : vector<16xi32>
        %mul3A_1816 = arith.constant 100 : i32
        %mul3A_1817 = vector.broadcast %mul3A_1816 : i32 to vector<16xi32>
        %mul3A_1818 = arith.muli %and3A_1815, %mul3A_1817 : vector<16xi32>
        %add3A_1819 = arith.addi %mul3A_1818, %add3A_1611 : vector<16xi32>
        %add3A_1820 = arith.addi %multiple_of3A, %add3A_216 : i32
        %add3A_1821 = vector.broadcast %add3A_1820 : i32 to vector<16xi32>
        %add3A_1822 = arith.addi %add3A_1821, %convert_element_type3A_1770 : vector<16xi32>
        %and3A_1823 = arith.constant 16383 : i32
        %and3A_1824 = vector.broadcast %and3A_1823 : i32 to vector<16xi32>
        %and3A_1825 = arith.andi %add3A_1822, %and3A_1824 : vector<16xi32>
        %mul3A_1826 = arith.constant 100 : i32
        %mul3A_1827 = vector.broadcast %mul3A_1826 : i32 to vector<16xi32>
        %mul3A_1828 = arith.muli %and3A_1825, %mul3A_1827 : vector<16xi32>
        %add3A_1829 = arith.addi %mul3A_1828, %add3A_1611 : vector<16xi32>
        %add3A_1830 = arith.addi %multiple_of3A, %add3A_220 : i32
        %add3A_1831 = vector.broadcast %add3A_1830 : i32 to vector<16xi32>
        %add3A_1832 = arith.addi %add3A_1831, %convert_element_type3A_1773 : vector<16xi32>
        %and3A_1833 = arith.constant 16383 : i32
        %and3A_1834 = vector.broadcast %and3A_1833 : i32 to vector<16xi32>
        %and3A_1835 = arith.andi %add3A_1832, %and3A_1834 : vector<16xi32>
        %mul3A_1836 = arith.constant 100 : i32
        %mul3A_1837 = vector.broadcast %mul3A_1836 : i32 to vector<16xi32>
        %mul3A_1838 = arith.muli %and3A_1835, %mul3A_1837 : vector<16xi32>
        %add3A_1839 = arith.addi %mul3A_1838, %add3A_1611 : vector<16xi32>
        %add3A_1840 = arith.addi %multiple_of3A, %add3A_224 : i32
        %add3A_1841 = vector.broadcast %add3A_1840 : i32 to vector<16xi32>
        %add3A_1842 = arith.addi %add3A_1841, %convert_element_type3A_1776 : vector<16xi32>
        %and3A_1843 = arith.constant 16383 : i32
        %and3A_1844 = vector.broadcast %and3A_1843 : i32 to vector<16xi32>
        %and3A_1845 = arith.andi %add3A_1842, %and3A_1844 : vector<16xi32>
        %mul3A_1846 = arith.constant 100 : i32
        %mul3A_1847 = vector.broadcast %mul3A_1846 : i32 to vector<16xi32>
        %mul3A_1848 = arith.muli %and3A_1845, %mul3A_1847 : vector<16xi32>
        %add3A_1849 = arith.addi %mul3A_1848, %add3A_1611 : vector<16xi32>
        %add3A_1850 = arith.addi %multiple_of3A, %add3A_228 : i32
        %add3A_1851 = vector.broadcast %add3A_1850 : i32 to vector<16xi32>
        %add3A_1852 = arith.addi %add3A_1851, %convert_element_type3A_1779 : vector<16xi32>
        %and3A_1853 = arith.constant 16383 : i32
        %and3A_1854 = vector.broadcast %and3A_1853 : i32 to vector<16xi32>
        %and3A_1855 = arith.andi %add3A_1852, %and3A_1854 : vector<16xi32>
        %mul3A_1856 = arith.constant 100 : i32
        %mul3A_1857 = vector.broadcast %mul3A_1856 : i32 to vector<16xi32>
        %mul3A_1858 = arith.muli %and3A_1855, %mul3A_1857 : vector<16xi32>
        %add3A_1859 = arith.addi %mul3A_1858, %add3A_1611 : vector<16xi32>
        %add3A_1860 = arith.addi %add3A_1528, %sub3A_1727 : vector<16xi32>
        %add3A_1861 = arith.addi %add3A_1528, %all_reduce_population_count3A_1716 : vector<16xi32>
        %add3A_1862 = arith.addi %add3A_1861, %sub3A_1731 : vector<16xi32>
        %add3A_1863 = arith.addi %add3A_1861, %all_reduce_population_count3A_1717 : vector<16xi32>
        %add3A_1864 = arith.addi %add3A_1863, %sub3A_1735 : vector<16xi32>
        %add3A_1865 = arith.addi %add3A_1863, %all_reduce_population_count3A_1718 : vector<16xi32>
        %add3A_1866 = arith.addi %add3A_1865, %sub3A_1739 : vector<16xi32>
        %add3A_1867 = arith.addi %add3A_1865, %all_reduce_population_count3A_1719 : vector<16xi32>
        %add3A_1868 = arith.addi %add3A_1867, %sub3A_1743 : vector<16xi32>
        %add3A_1869 = arith.addi %add3A_1867, %all_reduce_population_count3A_1720 : vector<16xi32>
        %add3A_1870 = arith.addi %add3A_1869, %sub3A_1747 : vector<16xi32>
        %add3A_1871 = arith.addi %add3A_1869, %all_reduce_population_count3A_1721 : vector<16xi32>
        %add3A_1872 = arith.addi %add3A_1871, %sub3A_1751 : vector<16xi32>
        %add3A_1873 = arith.addi %add3A_1871, %all_reduce_population_count3A_1722 : vector<16xi32>
        %add3A_1874 = arith.addi %add3A_1873, %sub3A_1755 : vector<16xi32>
        %add3A_1875 = arith.addi %add3A_1873, %all_reduce_population_count3A_1723 : vector<16xi32>
        %shift_right_arithmetic3A_1876 = arith.constant 7 : i32
        %shift_right_arithmetic3A_1877 = vector.broadcast %shift_right_arithmetic3A_1876 : i32 to vector<16xi32>
        %shift_right_arithmetic3A_1878 = arith.shrsi %add3A_1860, %shift_right_arithmetic3A_1877 : vector<16xi32>
        %and3A_1879 = arith.constant 127 : i32
        %and3A_1880 = vector.broadcast %and3A_1879 : i32 to vector<16xi32>
        %and3A_1881 = arith.andi %add3A_1860, %and3A_1880 : vector<16xi32>
        tpu.vector_store_idx %arg10[%shift_right_arithmetic3A_1878, %and3A_1881], %add3A_1789 masked %gt3A_1661 : memref<101x128xi32, #tpu.memory_space<vmem>>[vector<16xi32>, vector<16xi32>], vector<16xi32>, vector<16xi1>
        %mul3A_1882 = arith.constant 128 : i32
        %mul3A_1883 = arith.muli %add3A_200, %mul3A_1882 : i32
        %add3A_1884 = vector.broadcast %mul3A_1883 : i32 to vector<16xi32>
        %add3A_1885 = arith.addi %add3A_1884, %add3A_1611 : vector<16xi32>
        tpu.vector_store_idx %arg11[%add3A_1860], %add3A_1885 masked %gt3A_1661 : memref<12928xi32, #tpu.memory_space<vmem>>[vector<16xi32>], vector<16xi32>, vector<16xi1>
        %shift_right_arithmetic3A_1886 = arith.constant 7 : i32
        %shift_right_arithmetic3A_1887 = vector.broadcast %shift_right_arithmetic3A_1886 : i32 to vector<16xi32>
        %shift_right_arithmetic3A_1888 = arith.shrsi %add3A_1862, %shift_right_arithmetic3A_1887 : vector<16xi32>
        %and3A_1889 = arith.constant 127 : i32
        %and3A_1890 = vector.broadcast %and3A_1889 : i32 to vector<16xi32>
        %and3A_1891 = arith.andi %add3A_1862, %and3A_1890 : vector<16xi32>
        tpu.vector_store_idx %arg10[%shift_right_arithmetic3A_1888, %and3A_1891], %add3A_1799 masked %gt3A_1663 : memref<101x128xi32, #tpu.memory_space<vmem>>[vector<16xi32>, vector<16xi32>], vector<16xi32>, vector<16xi1>
        %mul3A_1892 = arith.constant 128 : i32
        %mul3A_1893 = arith.muli %add3A_204, %mul3A_1892 : i32
        %add3A_1894 = vector.broadcast %mul3A_1893 : i32 to vector<16xi32>
        %add3A_1895 = arith.addi %add3A_1894, %add3A_1611 : vector<16xi32>
        tpu.vector_store_idx %arg11[%add3A_1862], %add3A_1895 masked %gt3A_1663 : memref<12928xi32, #tpu.memory_space<vmem>>[vector<16xi32>], vector<16xi32>, vector<16xi1>
        %shift_right_arithmetic3A_1896 = arith.constant 7 : i32
        %shift_right_arithmetic3A_1897 = vector.broadcast %shift_right_arithmetic3A_1896 : i32 to vector<16xi32>
        %shift_right_arithmetic3A_1898 = arith.shrsi %add3A_1864, %shift_right_arithmetic3A_1897 : vector<16xi32>
        %and3A_1899 = arith.constant 127 : i32
        %and3A_1900 = vector.broadcast %and3A_1899 : i32 to vector<16xi32>
        %and3A_1901 = arith.andi %add3A_1864, %and3A_1900 : vector<16xi32>
        tpu.vector_store_idx %arg10[%shift_right_arithmetic3A_1898, %and3A_1901], %add3A_1809 masked %gt3A_1665 : memref<101x128xi32, #tpu.memory_space<vmem>>[vector<16xi32>, vector<16xi32>], vector<16xi32>, vector<16xi1>
        %mul3A_1902 = arith.constant 128 : i32
        %mul3A_1903 = arith.muli %add3A_208, %mul3A_1902 : i32
        %add3A_1904 = vector.broadcast %mul3A_1903 : i32 to vector<16xi32>
        %add3A_1905 = arith.addi %add3A_1904, %add3A_1611 : vector<16xi32>
        tpu.vector_store_idx %arg11[%add3A_1864], %add3A_1905 masked %gt3A_1665 : memref<12928xi32, #tpu.memory_space<vmem>>[vector<16xi32>], vector<16xi32>, vector<16xi1>
        %shift_right_arithmetic3A_1906 = arith.constant 7 : i32
        %shift_right_arithmetic3A_1907 = vector.broadcast %shift_right_arithmetic3A_1906 : i32 to vector<16xi32>
        %shift_right_arithmetic3A_1908 = arith.shrsi %add3A_1866, %shift_right_arithmetic3A_1907 : vector<16xi32>
        %and3A_1909 = arith.constant 127 : i32
        %and3A_1910 = vector.broadcast %and3A_1909 : i32 to vector<16xi32>
        %and3A_1911 = arith.andi %add3A_1866, %and3A_1910 : vector<16xi32>
        tpu.vector_store_idx %arg10[%shift_right_arithmetic3A_1908, %and3A_1911], %add3A_1819 masked %gt3A_1667 : memref<101x128xi32, #tpu.memory_space<vmem>>[vector<16xi32>, vector<16xi32>], vector<16xi32>, vector<16xi1>
        %mul3A_1912 = arith.constant 128 : i32
        %mul3A_1913 = arith.muli %add3A_212, %mul3A_1912 : i32
        %add3A_1914 = vector.broadcast %mul3A_1913 : i32 to vector<16xi32>
        %add3A_1915 = arith.addi %add3A_1914, %add3A_1611 : vector<16xi32>
        tpu.vector_store_idx %arg11[%add3A_1866], %add3A_1915 masked %gt3A_1667 : memref<12928xi32, #tpu.memory_space<vmem>>[vector<16xi32>], vector<16xi32>, vector<16xi1>
        %shift_right_arithmetic3A_1916 = arith.constant 7 : i32
        %shift_right_arithmetic3A_1917 = vector.broadcast %shift_right_arithmetic3A_1916 : i32 to vector<16xi32>
        %shift_right_arithmetic3A_1918 = arith.shrsi %add3A_1868, %shift_right_arithmetic3A_1917 : vector<16xi32>
        %and3A_1919 = arith.constant 127 : i32
        %and3A_1920 = vector.broadcast %and3A_1919 : i32 to vector<16xi32>
        %and3A_1921 = arith.andi %add3A_1868, %and3A_1920 : vector<16xi32>
        tpu.vector_store_idx %arg10[%shift_right_arithmetic3A_1918, %and3A_1921], %add3A_1829 masked %gt3A_1669 : memref<101x128xi32, #tpu.memory_space<vmem>>[vector<16xi32>, vector<16xi32>], vector<16xi32>, vector<16xi1>
        %mul3A_1922 = arith.constant 128 : i32
        %mul3A_1923 = arith.muli %add3A_216, %mul3A_1922 : i32
        %add3A_1924 = vector.broadcast %mul3A_1923 : i32 to vector<16xi32>
        %add3A_1925 = arith.addi %add3A_1924, %add3A_1611 : vector<16xi32>
        tpu.vector_store_idx %arg11[%add3A_1868], %add3A_1925 masked %gt3A_1669 : memref<12928xi32, #tpu.memory_space<vmem>>[vector<16xi32>], vector<16xi32>, vector<16xi1>
        %shift_right_arithmetic3A_1926 = arith.constant 7 : i32
        %shift_right_arithmetic3A_1927 = vector.broadcast %shift_right_arithmetic3A_1926 : i32 to vector<16xi32>
        %shift_right_arithmetic3A_1928 = arith.shrsi %add3A_1870, %shift_right_arithmetic3A_1927 : vector<16xi32>
        %and3A_1929 = arith.constant 127 : i32
        %and3A_1930 = vector.broadcast %and3A_1929 : i32 to vector<16xi32>
        %and3A_1931 = arith.andi %add3A_1870, %and3A_1930 : vector<16xi32>
        tpu.vector_store_idx %arg10[%shift_right_arithmetic3A_1928, %and3A_1931], %add3A_1839 masked %gt3A_1671 : memref<101x128xi32, #tpu.memory_space<vmem>>[vector<16xi32>, vector<16xi32>], vector<16xi32>, vector<16xi1>
        %mul3A_1932 = arith.constant 128 : i32
        %mul3A_1933 = arith.muli %add3A_220, %mul3A_1932 : i32
        %add3A_1934 = vector.broadcast %mul3A_1933 : i32 to vector<16xi32>
        %add3A_1935 = arith.addi %add3A_1934, %add3A_1611 : vector<16xi32>
        tpu.vector_store_idx %arg11[%add3A_1870], %add3A_1935 masked %gt3A_1671 : memref<12928xi32, #tpu.memory_space<vmem>>[vector<16xi32>], vector<16xi32>, vector<16xi1>
        %shift_right_arithmetic3A_1936 = arith.constant 7 : i32
        %shift_right_arithmetic3A_1937 = vector.broadcast %shift_right_arithmetic3A_1936 : i32 to vector<16xi32>
        %shift_right_arithmetic3A_1938 = arith.shrsi %add3A_1872, %shift_right_arithmetic3A_1937 : vector<16xi32>
        %and3A_1939 = arith.constant 127 : i32
        %and3A_1940 = vector.broadcast %and3A_1939 : i32 to vector<16xi32>
        %and3A_1941 = arith.andi %add3A_1872, %and3A_1940 : vector<16xi32>
        tpu.vector_store_idx %arg10[%shift_right_arithmetic3A_1938, %and3A_1941], %add3A_1849 masked %gt3A_1673 : memref<101x128xi32, #tpu.memory_space<vmem>>[vector<16xi32>, vector<16xi32>], vector<16xi32>, vector<16xi1>
        %mul3A_1942 = arith.constant 128 : i32
        %mul3A_1943 = arith.muli %add3A_224, %mul3A_1942 : i32
        %add3A_1944 = vector.broadcast %mul3A_1943 : i32 to vector<16xi32>
        %add3A_1945 = arith.addi %add3A_1944, %add3A_1611 : vector<16xi32>
        tpu.vector_store_idx %arg11[%add3A_1872], %add3A_1945 masked %gt3A_1673 : memref<12928xi32, #tpu.memory_space<vmem>>[vector<16xi32>], vector<16xi32>, vector<16xi1>
        %shift_right_arithmetic3A_1946 = arith.constant 7 : i32
        %shift_right_arithmetic3A_1947 = vector.broadcast %shift_right_arithmetic3A_1946 : i32 to vector<16xi32>
        %shift_right_arithmetic3A_1948 = arith.shrsi %add3A_1874, %shift_right_arithmetic3A_1947 : vector<16xi32>
        %and3A_1949 = arith.constant 127 : i32
        %and3A_1950 = vector.broadcast %and3A_1949 : i32 to vector<16xi32>
        %and3A_1951 = arith.andi %add3A_1874, %and3A_1950 : vector<16xi32>
        tpu.vector_store_idx %arg10[%shift_right_arithmetic3A_1948, %and3A_1951], %add3A_1859 masked %gt3A_1675 : memref<101x128xi32, #tpu.memory_space<vmem>>[vector<16xi32>, vector<16xi32>], vector<16xi32>, vector<16xi1>
        %mul3A_1952 = arith.constant 128 : i32
        %mul3A_1953 = arith.muli %add3A_228, %mul3A_1952 : i32
        %add3A_1954 = vector.broadcast %mul3A_1953 : i32 to vector<16xi32>
        %add3A_1955 = arith.addi %add3A_1954, %add3A_1611 : vector<16xi32>
        tpu.vector_store_idx %arg11[%add3A_1874], %add3A_1955 masked %gt3A_1675 : memref<12928xi32, #tpu.memory_space<vmem>>[vector<16xi32>], vector<16xi32>, vector<16xi1>
        %add3A_1956 = arith.constant 80 : i32
        %add3A_1957 = vector.broadcast %add3A_1956 : i32 to vector<16xi32>
        %add3A_1958 = arith.addi %add3A_1957, %iota3A : vector<16xi32>
        %get3A_1959 = arith.index_cast %add3A_200 : i32 to index
        %get3A_1960 = arith.constant 80 : index
        %get3A_1961 = tpu.vector_load %arg7[%get3A_1959, %get3A_1960] {strides = array<i32>} : memref<128x100xf32, #tpu.memory_space<vmem>>, vector<16xf32>,
        %get3A_1962 = arith.index_cast %add3A_204 : i32 to index
        %get3A_1963 = arith.constant 80 : index
        %get3A_1964 = tpu.vector_load %arg7[%get3A_1962, %get3A_1963] {strides = array<i32>} : memref<128x100xf32, #tpu.memory_space<vmem>>, vector<16xf32>,
        %get3A_1965 = arith.index_cast %add3A_208 : i32 to index
        %get3A_1966 = arith.constant 80 : index
        %get3A_1967 = tpu.vector_load %arg7[%get3A_1965, %get3A_1966] {strides = array<i32>} : memref<128x100xf32, #tpu.memory_space<vmem>>, vector<16xf32>,
        %get3A_1968 = arith.index_cast %add3A_212 : i32 to index
        %get3A_1969 = arith.constant 80 : index
        %get3A_1970 = tpu.vector_load %arg7[%get3A_1968, %get3A_1969] {strides = array<i32>} : memref<128x100xf32, #tpu.memory_space<vmem>>, vector<16xf32>,
        %get3A_1971 = arith.index_cast %add3A_216 : i32 to index
        %get3A_1972 = arith.constant 80 : index
        %get3A_1973 = tpu.vector_load %arg7[%get3A_1971, %get3A_1972] {strides = array<i32>} : memref<128x100xf32, #tpu.memory_space<vmem>>, vector<16xf32>,
        %get3A_1974 = arith.index_cast %add3A_220 : i32 to index
        %get3A_1975 = arith.constant 80 : index
        %get3A_1976 = tpu.vector_load %arg7[%get3A_1974, %get3A_1975] {strides = array<i32>} : memref<128x100xf32, #tpu.memory_space<vmem>>, vector<16xf32>,
        %get3A_1977 = arith.index_cast %add3A_224 : i32 to index
        %get3A_1978 = arith.constant 80 : index
        %get3A_1979 = tpu.vector_load %arg7[%get3A_1977, %get3A_1978] {strides = array<i32>} : memref<128x100xf32, #tpu.memory_space<vmem>>, vector<16xf32>,
        %get3A_1980 = arith.index_cast %add3A_228 : i32 to index
        %get3A_1981 = arith.constant 80 : index
        %get3A_1982 = tpu.vector_load %arg7[%get3A_1980, %get3A_1981] {strides = array<i32>} : memref<128x100xf32, #tpu.memory_space<vmem>>, vector<16xf32>,
        %get3A_1983 = arith.index_cast %add3A_200 : i32 to index
        %get3A_1984 = arith.constant 80 : index
        %get3A_1985 = tpu.vector_load %arg8[%get3A_1983, %get3A_1984] {strides = array<i32>} : memref<128x100xf32, #tpu.memory_space<vmem>>, vector<16xf32>,
        %get3A_1986 = arith.index_cast %add3A_204 : i32 to index
        %get3A_1987 = arith.constant 80 : index
        %get3A_1988 = tpu.vector_load %arg8[%get3A_1986, %get3A_1987] {strides = array<i32>} : memref<128x100xf32, #tpu.memory_space<vmem>>, vector<16xf32>,
        %get3A_1989 = arith.index_cast %add3A_208 : i32 to index
        %get3A_1990 = arith.constant 80 : index
        %get3A_1991 = tpu.vector_load %arg8[%get3A_1989, %get3A_1990] {strides = array<i32>} : memref<128x100xf32, #tpu.memory_space<vmem>>, vector<16xf32>,
        %get3A_1992 = arith.index_cast %add3A_212 : i32 to index
        %get3A_1993 = arith.constant 80 : index
        %get3A_1994 = tpu.vector_load %arg8[%get3A_1992, %get3A_1993] {strides = array<i32>} : memref<128x100xf32, #tpu.memory_space<vmem>>, vector<16xf32>,
        %get3A_1995 = arith.index_cast %add3A_216 : i32 to index
        %get3A_1996 = arith.constant 80 : index
        %get3A_1997 = tpu.vector_load %arg8[%get3A_1995, %get3A_1996] {strides = array<i32>} : memref<128x100xf32, #tpu.memory_space<vmem>>, vector<16xf32>,
        %get3A_1998 = arith.index_cast %add3A_220 : i32 to index
        %get3A_1999 = arith.constant 80 : index
        %get3A_2000 = tpu.vector_load %arg8[%get3A_1998, %get3A_1999] {strides = array<i32>} : memref<128x100xf32, #tpu.memory_space<vmem>>, vector<16xf32>,
        %get3A_2001 = arith.index_cast %add3A_224 : i32 to index
        %get3A_2002 = arith.constant 80 : index
        %get3A_2003 = tpu.vector_load %arg8[%get3A_2001, %get3A_2002] {strides = array<i32>} : memref<128x100xf32, #tpu.memory_space<vmem>>, vector<16xf32>,
        %get3A_2004 = arith.index_cast %add3A_228 : i32 to index
        %get3A_2005 = arith.constant 80 : index
        %get3A_2006 = tpu.vector_load %arg8[%get3A_2004, %get3A_2005] {strides = array<i32>} : memref<128x100xf32, #tpu.memory_space<vmem>>, vector<16xf32>,
        %gt3A_2007 = vector.broadcast %scan3A_6 : f32 to vector<16xf32>
        %gt3A_2008 = arith.cmpf ogt, %get3A_1961, %gt3A_2007 : vector<16xf32>
        %gt3A_2009 = vector.broadcast %scan3A_6 : f32 to vector<16xf32>
        %gt3A_2010 = arith.cmpf ogt, %get3A_1964, %gt3A_2009 : vector<16xf32>
        %gt3A_2011 = vector.broadcast %scan3A_6 : f32 to vector<16xf32>
        %gt3A_2012 = arith.cmpf ogt, %get3A_1967, %gt3A_2011 : vector<16xf32>
        %gt3A_2013 = vector.broadcast %scan3A_6 : f32 to vector<16xf32>
        %gt3A_2014 = arith.cmpf ogt, %get3A_1970, %gt3A_2013 : vector<16xf32>
        %gt3A_2015 = vector.broadcast %scan3A_6 : f32 to vector<16xf32>
        %gt3A_2016 = arith.cmpf ogt, %get3A_1973, %gt3A_2015 : vector<16xf32>
        %gt3A_2017 = vector.broadcast %scan3A_6 : f32 to vector<16xf32>
        %gt3A_2018 = arith.cmpf ogt, %get3A_1976, %gt3A_2017 : vector<16xf32>
        %gt3A_2019 = vector.broadcast %scan3A_6 : f32 to vector<16xf32>
        %gt3A_2020 = arith.cmpf ogt, %get3A_1979, %gt3A_2019 : vector<16xf32>
        %gt3A_2021 = vector.broadcast %scan3A_6 : f32 to vector<16xf32>
        %gt3A_2022 = arith.cmpf ogt, %get3A_1982, %gt3A_2021 : vector<16xf32>
        %jit3A_2023 = arith.constant 1 : i32
        %jit3A_2024 = arith.constant 0 : i32
        %broadcast_in_dim3A_2025 = vector.broadcast %jit3A_2023 : i32 to vector<16xi32>
        %broadcast_in_dim3A_2026 = vector.broadcast %jit3A_2024 : i32 to vector<16xi32>
        %select_n3A_2027 = arith.select %gt3A_2008, %broadcast_in_dim3A_2025, %broadcast_in_dim3A_2026 : vector<16xi1>, vector<16xi32>
        %jit3A_2028 = arith.constant 1 : i32
        %jit3A_2029 = arith.constant 0 : i32
        %broadcast_in_dim3A_2030 = vector.broadcast %jit3A_2028 : i32 to vector<16xi32>
        %broadcast_in_dim3A_2031 = vector.broadcast %jit3A_2029 : i32 to vector<16xi32>
        %select_n3A_2032 = arith.select %gt3A_2010, %broadcast_in_dim3A_2030, %broadcast_in_dim3A_2031 : vector<16xi1>, vector<16xi32>
        %jit3A_2033 = arith.constant 1 : i32
        %jit3A_2034 = arith.constant 0 : i32
        %broadcast_in_dim3A_2035 = vector.broadcast %jit3A_2033 : i32 to vector<16xi32>
        %broadcast_in_dim3A_2036 = vector.broadcast %jit3A_2034 : i32 to vector<16xi32>
        %select_n3A_2037 = arith.select %gt3A_2012, %broadcast_in_dim3A_2035, %broadcast_in_dim3A_2036 : vector<16xi1>, vector<16xi32>
        %jit3A_2038 = arith.constant 1 : i32
        %jit3A_2039 = arith.constant 0 : i32
        %broadcast_in_dim3A_2040 = vector.broadcast %jit3A_2038 : i32 to vector<16xi32>
        %broadcast_in_dim3A_2041 = vector.broadcast %jit3A_2039 : i32 to vector<16xi32>
        %select_n3A_2042 = arith.select %gt3A_2014, %broadcast_in_dim3A_2040, %broadcast_in_dim3A_2041 : vector<16xi1>, vector<16xi32>
        %jit3A_2043 = arith.constant 1 : i32
        %jit3A_2044 = arith.constant 0 : i32
        %broadcast_in_dim3A_2045 = vector.broadcast %jit3A_2043 : i32 to vector<16xi32>
        %broadcast_in_dim3A_2046 = vector.broadcast %jit3A_2044 : i32 to vector<16xi32>
        %select_n3A_2047 = arith.select %gt3A_2016, %broadcast_in_dim3A_2045, %broadcast_in_dim3A_2046 : vector<16xi1>, vector<16xi32>
        %jit3A_2048 = arith.constant 1 : i32
        %jit3A_2049 = arith.constant 0 : i32
        %broadcast_in_dim3A_2050 = vector.broadcast %jit3A_2048 : i32 to vector<16xi32>
        %broadcast_in_dim3A_2051 = vector.broadcast %jit3A_2049 : i32 to vector<16xi32>
        %select_n3A_2052 = arith.select %gt3A_2018, %broadcast_in_dim3A_2050, %broadcast_in_dim3A_2051 : vector<16xi1>, vector<16xi32>
        %jit3A_2053 = arith.constant 1 : i32
        %jit3A_2054 = arith.constant 0 : i32
        %broadcast_in_dim3A_2055 = vector.broadcast %jit3A_2053 : i32 to vector<16xi32>
        %broadcast_in_dim3A_2056 = vector.broadcast %jit3A_2054 : i32 to vector<16xi32>
        %select_n3A_2057 = arith.select %gt3A_2020, %broadcast_in_dim3A_2055, %broadcast_in_dim3A_2056 : vector<16xi1>, vector<16xi32>
        %jit3A_2058 = arith.constant 1 : i32
        %jit3A_2059 = arith.constant 0 : i32
        %broadcast_in_dim3A_2060 = vector.broadcast %jit3A_2058 : i32 to vector<16xi32>
        %broadcast_in_dim3A_2061 = vector.broadcast %jit3A_2059 : i32 to vector<16xi32>
        %select_n3A_2062 = arith.select %gt3A_2022, %broadcast_in_dim3A_2060, %broadcast_in_dim3A_2061 : vector<16xi1>, vector<16xi32>
        %all_reduce_population_count3A_2063 = tpu.all_reduce %gt3A_2008 {dim = 0 : i64, kind = #tpu.reduction_kind<sum>} : vector<16xi1> -> vector<16xi32>
        %all_reduce_population_count3A_2064 = tpu.all_reduce %gt3A_2010 {dim = 0 : i64, kind = #tpu.reduction_kind<sum>} : vector<16xi1> -> vector<16xi32>
        %all_reduce_population_count3A_2065 = tpu.all_reduce %gt3A_2012 {dim = 0 : i64, kind = #tpu.reduction_kind<sum>} : vector<16xi1> -> vector<16xi32>
        %all_reduce_population_count3A_2066 = tpu.all_reduce %gt3A_2014 {dim = 0 : i64, kind = #tpu.reduction_kind<sum>} : vector<16xi1> -> vector<16xi32>
        %all_reduce_population_count3A_2067 = tpu.all_reduce %gt3A_2016 {dim = 0 : i64, kind = #tpu.reduction_kind<sum>} : vector<16xi1> -> vector<16xi32>
        %all_reduce_population_count3A_2068 = tpu.all_reduce %gt3A_2018 {dim = 0 : i64, kind = #tpu.reduction_kind<sum>} : vector<16xi1> -> vector<16xi32>
        %all_reduce_population_count3A_2069 = tpu.all_reduce %gt3A_2020 {dim = 0 : i64, kind = #tpu.reduction_kind<sum>} : vector<16xi1> -> vector<16xi32>
        %all_reduce_population_count3A_2070 = tpu.all_reduce %gt3A_2022 {dim = 0 : i64, kind = #tpu.reduction_kind<sum>} : vector<16xi1> -> vector<16xi32>
        %broadcast_in_dim3A_2071 = arith.constant true
        %broadcast_in_dim3A_2072 = vector.broadcast %broadcast_in_dim3A_2071 : i1 to vector<16xi1>
        %masked_cumsum3A_2073 = tpu.scan <sum>, %select_n3A_2027 masked %broadcast_in_dim3A_2072 : vector<16xi32>, vector<16xi1> -> vector<16xi32>
        %sub3A_2074 = arith.subi %masked_cumsum3A_2073, %select_n3A_2027 : vector<16xi32>
        %broadcast_in_dim3A_2075 = arith.constant true
        %broadcast_in_dim3A_2076 = vector.broadcast %broadcast_in_dim3A_2075 : i1 to vector<16xi1>
        %masked_cumsum3A_2077 = tpu.scan <sum>, %select_n3A_2032 masked %broadcast_in_dim3A_2076 : vector<16xi32>, vector<16xi1> -> vector<16xi32>
        %sub3A_2078 = arith.subi %masked_cumsum3A_2077, %select_n3A_2032 : vector<16xi32>
        %broadcast_in_dim3A_2079 = arith.constant true
        %broadcast_in_dim3A_2080 = vector.broadcast %broadcast_in_dim3A_2079 : i1 to vector<16xi1>
        %masked_cumsum3A_2081 = tpu.scan <sum>, %select_n3A_2037 masked %broadcast_in_dim3A_2080 : vector<16xi32>, vector<16xi1> -> vector<16xi32>
        %sub3A_2082 = arith.subi %masked_cumsum3A_2081, %select_n3A_2037 : vector<16xi32>
        %broadcast_in_dim3A_2083 = arith.constant true
        %broadcast_in_dim3A_2084 = vector.broadcast %broadcast_in_dim3A_2083 : i1 to vector<16xi1>
        %masked_cumsum3A_2085 = tpu.scan <sum>, %select_n3A_2042 masked %broadcast_in_dim3A_2084 : vector<16xi32>, vector<16xi1> -> vector<16xi32>
        %sub3A_2086 = arith.subi %masked_cumsum3A_2085, %select_n3A_2042 : vector<16xi32>
        %broadcast_in_dim3A_2087 = arith.constant true
        %broadcast_in_dim3A_2088 = vector.broadcast %broadcast_in_dim3A_2087 : i1 to vector<16xi1>
        %masked_cumsum3A_2089 = tpu.scan <sum>, %select_n3A_2047 masked %broadcast_in_dim3A_2088 : vector<16xi32>, vector<16xi1> -> vector<16xi32>
        %sub3A_2090 = arith.subi %masked_cumsum3A_2089, %select_n3A_2047 : vector<16xi32>
        %broadcast_in_dim3A_2091 = arith.constant true
        %broadcast_in_dim3A_2092 = vector.broadcast %broadcast_in_dim3A_2091 : i1 to vector<16xi1>
        %masked_cumsum3A_2093 = tpu.scan <sum>, %select_n3A_2052 masked %broadcast_in_dim3A_2092 : vector<16xi32>, vector<16xi1> -> vector<16xi32>
        %sub3A_2094 = arith.subi %masked_cumsum3A_2093, %select_n3A_2052 : vector<16xi32>
        %broadcast_in_dim3A_2095 = arith.constant true
        %broadcast_in_dim3A_2096 = vector.broadcast %broadcast_in_dim3A_2095 : i1 to vector<16xi1>
        %masked_cumsum3A_2097 = tpu.scan <sum>, %select_n3A_2057 masked %broadcast_in_dim3A_2096 : vector<16xi32>, vector<16xi1> -> vector<16xi32>
        %sub3A_2098 = arith.subi %masked_cumsum3A_2097, %select_n3A_2057 : vector<16xi32>
        %broadcast_in_dim3A_2099 = arith.constant true
        %broadcast_in_dim3A_2100 = vector.broadcast %broadcast_in_dim3A_2099 : i1 to vector<16xi1>
        %masked_cumsum3A_2101 = tpu.scan <sum>, %select_n3A_2062 masked %broadcast_in_dim3A_2100 : vector<16xi32>, vector<16xi1> -> vector<16xi32>
        %sub3A_2102 = arith.subi %masked_cumsum3A_2101, %select_n3A_2062 : vector<16xi32>
        %mul3A_2103 = vector.broadcast %scan3A_7 : f32 to vector<16xf32>
        %mul3A_2104 = arith.mulf %get3A_1985, %mul3A_2103 : vector<16xf32>
        %convert_element_type3A_2105 = arith.fptosi %mul3A_2104 : vector<16xf32> to vector<16xi32>
        %mul3A_2106 = vector.broadcast %scan3A_7 : f32 to vector<16xf32>
        %mul3A_2107 = arith.mulf %get3A_1988, %mul3A_2106 : vector<16xf32>
        %convert_element_type3A_2108 = arith.fptosi %mul3A_2107 : vector<16xf32> to vector<16xi32>
        %mul3A_2109 = vector.broadcast %scan3A_7 : f32 to vector<16xf32>
        %mul3A_2110 = arith.mulf %get3A_1991, %mul3A_2109 : vector<16xf32>
        %convert_element_type3A_2111 = arith.fptosi %mul3A_2110 : vector<16xf32> to vector<16xi32>
        %mul3A_2112 = vector.broadcast %scan3A_7 : f32 to vector<16xf32>
        %mul3A_2113 = arith.mulf %get3A_1994, %mul3A_2112 : vector<16xf32>
        %convert_element_type3A_2114 = arith.fptosi %mul3A_2113 : vector<16xf32> to vector<16xi32>
        %mul3A_2115 = vector.broadcast %scan3A_7 : f32 to vector<16xf32>
        %mul3A_2116 = arith.mulf %get3A_1997, %mul3A_2115 : vector<16xf32>
        %convert_element_type3A_2117 = arith.fptosi %mul3A_2116 : vector<16xf32> to vector<16xi32>
        %mul3A_2118 = vector.broadcast %scan3A_7 : f32 to vector<16xf32>
        %mul3A_2119 = arith.mulf %get3A_2000, %mul3A_2118 : vector<16xf32>
        %convert_element_type3A_2120 = arith.fptosi %mul3A_2119 : vector<16xf32> to vector<16xi32>
        %mul3A_2121 = vector.broadcast %scan3A_7 : f32 to vector<16xf32>
        %mul3A_2122 = arith.mulf %get3A_2003, %mul3A_2121 : vector<16xf32>
        %convert_element_type3A_2123 = arith.fptosi %mul3A_2122 : vector<16xf32> to vector<16xi32>
        %mul3A_2124 = vector.broadcast %scan3A_7 : f32 to vector<16xf32>
        %mul3A_2125 = arith.mulf %get3A_2006, %mul3A_2124 : vector<16xf32>
        %convert_element_type3A_2126 = arith.fptosi %mul3A_2125 : vector<16xf32> to vector<16xi32>
        %add3A_2127 = arith.addi %multiple_of3A, %add3A_200 : i32
        %add3A_2128 = vector.broadcast %add3A_2127 : i32 to vector<16xi32>
        %add3A_2129 = arith.addi %add3A_2128, %convert_element_type3A_2105 : vector<16xi32>
        %and3A_2130 = arith.constant 16383 : i32
        %and3A_2131 = vector.broadcast %and3A_2130 : i32 to vector<16xi32>
        %and3A_2132 = arith.andi %add3A_2129, %and3A_2131 : vector<16xi32>
        %mul3A_2133 = arith.constant 100 : i32
        %mul3A_2134 = vector.broadcast %mul3A_2133 : i32 to vector<16xi32>
        %mul3A_2135 = arith.muli %and3A_2132, %mul3A_2134 : vector<16xi32>
        %add3A_2136 = arith.addi %mul3A_2135, %add3A_1958 : vector<16xi32>
        %add3A_2137 = arith.addi %multiple_of3A, %add3A_204 : i32
        %add3A_2138 = vector.broadcast %add3A_2137 : i32 to vector<16xi32>
        %add3A_2139 = arith.addi %add3A_2138, %convert_element_type3A_2108 : vector<16xi32>
        %and3A_2140 = arith.constant 16383 : i32
        %and3A_2141 = vector.broadcast %and3A_2140 : i32 to vector<16xi32>
        %and3A_2142 = arith.andi %add3A_2139, %and3A_2141 : vector<16xi32>
        %mul3A_2143 = arith.constant 100 : i32
        %mul3A_2144 = vector.broadcast %mul3A_2143 : i32 to vector<16xi32>
        %mul3A_2145 = arith.muli %and3A_2142, %mul3A_2144 : vector<16xi32>
        %add3A_2146 = arith.addi %mul3A_2145, %add3A_1958 : vector<16xi32>
        %add3A_2147 = arith.addi %multiple_of3A, %add3A_208 : i32
        %add3A_2148 = vector.broadcast %add3A_2147 : i32 to vector<16xi32>
        %add3A_2149 = arith.addi %add3A_2148, %convert_element_type3A_2111 : vector<16xi32>
        %and3A_2150 = arith.constant 16383 : i32
        %and3A_2151 = vector.broadcast %and3A_2150 : i32 to vector<16xi32>
        %and3A_2152 = arith.andi %add3A_2149, %and3A_2151 : vector<16xi32>
        %mul3A_2153 = arith.constant 100 : i32
        %mul3A_2154 = vector.broadcast %mul3A_2153 : i32 to vector<16xi32>
        %mul3A_2155 = arith.muli %and3A_2152, %mul3A_2154 : vector<16xi32>
        %add3A_2156 = arith.addi %mul3A_2155, %add3A_1958 : vector<16xi32>
        %add3A_2157 = arith.addi %multiple_of3A, %add3A_212 : i32
        %add3A_2158 = vector.broadcast %add3A_2157 : i32 to vector<16xi32>
        %add3A_2159 = arith.addi %add3A_2158, %convert_element_type3A_2114 : vector<16xi32>
        %and3A_2160 = arith.constant 16383 : i32
        %and3A_2161 = vector.broadcast %and3A_2160 : i32 to vector<16xi32>
        %and3A_2162 = arith.andi %add3A_2159, %and3A_2161 : vector<16xi32>
        %mul3A_2163 = arith.constant 100 : i32
        %mul3A_2164 = vector.broadcast %mul3A_2163 : i32 to vector<16xi32>
        %mul3A_2165 = arith.muli %and3A_2162, %mul3A_2164 : vector<16xi32>
        %add3A_2166 = arith.addi %mul3A_2165, %add3A_1958 : vector<16xi32>
        %add3A_2167 = arith.addi %multiple_of3A, %add3A_216 : i32
        %add3A_2168 = vector.broadcast %add3A_2167 : i32 to vector<16xi32>
        %add3A_2169 = arith.addi %add3A_2168, %convert_element_type3A_2117 : vector<16xi32>
        %and3A_2170 = arith.constant 16383 : i32
        %and3A_2171 = vector.broadcast %and3A_2170 : i32 to vector<16xi32>
        %and3A_2172 = arith.andi %add3A_2169, %and3A_2171 : vector<16xi32>
        %mul3A_2173 = arith.constant 100 : i32
        %mul3A_2174 = vector.broadcast %mul3A_2173 : i32 to vector<16xi32>
        %mul3A_2175 = arith.muli %and3A_2172, %mul3A_2174 : vector<16xi32>
        %add3A_2176 = arith.addi %mul3A_2175, %add3A_1958 : vector<16xi32>
        %add3A_2177 = arith.addi %multiple_of3A, %add3A_220 : i32
        %add3A_2178 = vector.broadcast %add3A_2177 : i32 to vector<16xi32>
        %add3A_2179 = arith.addi %add3A_2178, %convert_element_type3A_2120 : vector<16xi32>
        %and3A_2180 = arith.constant 16383 : i32
        %and3A_2181 = vector.broadcast %and3A_2180 : i32 to vector<16xi32>
        %and3A_2182 = arith.andi %add3A_2179, %and3A_2181 : vector<16xi32>
        %mul3A_2183 = arith.constant 100 : i32
        %mul3A_2184 = vector.broadcast %mul3A_2183 : i32 to vector<16xi32>
        %mul3A_2185 = arith.muli %and3A_2182, %mul3A_2184 : vector<16xi32>
        %add3A_2186 = arith.addi %mul3A_2185, %add3A_1958 : vector<16xi32>
        %add3A_2187 = arith.addi %multiple_of3A, %add3A_224 : i32
        %add3A_2188 = vector.broadcast %add3A_2187 : i32 to vector<16xi32>
        %add3A_2189 = arith.addi %add3A_2188, %convert_element_type3A_2123 : vector<16xi32>
        %and3A_2190 = arith.constant 16383 : i32
        %and3A_2191 = vector.broadcast %and3A_2190 : i32 to vector<16xi32>
        %and3A_2192 = arith.andi %add3A_2189, %and3A_2191 : vector<16xi32>
        %mul3A_2193 = arith.constant 100 : i32
        %mul3A_2194 = vector.broadcast %mul3A_2193 : i32 to vector<16xi32>
        %mul3A_2195 = arith.muli %and3A_2192, %mul3A_2194 : vector<16xi32>
        %add3A_2196 = arith.addi %mul3A_2195, %add3A_1958 : vector<16xi32>
        %add3A_2197 = arith.addi %multiple_of3A, %add3A_228 : i32
        %add3A_2198 = vector.broadcast %add3A_2197 : i32 to vector<16xi32>
        %add3A_2199 = arith.addi %add3A_2198, %convert_element_type3A_2126 : vector<16xi32>
        %and3A_2200 = arith.constant 16383 : i32
        %and3A_2201 = vector.broadcast %and3A_2200 : i32 to vector<16xi32>
        %and3A_2202 = arith.andi %add3A_2199, %and3A_2201 : vector<16xi32>
        %mul3A_2203 = arith.constant 100 : i32
        %mul3A_2204 = vector.broadcast %mul3A_2203 : i32 to vector<16xi32>
        %mul3A_2205 = arith.muli %and3A_2202, %mul3A_2204 : vector<16xi32>
        %add3A_2206 = arith.addi %mul3A_2205, %add3A_1958 : vector<16xi32>
        %add3A_2207 = arith.addi %add3A_1875, %sub3A_2074 : vector<16xi32>
        %add3A_2208 = arith.addi %add3A_1875, %all_reduce_population_count3A_2063 : vector<16xi32>
        %add3A_2209 = arith.addi %add3A_2208, %sub3A_2078 : vector<16xi32>
        %add3A_2210 = arith.addi %add3A_2208, %all_reduce_population_count3A_2064 : vector<16xi32>
        %add3A_2211 = arith.addi %add3A_2210, %sub3A_2082 : vector<16xi32>
        %add3A_2212 = arith.addi %add3A_2210, %all_reduce_population_count3A_2065 : vector<16xi32>
        %add3A_2213 = arith.addi %add3A_2212, %sub3A_2086 : vector<16xi32>
        %add3A_2214 = arith.addi %add3A_2212, %all_reduce_population_count3A_2066 : vector<16xi32>
        %add3A_2215 = arith.addi %add3A_2214, %sub3A_2090 : vector<16xi32>
        %add3A_2216 = arith.addi %add3A_2214, %all_reduce_population_count3A_2067 : vector<16xi32>
        %add3A_2217 = arith.addi %add3A_2216, %sub3A_2094 : vector<16xi32>
        %add3A_2218 = arith.addi %add3A_2216, %all_reduce_population_count3A_2068 : vector<16xi32>
        %add3A_2219 = arith.addi %add3A_2218, %sub3A_2098 : vector<16xi32>
        %add3A_2220 = arith.addi %add3A_2218, %all_reduce_population_count3A_2069 : vector<16xi32>
        %add3A_2221 = arith.addi %add3A_2220, %sub3A_2102 : vector<16xi32>
        %add3A_2222 = arith.addi %add3A_2220, %all_reduce_population_count3A_2070 : vector<16xi32>
        %shift_right_arithmetic3A_2223 = arith.constant 7 : i32
        %shift_right_arithmetic3A_2224 = vector.broadcast %shift_right_arithmetic3A_2223 : i32 to vector<16xi32>
        %shift_right_arithmetic3A_2225 = arith.shrsi %add3A_2207, %shift_right_arithmetic3A_2224 : vector<16xi32>
        %and3A_2226 = arith.constant 127 : i32
        %and3A_2227 = vector.broadcast %and3A_2226 : i32 to vector<16xi32>
        %and3A_2228 = arith.andi %add3A_2207, %and3A_2227 : vector<16xi32>
        tpu.vector_store_idx %arg10[%shift_right_arithmetic3A_2225, %and3A_2228], %add3A_2136 masked %gt3A_2008 : memref<101x128xi32, #tpu.memory_space<vmem>>[vector<16xi32>, vector<16xi32>], vector<16xi32>, vector<16xi1>
        %mul3A_2229 = arith.constant 128 : i32
        %mul3A_2230 = arith.muli %add3A_200, %mul3A_2229 : i32
        %add3A_2231 = vector.broadcast %mul3A_2230 : i32 to vector<16xi32>
        %add3A_2232 = arith.addi %add3A_2231, %add3A_1958 : vector<16xi32>
        tpu.vector_store_idx %arg11[%add3A_2207], %add3A_2232 masked %gt3A_2008 : memref<12928xi32, #tpu.memory_space<vmem>>[vector<16xi32>], vector<16xi32>, vector<16xi1>
        %shift_right_arithmetic3A_2233 = arith.constant 7 : i32
        %shift_right_arithmetic3A_2234 = vector.broadcast %shift_right_arithmetic3A_2233 : i32 to vector<16xi32>
        %shift_right_arithmetic3A_2235 = arith.shrsi %add3A_2209, %shift_right_arithmetic3A_2234 : vector<16xi32>
        %and3A_2236 = arith.constant 127 : i32
        %and3A_2237 = vector.broadcast %and3A_2236 : i32 to vector<16xi32>
        %and3A_2238 = arith.andi %add3A_2209, %and3A_2237 : vector<16xi32>
        tpu.vector_store_idx %arg10[%shift_right_arithmetic3A_2235, %and3A_2238], %add3A_2146 masked %gt3A_2010 : memref<101x128xi32, #tpu.memory_space<vmem>>[vector<16xi32>, vector<16xi32>], vector<16xi32>, vector<16xi1>
        %mul3A_2239 = arith.constant 128 : i32
        %mul3A_2240 = arith.muli %add3A_204, %mul3A_2239 : i32
        %add3A_2241 = vector.broadcast %mul3A_2240 : i32 to vector<16xi32>
        %add3A_2242 = arith.addi %add3A_2241, %add3A_1958 : vector<16xi32>
        tpu.vector_store_idx %arg11[%add3A_2209], %add3A_2242 masked %gt3A_2010 : memref<12928xi32, #tpu.memory_space<vmem>>[vector<16xi32>], vector<16xi32>, vector<16xi1>
        %shift_right_arithmetic3A_2243 = arith.constant 7 : i32
        %shift_right_arithmetic3A_2244 = vector.broadcast %shift_right_arithmetic3A_2243 : i32 to vector<16xi32>
        %shift_right_arithmetic3A_2245 = arith.shrsi %add3A_2211, %shift_right_arithmetic3A_2244 : vector<16xi32>
        %and3A_2246 = arith.constant 127 : i32
        %and3A_2247 = vector.broadcast %and3A_2246 : i32 to vector<16xi32>
        %and3A_2248 = arith.andi %add3A_2211, %and3A_2247 : vector<16xi32>
        tpu.vector_store_idx %arg10[%shift_right_arithmetic3A_2245, %and3A_2248], %add3A_2156 masked %gt3A_2012 : memref<101x128xi32, #tpu.memory_space<vmem>>[vector<16xi32>, vector<16xi32>], vector<16xi32>, vector<16xi1>
        %mul3A_2249 = arith.constant 128 : i32
        %mul3A_2250 = arith.muli %add3A_208, %mul3A_2249 : i32
        %add3A_2251 = vector.broadcast %mul3A_2250 : i32 to vector<16xi32>
        %add3A_2252 = arith.addi %add3A_2251, %add3A_1958 : vector<16xi32>
        tpu.vector_store_idx %arg11[%add3A_2211], %add3A_2252 masked %gt3A_2012 : memref<12928xi32, #tpu.memory_space<vmem>>[vector<16xi32>], vector<16xi32>, vector<16xi1>
        %shift_right_arithmetic3A_2253 = arith.constant 7 : i32
        %shift_right_arithmetic3A_2254 = vector.broadcast %shift_right_arithmetic3A_2253 : i32 to vector<16xi32>
        %shift_right_arithmetic3A_2255 = arith.shrsi %add3A_2213, %shift_right_arithmetic3A_2254 : vector<16xi32>
        %and3A_2256 = arith.constant 127 : i32
        %and3A_2257 = vector.broadcast %and3A_2256 : i32 to vector<16xi32>
        %and3A_2258 = arith.andi %add3A_2213, %and3A_2257 : vector<16xi32>
        tpu.vector_store_idx %arg10[%shift_right_arithmetic3A_2255, %and3A_2258], %add3A_2166 masked %gt3A_2014 : memref<101x128xi32, #tpu.memory_space<vmem>>[vector<16xi32>, vector<16xi32>], vector<16xi32>, vector<16xi1>
        %mul3A_2259 = arith.constant 128 : i32
        %mul3A_2260 = arith.muli %add3A_212, %mul3A_2259 : i32
        %add3A_2261 = vector.broadcast %mul3A_2260 : i32 to vector<16xi32>
        %add3A_2262 = arith.addi %add3A_2261, %add3A_1958 : vector<16xi32>
        tpu.vector_store_idx %arg11[%add3A_2213], %add3A_2262 masked %gt3A_2014 : memref<12928xi32, #tpu.memory_space<vmem>>[vector<16xi32>], vector<16xi32>, vector<16xi1>
        %shift_right_arithmetic3A_2263 = arith.constant 7 : i32
        %shift_right_arithmetic3A_2264 = vector.broadcast %shift_right_arithmetic3A_2263 : i32 to vector<16xi32>
        %shift_right_arithmetic3A_2265 = arith.shrsi %add3A_2215, %shift_right_arithmetic3A_2264 : vector<16xi32>
        %and3A_2266 = arith.constant 127 : i32
        %and3A_2267 = vector.broadcast %and3A_2266 : i32 to vector<16xi32>
        %and3A_2268 = arith.andi %add3A_2215, %and3A_2267 : vector<16xi32>
        tpu.vector_store_idx %arg10[%shift_right_arithmetic3A_2265, %and3A_2268], %add3A_2176 masked %gt3A_2016 : memref<101x128xi32, #tpu.memory_space<vmem>>[vector<16xi32>, vector<16xi32>], vector<16xi32>, vector<16xi1>
        %mul3A_2269 = arith.constant 128 : i32
        %mul3A_2270 = arith.muli %add3A_216, %mul3A_2269 : i32
        %add3A_2271 = vector.broadcast %mul3A_2270 : i32 to vector<16xi32>
        %add3A_2272 = arith.addi %add3A_2271, %add3A_1958 : vector<16xi32>
        tpu.vector_store_idx %arg11[%add3A_2215], %add3A_2272 masked %gt3A_2016 : memref<12928xi32, #tpu.memory_space<vmem>>[vector<16xi32>], vector<16xi32>, vector<16xi1>
        %shift_right_arithmetic3A_2273 = arith.constant 7 : i32
        %shift_right_arithmetic3A_2274 = vector.broadcast %shift_right_arithmetic3A_2273 : i32 to vector<16xi32>
        %shift_right_arithmetic3A_2275 = arith.shrsi %add3A_2217, %shift_right_arithmetic3A_2274 : vector<16xi32>
        %and3A_2276 = arith.constant 127 : i32
        %and3A_2277 = vector.broadcast %and3A_2276 : i32 to vector<16xi32>
        %and3A_2278 = arith.andi %add3A_2217, %and3A_2277 : vector<16xi32>
        tpu.vector_store_idx %arg10[%shift_right_arithmetic3A_2275, %and3A_2278], %add3A_2186 masked %gt3A_2018 : memref<101x128xi32, #tpu.memory_space<vmem>>[vector<16xi32>, vector<16xi32>], vector<16xi32>, vector<16xi1>
        %mul3A_2279 = arith.constant 128 : i32
        %mul3A_2280 = arith.muli %add3A_220, %mul3A_2279 : i32
        %add3A_2281 = vector.broadcast %mul3A_2280 : i32 to vector<16xi32>
        %add3A_2282 = arith.addi %add3A_2281, %add3A_1958 : vector<16xi32>
        tpu.vector_store_idx %arg11[%add3A_2217], %add3A_2282 masked %gt3A_2018 : memref<12928xi32, #tpu.memory_space<vmem>>[vector<16xi32>], vector<16xi32>, vector<16xi1>
        %shift_right_arithmetic3A_2283 = arith.constant 7 : i32
        %shift_right_arithmetic3A_2284 = vector.broadcast %shift_right_arithmetic3A_2283 : i32 to vector<16xi32>
        %shift_right_arithmetic3A_2285 = arith.shrsi %add3A_2219, %shift_right_arithmetic3A_2284 : vector<16xi32>
        %and3A_2286 = arith.constant 127 : i32
        %and3A_2287 = vector.broadcast %and3A_2286 : i32 to vector<16xi32>
        %and3A_2288 = arith.andi %add3A_2219, %and3A_2287 : vector<16xi32>
        tpu.vector_store_idx %arg10[%shift_right_arithmetic3A_2285, %and3A_2288], %add3A_2196 masked %gt3A_2020 : memref<101x128xi32, #tpu.memory_space<vmem>>[vector<16xi32>, vector<16xi32>], vector<16xi32>, vector<16xi1>
        %mul3A_2289 = arith.constant 128 : i32
        %mul3A_2290 = arith.muli %add3A_224, %mul3A_2289 : i32
        %add3A_2291 = vector.broadcast %mul3A_2290 : i32 to vector<16xi32>
        %add3A_2292 = arith.addi %add3A_2291, %add3A_1958 : vector<16xi32>
        tpu.vector_store_idx %arg11[%add3A_2219], %add3A_2292 masked %gt3A_2020 : memref<12928xi32, #tpu.memory_space<vmem>>[vector<16xi32>], vector<16xi32>, vector<16xi1>
        %shift_right_arithmetic3A_2293 = arith.constant 7 : i32
        %shift_right_arithmetic3A_2294 = vector.broadcast %shift_right_arithmetic3A_2293 : i32 to vector<16xi32>
        %shift_right_arithmetic3A_2295 = arith.shrsi %add3A_2221, %shift_right_arithmetic3A_2294 : vector<16xi32>
        %and3A_2296 = arith.constant 127 : i32
        %and3A_2297 = vector.broadcast %and3A_2296 : i32 to vector<16xi32>
        %and3A_2298 = arith.andi %add3A_2221, %and3A_2297 : vector<16xi32>
        tpu.vector_store_idx %arg10[%shift_right_arithmetic3A_2295, %and3A_2298], %add3A_2206 masked %gt3A_2022 : memref<101x128xi32, #tpu.memory_space<vmem>>[vector<16xi32>, vector<16xi32>], vector<16xi32>, vector<16xi1>
        %mul3A_2299 = arith.constant 128 : i32
        %mul3A_2300 = arith.muli %add3A_228, %mul3A_2299 : i32
        %add3A_2301 = vector.broadcast %mul3A_2300 : i32 to vector<16xi32>
        %add3A_2302 = arith.addi %add3A_2301, %add3A_1958 : vector<16xi32>
        tpu.vector_store_idx %arg11[%add3A_2221], %add3A_2302 masked %gt3A_2022 : memref<12928xi32, #tpu.memory_space<vmem>>[vector<16xi32>], vector<16xi32>, vector<16xi1>
        %add3A_2303 = arith.constant 84 : i32
        %add3A_2304 = vector.broadcast %add3A_2303 : i32 to vector<16xi32>
        %add3A_2305 = arith.addi %add3A_2304, %iota3A : vector<16xi32>
        %get3A_2306 = arith.index_cast %add3A_200 : i32 to index
        %get3A_2307 = arith.constant 84 : index
        %get3A_2308 = tpu.vector_load %arg7[%get3A_2306, %get3A_2307] {strides = array<i32>} : memref<128x100xf32, #tpu.memory_space<vmem>>, vector<16xf32>,
        %get3A_2309 = arith.index_cast %add3A_204 : i32 to index
        %get3A_2310 = arith.constant 84 : index
        %get3A_2311 = tpu.vector_load %arg7[%get3A_2309, %get3A_2310] {strides = array<i32>} : memref<128x100xf32, #tpu.memory_space<vmem>>, vector<16xf32>,
        %get3A_2312 = arith.index_cast %add3A_208 : i32 to index
        %get3A_2313 = arith.constant 84 : index
        %get3A_2314 = tpu.vector_load %arg7[%get3A_2312, %get3A_2313] {strides = array<i32>} : memref<128x100xf32, #tpu.memory_space<vmem>>, vector<16xf32>,
        %get3A_2315 = arith.index_cast %add3A_212 : i32 to index
        %get3A_2316 = arith.constant 84 : index
        %get3A_2317 = tpu.vector_load %arg7[%get3A_2315, %get3A_2316] {strides = array<i32>} : memref<128x100xf32, #tpu.memory_space<vmem>>, vector<16xf32>,
        %get3A_2318 = arith.index_cast %add3A_216 : i32 to index
        %get3A_2319 = arith.constant 84 : index
        %get3A_2320 = tpu.vector_load %arg7[%get3A_2318, %get3A_2319] {strides = array<i32>} : memref<128x100xf32, #tpu.memory_space<vmem>>, vector<16xf32>,
        %get3A_2321 = arith.index_cast %add3A_220 : i32 to index
        %get3A_2322 = arith.constant 84 : index
        %get3A_2323 = tpu.vector_load %arg7[%get3A_2321, %get3A_2322] {strides = array<i32>} : memref<128x100xf32, #tpu.memory_space<vmem>>, vector<16xf32>,
        %get3A_2324 = arith.index_cast %add3A_224 : i32 to index
        %get3A_2325 = arith.constant 84 : index
        %get3A_2326 = tpu.vector_load %arg7[%get3A_2324, %get3A_2325] {strides = array<i32>} : memref<128x100xf32, #tpu.memory_space<vmem>>, vector<16xf32>,
        %get3A_2327 = arith.index_cast %add3A_228 : i32 to index
        %get3A_2328 = arith.constant 84 : index
        %get3A_2329 = tpu.vector_load %arg7[%get3A_2327, %get3A_2328] {strides = array<i32>} : memref<128x100xf32, #tpu.memory_space<vmem>>, vector<16xf32>,
        %get3A_2330 = arith.index_cast %add3A_200 : i32 to index
        %get3A_2331 = arith.constant 84 : index
        %get3A_2332 = tpu.vector_load %arg8[%get3A_2330, %get3A_2331] {strides = array<i32>} : memref<128x100xf32, #tpu.memory_space<vmem>>, vector<16xf32>,
        %get3A_2333 = arith.index_cast %add3A_204 : i32 to index
        %get3A_2334 = arith.constant 84 : index
        %get3A_2335 = tpu.vector_load %arg8[%get3A_2333, %get3A_2334] {strides = array<i32>} : memref<128x100xf32, #tpu.memory_space<vmem>>, vector<16xf32>,
        %get3A_2336 = arith.index_cast %add3A_208 : i32 to index
        %get3A_2337 = arith.constant 84 : index
        %get3A_2338 = tpu.vector_load %arg8[%get3A_2336, %get3A_2337] {strides = array<i32>} : memref<128x100xf32, #tpu.memory_space<vmem>>, vector<16xf32>,
        %get3A_2339 = arith.index_cast %add3A_212 : i32 to index
        %get3A_2340 = arith.constant 84 : index
        %get3A_2341 = tpu.vector_load %arg8[%get3A_2339, %get3A_2340] {strides = array<i32>} : memref<128x100xf32, #tpu.memory_space<vmem>>, vector<16xf32>,
        %get3A_2342 = arith.index_cast %add3A_216 : i32 to index
        %get3A_2343 = arith.constant 84 : index
        %get3A_2344 = tpu.vector_load %arg8[%get3A_2342, %get3A_2343] {strides = array<i32>} : memref<128x100xf32, #tpu.memory_space<vmem>>, vector<16xf32>,
        %get3A_2345 = arith.index_cast %add3A_220 : i32 to index
        %get3A_2346 = arith.constant 84 : index
        %get3A_2347 = tpu.vector_load %arg8[%get3A_2345, %get3A_2346] {strides = array<i32>} : memref<128x100xf32, #tpu.memory_space<vmem>>, vector<16xf32>,
        %get3A_2348 = arith.index_cast %add3A_224 : i32 to index
        %get3A_2349 = arith.constant 84 : index
        %get3A_2350 = tpu.vector_load %arg8[%get3A_2348, %get3A_2349] {strides = array<i32>} : memref<128x100xf32, #tpu.memory_space<vmem>>, vector<16xf32>,
        %get3A_2351 = arith.index_cast %add3A_228 : i32 to index
        %get3A_2352 = arith.constant 84 : index
        %get3A_2353 = tpu.vector_load %arg8[%get3A_2351, %get3A_2352] {strides = array<i32>} : memref<128x100xf32, #tpu.memory_space<vmem>>, vector<16xf32>,
        %gt3A_2354 = vector.broadcast %scan3A_6 : f32 to vector<16xf32>
        %gt3A_2355 = arith.cmpf ogt, %get3A_2308, %gt3A_2354 : vector<16xf32>
        %gt3A_2356 = vector.broadcast %scan3A_6 : f32 to vector<16xf32>
        %gt3A_2357 = arith.cmpf ogt, %get3A_2311, %gt3A_2356 : vector<16xf32>
        %gt3A_2358 = vector.broadcast %scan3A_6 : f32 to vector<16xf32>
        %gt3A_2359 = arith.cmpf ogt, %get3A_2314, %gt3A_2358 : vector<16xf32>
        %gt3A_2360 = vector.broadcast %scan3A_6 : f32 to vector<16xf32>
        %gt3A_2361 = arith.cmpf ogt, %get3A_2317, %gt3A_2360 : vector<16xf32>
        %gt3A_2362 = vector.broadcast %scan3A_6 : f32 to vector<16xf32>
        %gt3A_2363 = arith.cmpf ogt, %get3A_2320, %gt3A_2362 : vector<16xf32>
        %gt3A_2364 = vector.broadcast %scan3A_6 : f32 to vector<16xf32>
        %gt3A_2365 = arith.cmpf ogt, %get3A_2323, %gt3A_2364 : vector<16xf32>
        %gt3A_2366 = vector.broadcast %scan3A_6 : f32 to vector<16xf32>
        %gt3A_2367 = arith.cmpf ogt, %get3A_2326, %gt3A_2366 : vector<16xf32>
        %gt3A_2368 = vector.broadcast %scan3A_6 : f32 to vector<16xf32>
        %gt3A_2369 = arith.cmpf ogt, %get3A_2329, %gt3A_2368 : vector<16xf32>
        %and3A_2370 = arith.andi %gt3A_2355, %ge3A_5 : vector<16xi1>
        %and3A_2371 = arith.andi %gt3A_2357, %ge3A_5 : vector<16xi1>
        %and3A_2372 = arith.andi %gt3A_2359, %ge3A_5 : vector<16xi1>
        %and3A_2373 = arith.andi %gt3A_2361, %ge3A_5 : vector<16xi1>
        %and3A_2374 = arith.andi %gt3A_2363, %ge3A_5 : vector<16xi1>
        %and3A_2375 = arith.andi %gt3A_2365, %ge3A_5 : vector<16xi1>
        %and3A_2376 = arith.andi %gt3A_2367, %ge3A_5 : vector<16xi1>
        %and3A_2377 = arith.andi %gt3A_2369, %ge3A_5 : vector<16xi1>
        %jit3A_2378 = arith.constant 1 : i32
        %jit3A_2379 = arith.constant 0 : i32
        %broadcast_in_dim3A_2380 = vector.broadcast %jit3A_2378 : i32 to vector<16xi32>
        %broadcast_in_dim3A_2381 = vector.broadcast %jit3A_2379 : i32 to vector<16xi32>
        %select_n3A_2382 = arith.select %and3A_2370, %broadcast_in_dim3A_2380, %broadcast_in_dim3A_2381 : vector<16xi1>, vector<16xi32>
        %jit3A_2383 = arith.constant 1 : i32
        %jit3A_2384 = arith.constant 0 : i32
        %broadcast_in_dim3A_2385 = vector.broadcast %jit3A_2383 : i32 to vector<16xi32>
        %broadcast_in_dim3A_2386 = vector.broadcast %jit3A_2384 : i32 to vector<16xi32>
        %select_n3A_2387 = arith.select %and3A_2371, %broadcast_in_dim3A_2385, %broadcast_in_dim3A_2386 : vector<16xi1>, vector<16xi32>
        %jit3A_2388 = arith.constant 1 : i32
        %jit3A_2389 = arith.constant 0 : i32
        %broadcast_in_dim3A_2390 = vector.broadcast %jit3A_2388 : i32 to vector<16xi32>
        %broadcast_in_dim3A_2391 = vector.broadcast %jit3A_2389 : i32 to vector<16xi32>
        %select_n3A_2392 = arith.select %and3A_2372, %broadcast_in_dim3A_2390, %broadcast_in_dim3A_2391 : vector<16xi1>, vector<16xi32>
        %jit3A_2393 = arith.constant 1 : i32
        %jit3A_2394 = arith.constant 0 : i32
        %broadcast_in_dim3A_2395 = vector.broadcast %jit3A_2393 : i32 to vector<16xi32>
        %broadcast_in_dim3A_2396 = vector.broadcast %jit3A_2394 : i32 to vector<16xi32>
        %select_n3A_2397 = arith.select %and3A_2373, %broadcast_in_dim3A_2395, %broadcast_in_dim3A_2396 : vector<16xi1>, vector<16xi32>
        %jit3A_2398 = arith.constant 1 : i32
        %jit3A_2399 = arith.constant 0 : i32
        %broadcast_in_dim3A_2400 = vector.broadcast %jit3A_2398 : i32 to vector<16xi32>
        %broadcast_in_dim3A_2401 = vector.broadcast %jit3A_2399 : i32 to vector<16xi32>
        %select_n3A_2402 = arith.select %and3A_2374, %broadcast_in_dim3A_2400, %broadcast_in_dim3A_2401 : vector<16xi1>, vector<16xi32>
        %jit3A_2403 = arith.constant 1 : i32
        %jit3A_2404 = arith.constant 0 : i32
        %broadcast_in_dim3A_2405 = vector.broadcast %jit3A_2403 : i32 to vector<16xi32>
        %broadcast_in_dim3A_2406 = vector.broadcast %jit3A_2404 : i32 to vector<16xi32>
        %select_n3A_2407 = arith.select %and3A_2375, %broadcast_in_dim3A_2405, %broadcast_in_dim3A_2406 : vector<16xi1>, vector<16xi32>
        %jit3A_2408 = arith.constant 1 : i32
        %jit3A_2409 = arith.constant 0 : i32
        %broadcast_in_dim3A_2410 = vector.broadcast %jit3A_2408 : i32 to vector<16xi32>
        %broadcast_in_dim3A_2411 = vector.broadcast %jit3A_2409 : i32 to vector<16xi32>
        %select_n3A_2412 = arith.select %and3A_2376, %broadcast_in_dim3A_2410, %broadcast_in_dim3A_2411 : vector<16xi1>, vector<16xi32>
        %jit3A_2413 = arith.constant 1 : i32
        %jit3A_2414 = arith.constant 0 : i32
        %broadcast_in_dim3A_2415 = vector.broadcast %jit3A_2413 : i32 to vector<16xi32>
        %broadcast_in_dim3A_2416 = vector.broadcast %jit3A_2414 : i32 to vector<16xi32>
        %select_n3A_2417 = arith.select %and3A_2377, %broadcast_in_dim3A_2415, %broadcast_in_dim3A_2416 : vector<16xi1>, vector<16xi32>
        %all_reduce_population_count3A_2418 = tpu.all_reduce %and3A_2370 {dim = 0 : i64, kind = #tpu.reduction_kind<sum>} : vector<16xi1> -> vector<16xi32>
        %all_reduce_population_count3A_2419 = tpu.all_reduce %and3A_2371 {dim = 0 : i64, kind = #tpu.reduction_kind<sum>} : vector<16xi1> -> vector<16xi32>
        %all_reduce_population_count3A_2420 = tpu.all_reduce %and3A_2372 {dim = 0 : i64, kind = #tpu.reduction_kind<sum>} : vector<16xi1> -> vector<16xi32>
        %all_reduce_population_count3A_2421 = tpu.all_reduce %and3A_2373 {dim = 0 : i64, kind = #tpu.reduction_kind<sum>} : vector<16xi1> -> vector<16xi32>
        %all_reduce_population_count3A_2422 = tpu.all_reduce %and3A_2374 {dim = 0 : i64, kind = #tpu.reduction_kind<sum>} : vector<16xi1> -> vector<16xi32>
        %all_reduce_population_count3A_2423 = tpu.all_reduce %and3A_2375 {dim = 0 : i64, kind = #tpu.reduction_kind<sum>} : vector<16xi1> -> vector<16xi32>
        %all_reduce_population_count3A_2424 = tpu.all_reduce %and3A_2376 {dim = 0 : i64, kind = #tpu.reduction_kind<sum>} : vector<16xi1> -> vector<16xi32>
        %all_reduce_population_count3A_2425 = tpu.all_reduce %and3A_2377 {dim = 0 : i64, kind = #tpu.reduction_kind<sum>} : vector<16xi1> -> vector<16xi32>
        %broadcast_in_dim3A_2426 = arith.constant true
        %broadcast_in_dim3A_2427 = vector.broadcast %broadcast_in_dim3A_2426 : i1 to vector<16xi1>
        %masked_cumsum3A_2428 = tpu.scan <sum>, %select_n3A_2382 masked %broadcast_in_dim3A_2427 : vector<16xi32>, vector<16xi1> -> vector<16xi32>
        %sub3A_2429 = arith.subi %masked_cumsum3A_2428, %select_n3A_2382 : vector<16xi32>
        %broadcast_in_dim3A_2430 = arith.constant true
        %broadcast_in_dim3A_2431 = vector.broadcast %broadcast_in_dim3A_2430 : i1 to vector<16xi1>
        %masked_cumsum3A_2432 = tpu.scan <sum>, %select_n3A_2387 masked %broadcast_in_dim3A_2431 : vector<16xi32>, vector<16xi1> -> vector<16xi32>
        %sub3A_2433 = arith.subi %masked_cumsum3A_2432, %select_n3A_2387 : vector<16xi32>
        %broadcast_in_dim3A_2434 = arith.constant true
        %broadcast_in_dim3A_2435 = vector.broadcast %broadcast_in_dim3A_2434 : i1 to vector<16xi1>
        %masked_cumsum3A_2436 = tpu.scan <sum>, %select_n3A_2392 masked %broadcast_in_dim3A_2435 : vector<16xi32>, vector<16xi1> -> vector<16xi32>
        %sub3A_2437 = arith.subi %masked_cumsum3A_2436, %select_n3A_2392 : vector<16xi32>
        %broadcast_in_dim3A_2438 = arith.constant true
        %broadcast_in_dim3A_2439 = vector.broadcast %broadcast_in_dim3A_2438 : i1 to vector<16xi1>
        %masked_cumsum3A_2440 = tpu.scan <sum>, %select_n3A_2397 masked %broadcast_in_dim3A_2439 : vector<16xi32>, vector<16xi1> -> vector<16xi32>
        %sub3A_2441 = arith.subi %masked_cumsum3A_2440, %select_n3A_2397 : vector<16xi32>
        %broadcast_in_dim3A_2442 = arith.constant true
        %broadcast_in_dim3A_2443 = vector.broadcast %broadcast_in_dim3A_2442 : i1 to vector<16xi1>
        %masked_cumsum3A_2444 = tpu.scan <sum>, %select_n3A_2402 masked %broadcast_in_dim3A_2443 : vector<16xi32>, vector<16xi1> -> vector<16xi32>
        %sub3A_2445 = arith.subi %masked_cumsum3A_2444, %select_n3A_2402 : vector<16xi32>
        %broadcast_in_dim3A_2446 = arith.constant true
        %broadcast_in_dim3A_2447 = vector.broadcast %broadcast_in_dim3A_2446 : i1 to vector<16xi1>
        %masked_cumsum3A_2448 = tpu.scan <sum>, %select_n3A_2407 masked %broadcast_in_dim3A_2447 : vector<16xi32>, vector<16xi1> -> vector<16xi32>
        %sub3A_2449 = arith.subi %masked_cumsum3A_2448, %select_n3A_2407 : vector<16xi32>
        %broadcast_in_dim3A_2450 = arith.constant true
        %broadcast_in_dim3A_2451 = vector.broadcast %broadcast_in_dim3A_2450 : i1 to vector<16xi1>
        %masked_cumsum3A_2452 = tpu.scan <sum>, %select_n3A_2412 masked %broadcast_in_dim3A_2451 : vector<16xi32>, vector<16xi1> -> vector<16xi32>
        %sub3A_2453 = arith.subi %masked_cumsum3A_2452, %select_n3A_2412 : vector<16xi32>
        %broadcast_in_dim3A_2454 = arith.constant true
        %broadcast_in_dim3A_2455 = vector.broadcast %broadcast_in_dim3A_2454 : i1 to vector<16xi1>
        %masked_cumsum3A_2456 = tpu.scan <sum>, %select_n3A_2417 masked %broadcast_in_dim3A_2455 : vector<16xi32>, vector<16xi1> -> vector<16xi32>
        %sub3A_2457 = arith.subi %masked_cumsum3A_2456, %select_n3A_2417 : vector<16xi32>
        %mul3A_2458 = vector.broadcast %scan3A_7 : f32 to vector<16xf32>
        %mul3A_2459 = arith.mulf %get3A_2332, %mul3A_2458 : vector<16xf32>
        %convert_element_type3A_2460 = arith.fptosi %mul3A_2459 : vector<16xf32> to vector<16xi32>
        %mul3A_2461 = vector.broadcast %scan3A_7 : f32 to vector<16xf32>
        %mul3A_2462 = arith.mulf %get3A_2335, %mul3A_2461 : vector<16xf32>
        %convert_element_type3A_2463 = arith.fptosi %mul3A_2462 : vector<16xf32> to vector<16xi32>
        %mul3A_2464 = vector.broadcast %scan3A_7 : f32 to vector<16xf32>
        %mul3A_2465 = arith.mulf %get3A_2338, %mul3A_2464 : vector<16xf32>
        %convert_element_type3A_2466 = arith.fptosi %mul3A_2465 : vector<16xf32> to vector<16xi32>
        %mul3A_2467 = vector.broadcast %scan3A_7 : f32 to vector<16xf32>
        %mul3A_2468 = arith.mulf %get3A_2341, %mul3A_2467 : vector<16xf32>
        %convert_element_type3A_2469 = arith.fptosi %mul3A_2468 : vector<16xf32> to vector<16xi32>
        %mul3A_2470 = vector.broadcast %scan3A_7 : f32 to vector<16xf32>
        %mul3A_2471 = arith.mulf %get3A_2344, %mul3A_2470 : vector<16xf32>
        %convert_element_type3A_2472 = arith.fptosi %mul3A_2471 : vector<16xf32> to vector<16xi32>
        %mul3A_2473 = vector.broadcast %scan3A_7 : f32 to vector<16xf32>
        %mul3A_2474 = arith.mulf %get3A_2347, %mul3A_2473 : vector<16xf32>
        %convert_element_type3A_2475 = arith.fptosi %mul3A_2474 : vector<16xf32> to vector<16xi32>
        %mul3A_2476 = vector.broadcast %scan3A_7 : f32 to vector<16xf32>
        %mul3A_2477 = arith.mulf %get3A_2350, %mul3A_2476 : vector<16xf32>
        %convert_element_type3A_2478 = arith.fptosi %mul3A_2477 : vector<16xf32> to vector<16xi32>
        %mul3A_2479 = vector.broadcast %scan3A_7 : f32 to vector<16xf32>
        %mul3A_2480 = arith.mulf %get3A_2353, %mul3A_2479 : vector<16xf32>
        %convert_element_type3A_2481 = arith.fptosi %mul3A_2480 : vector<16xf32> to vector<16xi32>
        %add3A_2482 = arith.addi %multiple_of3A, %add3A_200 : i32
        %add3A_2483 = vector.broadcast %add3A_2482 : i32 to vector<16xi32>
        %add3A_2484 = arith.addi %add3A_2483, %convert_element_type3A_2460 : vector<16xi32>
        %and3A_2485 = arith.constant 16383 : i32
        %and3A_2486 = vector.broadcast %and3A_2485 : i32 to vector<16xi32>
        %and3A_2487 = arith.andi %add3A_2484, %and3A_2486 : vector<16xi32>
        %mul3A_2488 = arith.constant 100 : i32
        %mul3A_2489 = vector.broadcast %mul3A_2488 : i32 to vector<16xi32>
        %mul3A_2490 = arith.muli %and3A_2487, %mul3A_2489 : vector<16xi32>
        %add3A_2491 = arith.addi %mul3A_2490, %add3A_2305 : vector<16xi32>
        %add3A_2492 = arith.addi %multiple_of3A, %add3A_204 : i32
        %add3A_2493 = vector.broadcast %add3A_2492 : i32 to vector<16xi32>
        %add3A_2494 = arith.addi %add3A_2493, %convert_element_type3A_2463 : vector<16xi32>
        %and3A_2495 = arith.constant 16383 : i32
        %and3A_2496 = vector.broadcast %and3A_2495 : i32 to vector<16xi32>
        %and3A_2497 = arith.andi %add3A_2494, %and3A_2496 : vector<16xi32>
        %mul3A_2498 = arith.constant 100 : i32
        %mul3A_2499 = vector.broadcast %mul3A_2498 : i32 to vector<16xi32>
        %mul3A_2500 = arith.muli %and3A_2497, %mul3A_2499 : vector<16xi32>
        %add3A_2501 = arith.addi %mul3A_2500, %add3A_2305 : vector<16xi32>
        %add3A_2502 = arith.addi %multiple_of3A, %add3A_208 : i32
        %add3A_2503 = vector.broadcast %add3A_2502 : i32 to vector<16xi32>
        %add3A_2504 = arith.addi %add3A_2503, %convert_element_type3A_2466 : vector<16xi32>
        %and3A_2505 = arith.constant 16383 : i32
        %and3A_2506 = vector.broadcast %and3A_2505 : i32 to vector<16xi32>
        %and3A_2507 = arith.andi %add3A_2504, %and3A_2506 : vector<16xi32>
        %mul3A_2508 = arith.constant 100 : i32
        %mul3A_2509 = vector.broadcast %mul3A_2508 : i32 to vector<16xi32>
        %mul3A_2510 = arith.muli %and3A_2507, %mul3A_2509 : vector<16xi32>
        %add3A_2511 = arith.addi %mul3A_2510, %add3A_2305 : vector<16xi32>
        %add3A_2512 = arith.addi %multiple_of3A, %add3A_212 : i32
        %add3A_2513 = vector.broadcast %add3A_2512 : i32 to vector<16xi32>
        %add3A_2514 = arith.addi %add3A_2513, %convert_element_type3A_2469 : vector<16xi32>
        %and3A_2515 = arith.constant 16383 : i32
        %and3A_2516 = vector.broadcast %and3A_2515 : i32 to vector<16xi32>
        %and3A_2517 = arith.andi %add3A_2514, %and3A_2516 : vector<16xi32>
        %mul3A_2518 = arith.constant 100 : i32
        %mul3A_2519 = vector.broadcast %mul3A_2518 : i32 to vector<16xi32>
        %mul3A_2520 = arith.muli %and3A_2517, %mul3A_2519 : vector<16xi32>
        %add3A_2521 = arith.addi %mul3A_2520, %add3A_2305 : vector<16xi32>
        %add3A_2522 = arith.addi %multiple_of3A, %add3A_216 : i32
        %add3A_2523 = vector.broadcast %add3A_2522 : i32 to vector<16xi32>
        %add3A_2524 = arith.addi %add3A_2523, %convert_element_type3A_2472 : vector<16xi32>
        %and3A_2525 = arith.constant 16383 : i32
        %and3A_2526 = vector.broadcast %and3A_2525 : i32 to vector<16xi32>
        %and3A_2527 = arith.andi %add3A_2524, %and3A_2526 : vector<16xi32>
        %mul3A_2528 = arith.constant 100 : i32
        %mul3A_2529 = vector.broadcast %mul3A_2528 : i32 to vector<16xi32>
        %mul3A_2530 = arith.muli %and3A_2527, %mul3A_2529 : vector<16xi32>
        %add3A_2531 = arith.addi %mul3A_2530, %add3A_2305 : vector<16xi32>
        %add3A_2532 = arith.addi %multiple_of3A, %add3A_220 : i32
        %add3A_2533 = vector.broadcast %add3A_2532 : i32 to vector<16xi32>
        %add3A_2534 = arith.addi %add3A_2533, %convert_element_type3A_2475 : vector<16xi32>
        %and3A_2535 = arith.constant 16383 : i32
        %and3A_2536 = vector.broadcast %and3A_2535 : i32 to vector<16xi32>
        %and3A_2537 = arith.andi %add3A_2534, %and3A_2536 : vector<16xi32>
        %mul3A_2538 = arith.constant 100 : i32
        %mul3A_2539 = vector.broadcast %mul3A_2538 : i32 to vector<16xi32>
        %mul3A_2540 = arith.muli %and3A_2537, %mul3A_2539 : vector<16xi32>
        %add3A_2541 = arith.addi %mul3A_2540, %add3A_2305 : vector<16xi32>
        %add3A_2542 = arith.addi %multiple_of3A, %add3A_224 : i32
        %add3A_2543 = vector.broadcast %add3A_2542 : i32 to vector<16xi32>
        %add3A_2544 = arith.addi %add3A_2543, %convert_element_type3A_2478 : vector<16xi32>
        %and3A_2545 = arith.constant 16383 : i32
        %and3A_2546 = vector.broadcast %and3A_2545 : i32 to vector<16xi32>
        %and3A_2547 = arith.andi %add3A_2544, %and3A_2546 : vector<16xi32>
        %mul3A_2548 = arith.constant 100 : i32
        %mul3A_2549 = vector.broadcast %mul3A_2548 : i32 to vector<16xi32>
        %mul3A_2550 = arith.muli %and3A_2547, %mul3A_2549 : vector<16xi32>
        %add3A_2551 = arith.addi %mul3A_2550, %add3A_2305 : vector<16xi32>
        %add3A_2552 = arith.addi %multiple_of3A, %add3A_228 : i32
        %add3A_2553 = vector.broadcast %add3A_2552 : i32 to vector<16xi32>
        %add3A_2554 = arith.addi %add3A_2553, %convert_element_type3A_2481 : vector<16xi32>
        %and3A_2555 = arith.constant 16383 : i32
        %and3A_2556 = vector.broadcast %and3A_2555 : i32 to vector<16xi32>
        %and3A_2557 = arith.andi %add3A_2554, %and3A_2556 : vector<16xi32>
        %mul3A_2558 = arith.constant 100 : i32
        %mul3A_2559 = vector.broadcast %mul3A_2558 : i32 to vector<16xi32>
        %mul3A_2560 = arith.muli %and3A_2557, %mul3A_2559 : vector<16xi32>
        %add3A_2561 = arith.addi %mul3A_2560, %add3A_2305 : vector<16xi32>
        %add3A_2562 = arith.addi %add3A_2222, %sub3A_2429 : vector<16xi32>
        %add3A_2563 = arith.addi %add3A_2222, %all_reduce_population_count3A_2418 : vector<16xi32>
        %add3A_2564 = arith.addi %add3A_2563, %sub3A_2433 : vector<16xi32>
        %add3A_2565 = arith.addi %add3A_2563, %all_reduce_population_count3A_2419 : vector<16xi32>
        %add3A_2566 = arith.addi %add3A_2565, %sub3A_2437 : vector<16xi32>
        %add3A_2567 = arith.addi %add3A_2565, %all_reduce_population_count3A_2420 : vector<16xi32>
        %add3A_2568 = arith.addi %add3A_2567, %sub3A_2441 : vector<16xi32>
        %add3A_2569 = arith.addi %add3A_2567, %all_reduce_population_count3A_2421 : vector<16xi32>
        %add3A_2570 = arith.addi %add3A_2569, %sub3A_2445 : vector<16xi32>
        %add3A_2571 = arith.addi %add3A_2569, %all_reduce_population_count3A_2422 : vector<16xi32>
        %add3A_2572 = arith.addi %add3A_2571, %sub3A_2449 : vector<16xi32>
        %add3A_2573 = arith.addi %add3A_2571, %all_reduce_population_count3A_2423 : vector<16xi32>
        %add3A_2574 = arith.addi %add3A_2573, %sub3A_2453 : vector<16xi32>
        %add3A_2575 = arith.addi %add3A_2573, %all_reduce_population_count3A_2424 : vector<16xi32>
        %add3A_2576 = arith.addi %add3A_2575, %sub3A_2457 : vector<16xi32>
        %add3A_2577 = arith.addi %add3A_2575, %all_reduce_population_count3A_2425 : vector<16xi32>
        %shift_right_arithmetic3A_2578 = arith.constant 7 : i32
        %shift_right_arithmetic3A_2579 = vector.broadcast %shift_right_arithmetic3A_2578 : i32 to vector<16xi32>
        %shift_right_arithmetic3A_2580 = arith.shrsi %add3A_2562, %shift_right_arithmetic3A_2579 : vector<16xi32>
        %and3A_2581 = arith.constant 127 : i32
        %and3A_2582 = vector.broadcast %and3A_2581 : i32 to vector<16xi32>
        %and3A_2583 = arith.andi %add3A_2562, %and3A_2582 : vector<16xi32>
        tpu.vector_store_idx %arg10[%shift_right_arithmetic3A_2580, %and3A_2583], %add3A_2491 masked %and3A_2370 : memref<101x128xi32, #tpu.memory_space<vmem>>[vector<16xi32>, vector<16xi32>], vector<16xi32>, vector<16xi1>
        %mul3A_2584 = arith.constant 128 : i32
        %mul3A_2585 = arith.muli %add3A_200, %mul3A_2584 : i32
        %add3A_2586 = vector.broadcast %mul3A_2585 : i32 to vector<16xi32>
        %add3A_2587 = arith.addi %add3A_2586, %add3A_2305 : vector<16xi32>
        tpu.vector_store_idx %arg11[%add3A_2562], %add3A_2587 masked %and3A_2370 : memref<12928xi32, #tpu.memory_space<vmem>>[vector<16xi32>], vector<16xi32>, vector<16xi1>
        %shift_right_arithmetic3A_2588 = arith.constant 7 : i32
        %shift_right_arithmetic3A_2589 = vector.broadcast %shift_right_arithmetic3A_2588 : i32 to vector<16xi32>
        %shift_right_arithmetic3A_2590 = arith.shrsi %add3A_2564, %shift_right_arithmetic3A_2589 : vector<16xi32>
        %and3A_2591 = arith.constant 127 : i32
        %and3A_2592 = vector.broadcast %and3A_2591 : i32 to vector<16xi32>
        %and3A_2593 = arith.andi %add3A_2564, %and3A_2592 : vector<16xi32>
        tpu.vector_store_idx %arg10[%shift_right_arithmetic3A_2590, %and3A_2593], %add3A_2501 masked %and3A_2371 : memref<101x128xi32, #tpu.memory_space<vmem>>[vector<16xi32>, vector<16xi32>], vector<16xi32>, vector<16xi1>
        %mul3A_2594 = arith.constant 128 : i32
        %mul3A_2595 = arith.muli %add3A_204, %mul3A_2594 : i32
        %add3A_2596 = vector.broadcast %mul3A_2595 : i32 to vector<16xi32>
        %add3A_2597 = arith.addi %add3A_2596, %add3A_2305 : vector<16xi32>
        tpu.vector_store_idx %arg11[%add3A_2564], %add3A_2597 masked %and3A_2371 : memref<12928xi32, #tpu.memory_space<vmem>>[vector<16xi32>], vector<16xi32>, vector<16xi1>
        %shift_right_arithmetic3A_2598 = arith.constant 7 : i32
        %shift_right_arithmetic3A_2599 = vector.broadcast %shift_right_arithmetic3A_2598 : i32 to vector<16xi32>
        %shift_right_arithmetic3A_2600 = arith.shrsi %add3A_2566, %shift_right_arithmetic3A_2599 : vector<16xi32>
        %and3A_2601 = arith.constant 127 : i32
        %and3A_2602 = vector.broadcast %and3A_2601 : i32 to vector<16xi32>
        %and3A_2603 = arith.andi %add3A_2566, %and3A_2602 : vector<16xi32>
        tpu.vector_store_idx %arg10[%shift_right_arithmetic3A_2600, %and3A_2603], %add3A_2511 masked %and3A_2372 : memref<101x128xi32, #tpu.memory_space<vmem>>[vector<16xi32>, vector<16xi32>], vector<16xi32>, vector<16xi1>
        %mul3A_2604 = arith.constant 128 : i32
        %mul3A_2605 = arith.muli %add3A_208, %mul3A_2604 : i32
        %add3A_2606 = vector.broadcast %mul3A_2605 : i32 to vector<16xi32>
        %add3A_2607 = arith.addi %add3A_2606, %add3A_2305 : vector<16xi32>
        tpu.vector_store_idx %arg11[%add3A_2566], %add3A_2607 masked %and3A_2372 : memref<12928xi32, #tpu.memory_space<vmem>>[vector<16xi32>], vector<16xi32>, vector<16xi1>
        %shift_right_arithmetic3A_2608 = arith.constant 7 : i32
        %shift_right_arithmetic3A_2609 = vector.broadcast %shift_right_arithmetic3A_2608 : i32 to vector<16xi32>
        %shift_right_arithmetic3A_2610 = arith.shrsi %add3A_2568, %shift_right_arithmetic3A_2609 : vector<16xi32>
        %and3A_2611 = arith.constant 127 : i32
        %and3A_2612 = vector.broadcast %and3A_2611 : i32 to vector<16xi32>
        %and3A_2613 = arith.andi %add3A_2568, %and3A_2612 : vector<16xi32>
        tpu.vector_store_idx %arg10[%shift_right_arithmetic3A_2610, %and3A_2613], %add3A_2521 masked %and3A_2373 : memref<101x128xi32, #tpu.memory_space<vmem>>[vector<16xi32>, vector<16xi32>], vector<16xi32>, vector<16xi1>
        %mul3A_2614 = arith.constant 128 : i32
        %mul3A_2615 = arith.muli %add3A_212, %mul3A_2614 : i32
        %add3A_2616 = vector.broadcast %mul3A_2615 : i32 to vector<16xi32>
        %add3A_2617 = arith.addi %add3A_2616, %add3A_2305 : vector<16xi32>
        tpu.vector_store_idx %arg11[%add3A_2568], %add3A_2617 masked %and3A_2373 : memref<12928xi32, #tpu.memory_space<vmem>>[vector<16xi32>], vector<16xi32>, vector<16xi1>
        %shift_right_arithmetic3A_2618 = arith.constant 7 : i32
        %shift_right_arithmetic3A_2619 = vector.broadcast %shift_right_arithmetic3A_2618 : i32 to vector<16xi32>
        %shift_right_arithmetic3A_2620 = arith.shrsi %add3A_2570, %shift_right_arithmetic3A_2619 : vector<16xi32>
        %and3A_2621 = arith.constant 127 : i32
        %and3A_2622 = vector.broadcast %and3A_2621 : i32 to vector<16xi32>
        %and3A_2623 = arith.andi %add3A_2570, %and3A_2622 : vector<16xi32>
        tpu.vector_store_idx %arg10[%shift_right_arithmetic3A_2620, %and3A_2623], %add3A_2531 masked %and3A_2374 : memref<101x128xi32, #tpu.memory_space<vmem>>[vector<16xi32>, vector<16xi32>], vector<16xi32>, vector<16xi1>
        %mul3A_2624 = arith.constant 128 : i32
        %mul3A_2625 = arith.muli %add3A_216, %mul3A_2624 : i32
        %add3A_2626 = vector.broadcast %mul3A_2625 : i32 to vector<16xi32>
        %add3A_2627 = arith.addi %add3A_2626, %add3A_2305 : vector<16xi32>
        tpu.vector_store_idx %arg11[%add3A_2570], %add3A_2627 masked %and3A_2374 : memref<12928xi32, #tpu.memory_space<vmem>>[vector<16xi32>], vector<16xi32>, vector<16xi1>
        %shift_right_arithmetic3A_2628 = arith.constant 7 : i32
        %shift_right_arithmetic3A_2629 = vector.broadcast %shift_right_arithmetic3A_2628 : i32 to vector<16xi32>
        %shift_right_arithmetic3A_2630 = arith.shrsi %add3A_2572, %shift_right_arithmetic3A_2629 : vector<16xi32>
        %and3A_2631 = arith.constant 127 : i32
        %and3A_2632 = vector.broadcast %and3A_2631 : i32 to vector<16xi32>
        %and3A_2633 = arith.andi %add3A_2572, %and3A_2632 : vector<16xi32>
        tpu.vector_store_idx %arg10[%shift_right_arithmetic3A_2630, %and3A_2633], %add3A_2541 masked %and3A_2375 : memref<101x128xi32, #tpu.memory_space<vmem>>[vector<16xi32>, vector<16xi32>], vector<16xi32>, vector<16xi1>
        %mul3A_2634 = arith.constant 128 : i32
        %mul3A_2635 = arith.muli %add3A_220, %mul3A_2634 : i32
        %add3A_2636 = vector.broadcast %mul3A_2635 : i32 to vector<16xi32>
        %add3A_2637 = arith.addi %add3A_2636, %add3A_2305 : vector<16xi32>
        tpu.vector_store_idx %arg11[%add3A_2572], %add3A_2637 masked %and3A_2375 : memref<12928xi32, #tpu.memory_space<vmem>>[vector<16xi32>], vector<16xi32>, vector<16xi1>
        %shift_right_arithmetic3A_2638 = arith.constant 7 : i32
        %shift_right_arithmetic3A_2639 = vector.broadcast %shift_right_arithmetic3A_2638 : i32 to vector<16xi32>
        %shift_right_arithmetic3A_2640 = arith.shrsi %add3A_2574, %shift_right_arithmetic3A_2639 : vector<16xi32>
        %and3A_2641 = arith.constant 127 : i32
        %and3A_2642 = vector.broadcast %and3A_2641 : i32 to vector<16xi32>
        %and3A_2643 = arith.andi %add3A_2574, %and3A_2642 : vector<16xi32>
        tpu.vector_store_idx %arg10[%shift_right_arithmetic3A_2640, %and3A_2643], %add3A_2551 masked %and3A_2376 : memref<101x128xi32, #tpu.memory_space<vmem>>[vector<16xi32>, vector<16xi32>], vector<16xi32>, vector<16xi1>
        %mul3A_2644 = arith.constant 128 : i32
        %mul3A_2645 = arith.muli %add3A_224, %mul3A_2644 : i32
        %add3A_2646 = vector.broadcast %mul3A_2645 : i32 to vector<16xi32>
        %add3A_2647 = arith.addi %add3A_2646, %add3A_2305 : vector<16xi32>
        tpu.vector_store_idx %arg11[%add3A_2574], %add3A_2647 masked %and3A_2376 : memref<12928xi32, #tpu.memory_space<vmem>>[vector<16xi32>], vector<16xi32>, vector<16xi1>
        %shift_right_arithmetic3A_2648 = arith.constant 7 : i32
        %shift_right_arithmetic3A_2649 = vector.broadcast %shift_right_arithmetic3A_2648 : i32 to vector<16xi32>
        %shift_right_arithmetic3A_2650 = arith.shrsi %add3A_2576, %shift_right_arithmetic3A_2649 : vector<16xi32>
        %and3A_2651 = arith.constant 127 : i32
        %and3A_2652 = vector.broadcast %and3A_2651 : i32 to vector<16xi32>
        %and3A_2653 = arith.andi %add3A_2576, %and3A_2652 : vector<16xi32>
        tpu.vector_store_idx %arg10[%shift_right_arithmetic3A_2650, %and3A_2653], %add3A_2561 masked %and3A_2377 : memref<101x128xi32, #tpu.memory_space<vmem>>[vector<16xi32>, vector<16xi32>], vector<16xi32>, vector<16xi1>
        %mul3A_2654 = arith.constant 128 : i32
        %mul3A_2655 = arith.muli %add3A_228, %mul3A_2654 : i32
        %add3A_2656 = vector.broadcast %mul3A_2655 : i32 to vector<16xi32>
        %add3A_2657 = arith.addi %add3A_2656, %add3A_2305 : vector<16xi32>
        tpu.vector_store_idx %arg11[%add3A_2576], %add3A_2657 masked %and3A_2377 : memref<12928xi32, #tpu.memory_space<vmem>>[vector<16xi32>], vector<16xi32>, vector<16xi1>
        scf.yield %add3A_2577 : vector<16xi32>
      }
      %scan3A_31 = arith.constant 16 : i32
      %slice3A = vector.extract_strided_slice %scan3A_30 {offsets = [0], sizes = [1], strides = [1]} : vector<16xi32> to vector<1xi32>
      %squeeze3A = vector.extract %slice3A[0] : i32 from vector<1xi32>
      %shift_right_arithmetic3A = arith.constant 7 : i32
      %shift_right_arithmetic3A_32 = arith.shrsi %squeeze3A, %shift_right_arithmetic3A : i32
      %shift_left3A = arith.constant 7 : i32
      %shift_left3A_33 = arith.shli %shift_right_arithmetic3A_32, %shift_left3A : i32
      %add3A_34 = arith.constant 0 : i32
      %add3A_35 = arith.addi %shift_left3A_33, %add3A_34 : i32
      %add3A_36 = vector.broadcast %add3A_35 : i32 to vector<16xi32>
      %add3A_37 = arith.addi %add3A_36, %iota3A : vector<16xi32>
      %ge3A_38 = vector.broadcast %squeeze3A : i32 to vector<16xi32>
      %ge3A_39 = arith.cmpi sge, %add3A_37, %ge3A_38 : vector<16xi32>
      %shift_right_arithmetic3A_40 = arith.constant 7 : i32
      %shift_right_arithmetic3A_41 = vector.broadcast %shift_right_arithmetic3A_40 : i32 to vector<16xi32>
      %shift_right_arithmetic3A_42 = arith.shrsi %add3A_37, %shift_right_arithmetic3A_41 : vector<16xi32>
      %and3A = arith.constant 127 : i32
      %and3A_43 = vector.broadcast %and3A : i32 to vector<16xi32>
      %and3A_44 = arith.andi %add3A_37, %and3A_43 : vector<16xi32>
      tpu.vector_store_idx %arg10[%shift_right_arithmetic3A_42, %and3A_44], %broadcast_in_dim3A_3 masked %ge3A_39 : memref<101x128xi32, #tpu.memory_space<vmem>>[vector<16xi32>, vector<16xi32>], vector<16xi32>, vector<16xi1>
      %add3A_45 = arith.constant 16384 : i32
      %add3A_46 = vector.broadcast %add3A_45 : i32 to vector<16xi32>
      %add3A_47 = arith.addi %add3A_46, %iota3A : vector<16xi32>
      tpu.vector_store_idx %arg11[%add3A_37], %add3A_47 masked %ge3A_39 : memref<12928xi32, #tpu.memory_space<vmem>>[vector<16xi32>], vector<16xi32>, vector<16xi1>
      %add3A_48 = arith.constant 16 : i32
      %add3A_49 = arith.addi %shift_left3A_33, %add3A_48 : i32
      %add3A_50 = vector.broadcast %add3A_49 : i32 to vector<16xi32>
      %add3A_51 = arith.addi %add3A_50, %iota3A : vector<16xi32>
      %ge3A_52 = vector.broadcast %squeeze3A : i32 to vector<16xi32>
      %ge3A_53 = arith.cmpi sge, %add3A_51, %ge3A_52 : vector<16xi32>
      %shift_right_arithmetic3A_54 = arith.constant 7 : i32
      %shift_right_arithmetic3A_55 = vector.broadcast %shift_right_arithmetic3A_54 : i32 to vector<16xi32>
      %shift_right_arithmetic3A_56 = arith.shrsi %add3A_51, %shift_right_arithmetic3A_55 : vector<16xi32>
      %and3A_57 = arith.constant 127 : i32
      %and3A_58 = vector.broadcast %and3A_57 : i32 to vector<16xi32>
      %and3A_59 = arith.andi %add3A_51, %and3A_58 : vector<16xi32>
      tpu.vector_store_idx %arg10[%shift_right_arithmetic3A_56, %and3A_59], %broadcast_in_dim3A_3 masked %ge3A_53 : memref<101x128xi32, #tpu.memory_space<vmem>>[vector<16xi32>, vector<16xi32>], vector<16xi32>, vector<16xi1>
      %add3A_60 = arith.constant 16384 : i32
      %add3A_61 = vector.broadcast %add3A_60 : i32 to vector<16xi32>
      %add3A_62 = arith.addi %add3A_61, %iota3A : vector<16xi32>
      tpu.vector_store_idx %arg11[%add3A_51], %add3A_62 masked %ge3A_53 : memref<12928xi32, #tpu.memory_space<vmem>>[vector<16xi32>], vector<16xi32>, vector<16xi1>
      %add3A_63 = arith.constant 32 : i32
      %add3A_64 = arith.addi %shift_left3A_33, %add3A_63 : i32
      %add3A_65 = vector.broadcast %add3A_64 : i32 to vector<16xi32>
      %add3A_66 = arith.addi %add3A_65, %iota3A : vector<16xi32>
      %ge3A_67 = vector.broadcast %squeeze3A : i32 to vector<16xi32>
      %ge3A_68 = arith.cmpi sge, %add3A_66, %ge3A_67 : vector<16xi32>
      %shift_right_arithmetic3A_69 = arith.constant 7 : i32
      %shift_right_arithmetic3A_70 = vector.broadcast %shift_right_arithmetic3A_69 : i32 to vector<16xi32>
      %shift_right_arithmetic3A_71 = arith.shrsi %add3A_66, %shift_right_arithmetic3A_70 : vector<16xi32>
      %and3A_72 = arith.constant 127 : i32
      %and3A_73 = vector.broadcast %and3A_72 : i32 to vector<16xi32>
      %and3A_74 = arith.andi %add3A_66, %and3A_73 : vector<16xi32>
      tpu.vector_store_idx %arg10[%shift_right_arithmetic3A_71, %and3A_74], %broadcast_in_dim3A_3 masked %ge3A_68 : memref<101x128xi32, #tpu.memory_space<vmem>>[vector<16xi32>, vector<16xi32>], vector<16xi32>, vector<16xi1>
      %add3A_75 = arith.constant 16384 : i32
      %add3A_76 = vector.broadcast %add3A_75 : i32 to vector<16xi32>
      %add3A_77 = arith.addi %add3A_76, %iota3A : vector<16xi32>
      tpu.vector_store_idx %arg11[%add3A_66], %add3A_77 masked %ge3A_68 : memref<12928xi32, #tpu.memory_space<vmem>>[vector<16xi32>], vector<16xi32>, vector<16xi1>
      %add3A_78 = arith.constant 48 : i32
      %add3A_79 = arith.addi %shift_left3A_33, %add3A_78 : i32
      %add3A_80 = vector.broadcast %add3A_79 : i32 to vector<16xi32>
      %add3A_81 = arith.addi %add3A_80, %iota3A : vector<16xi32>
      %ge3A_82 = vector.broadcast %squeeze3A : i32 to vector<16xi32>
      %ge3A_83 = arith.cmpi sge, %add3A_81, %ge3A_82 : vector<16xi32>
      %shift_right_arithmetic3A_84 = arith.constant 7 : i32
      %shift_right_arithmetic3A_85 = vector.broadcast %shift_right_arithmetic3A_84 : i32 to vector<16xi32>
      %shift_right_arithmetic3A_86 = arith.shrsi %add3A_81, %shift_right_arithmetic3A_85 : vector<16xi32>
      %and3A_87 = arith.constant 127 : i32
      %and3A_88 = vector.broadcast %and3A_87 : i32 to vector<16xi32>
      %and3A_89 = arith.andi %add3A_81, %and3A_88 : vector<16xi32>
      tpu.vector_store_idx %arg10[%shift_right_arithmetic3A_86, %and3A_89], %broadcast_in_dim3A_3 masked %ge3A_83 : memref<101x128xi32, #tpu.memory_space<vmem>>[vector<16xi32>, vector<16xi32>], vector<16xi32>, vector<16xi1>
      %add3A_90 = arith.constant 16384 : i32
      %add3A_91 = vector.broadcast %add3A_90 : i32 to vector<16xi32>
      %add3A_92 = arith.addi %add3A_91, %iota3A : vector<16xi32>
      tpu.vector_store_idx %arg11[%add3A_81], %add3A_92 masked %ge3A_83 : memref<12928xi32, #tpu.memory_space<vmem>>[vector<16xi32>], vector<16xi32>, vector<16xi1>
      %add3A_93 = arith.constant 64 : i32
      %add3A_94 = arith.addi %shift_left3A_33, %add3A_93 : i32
      %add3A_95 = vector.broadcast %add3A_94 : i32 to vector<16xi32>
      %add3A_96 = arith.addi %add3A_95, %iota3A : vector<16xi32>
      %ge3A_97 = vector.broadcast %squeeze3A : i32 to vector<16xi32>
      %ge3A_98 = arith.cmpi sge, %add3A_96, %ge3A_97 : vector<16xi32>
      %shift_right_arithmetic3A_99 = arith.constant 7 : i32
      %shift_right_arithmetic3A_100 = vector.broadcast %shift_right_arithmetic3A_99 : i32 to vector<16xi32>
      %shift_right_arithmetic3A_101 = arith.shrsi %add3A_96, %shift_right_arithmetic3A_100 : vector<16xi32>
      %and3A_102 = arith.constant 127 : i32
      %and3A_103 = vector.broadcast %and3A_102 : i32 to vector<16xi32>
      %and3A_104 = arith.andi %add3A_96, %and3A_103 : vector<16xi32>
      tpu.vector_store_idx %arg10[%shift_right_arithmetic3A_101, %and3A_104], %broadcast_in_dim3A_3 masked %ge3A_98 : memref<101x128xi32, #tpu.memory_space<vmem>>[vector<16xi32>, vector<16xi32>], vector<16xi32>, vector<16xi1>
      %add3A_105 = arith.constant 16384 : i32
      %add3A_106 = vector.broadcast %add3A_105 : i32 to vector<16xi32>
      %add3A_107 = arith.addi %add3A_106, %iota3A : vector<16xi32>
      tpu.vector_store_idx %arg11[%add3A_96], %add3A_107 masked %ge3A_98 : memref<12928xi32, #tpu.memory_space<vmem>>[vector<16xi32>], vector<16xi32>, vector<16xi1>
      %add3A_108 = arith.constant 80 : i32
      %add3A_109 = arith.addi %shift_left3A_33, %add3A_108 : i32
      %add3A_110 = vector.broadcast %add3A_109 : i32 to vector<16xi32>
      %add3A_111 = arith.addi %add3A_110, %iota3A : vector<16xi32>
      %ge3A_112 = vector.broadcast %squeeze3A : i32 to vector<16xi32>
      %ge3A_113 = arith.cmpi sge, %add3A_111, %ge3A_112 : vector<16xi32>
      %shift_right_arithmetic3A_114 = arith.constant 7 : i32
      %shift_right_arithmetic3A_115 = vector.broadcast %shift_right_arithmetic3A_114 : i32 to vector<16xi32>
      %shift_right_arithmetic3A_116 = arith.shrsi %add3A_111, %shift_right_arithmetic3A_115 : vector<16xi32>
      %and3A_117 = arith.constant 127 : i32
      %and3A_118 = vector.broadcast %and3A_117 : i32 to vector<16xi32>
      %and3A_119 = arith.andi %add3A_111, %and3A_118 : vector<16xi32>
      tpu.vector_store_idx %arg10[%shift_right_arithmetic3A_116, %and3A_119], %broadcast_in_dim3A_3 masked %ge3A_113 : memref<101x128xi32, #tpu.memory_space<vmem>>[vector<16xi32>, vector<16xi32>], vector<16xi32>, vector<16xi1>
      %add3A_120 = arith.constant 16384 : i32
      %add3A_121 = vector.broadcast %add3A_120 : i32 to vector<16xi32>
      %add3A_122 = arith.addi %add3A_121, %iota3A : vector<16xi32>
      tpu.vector_store_idx %arg11[%add3A_111], %add3A_122 masked %ge3A_113 : memref<12928xi32, #tpu.memory_space<vmem>>[vector<16xi32>], vector<16xi32>, vector<16xi1>
      %add3A_123 = arith.constant 96 : i32
      %add3A_124 = arith.addi %shift_left3A_33, %add3A_123 : i32
      %add3A_125 = vector.broadcast %add3A_124 : i32 to vector<16xi32>
      %add3A_126 = arith.addi %add3A_125, %iota3A : vector<16xi32>
      %ge3A_127 = vector.broadcast %squeeze3A : i32 to vector<16xi32>
      %ge3A_128 = arith.cmpi sge, %add3A_126, %ge3A_127 : vector<16xi32>
      %shift_right_arithmetic3A_129 = arith.constant 7 : i32
      %shift_right_arithmetic3A_130 = vector.broadcast %shift_right_arithmetic3A_129 : i32 to vector<16xi32>
      %shift_right_arithmetic3A_131 = arith.shrsi %add3A_126, %shift_right_arithmetic3A_130 : vector<16xi32>
      %and3A_132 = arith.constant 127 : i32
      %and3A_133 = vector.broadcast %and3A_132 : i32 to vector<16xi32>
      %and3A_134 = arith.andi %add3A_126, %and3A_133 : vector<16xi32>
      tpu.vector_store_idx %arg10[%shift_right_arithmetic3A_131, %and3A_134], %broadcast_in_dim3A_3 masked %ge3A_128 : memref<101x128xi32, #tpu.memory_space<vmem>>[vector<16xi32>, vector<16xi32>], vector<16xi32>, vector<16xi1>
      %add3A_135 = arith.constant 16384 : i32
      %add3A_136 = vector.broadcast %add3A_135 : i32 to vector<16xi32>
      %add3A_137 = arith.addi %add3A_136, %iota3A : vector<16xi32>
      tpu.vector_store_idx %arg11[%add3A_126], %add3A_137 masked %ge3A_128 : memref<12928xi32, #tpu.memory_space<vmem>>[vector<16xi32>], vector<16xi32>, vector<16xi1>
      %add3A_138 = arith.constant 112 : i32
      %add3A_139 = arith.addi %shift_left3A_33, %add3A_138 : i32
      %add3A_140 = vector.broadcast %add3A_139 : i32 to vector<16xi32>
      %add3A_141 = arith.addi %add3A_140, %iota3A : vector<16xi32>
      %ge3A_142 = vector.broadcast %squeeze3A : i32 to vector<16xi32>
      %ge3A_143 = arith.cmpi sge, %add3A_141, %ge3A_142 : vector<16xi32>
      %shift_right_arithmetic3A_144 = arith.constant 7 : i32
      %shift_right_arithmetic3A_145 = vector.broadcast %shift_right_arithmetic3A_144 : i32 to vector<16xi32>
      %shift_right_arithmetic3A_146 = arith.shrsi %add3A_141, %shift_right_arithmetic3A_145 : vector<16xi32>
      %and3A_147 = arith.constant 127 : i32
      %and3A_148 = vector.broadcast %and3A_147 : i32 to vector<16xi32>
      %and3A_149 = arith.andi %add3A_141, %and3A_148 : vector<16xi32>
      tpu.vector_store_idx %arg10[%shift_right_arithmetic3A_146, %and3A_149], %broadcast_in_dim3A_3 masked %ge3A_143 : memref<101x128xi32, #tpu.memory_space<vmem>>[vector<16xi32>, vector<16xi32>], vector<16xi32>, vector<16xi1>
      %add3A_150 = arith.constant 16384 : i32
      %add3A_151 = vector.broadcast %add3A_150 : i32 to vector<16xi32>
      %add3A_152 = arith.addi %add3A_151, %iota3A : vector<16xi32>
      tpu.vector_store_idx %arg11[%add3A_141], %add3A_152 masked %ge3A_143 : memref<12928xi32, #tpu.memory_space<vmem>>[vector<16xi32>], vector<16xi32>, vector<16xi1>
      %add3A_153 = arith.constant 127 : i32
      %add3A_154 = arith.addi %squeeze3A, %add3A_153 : i32
      %shift_right_arithmetic3A_155 = arith.constant 7 : i32
      %shift_right_arithmetic3A_156 = arith.shrsi %add3A_154, %shift_right_arithmetic3A_155 : i32
      %while3A = arith.constant 0 : i32
      %while3A_157 = arith.constant 0 : i32
      %while3A_158 = arith.subi %shift_right_arithmetic3A_156, %while3A_157 : i32
      %while3A_159 = arith.addi %while3A_157, %while3A_158 : i32
      %while3A_160 = arith.constant 1 : i32
      %while3A_161 = arith.divsi %while3A_158, %while3A_160 : i32
      %while3A_162 = arith.muli %while3A_161, %while3A_160 : i32
      %while3A_163 = arith.addi %while3A_157, %while3A_162 : i32
      %while3A_164 = arith.constant 1 : i32
      scf.for %while3A_195 = %while3A_157 to %while3A_163 step %while3A_164  : i32 {
        %dma_start3A_196 = arith.constant 0 : i32
        %dma_start3A_197 = tpu.memref_slice %arg12[%while3A_195, %dma_start3A_196] : memref<100x128xf32, #tpu.memory_space<vmem>> -> memref<1x128xf32, #tpu.memory_space<vmem>>
        %dma_start3A_198 = tpu.memref_squeeze %dma_start3A_197 : memref<1x128xf32, #tpu.memory_space<vmem>> -> memref<128xf32, #tpu.memory_space<vmem>>
        %dma_start3A_199 = arith.constant 0 : i32
        %dma_start3A_200 = tpu.memref_slice %arg10[%while3A_195, %dma_start3A_199] : memref<101x128xi32, #tpu.memory_space<vmem>> -> memref<1x128xi32, #tpu.memory_space<vmem>>
        %dma_start3A_201 = tpu.memref_squeeze %dma_start3A_200 : memref<1x128xi32, #tpu.memory_space<vmem>> -> memref<128xi32, #tpu.memory_space<vmem>>
        %dma_start3A_202 = arith.constant 0 : i32
        %dma_start3A_203 = tpu.memref_slice %arg2[%dma_start3A_202] : memref<1638400xf32, #tpu.memory_space<hbm>> -> memref<1638400xf32, #tpu.memory_space<hbm>>
        tpu.enqueue_indirect_dma source(%dma_start3A_203 : memref<1638400xf32, #tpu.memory_space<hbm>>) target(%dma_start3A_198 : memref<128xf32, #tpu.memory_space<vmem>>) offsets(%dma_start3A_201 : memref<128xi32, #tpu.memory_space<vmem>>) semaphore(%arg13 : memref<!tpu.dma_semaphore, #tpu.memory_space<semaphore_mem>>)
      }
      %while3A_165 = arith.constant 1 : i32
      scf.for %while3A_195 = %while3A_163 to %while3A_159 step %while3A_165  : i32 {
        %dma_start3A_196 = arith.constant 0 : i32
        %dma_start3A_197 = tpu.memref_slice %arg12[%while3A_195, %dma_start3A_196] : memref<100x128xf32, #tpu.memory_space<vmem>> -> memref<1x128xf32, #tpu.memory_space<vmem>>
        %dma_start3A_198 = tpu.memref_squeeze %dma_start3A_197 : memref<1x128xf32, #tpu.memory_space<vmem>> -> memref<128xf32, #tpu.memory_space<vmem>>
        %dma_start3A_199 = arith.constant 0 : i32
        %dma_start3A_200 = tpu.memref_slice %arg10[%while3A_195, %dma_start3A_199] : memref<101x128xi32, #tpu.memory_space<vmem>> -> memref<1x128xi32, #tpu.memory_space<vmem>>
        %dma_start3A_201 = tpu.memref_squeeze %dma_start3A_200 : memref<1x128xi32, #tpu.memory_space<vmem>> -> memref<128xi32, #tpu.memory_space<vmem>>
        %dma_start3A_202 = arith.constant 0 : i32
        %dma_start3A_203 = tpu.memref_slice %arg2[%dma_start3A_202] : memref<1638400xf32, #tpu.memory_space<hbm>> -> memref<1638400xf32, #tpu.memory_space<hbm>>
        tpu.enqueue_indirect_dma source(%dma_start3A_203 : memref<1638400xf32, #tpu.memory_space<hbm>>) target(%dma_start3A_198 : memref<128xf32, #tpu.memory_space<vmem>>) offsets(%dma_start3A_201 : memref<128xi32, #tpu.memory_space<vmem>>) semaphore(%arg13 : memref<!tpu.dma_semaphore, #tpu.memory_space<semaphore_mem>>)
      }
      %dma_wait3A = arith.constant 0 : i32
      %dma_wait3A_166 = arith.constant 0 : i32
      %dma_wait3A_167 = tpu.memref_slice %arg9[%dma_wait3A, %dma_wait3A_166] : memref<136x100xf32, #tpu.memory_space<vmem>> -> memref<128x100xf32, #tpu.memory_space<vmem>>
      %dma_wait3A_168 = arith.constant 0 : i32
      %dma_wait3A_169 = tpu.memref_slice %arg3[%multiple_of3A, %dma_wait3A_168] : memref<16384x100xf32, #tpu.memory_space<hbm>> -> memref<128x100xf32, #tpu.memory_space<hbm>>
      %dma_wait3A_170 = arith.constant 0 : i32
      %dma_wait3A_171 = arith.constant 0 : i32
      %dma_wait3A_172 = tpu.memref_slice %arg9[%dma_wait3A_170, %dma_wait3A_171] : memref<136x100xf32, #tpu.memory_space<vmem>> -> memref<128x100xf32, #tpu.memory_space<vmem>>
      %dma_wait3A_173 = arith.constant 0 : i32
      %dma_wait3A_174 = tpu.memref_slice %arg3[%multiple_of3A, %dma_wait3A_173] : memref<16384x100xf32, #tpu.memory_space<hbm>> -> memref<128x100xf32, #tpu.memory_space<hbm>>
      tpu.wait_dma2 semaphore(%arg14 : memref<!tpu.dma_semaphore, #tpu.memory_space<semaphore_mem>>) src(%dma_wait3A_174 : memref<128x100xf32, #tpu.memory_space<hbm>>) dst(%dma_wait3A_172 : memref<128x100xf32, #tpu.memory_space<vmem>>)
      %while3A_175 = arith.constant 0 : i32
      %while3A_176 = arith.constant 0 : i32
      %while3A_177 = arith.subi %shift_right_arithmetic3A_156, %while3A_176 : i32
      %while3A_178 = arith.addi %while3A_176, %while3A_177 : i32
      %while3A_179 = arith.constant 1 : i32
      %while3A_180 = arith.divsi %while3A_177, %while3A_179 : i32
      %while3A_181 = arith.muli %while3A_180, %while3A_179 : i32
      %while3A_182 = arith.addi %while3A_176, %while3A_181 : i32
      %while3A_183 = arith.constant 1 : i32
      scf.for %while3A_195 = %while3A_176 to %while3A_182 step %while3A_183  : i32 {
        %dma_wait3A_196 = arith.constant 0 : i32
        %dma_wait3A_197 = tpu.memref_slice %arg12[%while3A_195, %dma_wait3A_196] : memref<100x128xf32, #tpu.memory_space<vmem>> -> memref<1x128xf32, #tpu.memory_space<vmem>>
        %dma_wait3A_198 = tpu.memref_squeeze %dma_wait3A_197 : memref<1x128xf32, #tpu.memory_space<vmem>> -> memref<128xf32, #tpu.memory_space<vmem>>
        %dma_wait3A_199 = arith.constant 0 : i32
        %dma_wait3A_200 = tpu.memref_slice %arg10[%while3A_195, %dma_wait3A_199] : memref<101x128xi32, #tpu.memory_space<vmem>> -> memref<1x128xi32, #tpu.memory_space<vmem>>
        %dma_wait3A_201 = tpu.memref_squeeze %dma_wait3A_200 : memref<1x128xi32, #tpu.memory_space<vmem>> -> memref<128xi32, #tpu.memory_space<vmem>>
        %dma_wait3A_202 = arith.constant 0 : i32
        %dma_wait3A_203 = tpu.memref_slice %arg2[%dma_wait3A_202] : memref<1638400xf32, #tpu.memory_space<hbm>> -> memref<1638400xf32, #tpu.memory_space<hbm>>
        tpu.wait_indirect_dma semaphore(%arg13 : memref<!tpu.dma_semaphore, #tpu.memory_space<semaphore_mem>>) src(%dma_wait3A_203 : memref<1638400xf32, #tpu.memory_space<hbm>>) dst(%dma_wait3A_198 : memref<128xf32, #tpu.memory_space<vmem>>)
      }
      %while3A_184 = arith.constant 1 : i32
      scf.for %while3A_195 = %while3A_182 to %while3A_178 step %while3A_184  : i32 {
        %dma_wait3A_196 = arith.constant 0 : i32
        %dma_wait3A_197 = tpu.memref_slice %arg12[%while3A_195, %dma_wait3A_196] : memref<100x128xf32, #tpu.memory_space<vmem>> -> memref<1x128xf32, #tpu.memory_space<vmem>>
        %dma_wait3A_198 = tpu.memref_squeeze %dma_wait3A_197 : memref<1x128xf32, #tpu.memory_space<vmem>> -> memref<128xf32, #tpu.memory_space<vmem>>
        %dma_wait3A_199 = arith.constant 0 : i32
        %dma_wait3A_200 = tpu.memref_slice %arg10[%while3A_195, %dma_wait3A_199] : memref<101x128xi32, #tpu.memory_space<vmem>> -> memref<1x128xi32, #tpu.memory_space<vmem>>
        %dma_wait3A_201 = tpu.memref_squeeze %dma_wait3A_200 : memref<1x128xi32, #tpu.memory_space<vmem>> -> memref<128xi32, #tpu.memory_space<vmem>>
        %dma_wait3A_202 = arith.constant 0 : i32
        %dma_wait3A_203 = tpu.memref_slice %arg2[%dma_wait3A_202] : memref<1638400xf32, #tpu.memory_space<hbm>> -> memref<1638400xf32, #tpu.memory_space<hbm>>
        tpu.wait_indirect_dma semaphore(%arg13 : memref<!tpu.dma_semaphore, #tpu.memory_space<semaphore_mem>>) src(%dma_wait3A_203 : memref<1638400xf32, #tpu.memory_space<hbm>>) dst(%dma_wait3A_198 : memref<128xf32, #tpu.memory_space<vmem>>)
      }
      %while3A_185 = arith.constant 0 : i32
      %while3A_186 = arith.constant 0 : i32
      %while3A_187 = arith.subi %shift_right_arithmetic3A_156, %while3A_186 : i32
      %while3A_188 = arith.addi %while3A_186, %while3A_187 : i32
      %while3A_189 = arith.constant 1 : i32
      %while3A_190 = arith.divsi %while3A_187, %while3A_189 : i32
      %while3A_191 = arith.muli %while3A_190, %while3A_189 : i32
      %while3A_192 = arith.addi %while3A_186, %while3A_191 : i32
      %while3A_193 = arith.constant 1 : i32
      scf.for %while3A_195 = %while3A_186 to %while3A_192 step %while3A_193  : i32 {
        %get3A = arith.index_cast %while3A_195 : i32 to index
        %get3A_196 = arith.constant 0 : index
        %get3A_197 = tpu.vector_load %arg12[%get3A, %get3A_196] {strides = array<i32>} : memref<100x128xf32, #tpu.memory_space<vmem>>, vector<16xf32>,
        %mul3A_198 = arith.constant 128 : i32
        %mul3A_199 = arith.muli %while3A_195, %mul3A_198 : i32
        %add3A_200 = arith.constant 0 : i32
        %add3A_201 = arith.addi %mul3A_199, %add3A_200 : i32
        %get3A_202 = arith.index_cast %add3A_201 : i32 to index
        %get3A_203 = tpu.vector_load %arg11[%get3A_202] {strides = array<i32>} : memref<12928xi32, #tpu.memory_space<vmem>>, vector<16xi32>,
        %shift_right_arithmetic3A_204 = arith.constant 7 : i32
        %shift_right_arithmetic3A_205 = vector.broadcast %shift_right_arithmetic3A_204 : i32 to vector<16xi32>
        %shift_right_arithmetic3A_206 = arith.shrsi %get3A_203, %shift_right_arithmetic3A_205 : vector<16xi32>
        %and3A_207 = arith.constant 127 : i32
        %and3A_208 = vector.broadcast %and3A_207 : i32 to vector<16xi32>
        %and3A_209 = arith.andi %get3A_203, %and3A_208 : vector<16xi32>
        tpu.vector_store_idx %arg9[%shift_right_arithmetic3A_206, %and3A_209], %get3A_197 : memref<136x100xf32, #tpu.memory_space<vmem>>[vector<16xi32>, vector<16xi32>], vector<16xf32>,
        %get3A_210 = arith.index_cast %while3A_195 : i32 to index
        %get3A_211 = arith.constant 16 : index
        %get3A_212 = tpu.vector_load %arg12[%get3A_210, %get3A_211] {strides = array<i32>} : memref<100x128xf32, #tpu.memory_space<vmem>>, vector<16xf32>,
        %mul3A_213 = arith.constant 128 : i32
        %mul3A_214 = arith.muli %while3A_195, %mul3A_213 : i32
        %add3A_215 = arith.constant 16 : i32
        %add3A_216 = arith.addi %mul3A_214, %add3A_215 : i32
        %get3A_217 = arith.index_cast %add3A_216 : i32 to index
        %get3A_218 = tpu.vector_load %arg11[%get3A_217] {strides = array<i32>} : memref<12928xi32, #tpu.memory_space<vmem>>, vector<16xi32>,
        %shift_right_arithmetic3A_219 = arith.constant 7 : i32
        %shift_right_arithmetic3A_220 = vector.broadcast %shift_right_arithmetic3A_219 : i32 to vector<16xi32>
        %shift_right_arithmetic3A_221 = arith.shrsi %get3A_218, %shift_right_arithmetic3A_220 : vector<16xi32>
        %and3A_222 = arith.constant 127 : i32
        %and3A_223 = vector.broadcast %and3A_222 : i32 to vector<16xi32>
        %and3A_224 = arith.andi %get3A_218, %and3A_223 : vector<16xi32>
        tpu.vector_store_idx %arg9[%shift_right_arithmetic3A_221, %and3A_224], %get3A_212 : memref<136x100xf32, #tpu.memory_space<vmem>>[vector<16xi32>, vector<16xi32>], vector<16xf32>,
        %get3A_225 = arith.index_cast %while3A_195 : i32 to index
        %get3A_226 = arith.constant 32 : index
        %get3A_227 = tpu.vector_load %arg12[%get3A_225, %get3A_226] {strides = array<i32>} : memref<100x128xf32, #tpu.memory_space<vmem>>, vector<16xf32>,
        %mul3A_228 = arith.constant 128 : i32
        %mul3A_229 = arith.muli %while3A_195, %mul3A_228 : i32
        %add3A_230 = arith.constant 32 : i32
        %add3A_231 = arith.addi %mul3A_229, %add3A_230 : i32
        %get3A_232 = arith.index_cast %add3A_231 : i32 to index
        %get3A_233 = tpu.vector_load %arg11[%get3A_232] {strides = array<i32>} : memref<12928xi32, #tpu.memory_space<vmem>>, vector<16xi32>,
        %shift_right_arithmetic3A_234 = arith.constant 7 : i32
        %shift_right_arithmetic3A_235 = vector.broadcast %shift_right_arithmetic3A_234 : i32 to vector<16xi32>
        %shift_right_arithmetic3A_236 = arith.shrsi %get3A_233, %shift_right_arithmetic3A_235 : vector<16xi32>
        %and3A_237 = arith.constant 127 : i32
        %and3A_238 = vector.broadcast %and3A_237 : i32 to vector<16xi32>
        %and3A_239 = arith.andi %get3A_233, %and3A_238 : vector<16xi32>
        tpu.vector_store_idx %arg9[%shift_right_arithmetic3A_236, %and3A_239], %get3A_227 : memref<136x100xf32, #tpu.memory_space<vmem>>[vector<16xi32>, vector<16xi32>], vector<16xf32>,
        %get3A_240 = arith.index_cast %while3A_195 : i32 to index
        %get3A_241 = arith.constant 48 : index
        %get3A_242 = tpu.vector_load %arg12[%get3A_240, %get3A_241] {strides = array<i32>} : memref<100x128xf32, #tpu.memory_space<vmem>>, vector<16xf32>,
        %mul3A_243 = arith.constant 128 : i32
        %mul3A_244 = arith.muli %while3A_195, %mul3A_243 : i32
        %add3A_245 = arith.constant 48 : i32
        %add3A_246 = arith.addi %mul3A_244, %add3A_245 : i32
        %get3A_247 = arith.index_cast %add3A_246 : i32 to index
        %get3A_248 = tpu.vector_load %arg11[%get3A_247] {strides = array<i32>} : memref<12928xi32, #tpu.memory_space<vmem>>, vector<16xi32>,
        %shift_right_arithmetic3A_249 = arith.constant 7 : i32
        %shift_right_arithmetic3A_250 = vector.broadcast %shift_right_arithmetic3A_249 : i32 to vector<16xi32>
        %shift_right_arithmetic3A_251 = arith.shrsi %get3A_248, %shift_right_arithmetic3A_250 : vector<16xi32>
        %and3A_252 = arith.constant 127 : i32
        %and3A_253 = vector.broadcast %and3A_252 : i32 to vector<16xi32>
        %and3A_254 = arith.andi %get3A_248, %and3A_253 : vector<16xi32>
        tpu.vector_store_idx %arg9[%shift_right_arithmetic3A_251, %and3A_254], %get3A_242 : memref<136x100xf32, #tpu.memory_space<vmem>>[vector<16xi32>, vector<16xi32>], vector<16xf32>,
        %get3A_255 = arith.index_cast %while3A_195 : i32 to index
        %get3A_256 = arith.constant 64 : index
        %get3A_257 = tpu.vector_load %arg12[%get3A_255, %get3A_256] {strides = array<i32>} : memref<100x128xf32, #tpu.memory_space<vmem>>, vector<16xf32>,
        %mul3A_258 = arith.constant 128 : i32
        %mul3A_259 = arith.muli %while3A_195, %mul3A_258 : i32
        %add3A_260 = arith.constant 64 : i32
        %add3A_261 = arith.addi %mul3A_259, %add3A_260 : i32
        %get3A_262 = arith.index_cast %add3A_261 : i32 to index
        %get3A_263 = tpu.vector_load %arg11[%get3A_262] {strides = array<i32>} : memref<12928xi32, #tpu.memory_space<vmem>>, vector<16xi32>,
        %shift_right_arithmetic3A_264 = arith.constant 7 : i32
        %shift_right_arithmetic3A_265 = vector.broadcast %shift_right_arithmetic3A_264 : i32 to vector<16xi32>
        %shift_right_arithmetic3A_266 = arith.shrsi %get3A_263, %shift_right_arithmetic3A_265 : vector<16xi32>
        %and3A_267 = arith.constant 127 : i32
        %and3A_268 = vector.broadcast %and3A_267 : i32 to vector<16xi32>
        %and3A_269 = arith.andi %get3A_263, %and3A_268 : vector<16xi32>
        tpu.vector_store_idx %arg9[%shift_right_arithmetic3A_266, %and3A_269], %get3A_257 : memref<136x100xf32, #tpu.memory_space<vmem>>[vector<16xi32>, vector<16xi32>], vector<16xf32>,
        %get3A_270 = arith.index_cast %while3A_195 : i32 to index
        %get3A_271 = arith.constant 80 : index
        %get3A_272 = tpu.vector_load %arg12[%get3A_270, %get3A_271] {strides = array<i32>} : memref<100x128xf32, #tpu.memory_space<vmem>>, vector<16xf32>,
        %mul3A_273 = arith.constant 128 : i32
        %mul3A_274 = arith.muli %while3A_195, %mul3A_273 : i32
        %add3A_275 = arith.constant 80 : i32
        %add3A_276 = arith.addi %mul3A_274, %add3A_275 : i32
        %get3A_277 = arith.index_cast %add3A_276 : i32 to index
        %get3A_278 = tpu.vector_load %arg11[%get3A_277] {strides = array<i32>} : memref<12928xi32, #tpu.memory_space<vmem>>, vector<16xi32>,
        %shift_right_arithmetic3A_279 = arith.constant 7 : i32
        %shift_right_arithmetic3A_280 = vector.broadcast %shift_right_arithmetic3A_279 : i32 to vector<16xi32>
        %shift_right_arithmetic3A_281 = arith.shrsi %get3A_278, %shift_right_arithmetic3A_280 : vector<16xi32>
        %and3A_282 = arith.constant 127 : i32
        %and3A_283 = vector.broadcast %and3A_282 : i32 to vector<16xi32>
        %and3A_284 = arith.andi %get3A_278, %and3A_283 : vector<16xi32>
        tpu.vector_store_idx %arg9[%shift_right_arithmetic3A_281, %and3A_284], %get3A_272 : memref<136x100xf32, #tpu.memory_space<vmem>>[vector<16xi32>, vector<16xi32>], vector<16xf32>,
        %get3A_285 = arith.index_cast %while3A_195 : i32 to index
        %get3A_286 = arith.constant 96 : index
        %get3A_287 = tpu.vector_load %arg12[%get3A_285, %get3A_286] {strides = array<i32>} : memref<100x128xf32, #tpu.memory_space<vmem>>, vector<16xf32>,
        %mul3A_288 = arith.constant 128 : i32
        %mul3A_289 = arith.muli %while3A_195, %mul3A_288 : i32
        %add3A_290 = arith.constant 96 : i32
        %add3A_291 = arith.addi %mul3A_289, %add3A_290 : i32
        %get3A_292 = arith.index_cast %add3A_291 : i32 to index
        %get3A_293 = tpu.vector_load %arg11[%get3A_292] {strides = array<i32>} : memref<12928xi32, #tpu.memory_space<vmem>>, vector<16xi32>,
        %shift_right_arithmetic3A_294 = arith.constant 7 : i32
        %shift_right_arithmetic3A_295 = vector.broadcast %shift_right_arithmetic3A_294 : i32 to vector<16xi32>
        %shift_right_arithmetic3A_296 = arith.shrsi %get3A_293, %shift_right_arithmetic3A_295 : vector<16xi32>
        %and3A_297 = arith.constant 127 : i32
        %and3A_298 = vector.broadcast %and3A_297 : i32 to vector<16xi32>
        %and3A_299 = arith.andi %get3A_293, %and3A_298 : vector<16xi32>
        tpu.vector_store_idx %arg9[%shift_right_arithmetic3A_296, %and3A_299], %get3A_287 : memref<136x100xf32, #tpu.memory_space<vmem>>[vector<16xi32>, vector<16xi32>], vector<16xf32>,
        %get3A_300 = arith.index_cast %while3A_195 : i32 to index
        %get3A_301 = arith.constant 112 : index
        %get3A_302 = tpu.vector_load %arg12[%get3A_300, %get3A_301] {strides = array<i32>} : memref<100x128xf32, #tpu.memory_space<vmem>>, vector<16xf32>,
        %mul3A_303 = arith.constant 128 : i32
        %mul3A_304 = arith.muli %while3A_195, %mul3A_303 : i32
        %add3A_305 = arith.constant 112 : i32
        %add3A_306 = arith.addi %mul3A_304, %add3A_305 : i32
        %get3A_307 = arith.index_cast %add3A_306 : i32 to index
        %get3A_308 = tpu.vector_load %arg11[%get3A_307] {strides = array<i32>} : memref<12928xi32, #tpu.memory_space<vmem>>, vector<16xi32>,
        %shift_right_arithmetic3A_309 = arith.constant 7 : i32
        %shift_right_arithmetic3A_310 = vector.broadcast %shift_right_arithmetic3A_309 : i32 to vector<16xi32>
        %shift_right_arithmetic3A_311 = arith.shrsi %get3A_308, %shift_right_arithmetic3A_310 : vector<16xi32>
        %and3A_312 = arith.constant 127 : i32
        %and3A_313 = vector.broadcast %and3A_312 : i32 to vector<16xi32>
        %and3A_314 = arith.andi %get3A_308, %and3A_313 : vector<16xi32>
        tpu.vector_store_idx %arg9[%shift_right_arithmetic3A_311, %and3A_314], %get3A_302 : memref<136x100xf32, #tpu.memory_space<vmem>>[vector<16xi32>, vector<16xi32>], vector<16xf32>,
      }
      %while3A_194 = arith.constant 1 : i32
      scf.for %while3A_195 = %while3A_192 to %while3A_188 step %while3A_194  : i32 {
        %get3A = arith.index_cast %while3A_195 : i32 to index
        %get3A_196 = arith.constant 0 : index
        %get3A_197 = tpu.vector_load %arg12[%get3A, %get3A_196] {strides = array<i32>} : memref<100x128xf32, #tpu.memory_space<vmem>>, vector<16xf32>,
        %mul3A_198 = arith.constant 128 : i32
        %mul3A_199 = arith.muli %while3A_195, %mul3A_198 : i32
        %add3A_200 = arith.constant 0 : i32
        %add3A_201 = arith.addi %mul3A_199, %add3A_200 : i32
        %get3A_202 = arith.index_cast %add3A_201 : i32 to index
        %get3A_203 = tpu.vector_load %arg11[%get3A_202] {strides = array<i32>} : memref<12928xi32, #tpu.memory_space<vmem>>, vector<16xi32>,
        %shift_right_arithmetic3A_204 = arith.constant 7 : i32
        %shift_right_arithmetic3A_205 = vector.broadcast %shift_right_arithmetic3A_204 : i32 to vector<16xi32>
        %shift_right_arithmetic3A_206 = arith.shrsi %get3A_203, %shift_right_arithmetic3A_205 : vector<16xi32>
        %and3A_207 = arith.constant 127 : i32
        %and3A_208 = vector.broadcast %and3A_207 : i32 to vector<16xi32>
        %and3A_209 = arith.andi %get3A_203, %and3A_208 : vector<16xi32>
        tpu.vector_store_idx %arg9[%shift_right_arithmetic3A_206, %and3A_209], %get3A_197 : memref<136x100xf32, #tpu.memory_space<vmem>>[vector<16xi32>, vector<16xi32>], vector<16xf32>,
        %get3A_210 = arith.index_cast %while3A_195 : i32 to index
        %get3A_211 = arith.constant 16 : index
        %get3A_212 = tpu.vector_load %arg12[%get3A_210, %get3A_211] {strides = array<i32>} : memref<100x128xf32, #tpu.memory_space<vmem>>, vector<16xf32>,
        %mul3A_213 = arith.constant 128 : i32
        %mul3A_214 = arith.muli %while3A_195, %mul3A_213 : i32
        %add3A_215 = arith.constant 16 : i32
        %add3A_216 = arith.addi %mul3A_214, %add3A_215 : i32
        %get3A_217 = arith.index_cast %add3A_216 : i32 to index
        %get3A_218 = tpu.vector_load %arg11[%get3A_217] {strides = array<i32>} : memref<12928xi32, #tpu.memory_space<vmem>>, vector<16xi32>,
        %shift_right_arithmetic3A_219 = arith.constant 7 : i32
        %shift_right_arithmetic3A_220 = vector.broadcast %shift_right_arithmetic3A_219 : i32 to vector<16xi32>
        %shift_right_arithmetic3A_221 = arith.shrsi %get3A_218, %shift_right_arithmetic3A_220 : vector<16xi32>
        %and3A_222 = arith.constant 127 : i32
        %and3A_223 = vector.broadcast %and3A_222 : i32 to vector<16xi32>
        %and3A_224 = arith.andi %get3A_218, %and3A_223 : vector<16xi32>
        tpu.vector_store_idx %arg9[%shift_right_arithmetic3A_221, %and3A_224], %get3A_212 : memref<136x100xf32, #tpu.memory_space<vmem>>[vector<16xi32>, vector<16xi32>], vector<16xf32>,
        %get3A_225 = arith.index_cast %while3A_195 : i32 to index
        %get3A_226 = arith.constant 32 : index
        %get3A_227 = tpu.vector_load %arg12[%get3A_225, %get3A_226] {strides = array<i32>} : memref<100x128xf32, #tpu.memory_space<vmem>>, vector<16xf32>,
        %mul3A_228 = arith.constant 128 : i32
        %mul3A_229 = arith.muli %while3A_195, %mul3A_228 : i32
        %add3A_230 = arith.constant 32 : i32
        %add3A_231 = arith.addi %mul3A_229, %add3A_230 : i32
        %get3A_232 = arith.index_cast %add3A_231 : i32 to index
        %get3A_233 = tpu.vector_load %arg11[%get3A_232] {strides = array<i32>} : memref<12928xi32, #tpu.memory_space<vmem>>, vector<16xi32>,
        %shift_right_arithmetic3A_234 = arith.constant 7 : i32
        %shift_right_arithmetic3A_235 = vector.broadcast %shift_right_arithmetic3A_234 : i32 to vector<16xi32>
        %shift_right_arithmetic3A_236 = arith.shrsi %get3A_233, %shift_right_arithmetic3A_235 : vector<16xi32>
        %and3A_237 = arith.constant 127 : i32
        %and3A_238 = vector.broadcast %and3A_237 : i32 to vector<16xi32>
        %and3A_239 = arith.andi %get3A_233, %and3A_238 : vector<16xi32>
        tpu.vector_store_idx %arg9[%shift_right_arithmetic3A_236, %and3A_239], %get3A_227 : memref<136x100xf32, #tpu.memory_space<vmem>>[vector<16xi32>, vector<16xi32>], vector<16xf32>,
        %get3A_240 = arith.index_cast %while3A_195 : i32 to index
        %get3A_241 = arith.constant 48 : index
        %get3A_242 = tpu.vector_load %arg12[%get3A_240, %get3A_241] {strides = array<i32>} : memref<100x128xf32, #tpu.memory_space<vmem>>, vector<16xf32>,
        %mul3A_243 = arith.constant 128 : i32
        %mul3A_244 = arith.muli %while3A_195, %mul3A_243 : i32
        %add3A_245 = arith.constant 48 : i32
        %add3A_246 = arith.addi %mul3A_244, %add3A_245 : i32
        %get3A_247 = arith.index_cast %add3A_246 : i32 to index
        %get3A_248 = tpu.vector_load %arg11[%get3A_247] {strides = array<i32>} : memref<12928xi32, #tpu.memory_space<vmem>>, vector<16xi32>,
        %shift_right_arithmetic3A_249 = arith.constant 7 : i32
        %shift_right_arithmetic3A_250 = vector.broadcast %shift_right_arithmetic3A_249 : i32 to vector<16xi32>
        %shift_right_arithmetic3A_251 = arith.shrsi %get3A_248, %shift_right_arithmetic3A_250 : vector<16xi32>
        %and3A_252 = arith.constant 127 : i32
        %and3A_253 = vector.broadcast %and3A_252 : i32 to vector<16xi32>
        %and3A_254 = arith.andi %get3A_248, %and3A_253 : vector<16xi32>
        tpu.vector_store_idx %arg9[%shift_right_arithmetic3A_251, %and3A_254], %get3A_242 : memref<136x100xf32, #tpu.memory_space<vmem>>[vector<16xi32>, vector<16xi32>], vector<16xf32>,
        %get3A_255 = arith.index_cast %while3A_195 : i32 to index
        %get3A_256 = arith.constant 64 : index
        %get3A_257 = tpu.vector_load %arg12[%get3A_255, %get3A_256] {strides = array<i32>} : memref<100x128xf32, #tpu.memory_space<vmem>>, vector<16xf32>,
        %mul3A_258 = arith.constant 128 : i32
        %mul3A_259 = arith.muli %while3A_195, %mul3A_258 : i32
        %add3A_260 = arith.constant 64 : i32
        %add3A_261 = arith.addi %mul3A_259, %add3A_260 : i32
        %get3A_262 = arith.index_cast %add3A_261 : i32 to index
        %get3A_263 = tpu.vector_load %arg11[%get3A_262] {strides = array<i32>} : memref<12928xi32, #tpu.memory_space<vmem>>, vector<16xi32>,
        %shift_right_arithmetic3A_264 = arith.constant 7 : i32
        %shift_right_arithmetic3A_265 = vector.broadcast %shift_right_arithmetic3A_264 : i32 to vector<16xi32>
        %shift_right_arithmetic3A_266 = arith.shrsi %get3A_263, %shift_right_arithmetic3A_265 : vector<16xi32>
        %and3A_267 = arith.constant 127 : i32
        %and3A_268 = vector.broadcast %and3A_267 : i32 to vector<16xi32>
        %and3A_269 = arith.andi %get3A_263, %and3A_268 : vector<16xi32>
        tpu.vector_store_idx %arg9[%shift_right_arithmetic3A_266, %and3A_269], %get3A_257 : memref<136x100xf32, #tpu.memory_space<vmem>>[vector<16xi32>, vector<16xi32>], vector<16xf32>,
        %get3A_270 = arith.index_cast %while3A_195 : i32 to index
        %get3A_271 = arith.constant 80 : index
        %get3A_272 = tpu.vector_load %arg12[%get3A_270, %get3A_271] {strides = array<i32>} : memref<100x128xf32, #tpu.memory_space<vmem>>, vector<16xf32>,
        %mul3A_273 = arith.constant 128 : i32
        %mul3A_274 = arith.muli %while3A_195, %mul3A_273 : i32
        %add3A_275 = arith.constant 80 : i32
        %add3A_276 = arith.addi %mul3A_274, %add3A_275 : i32
        %get3A_277 = arith.index_cast %add3A_276 : i32 to index
        %get3A_278 = tpu.vector_load %arg11[%get3A_277] {strides = array<i32>} : memref<12928xi32, #tpu.memory_space<vmem>>, vector<16xi32>,
        %shift_right_arithmetic3A_279 = arith.constant 7 : i32
        %shift_right_arithmetic3A_280 = vector.broadcast %shift_right_arithmetic3A_279 : i32 to vector<16xi32>
        %shift_right_arithmetic3A_281 = arith.shrsi %get3A_278, %shift_right_arithmetic3A_280 : vector<16xi32>
        %and3A_282 = arith.constant 127 : i32
        %and3A_283 = vector.broadcast %and3A_282 : i32 to vector<16xi32>
        %and3A_284 = arith.andi %get3A_278, %and3A_283 : vector<16xi32>
        tpu.vector_store_idx %arg9[%shift_right_arithmetic3A_281, %and3A_284], %get3A_272 : memref<136x100xf32, #tpu.memory_space<vmem>>[vector<16xi32>, vector<16xi32>], vector<16xf32>,
        %get3A_285 = arith.index_cast %while3A_195 : i32 to index
        %get3A_286 = arith.constant 96 : index
        %get3A_287 = tpu.vector_load %arg12[%get3A_285, %get3A_286] {strides = array<i32>} : memref<100x128xf32, #tpu.memory_space<vmem>>, vector<16xf32>,
        %mul3A_288 = arith.constant 128 : i32
        %mul3A_289 = arith.muli %while3A_195, %mul3A_288 : i32
        %add3A_290 = arith.constant 96 : i32
        %add3A_291 = arith.addi %mul3A_289, %add3A_290 : i32
        %get3A_292 = arith.index_cast %add3A_291 : i32 to index
        %get3A_293 = tpu.vector_load %arg11[%get3A_292] {strides = array<i32>} : memref<12928xi32, #tpu.memory_space<vmem>>, vector<16xi32>,
        %shift_right_arithmetic3A_294 = arith.constant 7 : i32
        %shift_right_arithmetic3A_295 = vector.broadcast %shift_right_arithmetic3A_294 : i32 to vector<16xi32>
        %shift_right_arithmetic3A_296 = arith.shrsi %get3A_293, %shift_right_arithmetic3A_295 : vector<16xi32>
        %and3A_297 = arith.constant 127 : i32
        %and3A_298 = vector.broadcast %and3A_297 : i32 to vector<16xi32>
        %and3A_299 = arith.andi %get3A_293, %and3A_298 : vector<16xi32>
        tpu.vector_store_idx %arg9[%shift_right_arithmetic3A_296, %and3A_299], %get3A_287 : memref<136x100xf32, #tpu.memory_space<vmem>>[vector<16xi32>, vector<16xi32>], vector<16xf32>,
        %get3A_300 = arith.index_cast %while3A_195 : i32 to index
        %get3A_301 = arith.constant 112 : index
        %get3A_302 = tpu.vector_load %arg12[%get3A_300, %get3A_301] {strides = array<i32>} : memref<100x128xf32, #tpu.memory_space<vmem>>, vector<16xf32>,
        %mul3A_303 = arith.constant 128 : i32
        %mul3A_304 = arith.muli %while3A_195, %mul3A_303 : i32
        %add3A_305 = arith.constant 112 : i32
        %add3A_306 = arith.addi %mul3A_304, %add3A_305 : i32
        %get3A_307 = arith.index_cast %add3A_306 : i32 to index
        %get3A_308 = tpu.vector_load %arg11[%get3A_307] {strides = array<i32>} : memref<12928xi32, #tpu.memory_space<vmem>>, vector<16xi32>,
        %shift_right_arithmetic3A_309 = arith.constant 7 : i32
        %shift_right_arithmetic3A_310 = vector.broadcast %shift_right_arithmetic3A_309 : i32 to vector<16xi32>
        %shift_right_arithmetic3A_311 = arith.shrsi %get3A_308, %shift_right_arithmetic3A_310 : vector<16xi32>
        %and3A_312 = arith.constant 127 : i32
        %and3A_313 = vector.broadcast %and3A_312 : i32 to vector<16xi32>
        %and3A_314 = arith.andi %get3A_308, %and3A_313 : vector<16xi32>
        tpu.vector_store_idx %arg9[%shift_right_arithmetic3A_311, %and3A_314], %get3A_302 : memref<136x100xf32, #tpu.memory_space<vmem>>[vector<16xi32>, vector<16xi32>], vector<16xf32>,
      }
      "tpu.region"() ({
        %run_scoped3A = tpu.sem_alloc : memref<!tpu.dma_semaphore, #tpu.memory_space<semaphore_mem>>
        %dma_start3A_195 = arith.constant 0 : i32
        %dma_start3A_196 = arith.constant 0 : i32
        %dma_start3A_197 = tpu.memref_slice %arg9[%dma_start3A_195, %dma_start3A_196] : memref<136x100xf32, #tpu.memory_space<vmem>> -> memref<128x100xf32, #tpu.memory_space<vmem>>
        %dma_start3A_198 = arith.constant 0 : i32
        %dma_start3A_199 = tpu.memref_slice %arg6[%multiple_of3A, %dma_start3A_198] : memref<16384x100xf32, #tpu.memory_space<hbm>> -> memref<128x100xf32, #tpu.memory_space<hbm>>
        %dma_start3A_200 = arith.constant 0 : i32
        %dma_start3A_201 = tpu.memref_slice %arg6[%multiple_of3A, %dma_start3A_200] : memref<16384x100xf32, #tpu.memory_space<hbm>> -> memref<128x100xf32, #tpu.memory_space<hbm>>
        %dma_start3A_202 = arith.constant 0 : i32
        %dma_start3A_203 = arith.constant 0 : i32
        %dma_start3A_204 = tpu.memref_slice %arg9[%dma_start3A_202, %dma_start3A_203] : memref<136x100xf32, #tpu.memory_space<vmem>> -> memref<128x100xf32, #tpu.memory_space<vmem>>
        tpu.enqueue_dma source(%dma_start3A_204 : memref<128x100xf32, #tpu.memory_space<vmem>>) target(%dma_start3A_201 : memref<128x100xf32, #tpu.memory_space<hbm>>) target_semaphore(%run_scoped3A : memref<!tpu.dma_semaphore, #tpu.memory_space<semaphore_mem>>)
        %dma_wait3A_205 = arith.constant 0 : i32
        %dma_wait3A_206 = arith.constant 0 : i32
        %dma_wait3A_207 = tpu.memref_slice %arg9[%dma_wait3A_205, %dma_wait3A_206] : memref<136x100xf32, #tpu.memory_space<vmem>> -> memref<128x100xf32, #tpu.memory_space<vmem>>
        %dma_wait3A_208 = arith.constant 0 : i32
        %dma_wait3A_209 = tpu.memref_slice %arg6[%multiple_of3A, %dma_wait3A_208] : memref<16384x100xf32, #tpu.memory_space<hbm>> -> memref<128x100xf32, #tpu.memory_space<hbm>>
        %dma_wait3A_210 = arith.constant 0 : i32
        %dma_wait3A_211 = tpu.memref_slice %arg6[%multiple_of3A, %dma_wait3A_210] : memref<16384x100xf32, #tpu.memory_space<hbm>> -> memref<128x100xf32, #tpu.memory_space<hbm>>
        %dma_wait3A_212 = arith.constant 0 : i32
        %dma_wait3A_213 = arith.constant 0 : i32
        %dma_wait3A_214 = tpu.memref_slice %arg9[%dma_wait3A_212, %dma_wait3A_213] : memref<136x100xf32, #tpu.memory_space<vmem>> -> memref<128x100xf32, #tpu.memory_space<vmem>>
        tpu.wait_dma2 semaphore(%run_scoped3A : memref<!tpu.dma_semaphore, #tpu.memory_space<semaphore_mem>>) src(%dma_wait3A_214 : memref<128x100xf32, #tpu.memory_space<vmem>>) dst(%dma_wait3A_211 : memref<128x100xf32, #tpu.memory_space<hbm>>)
        tpu.yield
      }) : () -> ()
    }
    %scan3A_12 = arith.constant 4 : i32
    return
  }
}

</mosaic_0001>

<sc_bundles>
// kernel: kernel.3.cloned.1.call-start
scs
__scs_entry_jumppad:
0x0: {  	(pc) =	sbr.rel $0x88, $3  }
0x1: {  	(tag) =	ssettag $0x0;
	lr =	simm.s32 $0x1  }
0x2: {  	[smem:$0x3F9E] =	sst lr;
	_ =	strace $0xD0000000  }
0x3: {  	_ = 	snop  }
0x4: {  	_ = 	snop  }
0x5: {  	_ = 	snop  }
0x6: {  	_ = 	snop  }
0x7: {  	_ = 	snop  }
__scs_overlays_trampoline_lowered:
0x8: {  	[smem:$0x3FAD] =	sst s0  }
0x9: {  	[smem:$0x3FAE] =	sst s1  }
0xa: {  	[smem:$0x3FAF] =	sst s2  }
0xb: {  	[smem:$0x3FB0] =	sst s3  }
0xc: {  	[smem:$0x3FB1] =	sst s4  }
0xd: {  	[smem:$0x3FB2] =	sst s5  }
0xe: {  	[smem:$0x3FB3] =	sst s6  }
0xf: {  	[smem:$0x3FB4] =	sst s7  }
0x10: {  	[smem:$0x3FB5] =	sst s8  }
0x11: {  	[smem:$0x3FB6] =	sst s9;
	s0 =	simm.s32 @!p0 $0x0  }
0x12: {  	s1 =	sld [smem:$0x3F9C];
	s0 =	simm.s32 @p0 $0x1  }
0x13: {  	[smem:$0x3FB7] =	sst s0;
	s0 =	simm.s32 @!p1 $0x0  }
0x14: {  	s2 =	sld [smem:$0x3F9B];
	s0 =	simm.s32 @p1 $0x1  }
0x15: {  	[smem:$0x3FB8] =	sst s0;
	s0 =	simm.s32 @!p2 $0x0  }
0x16: {  	s3 =	sld [smem:$0x3FDB];
	s0 =	simm.s32 @p2 $0x1  }
0x17: {  	s4 =	simm.s32 $0x1BF5;
	[smem:$0x3FBA] =	sst s0  }
0x18: {  	s0 =	sld [smem:$0x3F9D];
	_ =	swait.ge [sflag:s4], $0x0  }
0x19: {  	s7 =	sld [smem:$0x3F9E]  }
0x1a: {  	s8 =	sadd.s32 $0xFFFFE003, lr  }
0x1b: {  	s9 =	sadd.s32 $0xFFFFFEF7, lr;
	s5 =	simm.s32 $0xFFFFFFFF;
	p2 =	slt.u32 s8, $0xFFFFF086  }
0x1c: {  	p1 =	slt.u32 s9, $0xF7A;
	s5 =	simm.s32 @!p2 $0x0  }
0x1d: {  	s5 =	simm.s32 @p1 $0x1;
	p0 =	seq.s32 s7, s2  }
0x1e: {  	s7 =	smul.u32 @!p0 $0xF7A, s2;
	p2 =	seq.s32 @!p0 s5, $0x0  }
0x1f: {  	s9 =	smul.u32 $0xF7A, s1;
	s8 =	simm.s32 @!p0 $0x1BF5;
	p2 =	por !p2, p0  }
0x20: {  	[sflag:s8] =	ssyncset.s32 @!p0 $0xFFFFF086;
	s6 =	sadd.s32 @!p0 s3, s7;
	s7 =	simm.s32 @!p0 $0x108  }
0x21: {  	s3 =	sadd.s32 s3, s9;
	s6 =	sadd.s32 @!p0 $0x88, s6;
	s7 =	simm.s32 @p2 $0x1082  }
0x22: {  	[simem:s7], [sflag:s8] =	dma.local @!p0 [hbm:s6], $0xF7A  }
0x23: {  	s9 =	sor.u32 $0xD0000000, s2;
	s6 =	simm.s32 $0x108;
	_ =	swait.ge @!p0 [sflag:s8], $0x0  }
0x24: {  	s3 =	sadd.s32 $0x88, s3;
	s6 =	simm.s32 @!p1 $0x1082;
	[sflag:s4] =	ssyncset.s32 $0xFFFFF086  }
0x25: {  	[simem:s6], [sflag:s4] =	dma.local [hbm:s3], $0xF7A  }
0x26: {  	[smem:$0x3F9E] =	sst s1;
	(tag) =	ssettag s2;
	_ =	strace s9  }
0x27: {  	s1 =	sld [smem:$0x3FAE]  }
0x28: {  	s2 =	sld [smem:$0x3FAF]  }
0x29: {  	s4 =	sld [smem:$0x3FB1]  }
0x2a: {  	p0 =	seq.s32 s5, $0x0;
	s5 =	sld [smem:$0x3FB2]  }
0x2b: {  	s6 =	sld [smem:$0x3FB3]  }
0x2c: {  	s7 =	sld [smem:$0x3FB4]  }
0x2d: {  	s3 =	simm.s32 $0x108;
	s8 =	sld [smem:$0x3FB5]  }
0x2e: {  	s3 =	simm.s32 @!p0 $0x1082;
	s9 =	sld [smem:$0x3FB6]  }
0x2f: {  	lr =	sadd.s32 s0, s3;
	s0 =	sld [smem:$0x3FAD]  }
0x30: {  	s3 =	sld [smem:$0x3FB0]  }
0x31: {  	[smem:$0x3FB9] =	sst s10  }
0x32: {  	s10 =	sld [smem:$0x3FB7];
	_ =	sdelay $0x3  }
0x33: {  	p0 =	seq.s32 s10, $0x1;
	s10 =	sld [smem:$0x3FB9];
	_ =	sdelay $0x3  }
0x34: {  	[smem:$0x3FB9] =	sst s10  }
0x35: {  	s10 =	sld [smem:$0x3FB8];
	_ =	sdelay $0x3  }
0x36: {  	p1 =	seq.s32 s10, $0x1;
	s10 =	sld [smem:$0x3FB9];
	_ =	sdelay $0x3  }
0x37: {  	[smem:$0x3FB9] =	sst s10  }
0x38: {  	s10 =	sld [smem:$0x3FBA]  }
0x39: {  	_ = 	snop;
	(pc) =	sbr.ind lr, $3  }
0x3a: {  	_ = 	snop  }
0x3b: {  	_ = 	snop  }
0x3c: {  	p2 =	seq.s32 s10, $0x1;
	s10 =	sld [smem:$0x3FB9]  }
0x3d: {  	_ =	shalt  }
0x3e: {  	_ =	shalt  }
0x3f: {  	_ =	shalt  }
0x40: {  	_ =	shalt  }
0x41: {  	_ =	shalt  }
0x42: {  	_ =	shalt  }
0x43: {  	_ =	shalt  }
0x44: {  	_ =	shalt  }
0x45: {  	_ =	shalt  }
0x46: {  	_ =	shalt  }
0x47: {  	_ =	shalt  }
0x48: {  	_ =	shalt  }
0x49: {  	_ =	shalt  }
0x4a: {  	_ =	shalt  }
0x4b: {  	_ =	shalt  }
0x4c: {  	_ =	shalt  }
0x4d: {  	_ =	shalt  }
0x4e: {  	_ =	shalt  }
0x4f: {  	_ =	shalt  }
0x50: {  	_ =	shalt  }
0x51: {  	_ =	shalt  }
0x52: {  	_ =	shalt  }
0x53: {  	_ =	shalt  }
0x54: {  	_ =	shalt  }
0x55: {  	_ =	shalt  }
0x56: {  	_ =	shalt  }
0x57: {  	_ =	shalt  }
0x58: {  	_ =	shalt  }
0x59: {  	_ =	shalt  }
0x5a: {  	_ =	shalt  }
0x5b: {  	_ =	shalt  }
0x5c: {  	_ =	shalt  }
0x5d: {  	_ =	shalt  }
0x5e: {  	_ =	shalt  }
0x5f: {  	_ =	shalt  }
0x60: {  	_ =	shalt  }
0x61: {  	_ =	shalt  }
0x62: {  	_ =	shalt  }
0x63: {  	_ =	shalt  }
0x64: {  	_ =	shalt  }
0x65: {  	_ =	shalt  }
0x66: {  	_ =	shalt  }
0x67: {  	_ =	shalt  }
0x68: {  	_ =	shalt  }
0x69: {  	_ =	shalt  }
0x6a: {  	_ =	shalt  }
0x6b: {  	_ =	shalt  }
0x6c: {  	_ =	shalt  }
0x6d: {  	_ =	shalt  }
0x6e: {  	_ =	shalt  }
0x6f: {  	_ =	shalt  }
0x70: {  	_ =	shalt  }
0x71: {  	_ =	shalt  }
0x72: {  	_ =	shalt  }
0x73: {  	_ =	shalt  }
0x74: {  	_ =	shalt  }
0x75: {  	_ =	shalt  }
0x76: {  	_ =	shalt  }
0x77: {  	_ =	shalt  }
0x78: {  	_ =	shalt  }
0x79: {  	_ =	shalt  }
0x7a: {  	_ =	shalt  }
0x7b: {  	_ =	shalt  }
0x7c: {  	_ =	shalt  }
0x7d: {  	_ =	shalt  }
0x7e: {  	_ =	shalt  }
0x7f: {  	_ =	shalt  }
0x80: {  	_ =	shalt  }
0x81: {  	_ =	shalt  }
0x82: {  	_ =	shalt  }
0x83: {  	_ =	shalt  }
0x84: {  	_ =	shalt  }
0x85: {  	_ =	shalt  }
0x86: {  	_ =	shalt  }
0x87: {  	_ =	shalt  }
.Lfunc_end0:
.L_simem_size_0:
called_computation_lowered:
.L_overlay_start_0:
0x88: {  	s2 =	sld [smem:$0x3FD9]  }
0x89: {  	s3 =	sld [smem:$0x3FFE];
	_ =	sdelay $0x1  }
0x8a: {  	s1 =	srdreg.scid  }
0x8b: {  	s0 =	sand.u32 $0x1, s1  }
0x8c: {  	s17 =	sshll.u32 s0, $0xA;
	s2 =	sadd.s32 s3, s2  }
0x8d: {  	s2 =	sadd.s32 s2, s17  }
0x8e: {  	[smem:$0x3FC5] =	sst s2  }
0x8f: {  	_ = 	snop  }
0x90: {  	s2 =	sld [smem:$0x3FD0];
	(tm) =	ssettm $0x1  }
0x91: {  	s18 =	sld [smem:$0x3FFB];
	_ =	sdelay $0x3  }
0x92: {  	_ =	strace s18  }
0x93: {  	s3 =	sld [smem:$0x3FFC];
	_ =	sdelay $0x3  }
0x94: {  	_ =	strace s3  }
0x95: {  	s3 =	sld [smem:$0x3FFD];
	_ =	sdelay $0x3  }
0x96: {  	_ =	strace s3  }
0x97: {  	_ =	strace $0x8FFFFFFF  }
0x98: {  	s19 =	sld [smem:$0x3FDB];
	_ =	sdelay $0x1  }
0x99: {  	s4 =	simm.s32 $_scs_section_size  }
0x9a: {  	s5 =	simm.s32 $_size__tile_overlayer_lowered;
	s6 =	simm.s32 $_tile_overlayer_lowered  }
0x9b: {  	s22 =	simm.s32 $0x1BFF;
	s21 =	sshll.u32 s6, $0x1;
	s3 =	sadd.s32 s4, s19  }
0x9c: {  	s7 =	simm.s32 $0x0;
	s20 =	sshll.u32 s5, $0x1;
	s5 =	sadd.s32 s21, s3  }
0x9d: {  	[timem:s7], [sflag:s22] =	dma.local [hbm:s5], s20  }
0x9e: {  	_ =	swait.ge [sflag:s22], s20  }
0x9f: {  	s4 =	ssub.s32 $0x0, s20;
	[sflag:s22] =	ssyncset.done $0x0  }
0xa0: {  	[sflag:s22] =	ssyncadd.s32 s4;
	_ =	sdelay $0x1  }
0xa1: {  	s23 =	simm.s32 $0x1B8B  }
0xa2: {  	_ =	swait.ge [sflag:s23], $0x1  }
0xa3: {  	[sflag:s23] =	ssyncset.done $0x0  }
0xa4: {  	s25 =	simm.s32 $0x1B8E;
	s24 =	sld [smem:$0x3FFE];
	[sflag:s23] =	ssyncadd.s32 $0xFFFFFFFF  }
0xa5: {  	s26 =	simm.s32 $execute0_lowered;
	[smem:$0x3FD2] =	sst s25  }
0xa6: {  	s5 =	sshll.u32 s26, $0x1;
	_ =	strace $0x80000046;
	[dreg:$0x1] =	wrdreg $0xFFFFFFFF  }
0xa7: {  	s28 =	simm.s32 $_size_execute0_lowered;
	s3 =	sadd.s32 s3, s5;
	[dreg:$0x0] =	wrdreg $0x0  }
0xa8: {  	s5 =	sshll.u32 s28, $0x1;
	[dreg:$0x2] =	wrdreg s3  }
0xa9: {  	[dreg:$0x3] =	wrdreg s5  }
0xaa: {  	[dreg:$0x4] =	wrdreg $0xC0  }
0xab: {  	_ =	task [dreg:s7], $0x5FFFF  }
0xac: {  	[dreg:$0x1] =	wrdreg $0xFFFFFFFF  }
0xad: {  	[dreg:$0x0] =	wrdreg $0x60  }
0xae: {  	[dreg:$0x2] =	wrdreg s2  }
0xaf: {  	[dreg:$0x3] =	wrdreg s24  }
0xb0: {  	[dreg:$0x4] =	wrdreg $0x9  }
0xb1: {  	_ =	task.clear_ibuf [dreg:s7], $0x5FFFF;
	_ =	strace $0x90000046  }
0xb2: {  	s29 =	simm.s32 $0x9;
	_ =	strace $0x80000048  }
0xb3: {  	_ =	swait.ge [sflag:s29], $0x1  }
0xb4: {  	[sflag:s29] =	ssyncadd.s32 $0xFFFFFFFF  }
0xb5: {  	_ =	strace $0x90000048  }
0xb6: {  	_ =	sfence  }
0xb7: {  	s30 =	sld [smem:$0x0];
	_ =	sdelay $0x2  }
0xb8: {  	s31 =	sshll.u32 s1, $0xD;
	s1 =	sshrl.u32 s1, $0x2  }
0xb9: {  	s3 =	sand.u32 $0x4000, s31;
	s1 =	sadd.s32 s1, s30  }
0xba: {  	s0 =	sor.u32 s3, s0;
	s1 =	sshll.u32 s1, $0x11  }
0xbb: {  	s0 =	sor.u32 s1, s0  }
0xbc: {  	s0 =	sadd.s32 $0x8F2B, s0  }
0xbd: {  	[sflag:s0] =	ssyncadd.remote.s32 $0x1  }
0xbe: {  	_ =	sfence.sel $0xFFFF  }
0xbf: {  	[dreg:$0x0] =	wrdreg $0xFFFFFFFF;
	(pc) =	sbr.abs _section_cstart, $3  }
0xc0: {  	[dreg:$0x1] =	wrdreg $0xFFFFFFFF  }
0xc1: {  	_ =	task.clear_ibuf [dreg:s7], $0x2FFFF;
	_ =	strace $0x9FFFFFFF  }
0xc2: {  	(tm) =	ssettm $0x7FFFFFFF  }
0xc3: {  	_ =	shalt  }
tec
execute0_lowered:
.L_overlay_start_1:
0x0: {  	(tag) =	ssettag $0x1  }
0x1: {  	s1 =	rddreg [dreg:$0x0]  }
0x2: {  	s0 =	rddreg [dreg:$0x1]  }
0x3: {  	s2 =	simm.s32 $0x0;
	s25 =	srdreg.scid;
	s5 =	stileid.u32  }
0x4: {  	s10 =	simm.s32 $0x8000;
	s11 =	simm.s32 $0x3;
	s13 =	simm.s32 $0xC400  }
0x5: {  	s14 =	simm.s32 $0xF800;
	s15 =	simm.s32 $0x80;
	s16 =	simm.s32 $0x2  }
0x6: {  	s17 =	simm.s32 $0x1;
	[smem:$0x7FF] =	sst s2;
	s2 =	sand.u32 $0x1, s25  }
0x7: {  	s3 =	sadd.s32 $0x1000, s0;
	s26 =	sadd.s32 $0x41000, s0;
	s4 =	sadd.s32 $0x81000, s0  }
.Ltmp0:
0x8: {  	s30 =	sshll.u32 s5, $0xA;
	s28 =	ssub.s32 $0x2, s2;
	(pc) =	sbr.rel .LBB2_1-.Ltmp0, $4  }
0x9: {  	_ =	strace $0x80000047;
	[dreg:$0x3] =	wrdreg s3;
	s29 =	sshrl.u32 s28, $0x1  }
0xa: {  	v0 =	vlaneseq.u32;
	v1 =	vimm.s32 $0x0;
	vm0 =	vcmask $0x3F30;
	s7 =	sadd.s32 $0xC1000, s0;
	[dreg:$0x4] =	wrdreg s26;
	s3 =	ssub.s32 s28, s29  }
0xb: {  	v2 =	vor.u32 $0x10, v0;
	v3 =	vor.u32 $0x20, v0;
	v4 =	vor.u32 $0x30, v0;
	[dreg:$0x5] =	wrdreg s4;
	s2 =	sshll.u32 s2, $0x9;
	s31 =	smax.u32 s3, $0x1  }
0xc: {  	v5 =	vor.u32 $0x40, v0;
	v6 =	vor.u32 $0x50, v0;
	v7 =	vadd.s32 $0x54, v0;
	s8 =	sor.u32 s2, s30;
	s2 =	simm.s32 $0x0;
	[dreg:$0x6] =	wrdreg s31  }
.LBB2_12:
0xd: {  	s2 =	rddreg [dreg:$0x7]  }
0xe: {  	s0 =	rddreg [dreg:$0x6];
	s2 =	sadd.s32 $0x1, s2  }
0xf: {  	p0 =	sne.s32 s2, s0  }
.Ltmp1:
0x10: {  	_ = 	snop;
	(pc) =	sbr.rel @!p0 .LBB2_13-.Ltmp1, $1  }
0x11: {  	_ =	sdelay $0x3  }
.LBB2_1:
.Ltmp2:
0x12: {  	(pc) =	sbr.rel .LBB2_2-.Ltmp2, $2  }
0x13: {  	_ =	sdelay $0x2  }
0x14: {  	[dreg:$0x7] =	wrdreg s2;
	s19 =	smov.u32 s8;
	s20 =	simm.s32 $0x0  }
.LBB2_14:
0x15: {  	_ =	swait.ge [sflag:s16], $0x4000  }
0x16: {  	[sflag:s16] =	ssyncset.done $0x0  }
0x17: {  	[sflag:s16] =	ssyncadd.s32 $0xFFFFC000  }
.LBB2_11:
0x18: {  	s20 =	sadd.s32 $0x1, s20  }
0x19: {  	p0 =	sne.s32 s20, $0x4  }
.Ltmp3:
0x1a: {  	s0 =	sadd.s32 s7, s21;
	s2 =	simm.s32 $0x0;
	(pc) =	sbr.rel @!p0 .LBB2_12-.Ltmp3, $4  }
0x1b: {  	[hbm4b:s0+s2] =	stream.linear.scatter [tilespmem:s10], [sflag:$0x3], $0x4000, $0x38;
	[tilespmem:$0x15E80] =	vst v63  }
0x1c: {  	_ =	swait.ge [sflag:s11], $0x4000  }
0x1d: {  	[sflag:s11] =	ssyncset.done $0x0  }
0x1e: {  	s19 =	sadd.s32 $0x80, s19;
	[sflag:s11] =	ssyncadd.s32 $0xFFFFC000  }
.LBB2_2:
0x1f: {  	s0 =	sshll.u32 s20, $0x7  }
0x20: {  	s0 =	sadd.s32 s8, s0  }
0x21: {  	s29 =	rddreg [dreg:$0x3];
	s21 =	sshll.u32 s0, $0x4  }
0x22: {  	s22 =	simm.s32 $0x0;
	s30 =	rddreg [dreg:$0x4];
	s0 =	sadd.s32 s29, s21  }
0x23: {  	[tilespmem:s10], [sflag:$0x2] =	stream.linear.gather [hbm4b:s0+s22], $0x4000, $0x38;
	[tilespmem:$0x15E80] =	vst v63  }
0x24: {  	s0 =	sadd.s32 s30, s21  }
0x25: {  	[tilespmem:s22], [sflag:$0x3] =	stream.linear.gather [hbm4b:s0+s22], $0x4000, $0x38;
	[tilespmem:$0x15E80] =	vst v63  }
0x26: {  	_ =	swait.ge [sflag:s11], $0x4000  }
0x27: {  	[sflag:s11] =	ssyncset.done $0x0;
	s31 =	rddreg [dreg:$0x5]  }
0x28: {  	s2 =	simm.s32 $0x4000;
	[sflag:s11] =	ssyncadd.s32 $0xFFFFC000;
	s0 =	sadd.s32 s31, s21  }
0x29: {  	[tilespmem:s2], [sflag:$0x3] =	stream.linear.gather [hbm4b:s0+s22], $0x4000, $0x38;
	[tilespmem:$0x15E80] =	vst v63  }
0x2a: {  	_ =	swait.ge [sflag:s11], $0x4000  }
0x2b: {  	s23 =	simm.s32 $0x4200;
	[sflag:s11] =	ssyncset.done $0x0  }
0x2c: {  	v8 =	vimm.s32 $0x0;
	s24 =	simm.s32 $0x200;
	s25 =	smov.u32 s19;
	[sflag:s11] =	ssyncadd.s32 $0xFFFFC000  }
.LBB2_3:
0x2d: {  	v9 =	vld [tilespmem:s24+$0xFFFFFE00]  }
0x2e: {  	v10 =	vld [tilespmem:s24+$0xFFFFFE80]  }
0x2f: {  	v11 =	vld [tilespmem:s24+$0xFFFFFF00]  }
0x30: {  	v12 =	vld [tilespmem:s24+$0xFFFFFF80]  }
0x31: {  	v13 =	vld [tilespmem:s24+$0x0]  }
0x32: {  	v14 =	vld [tilespmem:s24+$0x80]  }
0x33: {  	v49 =	vld [tilespmem:s23+$0xFFFFFE80]  }
0x34: {  	v51 =	vld [tilespmem:s23+$0xFFFFFF00]  }
0x35: {  	v20 =	vld [tilespmem:s23+$0xFFFFFF80]  }
0x36: {  	v26 =	vld [tilespmem:s23+$0x0]  }
0x37: {  	v30 =	vld [tilespmem:s23+$0x80]  }
0x38: {  	v31 =	vld [tilespmem:s23+$0x100]  }
0x39: {  	v32 =	vld [tilespmem:s23+$0x180]  }
0x3a: {  	v15 =	vld [tilespmem:s24+$0x100];
	vm8 =	vgt.f32 v9, $8.500000230e-01  }
0x3b: {  	v16 =	vld [tilespmem:s24+$0x180];
	vm7 =	vgt.f32 v10, $8.500000230e-01;
	vm5 =	vgt.f32 v12, $8.500000230e-01;
	v12 =	vmul.f32 $1.638400000e+04, v49  }
0x3c: {  	vm3 =	vgt.f32 v14, $8.500000230e-01;
	v14 =	vmul.f32 $1.638400000e+04, v51;
	v20 =	vmul.f32 $1.638400000e+04, v20  }
0x3d: {  	vm6 =	vgt.f32 v11, $8.500000230e-01;
	v26 =	vmul.f32 $1.638400000e+04, v26;
	v30 =	vmul.f32 $1.638400000e+04, v30  }
0x3e: {  	vm4 =	vgt.f32 v13, $8.500000230e-01;
	v31 =	vmul.f32 $1.638400000e+04, v31;
	v63 =	vmul.f32 $1.638400000e+04, v32  }
0x3f: {  	vm2 =	vgt.f32 v15, $8.500000230e-01;
	v53 =	vmpcnt.ones.xlane vm8;
	v18 =	vmpcnt.ones.xlane vm7  }
0x40: {  	vm1 =	vgt.f32 v16, $8.500000230e-01;
	v19 =	vmpcnt.ones.xlane vm6;
	v22 =	vmpcnt.ones.xlane vm5  }
0x41: {  	v9 =	vsel vm8, $0x1, v1;
	v23 =	vmpcnt.ones.xlane vm4;
	v25 =	vmpcnt.ones.xlane vm3  }
0x42: {  	v11 =	vsel vm7, $0x1, v1;
	v28 =	vmpcnt.ones.xlane vm2;
	v12 =	vtrunc.f32 v12  }
0x43: {  	v50 =	vsel vm6, $0x1, v1;
	v14 =	vtrunc.f32 v14;
	v20 =	vtrunc.f32 v20  }
0x44: {  	v10 =	vld [tilespmem:s23+$0xFFFFFE00];
	v52 =	vsel vm5, $0x1, v1;
	v26 =	vtrunc.f32 v26;
	v61 =	vtrunc.f32 v30  }
0x45: {  	v17 =	vsel vm4, $0x1, v1;
	v62 =	vtrunc.f32 v31;
	v31 =	vtrunc.f32 v63  }
0x46: {  	v21 =	vsel vm3, $0x1, v1;
	(xrf0) =	vadd.scan.msk.s32 $0xffff, v9;
	v12 =	vcvt.f32.s32 v12;
	v14 =	vcvt.f32.s32 v14  }
0x47: {  	v24 =	vsel vm2, $0x1, v1;
	v20 =	vcvt.f32.s32 v20;
	v26 =	vcvt.f32.s32 v26  }
0x48: {  	s28 =	sadd.s32 $0x1, s25;
	s0 =	sadd.s32 $0x2, s25;
	v27 =	vsel vm1, $0x1, v1;
	(xrf0) =	vadd.scan.msk.s32 $0xffff, v11;
	v30 =	vcvt.f32.s32 v62;
	v32 =	vcvt.f32.s32 v31  }
0x49: {  	s3 =	sadd.s32 $0x3, s25;
	s30 =	sadd.s32 $0x4, s25;
	s2 =	sadd.s32 $0x6, s25;
	v10 =	vmul.f32 $1.638400000e+04, v10;
	v12 =	vadd.s32 s28, v12;
	v14 =	vadd.s32 s0, v14  }
0x4a: {  	s4 =	sadd.s32 $0x7, s25;
	(xrf0) =	vadd.scan.msk.s32 $0xffff, v50;
	v33 =	vadd.s32 s3, v20;
	v34 =	vadd.s32 s30, v26;
	v38 =	vadd.s32 s2, v30  }
0x4b: {  	(xrf0) =	vadd.scan.msk.s32 $0xffff, v52;
	v40 =	vadd.s32 s4, v32;
	v12 =	vand.u32 $0x3FFF, v12;
	v10 =	vtrunc.f32 v10  }
0x4c: {  	(xrf0) =	vadd.scan.msk.s32 $0xffff, v17;
	v14 =	vand.u32 $0x3FFF, v14;
	v12 =	vmul.u32 $0x64, v12;
	v29, _, _ =	vpop (xrf0);
	v10 =	vcvt.f32.s32 v10  }
0x4d: {  	v14 =	vmul.u32 $0x64, v14;
	v9 =	vsub.s32 v29, v9;
	v29 =	vcvt.f32.s32 v61  }
0x4e: {  	(xrf0) =	vadd.scan.msk.s32 $0xffff, v21;
	v54, _, _ =	vpop (xrf0);
	v12 =	vadd.s32 v0, v12;
	v10 =	vadd.s32 s25, v10;
	v9 =	vadd.s32 v8, v9  }
0x4f: {  	v11 =	vsub.s32 v54, v11;
	v8 =	vadd.s32 v8, v53;
	v10 =	vand.u32 $0x3FFF, v10  }
0x50: {  	(xrf0) =	vadd.scan.msk.s32 $0xffff, v24;
	v14 =	vadd.s32 v0, v14;
	v55, _, _ =	vpop (xrf0);
	v11 =	vadd.s32 v11, v8;
	v10 =	vmul.u32 $0x64, v10  }
0x51: {  	v13 =	vsub.s32 v55, v50;
	v56, _, _ =	vpop (xrf0);
	v8 =	vadd.s32 v18, v8;
	v18 =	vand.u32 $0x3FFF, v33  }
0x52: {  	(xrf0) =	vadd.scan.msk.s32 $0xffff, v27;
	v15 =	vsub.s32 v56, v52;
	v57, _, _ =	vpop (xrf0);
	v13 =	vadd.s32 v13, v8;
	v10 =	vadd.s32 v0, v10  }
0x53: {  	v8 =	vadd.s32 v19, v8;
	v17 =	vsub.s32 v57, v17;
	[tilespmem:v9+s13+$0x0] =	vst.idx.msk vm8, v10;
	v10 =	vor.u32 s22, v0  }
0x54: {  	s26 =	sadd.s32 $0x80, s22;
	v18 =	vmul.u32 $0x64, v18;
	v58, _, _ =	vpop (xrf0);
	v15 =	vadd.s32 v15, v8;
	v8 =	vadd.s32 v22, v8;
	[tilespmem:v9+s14+$0x0] =	vst.idx.msk vm8, v10  }
0x55: {  	s9 =	sadd.s32 $0x5, s25;
	v21 =	vsub.s32 v58, v21;
	v17 =	vadd.s32 v17, v8;
	v10 =	vor.u32 s26, v0;
	[tilespmem:v11+s13+$0x0] =	vst.idx.msk vm7, v12  }
0x56: {  	s29 =	sadd.s32 $0x100, s22;
	v35 =	vadd.s32 s9, v29;
	v59, _, _ =	vpop (xrf0);
	v8 =	vadd.s32 v23, v8;
	v36 =	vadd.s32 v0, v18;
	[tilespmem:v11+s14+$0x0] =	vst.idx.msk vm7, v10  }
0x57: {  	v24 =	vsub.s32 v59, v24;
	v9 =	vand.u32 $0x3FFF, v34;
	v11 =	vor.u32 s29, v0;
	[tilespmem:v13+s13+$0x0] =	vst.idx.msk vm6, v14  }
0x58: {  	s31 =	sadd.s32 $0x180, s22;
	v60, _, _ =	vpop (xrf0);
	v37 =	vadd.s32 v21, v8;
	v8 =	vadd.s32 v25, v8;
	v9 =	vmul.u32 $0x64, v9;
	[tilespmem:v13+s14+$0x0] =	vst.idx.msk vm6, v11  }
0x59: {  	v27 =	vsub.s32 v60, v27;
	v10 =	vand.u32 $0x3FFF, v35;
	v11 =	vor.u32 s31, v0;
	[tilespmem:v15+s13+$0x0] =	vst.idx.msk vm5, v36  }
0x5a: {  	s18 =	sadd.s32 $0x200, s22;
	v39 =	vadd.s32 v24, v8;
	v10 =	vmul.u32 $0x64, v10;
	v9 =	vadd.s32 v0, v9;
	[tilespmem:v15+s14+$0x0] =	vst.idx.msk vm5, v11  }
0x5b: {  	v8 =	vadd.s32 v28, v8;
	v11 =	vand.u32 $0x3FFF, v38;
	[tilespmem:v17+s13+$0x0] =	vst.idx.msk vm4, v9;
	v9 =	vor.u32 s18, v0  }
0x5c: {  	s12 =	sadd.s32 $0x280, s22;
	v41 =	vadd.s32 v27, v8;
	v10 =	vadd.s32 v0, v10;
	v11 =	vmul.u32 $0x64, v11;
	[tilespmem:v17+s14+$0x0] =	vst.idx.msk vm4, v9  }
0x5d: {  	v9 =	vand.u32 $0x3FFF, v40;
	[tilespmem:v37+s13+$0x0] =	vst.idx.msk vm3, v10;
	v10 =	vor.u32 s12, v0  }
0x5e: {  	s5 =	sadd.s32 $0x300, s22;
	v11 =	vadd.s32 v0, v11;
	v9 =	vmul.u32 $0x64, v9;
	[tilespmem:v37+s14+$0x0] =	vst.idx.msk vm3, v10  }
0x5f: {  	v10 =	vor.u32 s5, v0;
	[tilespmem:v39+s13+$0x0] =	vst.idx.msk vm2, v11  }
0x60: {  	s6 =	sadd.s32 $0x380, s22;
	v9 =	vadd.s32 v0, v9;
	[tilespmem:v39+s14+$0x0] =	vst.idx.msk vm2, v10  }
0x61: {  	[tilespmem:v41+s13+$0x0] =	vst.idx.msk vm1, v9;
	v9 =	vor.u32 s6, v0  }
0x62: {  	[tilespmem:v41+s14+$0x0] =	vst.idx.msk vm1, v9  }
0x63: {  	v9 =	vld [tilespmem:s24+$0xFFFFFE10]  }
0x64: {  	v10 =	vld [tilespmem:s24+$0xFFFFFE90]  }
0x65: {  	v11 =	vld [tilespmem:s24+$0xFFFFFF10]  }
0x66: {  	v42 =	vld [tilespmem:s24+$0xFFFFFF90]  }
0x67: {  	v13 =	vld [tilespmem:s24+$0x10]  }
0x68: {  	v14 =	vld [tilespmem:s24+$0x90]  }
0x69: {  	v44 =	vld [tilespmem:s24+$0x110]  }
0x6a: {  	v45 =	vld [tilespmem:s23+$0xFFFFFE90]  }
0x6b: {  	v47 =	vld [tilespmem:s23+$0xFFFFFF10]  }
0x6c: {  	v53 =	vld [tilespmem:s23+$0xFFFFFF90]  }
0x6d: {  	v59 =	vld [tilespmem:s23+$0x10]  }
0x6e: {  	v43 =	vmpcnt.ones.xlane vm1;
	v63 =	vld [tilespmem:s23+$0x90]  }
0x6f: {  	v36 =	vld [tilespmem:s23+$0x110]  }
0x70: {  	v8 =	vadd.s32 v43, v8;
	v17 =	vld [tilespmem:s24+$0x190];
	vm15 =	vgt.f32 v9, $8.500000230e-01  }
0x71: {  	vm11 =	vgt.f32 v10, $8.500000230e-01;
	vm12 =	vgt.f32 v11, $8.500000230e-01;
	vm13 =	vgt.f32 v42, $8.500000230e-01  }
0x72: {  	vm3 =	vgt.f32 v14, $8.500000230e-01;
	v12 =	vmul.f32 $1.638400000e+04, v45;
	v14 =	vmul.f32 $1.638400000e+04, v47  }
0x73: {  	vm14 =	vgt.f32 v13, $8.500000230e-01;
	v20 =	vmul.f32 $1.638400000e+04, v53;
	v26 =	vmul.f32 $1.638400000e+04, v59  }
0x74: {  	vm2 =	vgt.f32 v44, $8.500000230e-01;
	v30 =	vmul.f32 $1.638400000e+04, v63;
	v31 =	vmul.f32 $1.638400000e+04, v36  }
0x75: {  	vm1 =	vgt.f32 v17, $8.500000230e-01;
	v49 =	vmpcnt.ones.xlane vm15;
	v51 =	vmpcnt.ones.xlane vm11  }
0x76: {  	v9 =	vsel vm15, $0x1, v1;
	v52 =	vmpcnt.ones.xlane vm12;
	v55 =	vmpcnt.ones.xlane vm13  }
0x77: {  	v11 =	vsel vm11, $0x1, v1;
	v56 =	vmpcnt.ones.xlane vm14;
	v58 =	vmpcnt.ones.xlane vm3  }
0x78: {  	v46 =	vsel vm12, $0x1, v1;
	v61 =	vmpcnt.ones.xlane vm2;
	v12 =	vtrunc.f32 v12  }
0x79: {  	v10 =	vld [tilespmem:s23+$0xFFFFFE10];
	v48 =	vsel vm13, $0x1, v1;
	v14 =	vtrunc.f32 v14;
	v20 =	vtrunc.f32 v20  }
0x7a: {  	v50 =	vsel vm14, $0x1, v1;
	(xrf0) =	vadd.scan.msk.s32 $0xffff, v9;
	v26 =	vtrunc.f32 v26;
	v44 =	vtrunc.f32 v30  }
0x7b: {  	v54 =	vsel vm3, $0x1, v1;
	v45 =	vtrunc.f32 v31;
	(xrf0) =	vadd.scan.msk.s32 $0xffff, v11;
	v12 =	vcvt.f32.s32 v12  }
0x7c: {  	v57 =	vsel vm2, $0x1, v1;
	v14 =	vcvt.f32.s32 v14;
	v20 =	vcvt.f32.s32 v20  }
0x7d: {  	v60 =	vsel vm1, $0x1, v1;
	v26 =	vcvt.f32.s32 v26;
	v29 =	vcvt.f32.s32 v44;
	(xrf0) =	vadd.scan.msk.s32 $0xffff, v46  }
0x7e: {  	v10 =	vmul.f32 $1.638400000e+04, v10;
	v12 =	vadd.s32 s28, v12;
	v14 =	vadd.s32 s0, v14  }
0x7f: {  	v39 =	vld [tilespmem:s23+$0x190];
	v30 =	vcvt.f32.s32 v45;
	(xrf0) =	vadd.scan.msk.s32 $0xffff, v48;
	v12 =	vand.u32 $0x3FFF, v12;
	v14 =	vand.u32 $0x3FFF, v14  }
0x80: {  	(xrf0) =	vadd.scan.msk.s32 $0xffff, v50;
	v10 =	vtrunc.f32 v10;
	v12 =	vmul.u32 $0x64, v12;
	v14 =	vmul.u32 $0x64, v14;
	v62, _, _ =	vpop (xrf0)  }
0x81: {  	v53 =	vadd.s32 s2, v30;
	v10 =	vcvt.f32.s32 v10;
	v9 =	vsub.s32 v62, v9;
	v35, _, _ =	vpop (xrf0)  }
0x82: {  	v12 =	vadd.s32 v2, v12;
	v14 =	vadd.s32 v2, v14;
	v11 =	vsub.s32 v35, v11  }
0x83: {  	(xrf0) =	vadd.scan.msk.s32 $0xffff, v54;
	v37, _, _ =	vpop (xrf0);
	v10 =	vadd.s32 s25, v10;
	v9 =	vadd.s32 v8, v9;
	v8 =	vadd.s32 v8, v49  }
0x84: {  	v49 =	vadd.s32 s30, v26;
	v13 =	vsub.s32 v37, v46;
	v46 =	vmul.f32 $1.638400000e+04, v39  }
0x85: {  	(xrf0) =	vadd.scan.msk.s32 $0xffff, v57;
	v38, _, _ =	vpop (xrf0);
	v10 =	vand.u32 $0x3FFF, v10;
	v11 =	vadd.s32 v11, v8;
	v8 =	vadd.s32 v51, v8  }
0x86: {  	v15 =	vsub.s32 v38, v48;
	v40, _, _ =	vpop (xrf0);
	v10 =	vmul.u32 $0x64, v10;
	v48 =	vadd.s32 s3, v20  }
0x87: {  	(xrf0) =	vadd.scan.msk.s32 $0xffff, v60;
	v13 =	vadd.s32 v13, v8;
	v8 =	vadd.s32 v52, v8;
	v17 =	vsub.s32 v40, v50  }
0x88: {  	v31 =	vtrunc.f32 v46;
	v18 =	vand.u32 $0x3FFF, v48;
	v10 =	vadd.s32 v2, v10  }
0x89: {  	v41, _, _ =	vpop (xrf0);
	v15 =	vadd.s32 v15, v8;
	v8 =	vadd.s32 v55, v8;
	[tilespmem:v9+s13+$0x0] =	vst.idx.msk vm15, v10;
	v10 =	vor.u32 s22, v2  }
0x8a: {  	v50 =	vadd.s32 s9, v29;
	v21 =	vsub.s32 v41, v54;
	v47 =	vcvt.f32.s32 v31;
	[tilespmem:v9+s14+$0x0] =	vst.idx.msk vm15, v10  }
0x8b: {  	v42, _, _ =	vpop (xrf0);
	v17 =	vadd.s32 v17, v8;
	v8 =	vadd.s32 v56, v8;
	v10 =	vor.u32 s26, v2;
	[tilespmem:v11+s13+$0x0] =	vst.idx.msk vm11, v12  }
0x8c: {  	v18 =	vmul.u32 $0x64, v18;
	v24 =	vsub.s32 v42, v57;
	v52 =	vadd.s32 v21, v8;
	[tilespmem:v11+s14+$0x0] =	vst.idx.msk vm11, v10  }
0x8d: {  	v43, _, _ =	vpop (xrf0);
	v8 =	vadd.s32 v58, v8;
	v9 =	vand.u32 $0x3FFF, v49;
	v11 =	vor.u32 s29, v2;
	[tilespmem:v13+s13+$0x0] =	vst.idx.msk vm12, v14  }
0x8e: {  	v27 =	vsub.s32 v43, v60;
	v51 =	vadd.s32 v2, v18;
	v9 =	vmul.u32 $0x64, v9;
	[tilespmem:v13+s14+$0x0] =	vst.idx.msk vm12, v11  }
0x8f: {  	v54 =	vadd.s32 v24, v8;
	v10 =	vand.u32 $0x3FFF, v50;
	v11 =	vor.u32 s31, v2;
	[tilespmem:v15+s13+$0x0] =	vst.idx.msk vm13, v51  }
0x90: {  	v8 =	vadd.s32 v61, v8;
	v10 =	vmul.u32 $0x64, v10;
	v9 =	vadd.s32 v2, v9;
	[tilespmem:v15+s14+$0x0] =	vst.idx.msk vm13, v11  }
0x91: {  	v55 =	vadd.s32 s4, v47;
	v11 =	vand.u32 $0x3FFF, v53;
	[tilespmem:v17+s13+$0x0] =	vst.idx.msk vm14, v9;
	v9 =	vor.u32 s18, v2  }
0x92: {  	v56 =	vadd.s32 v27, v8;
	v10 =	vadd.s32 v2, v10;
	v11 =	vmul.u32 $0x64, v11;
	[tilespmem:v17+s14+$0x0] =	vst.idx.msk vm14, v9  }
0x93: {  	v9 =	vand.u32 $0x3FFF, v55;
	[tilespmem:v52+s13+$0x0] =	vst.idx.msk vm3, v10;
	v10 =	vor.u32 s12, v2  }
0x94: {  	v11 =	vadd.s32 v2, v11;
	v9 =	vmul.u32 $0x64, v9;
	[tilespmem:v52+s14+$0x0] =	vst.idx.msk vm3, v10  }
0x95: {  	v10 =	vor.u32 s5, v2;
	[tilespmem:v54+s13+$0x0] =	vst.idx.msk vm2, v11  }
0x96: {  	v9 =	vadd.s32 v2, v9;
	[tilespmem:v54+s14+$0x0] =	vst.idx.msk vm2, v10  }
0x97: {  	[tilespmem:v56+s13+$0x0] =	vst.idx.msk vm1, v9;
	v9 =	vor.u32 s6, v2  }
0x98: {  	[tilespmem:v56+s14+$0x0] =	vst.idx.msk vm1, v9  }
0x99: {  	v9 =	vld [tilespmem:s24+$0xFFFFFE20]  }
0x9a: {  	v10 =	vld [tilespmem:s24+$0xFFFFFEA0]  }
0x9b: {  	v11 =	vld [tilespmem:s24+$0xFFFFFF20]  }
0x9c: {  	v57 =	vld [tilespmem:s24+$0xFFFFFFA0]  }
0x9d: {  	v13 =	vld [tilespmem:s24+$0x20]  }
0x9e: {  	v14 =	vld [tilespmem:s24+$0xA0]  }
0x9f: {  	v59 =	vld [tilespmem:s24+$0x120]  }
0xa0: {  	v17 =	vld [tilespmem:s24+$0x1A0]  }
0xa1: {  	v60 =	vld [tilespmem:s23+$0xFFFFFEA0]  }
0xa2: {  	v62 =	vld [tilespmem:s23+$0xFFFFFF20]  }
0xa3: {  	v40 =	vld [tilespmem:s23+$0xFFFFFFA0]  }
0xa4: {  	v46 =	vld [tilespmem:s23+$0x20]  }
0xa5: {  	v58 =	vmpcnt.ones.xlane vm1;
	v50 =	vld [tilespmem:s23+$0xA0]  }
0xa6: {  	v52 =	vld [tilespmem:s23+$0x120]  }
0xa7: {  	v8 =	vadd.s32 v58, v8;
	v55 =	vld [tilespmem:s23+$0x1A0];
	vm15 =	vgt.f32 v9, $8.500000230e-01  }
0xa8: {  	vm11 =	vgt.f32 v10, $8.500000230e-01;
	vm12 =	vgt.f32 v11, $8.500000230e-01;
	vm13 =	vgt.f32 v57, $8.500000230e-01  }
0xa9: {  	vm3 =	vgt.f32 v14, $8.500000230e-01;
	v12 =	vmul.f32 $1.638400000e+04, v60;
	v14 =	vmul.f32 $1.638400000e+04, v62  }
0xaa: {  	vm14 =	vgt.f32 v13, $8.500000230e-01;
	v20 =	vmul.f32 $1.638400000e+04, v40;
	v26 =	vmul.f32 $1.638400000e+04, v46  }
0xab: {  	vm2 =	vgt.f32 v59, $8.500000230e-01;
	v30 =	vmul.f32 $1.638400000e+04, v50;
	v31 =	vmul.f32 $1.638400000e+04, v52  }
0xac: {  	vm1 =	vgt.f32 v17, $8.500000230e-01;
	v62 =	vmul.f32 $1.638400000e+04, v55;
	v36 =	vmpcnt.ones.xlane vm15  }
0xad: {  	v9 =	vsel vm15, $0x1, v1;
	v38 =	vmpcnt.ones.xlane vm11;
	v39 =	vmpcnt.ones.xlane vm12  }
0xae: {  	v11 =	vsel vm11, $0x1, v1;
	v42 =	vmpcnt.ones.xlane vm13;
	v43 =	vmpcnt.ones.xlane vm14  }
0xaf: {  	v61 =	vsel vm12, $0x1, v1;
	v45 =	vmpcnt.ones.xlane vm3;
	v48 =	vmpcnt.ones.xlane vm2  }
0xb0: {  	v10 =	vld [tilespmem:s23+$0xFFFFFE20];
	v63 =	vsel vm13, $0x1, v1;
	v12 =	vtrunc.f32 v12;
	v14 =	vtrunc.f32 v14  }
0xb1: {  	v37 =	vsel vm14, $0x1, v1;
	(xrf0) =	vadd.scan.msk.s32 $0xffff, v9;
	v20 =	vtrunc.f32 v20;
	v26 =	vtrunc.f32 v26  }
0xb2: {  	v41 =	vsel vm3, $0x1, v1;
	v60 =	vtrunc.f32 v30;
	(xrf0) =	vadd.scan.msk.s32 $0xffff, v11;
	v12 =	vcvt.f32.s32 v12  }
0xb3: {  	v44 =	vsel vm2, $0x1, v1;
	v14 =	vcvt.f32.s32 v14;
	v20 =	vcvt.f32.s32 v20  }
0xb4: {  	v47 =	vsel vm1, $0x1, v1;
	v26 =	vcvt.f32.s32 v26;
	v29 =	vcvt.f32.s32 v60;
	(xrf0) =	vadd.scan.msk.s32 $0xffff, v61  }
0xb5: {  	v10 =	vmul.f32 $1.638400000e+04, v10;
	v12 =	vadd.s32 s28, v12;
	v14 =	vadd.s32 s0, v14  }
0xb6: {  	(xrf0) =	vadd.scan.msk.s32 $0xffff, v63;
	v32 =	vadd.s32 s30, v26;
	v12 =	vand.u32 $0x3FFF, v12;
	v14 =	vand.u32 $0x3FFF, v14  }
0xb7: {  	v10 =	vtrunc.f32 v10;
	v12 =	vmul.u32 $0x64, v12;
	v14 =	vmul.u32 $0x64, v14;
	v49, _, _ =	vpop (xrf0)  }
0xb8: {  	v33 =	vadd.s32 s9, v29;
	(xrf0) =	vadd.scan.msk.s32 $0xffff, v37;
	v10 =	vcvt.f32.s32 v10;
	v9 =	vsub.s32 v49, v9;
	v51, _, _ =	vpop (xrf0)  }
0xb9: {  	v12 =	vadd.s32 v3, v12;
	v14 =	vadd.s32 v3, v14;
	v11 =	vsub.s32 v51, v11  }
0xba: {  	(xrf0) =	vadd.scan.msk.s32 $0xffff, v41;
	v53, _, _ =	vpop (xrf0);
	v10 =	vadd.s32 s25, v10;
	v9 =	vadd.s32 v8, v9;
	v8 =	vadd.s32 v8, v36  }
0xbb: {  	v13 =	vsub.s32 v53, v61;
	v61 =	vtrunc.f32 v31;
	v10 =	vand.u32 $0x3FFF, v10  }
0xbc: {  	(xrf0) =	vadd.scan.msk.s32 $0xffff, v44;
	v54, _, _ =	vpop (xrf0);
	v31 =	vtrunc.f32 v62;
	v11 =	vadd.s32 v11, v8;
	v8 =	vadd.s32 v38, v8  }
0xbd: {  	v15 =	vsub.s32 v54, v63;
	v30 =	vcvt.f32.s32 v61;
	v10 =	vmul.u32 $0x64, v10  }
0xbe: {  	v56, _, _ =	vpop (xrf0);
	v63 =	vcvt.f32.s32 v31;
	v31 =	vadd.s32 s3, v20;
	v13 =	vadd.s32 v13, v8  }
0xbf: {  	(xrf0) =	vadd.scan.msk.s32 $0xffff, v47;
	v8 =	vadd.s32 v39, v8;
	v17 =	vsub.s32 v56, v37;
	v10 =	vadd.s32 v3, v10  }
0xc0: {  	v57, _, _ =	vpop (xrf0);
	v18 =	vand.u32 $0x3FFF, v31;
	v15 =	vadd.s32 v15, v8;
	[tilespmem:v9+s13+$0x0] =	vst.idx.msk vm15, v10;
	v10 =	vor.u32 s22, v3  }
0xc1: {  	v8 =	vadd.s32 v42, v8;
	v21 =	vsub.s32 v57, v41;
	v18 =	vmul.u32 $0x64, v18;
	[tilespmem:v9+s14+$0x0] =	vst.idx.msk vm15, v10  }
0xc2: {  	v58, _, _ =	vpop (xrf0);
	v17 =	vadd.s32 v17, v8;
	v8 =	vadd.s32 v43, v8;
	v10 =	vor.u32 s26, v3;
	[tilespmem:v11+s13+$0x0] =	vst.idx.msk vm11, v12  }
0xc3: {  	v36 =	vadd.s32 s2, v30;
	v38 =	vadd.s32 s4, v63;
	v24 =	vsub.s32 v58, v44;
	[tilespmem:v11+s14+$0x0] =	vst.idx.msk vm11, v10  }
0xc4: {  	v35 =	vadd.s32 v21, v8;
	v9 =	vand.u32 $0x3FFF, v32;
	v11 =	vor.u32 s29, v3;
	[tilespmem:v13+s13+$0x0] =	vst.idx.msk vm12, v14  }
0xc5: {  	v59, _, _ =	vpop (xrf0);
	v8 =	vadd.s32 v45, v8;
	v34 =	vadd.s32 v3, v18;
	v9 =	vmul.u32 $0x64, v9;
	[tilespmem:v13+s14+$0x0] =	vst.idx.msk vm12, v11  }
0xc6: {  	v27 =	vsub.s32 v59, v47;
	v10 =	vand.u32 $0x3FFF, v33;
	v11 =	vor.u32 s31, v3;
	[tilespmem:v15+s13+$0x0] =	vst.idx.msk vm13, v34  }
0xc7: {  	v37 =	vadd.s32 v24, v8;
	v10 =	vmul.u32 $0x64, v10;
	v9 =	vadd.s32 v3, v9;
	[tilespmem:v15+s14+$0x0] =	vst.idx.msk vm13, v11  }
0xc8: {  	v8 =	vadd.s32 v48, v8;
	v11 =	vand.u32 $0x3FFF, v36;
	[tilespmem:v17+s13+$0x0] =	vst.idx.msk vm14, v9;
	v9 =	vor.u32 s18, v3  }
0xc9: {  	v39 =	vadd.s32 v27, v8;
	v10 =	vadd.s32 v3, v10;
	v11 =	vmul.u32 $0x64, v11;
	[tilespmem:v17+s14+$0x0] =	vst.idx.msk vm14, v9  }
0xca: {  	v9 =	vand.u32 $0x3FFF, v38;
	[tilespmem:v35+s13+$0x0] =	vst.idx.msk vm3, v10;
	v10 =	vor.u32 s12, v3  }
0xcb: {  	v11 =	vadd.s32 v3, v11;
	v9 =	vmul.u32 $0x64, v9;
	[tilespmem:v35+s14+$0x0] =	vst.idx.msk vm3, v10  }
0xcc: {  	v10 =	vor.u32 s5, v3;
	[tilespmem:v37+s13+$0x0] =	vst.idx.msk vm2, v11  }
0xcd: {  	v9 =	vadd.s32 v3, v9;
	[tilespmem:v37+s14+$0x0] =	vst.idx.msk vm2, v10  }
0xce: {  	[tilespmem:v39+s13+$0x0] =	vst.idx.msk vm1, v9;
	v9 =	vor.u32 s6, v3  }
0xcf: {  	[tilespmem:v39+s14+$0x0] =	vst.idx.msk vm1, v9  }
0xd0: {  	v9 =	vld [tilespmem:s24+$0xFFFFFE30]  }
0xd1: {  	v10 =	vld [tilespmem:s24+$0xFFFFFEB0]  }
0xd2: {  	v11 =	vld [tilespmem:s24+$0xFFFFFF30]  }
0xd3: {  	v40 =	vld [tilespmem:s24+$0xFFFFFFB0]  }
0xd4: {  	v13 =	vld [tilespmem:s24+$0x30]  }
0xd5: {  	v14 =	vld [tilespmem:s24+$0xB0]  }
0xd6: {  	v42 =	vld [tilespmem:s24+$0x130]  }
0xd7: {  	v43 =	vld [tilespmem:s23+$0xFFFFFEB0]  }
0xd8: {  	v45 =	vld [tilespmem:s23+$0xFFFFFF30]  }
0xd9: {  	v51 =	vld [tilespmem:s23+$0xFFFFFFB0]  }
0xda: {  	v57 =	vld [tilespmem:s23+$0x30]  }
0xdb: {  	v41 =	vmpcnt.ones.xlane vm1;
	v61 =	vld [tilespmem:s23+$0xB0]  }
0xdc: {  	v63 =	vld [tilespmem:s23+$0x130]  }
0xdd: {  	v8 =	vadd.s32 v41, v8;
	v17 =	vld [tilespmem:s24+$0x1B0];
	vm15 =	vgt.f32 v9, $8.500000230e-01  }
0xde: {  	vm11 =	vgt.f32 v10, $8.500000230e-01;
	vm12 =	vgt.f32 v11, $8.500000230e-01;
	vm13 =	vgt.f32 v40, $8.500000230e-01  }
0xdf: {  	vm3 =	vgt.f32 v14, $8.500000230e-01;
	v12 =	vmul.f32 $1.638400000e+04, v43;
	v14 =	vmul.f32 $1.638400000e+04, v45  }
0xe0: {  	vm14 =	vgt.f32 v13, $8.500000230e-01;
	v20 =	vmul.f32 $1.638400000e+04, v51;
	v26 =	vmul.f32 $1.638400000e+04, v57  }
0xe1: {  	vm2 =	vgt.f32 v42, $8.500000230e-01;
	v30 =	vmul.f32 $1.638400000e+04, v61;
	v31 =	vmul.f32 $1.638400000e+04, v63  }
0xe2: {  	vm1 =	vgt.f32 v17, $8.500000230e-01;
	v47 =	vmpcnt.ones.xlane vm15;
	v49 =	vmpcnt.ones.xlane vm11  }
0xe3: {  	v9 =	vsel vm15, $0x1, v1;
	v50 =	vmpcnt.ones.xlane vm12;
	v53 =	vmpcnt.ones.xlane vm13  }
0xe4: {  	v11 =	vsel vm11, $0x1, v1;
	v54 =	vmpcnt.ones.xlane vm14;
	v56 =	vmpcnt.ones.xlane vm3  }
0xe5: {  	v44 =	vsel vm12, $0x1, v1;
	v59 =	vmpcnt.ones.xlane vm2;
	v12 =	vtrunc.f32 v12  }
0xe6: {  	v10 =	vld [tilespmem:s23+$0xFFFFFE30];
	v46 =	vsel vm13, $0x1, v1;
	v14 =	vtrunc.f32 v14;
	v20 =	vtrunc.f32 v20  }
0xe7: {  	v48 =	vsel vm14, $0x1, v1;
	(xrf0) =	vadd.scan.msk.s32 $0xffff, v9;
	v26 =	vtrunc.f32 v26;
	v42 =	vtrunc.f32 v30  }
0xe8: {  	v52 =	vsel vm3, $0x1, v1;
	v43 =	vtrunc.f32 v31;
	(xrf0) =	vadd.scan.msk.s32 $0xffff, v11;
	v12 =	vcvt.f32.s32 v12  }
0xe9: {  	v55 =	vsel vm2, $0x1, v1;
	v14 =	vcvt.f32.s32 v14;
	v20 =	vcvt.f32.s32 v20  }
0xea: {  	v58 =	vsel vm1, $0x1, v1;
	v26 =	vcvt.f32.s32 v26;
	v29 =	vcvt.f32.s32 v42;
	(xrf0) =	vadd.scan.msk.s32 $0xffff, v44  }
0xeb: {  	v10 =	vmul.f32 $1.638400000e+04, v10;
	v12 =	vadd.s32 s28, v12;
	v14 =	vadd.s32 s0, v14  }
0xec: {  	v37 =	vld [tilespmem:s23+$0x1B0];
	v30 =	vcvt.f32.s32 v43;
	(xrf0) =	vadd.scan.msk.s32 $0xffff, v46;
	v12 =	vand.u32 $0x3FFF, v12;
	v14 =	vand.u32 $0x3FFF, v14  }
0xed: {  	(xrf0) =	vadd.scan.msk.s32 $0xffff, v48;
	v10 =	vtrunc.f32 v10;
	v12 =	vmul.u32 $0x64, v12;
	v14 =	vmul.u32 $0x64, v14;
	v60, _, _ =	vpop (xrf0)  }
0xee: {  	v51 =	vadd.s32 s2, v30;
	v10 =	vcvt.f32.s32 v10;
	v9 =	vsub.s32 v60, v9;
	v62, _, _ =	vpop (xrf0)  }
0xef: {  	v12 =	vadd.s32 v4, v12;
	v14 =	vadd.s32 v4, v14;
	v11 =	vsub.s32 v62, v11  }
0xf0: {  	(xrf0) =	vadd.scan.msk.s32 $0xffff, v52;
	v35, _, _ =	vpop (xrf0);
	v10 =	vadd.s32 s25, v10;
	v9 =	vadd.s32 v8, v9;
	v8 =	vadd.s32 v8, v47  }
0xf1: {  	v47 =	vadd.s32 s30, v26;
	v13 =	vsub.s32 v35, v44;
	v44 =	vmul.f32 $1.638400000e+04, v37  }
0xf2: {  	(xrf0) =	vadd.scan.msk.s32 $0xffff, v55;
	v36, _, _ =	vpop (xrf0);
	v10 =	vand.u32 $0x3FFF, v10;
	v11 =	vadd.s32 v11, v8;
	v8 =	vadd.s32 v49, v8  }
0xf3: {  	v15 =	vsub.s32 v36, v46;
	v38, _, _ =	vpop (xrf0);
	v10 =	vmul.u32 $0x64, v10;
	v46 =	vadd.s32 s3, v20  }
0xf4: {  	(xrf0) =	vadd.scan.msk.s32 $0xffff, v58;
	v13 =	vadd.s32 v13, v8;
	v8 =	vadd.s32 v50, v8;
	v17 =	vsub.s32 v38, v48  }
0xf5: {  	v31 =	vtrunc.f32 v44;
	v18 =	vand.u32 $0x3FFF, v46;
	v10 =	vadd.s32 v4, v10  }
0xf6: {  	v39, _, _ =	vpop (xrf0);
	v15 =	vadd.s32 v15, v8;
	v8 =	vadd.s32 v53, v8;
	[tilespmem:v9+s13+$0x0] =	vst.idx.msk vm15, v10;
	v10 =	vor.u32 s22, v4  }
0xf7: {  	v48 =	vadd.s32 s9, v29;
	v21 =	vsub.s32 v39, v52;
	v45 =	vcvt.f32.s32 v31;
	[tilespmem:v9+s14+$0x0] =	vst.idx.msk vm15, v10  }
0xf8: {  	v40, _, _ =	vpop (xrf0);
	v17 =	vadd.s32 v17, v8;
	v8 =	vadd.s32 v54, v8;
	v10 =	vor.u32 s26, v4;
	[tilespmem:v11+s13+$0x0] =	vst.idx.msk vm11, v12  }
0xf9: {  	v18 =	vmul.u32 $0x64, v18;
	v24 =	vsub.s32 v40, v55;
	v50 =	vadd.s32 v21, v8;
	[tilespmem:v11+s14+$0x0] =	vst.idx.msk vm11, v10  }
0xfa: {  	v41, _, _ =	vpop (xrf0);
	v8 =	vadd.s32 v56, v8;
	v9 =	vand.u32 $0x3FFF, v47;
	v11 =	vor.u32 s29, v4;
	[tilespmem:v13+s13+$0x0] =	vst.idx.msk vm12, v14  }
0xfb: {  	v27 =	vsub.s32 v41, v58;
	v49 =	vadd.s32 v4, v18;
	v9 =	vmul.u32 $0x64, v9;
	[tilespmem:v13+s14+$0x0] =	vst.idx.msk vm12, v11  }
0xfc: {  	v52 =	vadd.s32 v24, v8;
	v10 =	vand.u32 $0x3FFF, v48;
	v11 =	vor.u32 s31, v4;
	[tilespmem:v15+s13+$0x0] =	vst.idx.msk vm13, v49  }
0xfd: {  	v8 =	vadd.s32 v59, v8;
	v10 =	vmul.u32 $0x64, v10;
	v9 =	vadd.s32 v4, v9;
	[tilespmem:v15+s14+$0x0] =	vst.idx.msk vm13, v11  }
0xfe: {  	v53 =	vadd.s32 s4, v45;
	v11 =	vand.u32 $0x3FFF, v51;
	[tilespmem:v17+s13+$0x0] =	vst.idx.msk vm14, v9;
	v9 =	vor.u32 s18, v4  }
0xff: {  	v54 =	vadd.s32 v27, v8;
	v10 =	vadd.s32 v4, v10;
	v11 =	vmul.u32 $0x64, v11;
	[tilespmem:v17+s14+$0x0] =	vst.idx.msk vm14, v9  }
0x100: {  	v9 =	vand.u32 $0x3FFF, v53;
	[tilespmem:v50+s13+$0x0] =	vst.idx.msk vm3, v10;
	v10 =	vor.u32 s12, v4  }
0x101: {  	v11 =	vadd.s32 v4, v11;
	v9 =	vmul.u32 $0x64, v9;
	[tilespmem:v50+s14+$0x0] =	vst.idx.msk vm3, v10  }
0x102: {  	v10 =	vor.u32 s5, v4;
	[tilespmem:v52+s13+$0x0] =	vst.idx.msk vm2, v11  }
0x103: {  	v9 =	vadd.s32 v4, v9;
	[tilespmem:v52+s14+$0x0] =	vst.idx.msk vm2, v10  }
0x104: {  	[tilespmem:v54+s13+$0x0] =	vst.idx.msk vm1, v9;
	v9 =	vor.u32 s6, v4  }
0x105: {  	[tilespmem:v54+s14+$0x0] =	vst.idx.msk vm1, v9  }
0x106: {  	v9 =	vld [tilespmem:s24+$0xFFFFFE40]  }
0x107: {  	v10 =	vld [tilespmem:s24+$0xFFFFFEC0]  }
0x108: {  	v11 =	vld [tilespmem:s24+$0xFFFFFF40]  }
0x109: {  	v55 =	vld [tilespmem:s24+$0xFFFFFFC0]  }
0x10a: {  	v13 =	vld [tilespmem:s24+$0x40]  }
0x10b: {  	v14 =	vld [tilespmem:s24+$0xC0]  }
0x10c: {  	v57 =	vld [tilespmem:s24+$0x140]  }
0x10d: {  	v17 =	vld [tilespmem:s24+$0x1C0]  }
0x10e: {  	v58 =	vld [tilespmem:s23+$0xFFFFFEC0]  }
0x10f: {  	v60 =	vld [tilespmem:s23+$0xFFFFFF40]  }
0x110: {  	v38 =	vld [tilespmem:s23+$0xFFFFFFC0]  }
0x111: {  	v44 =	vld [tilespmem:s23+$0x40]  }
0x112: {  	v56 =	vmpcnt.ones.xlane vm1;
	v48 =	vld [tilespmem:s23+$0xC0]  }
0x113: {  	v50 =	vld [tilespmem:s23+$0x140]  }
0x114: {  	v8 =	vadd.s32 v56, v8;
	v53 =	vld [tilespmem:s23+$0x1C0];
	vm15 =	vgt.f32 v9, $8.500000230e-01  }
0x115: {  	vm11 =	vgt.f32 v10, $8.500000230e-01;
	vm12 =	vgt.f32 v11, $8.500000230e-01;
	vm13 =	vgt.f32 v55, $8.500000230e-01  }
0x116: {  	vm3 =	vgt.f32 v14, $8.500000230e-01;
	v12 =	vmul.f32 $1.638400000e+04, v58;
	v14 =	vmul.f32 $1.638400000e+04, v60  }
0x117: {  	vm14 =	vgt.f32 v13, $8.500000230e-01;
	v20 =	vmul.f32 $1.638400000e+04, v38;
	v26 =	vmul.f32 $1.638400000e+04, v44  }
0x118: {  	vm2 =	vgt.f32 v57, $8.500000230e-01;
	v30 =	vmul.f32 $1.638400000e+04, v48;
	v31 =	vmul.f32 $1.638400000e+04, v50  }
0x119: {  	vm1 =	vgt.f32 v17, $8.500000230e-01;
	v60 =	vmul.f32 $1.638400000e+04, v53;
	v62 =	vmpcnt.ones.xlane vm15  }
0x11a: {  	v9 =	vsel vm15, $0x1, v1;
	v36 =	vmpcnt.ones.xlane vm11;
	v37 =	vmpcnt.ones.xlane vm12  }
0x11b: {  	v11 =	vsel vm11, $0x1, v1;
	v40 =	vmpcnt.ones.xlane vm13;
	v41 =	vmpcnt.ones.xlane vm14  }
0x11c: {  	v10 =	vld [tilespmem:s23+$0xFFFFFE40];
	v59 =	vsel vm12, $0x1, v1;
	v43 =	vmpcnt.ones.xlane vm3;
	v46 =	vmpcnt.ones.xlane vm2  }
0x11d: {  	v61 =	vsel vm13, $0x1, v1;
	v12 =	vtrunc.f32 v12;
	v14 =	vtrunc.f32 v14  }
0x11e: {  	v63 =	vsel vm14, $0x1, v1;
	(xrf0) =	vadd.scan.msk.s32 $0xffff, v9;
	v20 =	vtrunc.f32 v20;
	v26 =	vtrunc.f32 v26  }
0x11f: {  	v39 =	vsel vm3, $0x1, v1;
	(xrf0) =	vadd.scan.msk.s32 $0xffff, v11;
	v12 =	vcvt.f32.s32 v12;
	v14 =	vcvt.f32.s32 v14  }
0x120: {  	v42 =	vsel vm2, $0x1, v1;
	v58 =	vtrunc.f32 v30;
	v20 =	vcvt.f32.s32 v20;
	(xrf0) =	vadd.scan.msk.s32 $0xffff, v59  }
0x121: {  	v10 =	vmul.f32 $1.638400000e+04, v10;
	v12 =	vadd.s32 s28, v12;
	v14 =	vadd.s32 s0, v14  }
0x122: {  	v26 =	vcvt.f32.s32 v26;
	v12 =	vand.u32 $0x3FFF, v12;
	v14 =	vand.u32 $0x3FFF, v14  }
0x123: {  	(xrf0) =	vadd.scan.msk.s32 $0xffff, v61;
	v10 =	vtrunc.f32 v10;
	v12 =	vmul.u32 $0x64, v12;
	v14 =	vmul.u32 $0x64, v14  }
0x124: {  	v45 =	vsel vm1, $0x1, v1;
	v29 =	vcvt.f32.s32 v58;
	v47, _, _ =	vpop (xrf0);
	v10 =	vcvt.f32.s32 v10  }
0x125: {  	(xrf0) =	vadd.scan.msk.s32 $0xffff, v63;
	v9 =	vsub.s32 v47, v9;
	v49, _, _ =	vpop (xrf0);
	v12 =	vadd.s32 v5, v12;
	v14 =	vadd.s32 v5, v14  }
0x126: {  	v11 =	vsub.s32 v49, v11;
	v51, _, _ =	vpop (xrf0);
	v10 =	vadd.s32 s25, v10;
	v9 =	vadd.s32 v8, v9  }
0x127: {  	(xrf0) =	vadd.scan.msk.s32 $0xffff, v39;
	v8 =	vadd.s32 v8, v62;
	v62 =	vadd.s32 s3, v20;
	v13 =	vsub.s32 v51, v59  }
0x128: {  	v59 =	vtrunc.f32 v31;
	v10 =	vand.u32 $0x3FFF, v10;
	v31 =	vtrunc.f32 v60  }
0x129: {  	v52, _, _ =	vpop (xrf0);
	v11 =	vadd.s32 v11, v8;
	v8 =	vadd.s32 v36, v8;
	v18 =	vand.u32 $0x3FFF, v62  }
0x12a: {  	(xrf0) =	vadd.scan.msk.s32 $0xffff, v42;
	v15 =	vsub.s32 v52, v61;
	v30 =	vcvt.f32.s32 v59;
	v10 =	vmul.u32 $0x64, v10  }
0x12b: {  	v54, _, _ =	vpop (xrf0);
	v61 =	vcvt.f32.s32 v31;
	v13 =	vadd.s32 v13, v8;
	v8 =	vadd.s32 v37, v8  }
0x12c: {  	(xrf0) =	vadd.scan.msk.s32 $0xffff, v45;
	v18 =	vmul.u32 $0x64, v18;
	v17 =	vsub.s32 v54, v63;
	v10 =	vadd.s32 v5, v10  }
0x12d: {  	v55, _, _ =	vpop (xrf0);
	v63 =	vadd.s32 s30, v26;
	v15 =	vadd.s32 v15, v8;
	[tilespmem:v9+s13+$0x0] =	vst.idx.msk vm15, v10;
	v10 =	vor.u32 s22, v5  }
0x12e: {  	v8 =	vadd.s32 v40, v8;
	v26 =	vadd.s32 s9, v29;
	v21 =	vsub.s32 v55, v39;
	[tilespmem:v9+s14+$0x0] =	vst.idx.msk vm15, v10  }
0x12f: {  	v17 =	vadd.s32 v17, v8;
	v8 =	vadd.s32 v41, v8;
	v10 =	vor.u32 s26, v5;
	[tilespmem:v11+s13+$0x0] =	vst.idx.msk vm11, v12  }
0x130: {  	v56, _, _ =	vpop (xrf0);
	v29 =	vadd.s32 v5, v18;
	v32 =	vadd.s32 s2, v30;
	v34 =	vadd.s32 s4, v61;
	[tilespmem:v11+s14+$0x0] =	vst.idx.msk vm11, v10  }
0x131: {  	v24 =	vsub.s32 v56, v42;
	v9 =	vand.u32 $0x3FFF, v63;
	v11 =	vor.u32 s29, v5;
	[tilespmem:v13+s13+$0x0] =	vst.idx.msk vm12, v14  }
0x132: {  	v57, _, _ =	vpop (xrf0);
	v31 =	vadd.s32 v21, v8;
	v8 =	vadd.s32 v43, v8;
	v9 =	vmul.u32 $0x64, v9;
	[tilespmem:v13+s14+$0x0] =	vst.idx.msk vm12, v11  }
0x133: {  	v27 =	vsub.s32 v57, v45;
	v10 =	vand.u32 $0x3FFF, v26;
	v11 =	vor.u32 s31, v5;
	[tilespmem:v15+s13+$0x0] =	vst.idx.msk vm13, v29  }
0x134: {  	v33 =	vadd.s32 v24, v8;
	v10 =	vmul.u32 $0x64, v10;
	v9 =	vadd.s32 v5, v9;
	[tilespmem:v15+s14+$0x0] =	vst.idx.msk vm13, v11  }
0x135: {  	v8 =	vadd.s32 v46, v8;
	v11 =	vand.u32 $0x3FFF, v32;
	[tilespmem:v17+s13+$0x0] =	vst.idx.msk vm14, v9;
	v9 =	vor.u32 s18, v5  }
0x136: {  	v35 =	vadd.s32 v27, v8;
	v10 =	vadd.s32 v5, v10;
	v11 =	vmul.u32 $0x64, v11;
	[tilespmem:v17+s14+$0x0] =	vst.idx.msk vm14, v9  }
0x137: {  	v9 =	vand.u32 $0x3FFF, v34;
	[tilespmem:v31+s13+$0x0] =	vst.idx.msk vm3, v10;
	v10 =	vor.u32 s12, v5  }
0x138: {  	v11 =	vadd.s32 v5, v11;
	v9 =	vmul.u32 $0x64, v9;
	[tilespmem:v31+s14+$0x0] =	vst.idx.msk vm3, v10  }
0x139: {  	v10 =	vor.u32 s5, v5;
	[tilespmem:v33+s13+$0x0] =	vst.idx.msk vm2, v11  }
0x13a: {  	v9 =	vadd.s32 v5, v9;
	[tilespmem:v33+s14+$0x0] =	vst.idx.msk vm2, v10  }
0x13b: {  	[tilespmem:v35+s13+$0x0] =	vst.idx.msk vm1, v9;
	v9 =	vor.u32 s6, v5  }
0x13c: {  	[tilespmem:v35+s14+$0x0] =	vst.idx.msk vm1, v9  }
0x13d: {  	v9 =	vld [tilespmem:s24+$0xFFFFFE50]  }
0x13e: {  	v10 =	vld [tilespmem:s24+$0xFFFFFED0]  }
0x13f: {  	v11 =	vld [tilespmem:s24+$0xFFFFFF50]  }
0x140: {  	v36 =	vld [tilespmem:s24+$0xFFFFFFD0]  }
0x141: {  	v14 =	vld [tilespmem:s24+$0xD0]  }
0x142: {  	v38 =	vld [tilespmem:s24+$0x150]  }
0x143: {  	v39 =	vld [tilespmem:s23+$0xFFFFFED0]  }
0x144: {  	v41 =	vld [tilespmem:s23+$0xFFFFFF50]  }
0x145: {  	v47 =	vld [tilespmem:s23+$0xFFFFFFD0]  }
0x146: {  	v53 =	vld [tilespmem:s23+$0x50]  }
0x147: {  	v57 =	vld [tilespmem:s23+$0xD0]  }
0x148: {  	v37 =	vmpcnt.ones.xlane vm1;
	v59 =	vld [tilespmem:s23+$0x150]  }
0x149: {  	v62 =	vld [tilespmem:s23+$0x1D0]  }
0x14a: {  	v8 =	vadd.s32 v37, v8;
	v13 =	vld [tilespmem:s24+$0x50];
	vm15 =	vgt.f32 v9, $8.500000230e-01  }
0x14b: {  	v17 =	vld [tilespmem:s24+$0x1D0];
	vm9 =	vgt.f32 v10, $8.500000230e-01;
	vm10 =	vgt.f32 v11, $8.500000230e-01;
	v12 =	vmul.f32 $1.638400000e+04, v39  }
0x14c: {  	vm3 =	vgt.f32 v14, $8.500000230e-01;
	v14 =	vmul.f32 $1.638400000e+04, v41;
	v20 =	vmul.f32 $1.638400000e+04, v47  }
0x14d: {  	vm11 =	vgt.f32 v36, $8.500000230e-01;
	v26 =	vmul.f32 $1.638400000e+04, v53;
	v30 =	vmul.f32 $1.638400000e+04, v57  }
0x14e: {  	vm2 =	vgt.f32 v38, $8.500000230e-01;
	v31 =	vmul.f32 $1.638400000e+04, v59;
	v38 =	vmul.f32 $1.638400000e+04, v62  }
0x14f: {  	vm12 =	vgt.f32 v13, $8.500000230e-01;
	v43 =	vmpcnt.ones.xlane vm15;
	v45 =	vmpcnt.ones.xlane vm9  }
0x150: {  	vm1 =	vgt.f32 v17, $8.500000230e-01;
	v46 =	vmpcnt.ones.xlane vm10;
	v49 =	vmpcnt.ones.xlane vm11  }
0x151: {  	v9 =	vsel vm15, $0x1, v1;
	v50 =	vmpcnt.ones.xlane vm12;
	v52 =	vmpcnt.ones.xlane vm3  }
0x152: {  	v11 =	vsel vm9, $0x1, v1;
	v55 =	vmpcnt.ones.xlane vm2;
	v12 =	vtrunc.f32 v12  }
0x153: {  	v40 =	vsel vm10, $0x1, v1;
	v14 =	vtrunc.f32 v14;
	v20 =	vtrunc.f32 v20  }
0x154: {  	v10 =	vld [tilespmem:s23+$0xFFFFFE50];
	v42 =	vsel vm11, $0x1, v1;
	v26 =	vtrunc.f32 v26;
	v36 =	vtrunc.f32 v30  }
0x155: {  	v44 =	vsel vm12, $0x1, v1;
	v37 =	vtrunc.f32 v31;
	v31 =	vtrunc.f32 v38  }
0x156: {  	v48 =	vsel vm3, $0x1, v1;
	(xrf0) =	vadd.scan.msk.s32 $0xffff, v9;
	v12 =	vcvt.f32.s32 v12;
	v14 =	vcvt.f32.s32 v14  }
0x157: {  	v51 =	vsel vm2, $0x1, v1;
	(xrf0) =	vadd.scan.msk.s32 $0xffff, v11;
	v20 =	vcvt.f32.s32 v20;
	v26 =	vcvt.f32.s32 v26  }
0x158: {  	v54 =	vsel vm1, $0x1, v1;
	v29 =	vcvt.f32.s32 v36;
	v30 =	vcvt.f32.s32 v37;
	(xrf0) =	vadd.scan.msk.s32 $0xffff, v40  }
0x159: {  	v10 =	vmul.f32 $1.638400000e+04, v10;
	v12 =	vadd.s32 s28, v12;
	v14 =	vadd.s32 s0, v14  }
0x15a: {  	v39 =	vcvt.f32.s32 v31;
	(xrf0) =	vadd.scan.msk.s32 $0xffff, v42;
	v12 =	vand.u32 $0x3FFF, v12;
	v14 =	vand.u32 $0x3FFF, v14  }
0x15b: {  	v10 =	vtrunc.f32 v10;
	v12 =	vmul.u32 $0x64, v12;
	v14 =	vmul.u32 $0x64, v14  }
0x15c: {  	v41 =	vadd.s32 s30, v26;
	v47 =	vadd.s32 s4, v39;
	(xrf0) =	vadd.scan.msk.s32 $0xffff, v44;
	v56, _, _ =	vpop (xrf0);
	v10 =	vcvt.f32.s32 v10  }
0x15d: {  	v9 =	vsub.s32 v56, v9;
	v58, _, _ =	vpop (xrf0);
	v12 =	vadd.s32 v6, v12;
	v14 =	vadd.s32 v6, v14  }
0x15e: {  	(xrf0) =	vadd.scan.msk.s32 $0xffff, v48;
	v11 =	vsub.s32 v58, v11;
	v60, _, _ =	vpop (xrf0);
	v10 =	vadd.s32 s25, v10;
	v9 =	vadd.s32 v8, v9  }
0x15f: {  	(xrf0) =	vadd.scan.msk.s32 $0xffff, v51;
	v8 =	vadd.s32 v8, v43;
	v13 =	vsub.s32 v60, v40;
	v10 =	vand.u32 $0x3FFF, v10  }
0x160: {  	v61, _, _ =	vpop (xrf0);
	v11 =	vadd.s32 v11, v8;
	v8 =	vadd.s32 v45, v8;
	v10 =	vmul.u32 $0x64, v10  }
0x161: {  	v40 =	vadd.s32 s3, v20;
	v45 =	vadd.s32 s2, v30;
	v15 =	vsub.s32 v61, v42  }
0x162: {  	(xrf0) =	vadd.scan.msk.s32 $0xffff, v54;
	v63, _, _ =	vpop (xrf0);
	v13 =	vadd.s32 v13, v8;
	v18 =	vand.u32 $0x3FFF, v40;
	v10 =	vadd.s32 v6, v10  }
0x163: {  	v8 =	vadd.s32 v46, v8;
	v17 =	vsub.s32 v63, v44;
	[tilespmem:v9+s13+$0x0] =	vst.idx.msk vm15, v10;
	v10 =	vor.u32 s22, v6  }
0x164: {  	v33, _, _ =	vpop (xrf0);
	v18 =	vmul.u32 $0x64, v18;
	v15 =	vadd.s32 v15, v8;
	v8 =	vadd.s32 v49, v8;
	[tilespmem:v9+s14+$0x0] =	vst.idx.msk vm15, v10  }
0x165: {  	v21 =	vsub.s32 v33, v48;
	v34, _, _ =	vpop (xrf0);
	v17 =	vadd.s32 v17, v8;
	v10 =	vor.u32 s26, v6;
	[tilespmem:v11+s13+$0x0] =	vst.idx.msk vm9, v12  }
0x166: {  	v42 =	vadd.s32 s9, v29;
	v8 =	vadd.s32 v50, v8;
	v24 =	vsub.s32 v34, v51;
	[tilespmem:v11+s14+$0x0] =	vst.idx.msk vm9, v10  }
0x167: {  	v43 =	vadd.s32 v6, v18;
	v9 =	vand.u32 $0x3FFF, v41;
	v11 =	vor.u32 s29, v6;
	[tilespmem:v13+s13+$0x0] =	vst.idx.msk vm10, v14  }
0x168: {  	v35, _, _ =	vpop (xrf0);
	v44 =	vadd.s32 v21, v8;
	v8 =	vadd.s32 v52, v8;
	v9 =	vmul.u32 $0x64, v9;
	[tilespmem:v13+s14+$0x0] =	vst.idx.msk vm10, v11  }
0x169: {  	v27 =	vsub.s32 v35, v54;
	v10 =	vand.u32 $0x3FFF, v42;
	v11 =	vor.u32 s31, v6;
	[tilespmem:v15+s13+$0x0] =	vst.idx.msk vm11, v43  }
0x16a: {  	v46 =	vadd.s32 v24, v8;
	v10 =	vmul.u32 $0x64, v10;
	v9 =	vadd.s32 v6, v9;
	[tilespmem:v15+s14+$0x0] =	vst.idx.msk vm11, v11  }
0x16b: {  	v8 =	vadd.s32 v55, v8;
	v11 =	vand.u32 $0x3FFF, v45;
	[tilespmem:v17+s13+$0x0] =	vst.idx.msk vm12, v9;
	v9 =	vor.u32 s18, v6  }
0x16c: {  	v48 =	vadd.s32 v27, v8;
	v10 =	vadd.s32 v6, v10;
	v11 =	vmul.u32 $0x64, v11;
	[tilespmem:v17+s14+$0x0] =	vst.idx.msk vm12, v9  }
0x16d: {  	v9 =	vand.u32 $0x3FFF, v47;
	[tilespmem:v44+s13+$0x0] =	vst.idx.msk vm3, v10;
	v10 =	vor.u32 s12, v6  }
0x16e: {  	v11 =	vadd.s32 v6, v11;
	v9 =	vmul.u32 $0x64, v9;
	[tilespmem:v44+s14+$0x0] =	vst.idx.msk vm3, v10  }
0x16f: {  	v10 =	vor.u32 s5, v6;
	[tilespmem:v46+s13+$0x0] =	vst.idx.msk vm2, v11  }
0x170: {  	v9 =	vadd.s32 v6, v9;
	[tilespmem:v46+s14+$0x0] =	vst.idx.msk vm2, v10  }
0x171: {  	[tilespmem:v48+s13+$0x0] =	vst.idx.msk vm1, v9;
	v9 =	vor.u32 s6, v6  }
0x172: {  	[tilespmem:v48+s14+$0x0] =	vst.idx.msk vm1, v9  }
0x173: {  	v9 =	vld [tilespmem:s24+$0xFFFFFE54]  }
0x174: {  	v10 =	vld [tilespmem:s24+$0xFFFFFED4]  }
0x175: {  	v11 =	vld [tilespmem:s24+$0xFFFFFF54]  }
0x176: {  	v49 =	vld [tilespmem:s24+$0xFFFFFFD4]  }
0x177: {  	v13 =	vld [tilespmem:s24+$0x54]  }
0x178: {  	v14 =	vld [tilespmem:s24+$0xD4]  }
0x179: {  	v15 =	vld [tilespmem:s24+$0x154]  }
0x17a: {  	v17 =	vld [tilespmem:s24+$0x1D4]  }
0x17b: {  	v51 =	vld [tilespmem:s23+$0xFFFFFED4]  }
0x17c: {  	v53 =	vld [tilespmem:s23+$0xFFFFFF54]  }
0x17d: {  	v59 =	vld [tilespmem:s23+$0xFFFFFFD4]  }
0x17e: {  	v37 =	vld [tilespmem:s23+$0x54]  }
0x17f: {  	v50 =	vmpcnt.ones.xlane vm1;
	v41 =	vld [tilespmem:s23+$0xD4]  }
0x180: {  	v44 =	vld [tilespmem:s23+$0x154]  }
0x181: {  	v8 =	vadd.s32 v50, v8;
	v33 =	vld [tilespmem:s23+$0x1D4]  }
0x182: {  	vm1 =	vgt.f32 v9, $8.500000230e-01;
	vm2 =	vgt.f32 v10, $8.500000230e-01;
	vm3 =	vgt.f32 v11, $8.500000230e-01  }
0x183: {  	vm4 =	vgt.f32 v49, $8.500000230e-01;
	vm9 =	vgt.f32 v13, $8.500000230e-01;
	v12 =	vmul.f32 $1.638400000e+04, v51  }
0x184: {  	vm10 =	vgt.f32 v14, $8.500000230e-01;
	v14 =	vmul.f32 $1.638400000e+04, v53;
	v20 =	vmul.f32 $1.638400000e+04, v59  }
0x185: {  	vm11 =	vgt.f32 v15, $8.500000230e-01;
	v26 =	vmul.f32 $1.638400000e+04, v37;
	v49 =	vmul.f32 $1.638400000e+04, v41  }
0x186: {  	vm12 =	vgt.f32 v17, $8.500000230e-01;
	v51 =	vmul.f32 $1.638400000e+04, v44;
	v53 =	vmul.f32 $1.638400000e+04, v33  }
0x187: {  	vm8 =	vmand vm1, vm0;
	vm7 =	vmand vm2, vm0;
	vm13 =	vmand vm3, vm0  }
0x188: {  	vm14 =	vmand vm4, vm0;
	vm15 =	vmand vm9, vm0;
	vm3 =	vmand vm10, vm0  }
0x189: {  	vm2 =	vmand vm11, vm0;
	vm1 =	vmand vm12, vm0;
	v55 =	vmpcnt.ones.xlane vm8  }
0x18a: {  	v9 =	vsel vm8, $0x1, v1;
	v57 =	vmpcnt.ones.xlane vm7;
	v58 =	vmpcnt.ones.xlane vm13  }
0x18b: {  	v11 =	vsel vm7, $0x1, v1;
	v61 =	vmpcnt.ones.xlane vm14;
	v62 =	vmpcnt.ones.xlane vm15  }
0x18c: {  	v10 =	vld [tilespmem:s23+$0xFFFFFE54];
	v52 =	vsel vm13, $0x1, v1;
	v36 =	vmpcnt.ones.xlane vm3;
	v39 =	vmpcnt.ones.xlane vm2  }
0x18d: {  	v54 =	vsel vm14, $0x1, v1;
	v12 =	vtrunc.f32 v12;
	v14 =	vtrunc.f32 v14  }
0x18e: {  	v56 =	vsel vm15, $0x1, v1;
	v20 =	vtrunc.f32 v20;
	v26 =	vtrunc.f32 v26;
	(xrf0) =	vadd.scan.msk.s32 $0xffff, v9  }
0x18f: {  	v60 =	vsel vm3, $0x1, v1;
	v12 =	vcvt.f32.s32 v12;
	v14 =	vcvt.f32.s32 v14;
	(xrf0) =	vadd.scan.msk.s32 $0xffff, v11  }
0x190: {  	v63 =	vsel vm2, $0x1, v1;
	v29 =	vtrunc.f32 v49;
	v31 =	vtrunc.f32 v53  }
0x191: {  	(xrf0) =	vadd.scan.msk.s32 $0xffff, v52;
	v10 =	vmul.f32 $1.638400000e+04, v10;
	v12 =	vadd.s32 s28, v12;
	v14 =	vadd.s32 s0, v14  }
0x192: {  	v20 =	vcvt.f32.s32 v20;
	v12 =	vand.u32 $0x3FFF, v12;
	v14 =	vand.u32 $0x3FFF, v14  }
0x193: {  	(xrf0) =	vadd.scan.msk.s32 $0xffff, v54;
	v10 =	vtrunc.f32 v10;
	v12 =	vmul.u32 $0x64, v12;
	v14 =	vmul.u32 $0x64, v14  }
0x194: {  	v38 =	vsel vm1, $0x1, v1;
	v26 =	vcvt.f32.s32 v26;
	v10 =	vcvt.f32.s32 v10;
	v40, _, _ =	vpop (xrf0)  }
0x195: {  	v29 =	vcvt.f32.s32 v29;
	v12 =	vadd.s32 v7, v12;
	v14 =	vadd.s32 v7, v14;
	v42, _, _ =	vpop (xrf0)  }
0x196: {  	(xrf0) =	vadd.scan.msk.s32 $0xffff, v56;
	v9 =	vsub.s32 v40, v9;
	v10 =	vadd.s32 s25, v10;
	v11 =	vsub.s32 v42, v11  }
0x197: {  	(xrf0) =	vadd.scan.msk.s32 $0xffff, v60;
	v43, _, _ =	vpop (xrf0);
	v10 =	vand.u32 $0x3FFF, v10;
	v9 =	vadd.s32 v8, v9;
	v8 =	vadd.s32 v8, v55  }
0x198: {  	v55 =	vadd.s32 s3, v20;
	v13 =	vsub.s32 v43, v52;
	v52 =	vtrunc.f32 v51  }
0x199: {  	v45, _, _ =	vpop (xrf0);
	v10 =	vmul.u32 $0x64, v10;
	v11 =	vadd.s32 v11, v8;
	v8 =	vadd.s32 v57, v8  }
0x19a: {  	(xrf0) =	vadd.scan.msk.s32 $0xffff, v63;
	v18 =	vand.u32 $0x3FFF, v55;
	v57 =	vadd.s32 s9, v29;
	v15 =	vsub.s32 v45, v54  }
0x19b: {  	v30 =	vcvt.f32.s32 v52;
	v54 =	vcvt.f32.s32 v31;
	v13 =	vadd.s32 v13, v8  }
0x19c: {  	(xrf0) =	vadd.scan.msk.s32 $0xffff, v38;
	v46, _, _ =	vpop (xrf0);
	v8 =	vadd.s32 v58, v8;
	v18 =	vmul.u32 $0x64, v18;
	v10 =	vadd.s32 v7, v10  }
0x19d: {  	v47, _, _ =	vpop (xrf0);
	v17 =	vsub.s32 v46, v56;
	v15 =	vadd.s32 v15, v8;
	[tilespmem:v9+s13+$0x0] =	vst.idx.msk vm8, v10;
	v10 =	vor.u32 s22, v7  }
0x19e: {  	v56 =	vadd.s32 s30, v26;
	v8 =	vadd.s32 v61, v8;
	v21 =	vsub.s32 v47, v60;
	[tilespmem:v9+s14+$0x0] =	vst.idx.msk vm8, v10  }
0x19f: {  	v17 =	vadd.s32 v17, v8;
	v8 =	vadd.s32 v62, v8;
	v10 =	vor.u32 s26, v7;
	[tilespmem:v11+s13+$0x0] =	vst.idx.msk vm7, v12  }
0x1a0: {  	v48, _, _ =	vpop (xrf0);
	v58 =	vadd.s32 v7, v18;
	v60 =	vadd.s32 s2, v30;
	v62 =	vadd.s32 s4, v54;
	[tilespmem:v11+s14+$0x0] =	vst.idx.msk vm7, v10  }
0x1a1: {  	v24 =	vsub.s32 v48, v63;
	v9 =	vand.u32 $0x3FFF, v56;
	v11 =	vor.u32 s29, v7;
	[tilespmem:v13+s13+$0x0] =	vst.idx.msk vm13, v14  }
0x1a2: {  	v50, _, _ =	vpop (xrf0);
	v59 =	vadd.s32 v21, v8;
	v8 =	vadd.s32 v36, v8;
	v9 =	vmul.u32 $0x64, v9;
	[tilespmem:v13+s14+$0x0] =	vst.idx.msk vm13, v11  }
0x1a3: {  	v27 =	vsub.s32 v50, v38;
	v10 =	vand.u32 $0x3FFF, v57;
	v11 =	vor.u32 s31, v7;
	[tilespmem:v15+s13+$0x0] =	vst.idx.msk vm14, v58  }
0x1a4: {  	v61 =	vadd.s32 v24, v8;
	v10 =	vmul.u32 $0x64, v10;
	v9 =	vadd.s32 v7, v9;
	[tilespmem:v15+s14+$0x0] =	vst.idx.msk vm14, v11  }
0x1a5: {  	v8 =	vadd.s32 v39, v8;
	v11 =	vand.u32 $0x3FFF, v60;
	[tilespmem:v17+s13+$0x0] =	vst.idx.msk vm15, v9;
	v9 =	vor.u32 s18, v7  }
0x1a6: {  	v63 =	vadd.s32 v27, v8;
	v10 =	vadd.s32 v7, v10;
	v11 =	vmul.u32 $0x64, v11;
	[tilespmem:v17+s14+$0x0] =	vst.idx.msk vm15, v9  }
0x1a7: {  	p0 =	sne.s32 s22, $0x3C00;
	v9 =	vand.u32 $0x3FFF, v62;
	[tilespmem:v59+s13+$0x0] =	vst.idx.msk vm3, v10;
	v10 =	vor.u32 s12, v7  }
.Ltmp4:
0x1a8: {  	v11 =	vadd.s32 v7, v11;
	v9 =	vmul.u32 $0x64, v9;
	[tilespmem:v59+s14+$0x0] =	vst.idx.msk vm3, v10;
	(pc) =	sbr.rel @p0 .LBB2_3-.Ltmp4, $4  }
0x1a9: {  	v10 =	vor.u32 s5, v7;
	[tilespmem:v61+s13+$0x0] =	vst.idx.msk vm2, v11  }
0x1aa: {  	v11 =	vmpcnt.ones.xlane vm1;
	v9 =	vadd.s32 v7, v9;
	[tilespmem:v61+s14+$0x0] =	vst.idx.msk vm2, v10  }
0x1ab: {  	s24 =	sadd.s32 $0x400, s24;
	[tilespmem:v63+s13+$0x0] =	vst.idx.msk vm1, v9;
	v9 =	vor.u32 s6, v7  }
0x1ac: {  	s23 =	sadd.s32 $0x400, s23;
	s25 =	sadd.s32 $0x8, s25;
	s22 =	sadd.s32 $0x400, s22;
	v8 =	vadd.s32 v11, v8;
	[tilespmem:v63+s14+$0x0] =	vst.idx.msk vm1, v9  }
0x1ad: {  	(v2sf) =	vpush v8, $0x0;
	_ =	sdelay $0xe  }
0x1ae: {  	s0 =	spop (v2sf)  }
0x1af: {  	v8 =	vbroadcast v8, $0x0;
	s3 =	sand.u32 $0xFFFFFF80, s0  }
0x1b0: {  	v9 =	vor.u32 s3, v0  }
0x1b1: {  	s2 =	sor.u32 $0x10, s3;
	vm1 =	vge.s32 v9, v8  }
0x1b2: {  	v10 =	vor.u32 s2, v0  }
0x1b3: {  	s28 =	sor.u32 $0x20, s3;
	vm2 =	vge.s32 v10, v8  }
0x1b4: {  	v11 =	vor.u32 s28, v0  }
0x1b5: {  	s4 =	sor.u32 $0x30, s3;
	vm3 =	vge.s32 v11, v8  }
0x1b6: {  	s2 =	simm.s32 $0xC400;
	v12 =	vor.u32 s4, v0  }
0x1b7: {  	v13 =	vor.u32 $0x4000, v0;
	s29 =	sor.u32 $0x40, s3;
	vm4 =	vge.s32 v12, v8;
	[tilespmem:v9+s2+$0x0] =	vst.idx.msk vm1, v1  }
0x1b8: {  	v60 =	vor.u32 s29, v0;
	[tilespmem:v9+s14+$0x0] =	vst.idx.msk vm1, v13  }
0x1b9: {  	s30 =	sor.u32 $0x50, s3;
	vm1 =	vge.s32 v60, v8;
	[tilespmem:v10+s2+$0x0] =	vst.idx.msk vm2, v1  }
0x1ba: {  	v61 =	vor.u32 s30, v0;
	[tilespmem:v10+s14+$0x0] =	vst.idx.msk vm2, v13  }
0x1bb: {  	s31 =	sor.u32 $0x60, s3;
	vm2 =	vge.s32 v61, v8;
	[tilespmem:v11+s2+$0x0] =	vst.idx.msk vm3, v1  }
0x1bc: {  	v62 =	vor.u32 s31, v0;
	[tilespmem:v11+s14+$0x0] =	vst.idx.msk vm3, v13  }
0x1bd: {  	s3 =	sor.u32 $0x70, s3;
	vm3 =	vge.s32 v62, v8;
	[tilespmem:v12+s2+$0x0] =	vst.idx.msk vm4, v1  }
0x1be: {  	v63 =	vor.u32 s3, v0;
	[tilespmem:v12+s14+$0x0] =	vst.idx.msk vm4, v13  }
0x1bf: {  	s0 =	sadd.s32 $0x7F, s0;
	vm15 =	vge.s32 v63, v8;
	[tilespmem:v60+s2+$0x0] =	vst.idx.msk vm1, v1  }
0x1c0: {  	s0 =	sshra.s32 s0, $0x7;
	[tilespmem:v60+s14+$0x0] =	vst.idx.msk vm1, v13  }
0x1c1: {  	p0 =	slt.s32 s0, $0x1;
	[tilespmem:v61+s2+$0x0] =	vst.idx.msk vm2, v1  }
.Ltmp5:
0x1c2: {  	[tilespmem:v61+s14+$0x0] =	vst.idx.msk vm2, v13;
	(pc) =	sbr.rel @p0 .LBB2_14-.Ltmp5, $4  }
0x1c3: {  	[tilespmem:v62+s2+$0x0] =	vst.idx.msk vm3, v1  }
0x1c4: {  	[tilespmem:v62+s14+$0x0] =	vst.idx.msk vm3, v13  }
0x1c5: {  	[tilespmem:v63+s2+$0x0] =	vst.idx.msk vm15, v1  }
0x1c6: {  	s3 =	simm.s32 $0x12A80;
	[tilespmem:v63+s14+$0x0] =	vst.idx.msk vm15, v13  }
0x1c7: {  	p0 =	sne.s32 s0, $0x1  }
.Ltmp6:
0x1c8: {  	_ = 	snop;
	(pc) =	sbr.rel @!p0 .LBB2_7-.Ltmp6, $3  }
0x1c9: {  	_ =	sdelay $0x1  }
0x1ca: {  	[tilespmem:s3], [sflag:$0x1] =	stream.indirect.gather [hbm4b:s1+s15], $0x1, s2, s15, $0xb8;
	[tilespmem:$0x15E80] =	vst v63  }
0x1cb: {  	s4 =	sadd.s32 $0xFFFFFFFF, s0  }
.LBB2_6:
0x1cc: {  	p0 =	sne.s32 s4, $0x1  }
.Ltmp7:
0x1cd: {  	_ = 	snop;
	(pc) =	sbr.rel @p0 .LBB2_6-.Ltmp7, $4  }
0x1ce: {  	_ = 	snop  }
0x1cf: {  	s3 =	sadd.s32 $0x80, s3;
	s2 =	sadd.s32 $0x80, s2  }
0x1d0: {  	s4 =	sadd.s32 $0xFFFFFFFF, s4  }
0x1d1: {  	[tilespmem:s3], [sflag:$0x1] =	stream.indirect.gather [hbm4b:s1+s15], $0x1, s2, s15, $0xb8;
	[tilespmem:$0x15E80] =	vst v63  }
.LBB2_7:
0x1d2: {  	_ =	swait.ge [sflag:s16], $0x4000  }
0x1d3: {  	[sflag:s16] =	ssyncset.done $0x0  }
0x1d4: {  	s2 =	smov.u32 s0;
	[sflag:s16] =	ssyncadd.s32 $0xFFFFC000  }
.LBB2_8:
0x1d5: {  	p0 =	sne.s32 s2, $0x1  }
.Ltmp8:
0x1d6: {  	_ = 	snop;
	(pc) =	sbr.rel @p0 .LBB2_8-.Ltmp8, $4  }
0x1d7: {  	_ = 	snop  }
0x1d8: {  	_ =	swait.ge [sflag:s17], $0x80  }
0x1d9: {  	[sflag:s17] =	ssyncset.done $0x0  }
0x1da: {  	s2 =	sadd.s32 $0xFFFFFFFF, s2;
	[sflag:s17] =	ssyncadd.s32 $0xFFFFFF80  }
0x1db: {  	s2 =	simm.s32 $0x12AC0;
	s3 =	simm.s32 $0xF840  }
.LBB2_10:
0x1dc: {  	v8 =	vld [tilespmem:s3+$0xFFFFFFC0];
	_ =	sdelay $0x2  }
0x1dd: {  	v9 =	vld [tilespmem:s2+$0xFFFFFFC0];
	_ =	sdelay $0x4  }
0x1de: {  	[tilespmem:v8+s10+$0x0] =	vst.idx.msk $0xffff, v9  }
0x1df: {  	v8 =	vld [tilespmem:s3+$0xFFFFFFD0];
	_ =	sdelay $0x2  }
0x1e0: {  	v9 =	vld [tilespmem:s2+$0xFFFFFFD0];
	_ =	sdelay $0x4  }
0x1e1: {  	[tilespmem:v8+s10+$0x0] =	vst.idx.msk $0xffff, v9  }
0x1e2: {  	v8 =	vld [tilespmem:s3+$0xFFFFFFE0];
	_ =	sdelay $0x2  }
0x1e3: {  	v9 =	vld [tilespmem:s2+$0xFFFFFFE0];
	_ =	sdelay $0x4  }
0x1e4: {  	[tilespmem:v8+s10+$0x0] =	vst.idx.msk $0xffff, v9  }
0x1e5: {  	v8 =	vld [tilespmem:s3+$0xFFFFFFF0];
	_ =	sdelay $0x2  }
0x1e6: {  	v9 =	vld [tilespmem:s2+$0xFFFFFFF0];
	_ =	sdelay $0x4  }
0x1e7: {  	[tilespmem:v8+s10+$0x0] =	vst.idx.msk $0xffff, v9  }
0x1e8: {  	v8 =	vld [tilespmem:s3+$0x0];
	_ =	sdelay $0x2  }
0x1e9: {  	v9 =	vld [tilespmem:s2+$0x0];
	_ =	sdelay $0x4  }
0x1ea: {  	[tilespmem:v8+s10+$0x0] =	vst.idx.msk $0xffff, v9  }
0x1eb: {  	v8 =	vld [tilespmem:s3+$0x10];
	_ =	sdelay $0x2  }
0x1ec: {  	v9 =	vld [tilespmem:s2+$0x10];
	_ =	sdelay $0x4  }
0x1ed: {  	[tilespmem:v8+s10+$0x0] =	vst.idx.msk $0xffff, v9  }
0x1ee: {  	v8 =	vld [tilespmem:s3+$0x20];
	_ =	sdelay $0x2  }
0x1ef: {  	v9 =	vld [tilespmem:s2+$0x20];
	_ =	sdelay $0x4  }
0x1f0: {  	[tilespmem:v8+s10+$0x0] =	vst.idx.msk $0xffff, v9  }
0x1f1: {  	v8 =	vld [tilespmem:s3+$0x30];
	_ =	sdelay $0x2  }
0x1f2: {  	p0 =	sne.s32 s0, $0x1;
	v9 =	vld [tilespmem:s2+$0x30]  }
.Ltmp9:
0x1f3: {  	_ = 	snop;
	(pc) =	sbr.rel @p0 .LBB2_10-.Ltmp9, $2  }
0x1f4: {  	_ =	sdelay $0x2  }
0x1f5: {  	s0 =	sadd.s32 $0xFFFFFFFF, s0;
	s2 =	sadd.s32 $0x80, s2;
	s3 =	sadd.s32 $0x80, s3;
	[tilespmem:v8+s10+$0x0] =	vst.idx.msk $0xffff, v9  }
.Ltmp10:
0x1f6: {  	_ = 	snop;
	(pc) =	sbr.rel .LBB2_11-.Ltmp10, $1  }
0x1f7: {  	_ =	sdelay $0x3  }
.LBB2_13:
0x1f8: {  	_ =	sfence.sel $0x180000  }
0x1f9: {  	[bflag:$0x0] =	sbarrier.arrive $0xFFFF  }
0x1fa: {  	_ =	strace $0x90000047  }
0x1fb: {  	s0 =	stileid.u32;
	[bflag:$0x2] =	sbarrier.arrive $0xFFFF  }
0x1fc: {  	p0 =	sne.s32 s0, $0x0;
	s0 =	rddreg [dreg:$0x2]  }
0x1fd: {  	s0 =	sadd.s32 @!p0 $0x100000, s0  }
0x1fe: {  	[sflag:s0] =	ssyncadd.tile.s32 @!p0 $0x1;
	_ =	shalt  }
.Lfunc_end2:
_tile_overlayer_lowered:
.L_overlay_start_2:
0x1ff: {  	(tag) =	ssettag $0x2  }
0x200: {  	s0 =	rddreg [dreg:$0x0];
	s2 =	stileid.u32  }
0x201: {  	s1 =	rddreg [dreg:$0x1];
	p0 =	sne.s32 s2, $0x0  }
0x202: {  	s3 =	rddreg [dreg:$0x2];
	[bflag:$0x3] =	sbarrier.arrive $0xFFFF;
	s2 =	simm.s32 @!p0 $0x1C03  }
0x203: {  	[timem:s3], [sflag:s2] =	dma.local @!p0 [hbm:s0], s1  }
0x204: {  	s0 =	simm.s32 @!p0 $0x3  }
0x205: {  	_ =	swait.ge @!p0 [sflag:s0], s1  }
0x206: {  	s1 =	ssub.s32 @!p0 $0x0, s1;
	[sflag:s0] =	ssyncset.done @!p0 $0x0  }
0x207: {  	[sflag:s0] =	ssyncadd.s32 @!p0 s1  }
0x208: {  	[bflag:$0x3] =	sbarrier.arrive $0xFFFF  }
0x209: {  	_ =	shalt  }

</sc_bundles>
